<compile_context>
chip_gen: v7x
topology: tpu7x:2x2x1
jax: 0.10.2.dev20260603
libtpu: 0.0.44.dev20260713+nightly
codegen_flags: <defaults>
</compile_context>

<pallas_src>
import functools

import jax
import jax.numpy as jnp
from jax import lax
from jax.experimental import pallas as pl
from jax.experimental.pallas import tpu as pltpu
from jax.experimental.pallas import tpu_sc as plsc

_N = 10000
_E = 320000
_D = 128
_O = 64
_G = 128

_NC = 2
_NS = 16
_NW = _NC * _NS
_CHUNK = 64
_PAIR_R = 320
_R0 = 168
_R1 = _PAIR_R - _R0
_IDX_ROWS = _NS * _PAIR_R
_HB = 64
_IDX_PAD = 15 * _PAIR_R + _R0 + 3 * _HB
_E_PAD = _IDX_ROWS * _CHUNK
_N_ACC = 10112
_RPS = _N_ACC // _NS

_BR = 1000
_NB = _N // _BR


def _make_agg():
    mesh = plsc.VectorSubcoreMesh(
        core_axis_name="c", subcore_axis_name="s",
        num_cores=_NC, num_subcores=_NS)

    @functools.partial(
        pl.kernel,
        out_type=jax.ShapeDtypeStruct((_NC, _N_ACC, _D), jnp.float32),
        mesh=mesh,
        scratch_types=[
            pltpu.VMEM_SHARED((_N_ACC, _D), jnp.float32),
            pltpu.VMEM((_HB, _CHUNK), jnp.int32),
            pltpu.VMEM((_HB, _CHUNK), jnp.int32),
            pltpu.VMEM((_CHUNK, _D), jnp.float32),
            pltpu.VMEM((_CHUNK, _D), jnp.float32),
            pltpu.VMEM((_CHUNK, _D), jnp.float32),
            pltpu.VMEM((_CHUNK, _D), jnp.float32),
            pltpu.SemaphoreType.DMA,
            pltpu.SemaphoreType.DMA,
            pltpu.SemaphoreType.DMA,
            pltpu.SemaphoreType.DMA,
            pltpu.SemaphoreType.DMA,
            pltpu.SemaphoreType.DMA,
            pltpu.SemaphoreType.DMA,
            pltpu.SemaphoreType.DMA,
        ],
    )
    def agg(h_hbm, srcp_hbm, dstp_hbm, zeros_hbm, out_hbm,
            accum, src_v, dst_v, rows_a, rows_b, rows_c, rows_d,
            sem_ga, sem_gb, sem_gc, sem_gd,
            sem_sa, sem_sb, sem_sc, sem_sd):
        c = lax.axis_index("c")
        s = lax.axis_index("s")
        pltpu.sync_copy(zeros_hbm.at[pl.ds(s * _RPS, _RPS)],
                        accum.at[pl.ds(s * _RPS, _RPS)])
        base = s * _PAIR_R + c * _R0
        plsc.subcore_barrier()

        for hh in range(3):
            off = base + hh * _HB
            pltpu.sync_copy(srcp_hbm.at[pl.ds(off, _HB)], src_v)
            pltpu.sync_copy(dstp_hbm.at[pl.ds(off, _HB)], dst_v)
            if hh < 2:
                trip = _HB // 4
            else:
                trip = lax.select(c == 0, (_R0 - 2 * _HB) // 4,
                                  (_R1 - 2 * _HB) // 4)

            bufs = ((rows_a, sem_ga, sem_sa), (rows_b, sem_gb, sem_sb),
                    (rows_c, sem_gc, sem_sc), (rows_d, sem_gd, sem_sd))

            for k, (rv, sg, _) in enumerate(bufs):
                pltpu.async_copy(h_hbm.at[src_v.at[k]], rv, sg)

            def body(g, carry):
                j = g * 4
                scats = []
                for k, (rv, sg, ss) in enumerate(bufs):
                    pltpu.make_async_copy(h_hbm.at[src_v.at[j + k]], rv,
                                          sg).wait()
                    scats.append(pltpu.async_copy(
                        rv, accum.at[dst_v.at[j + k]], ss, add=True))
                for k, (rv, sg, _) in enumerate(bufs):
                    scats[k].wait()
                    jl = j + 4 + k
                    if hh < 2:
                        jl = lax.select(jl >= _HB, jl - _HB, jl)
                    pltpu.async_copy(h_hbm.at[src_v.at[jl]], rv, sg)
                return carry

            lax.fori_loop(0, trip, body, 0)
            for rv, sg, _ in bufs:
                pltpu.make_async_copy(h_hbm.at[src_v.at[0]], rv, sg).wait()
        plsc.subcore_barrier()
        pltpu.sync_copy(accum.at[pl.ds(s * _RPS, _RPS)],
                        out_hbm.at[c].at[pl.ds(s * _RPS, _RPS)])

    return agg


_agg = _make_agg()


def _mlp_body(eps_ref, h_ref, p_ref, w0_ref, b0_ref, w1_ref, b1_ref, out_ref):
    z = eps_ref[0, 0] * h_ref[...] + p_ref[0] + p_ref[1]
    t = jnp.dot(z, w0_ref[...], preferred_element_type=jnp.float32)
    t = jnp.maximum(t + b0_ref[...], 0.0)
    u = jnp.dot(t, w1_ref[...], preferred_element_type=jnp.float32)
    out_ref[...] = jnp.maximum(u + b1_ref[...], 0.0)


def _mlp(epsp, h, p, w0, b0, w1, b1):
    return pl.pallas_call(
        _mlp_body,
        grid=(_NB,),
        in_specs=[
            pl.BlockSpec((1, 1), lambda i: (0, 0), memory_space=pltpu.SMEM),
            pl.BlockSpec((_BR, _D), lambda i: (i, 0)),
            pl.BlockSpec((_NC, _BR, _D), lambda i: (0, i, 0)),
            pl.BlockSpec((_D, _D), lambda i: (0, 0)),
            pl.BlockSpec((1, _D), lambda i: (0, 0)),
            pl.BlockSpec((_D, _D), lambda i: (0, 0)),
            pl.BlockSpec((1, _D), lambda i: (0, 0)),
        ],
        out_specs=pl.BlockSpec((_BR, _D), lambda i: (i, 0)),
        out_shape=jax.ShapeDtypeStruct((_N, _D), jnp.float32),
    )(epsp, h, p, w0, b0, w1, b1)


def _pool_body(batch_ref, x_ref, h1_ref, h2_ref, wp0_ref, wp1_ref, wp2_ref,
               bsum_ref, out_ref):
    i = pl.program_id(0)
    s = jnp.dot(x_ref[...], wp0_ref[...], preferred_element_type=jnp.float32)
    s += jnp.dot(h1_ref[...], wp1_ref[...], preferred_element_type=jnp.float32)
    s += jnp.dot(h2_ref[...], wp2_ref[...], preferred_element_type=jnp.float32)
    bid = batch_ref[0, 0, :]
    onehot = (bid[:, None] == lax.broadcasted_iota(jnp.int32, (_BR, _G), 1))
    onehot = onehot.astype(jnp.float32)
    contrib = lax.dot_general(onehot, s, (((0,), (0,)), ((), ())),
                              preferred_element_type=jnp.float32)

    @pl.when(i == 0)
    def _():
        out_ref[...] = jnp.broadcast_to(bsum_ref[...], (_G, _O))

    out_ref[...] += contrib


def _pool(batch3, x, h1, h2, wp0, wp1, wp2, bsum):
    return pl.pallas_call(
        _pool_body,
        grid=(_NB,),
        in_specs=[
            pl.BlockSpec((1, 1, _BR), lambda i: (i, 0, 0)),
            pl.BlockSpec((_BR, _D), lambda i: (i, 0)),
            pl.BlockSpec((_BR, _D), lambda i: (i, 0)),
            pl.BlockSpec((_BR, _D), lambda i: (i, 0)),
            pl.BlockSpec((_D, _O), lambda i: (0, 0)),
            pl.BlockSpec((_D, _O), lambda i: (0, 0)),
            pl.BlockSpec((_D, _O), lambda i: (0, 0)),
            pl.BlockSpec((1, _O), lambda i: (0, 0)),
        ],
        out_specs=pl.BlockSpec((_G, _O), lambda i: (0, 0)),
        out_shape=jax.ShapeDtypeStruct((_G, _O), jnp.float32),
    )(batch3, x, h1, h2, wp0, wp1, wp2, bsum)


def kernel(x, edge_index, batch, params):
    src = edge_index[0]
    dst = edge_index[1]
    npad = _E_PAD - _E
    pad_src = jnp.arange(npad, dtype=jnp.int32) % _N
    pad_dst = _N + (jnp.arange(npad, dtype=jnp.int32) % (_N_ACC - _N))
    srcp = jnp.concatenate([src, pad_src]).reshape(_IDX_ROWS, _CHUNK)
    dstp = jnp.concatenate([dst, pad_dst]).reshape(_IDX_ROWS, _CHUNK)
    tail = _IDX_PAD - _IDX_ROWS
    srcp = jnp.concatenate([srcp, jnp.zeros((tail, _CHUNK), jnp.int32)])
    dstp = jnp.concatenate([dstp, jnp.full((tail, _CHUNK), _N, jnp.int32)])
    zeros = jnp.zeros((_N_ACC, _D), jnp.float32)
    batch3 = batch.reshape(_NB, 1, _BR)

    cbn = 1.0 / jnp.sqrt(1.0 + 1e-5)
    folded = []
    for l in range(2):
        g0 = params[f"mlp_g{l}"] * cbn
        w0 = params[f"W0_{l}"] * g0[None, :]
        b0 = (params[f"b0_{l}"] * g0 + params[f"mlp_b{l}"]).reshape(1, _D)
        g1 = params[f"g{l}"] * cbn
        w1 = params[f"W1_{l}"] * g1[None, :]
        b1 = (params[f"b1_{l}"] * g1 + params[f"b{l}"]).reshape(1, _D)
        epsp = (1.0 + params[f"eps{l}"]).reshape(1, 1)
        folded.append((epsp, w0, b0, w1, b1))

    h = x
    hidden = [x]
    for l in range(2):
        p = _agg(h, srcp, dstp, zeros)
        epsp, w0, b0, w1, b1 = folded[l]
        h = _mlp(epsp, h, p, w0, b0, w1, b1)
        hidden.append(h)

    bsum = (params["bp0"] + params["bp1"] + params["bp2"]).reshape(1, _O)
    return _pool(batch3, hidden[0], hidden[1], hidden[2],
                 params["Wp0"], params["Wp1"], params["Wp2"], bsum)

# --- scband reference (transcript-rebuilt; emitter-appended) ---
"""Pipeline reference for scband-gin-214748365115 (READ-ONLY COPY).

The authoritative reference and input builder live on the scoring server;
editing this copy changes nothing except your own understanding.
"""

import jax, jax.numpy as jnp
import numpy as np

N = 10000
E = 320000
D = 128
H = 128
O = 64
G = 128
NUM_LAYERS = 3  # -> 2 GINConv layers, 3 prediction heads


def _init_params(key):
    params = {}
    ks = iter(jax.random.split(key, 40))
    for l in range(NUM_LAYERS - 1):
        in_dim = D if l == 0 else H
        params[f"eps{l}"] = jnp.array(0.0, dtype=jnp.float32)
        params[f"W0_{l}"] = jax.random.normal(next(ks), (in_dim, H), dtype=jnp.float32) * (1.0 / np.sqrt(in_dim))
        params[f"b0_{l}"] = jnp.zeros((H,), dtype=jnp.float32)
        params[f"mlp_g{l}"] = jnp.ones((H,), dtype=jnp.float32)
        params[f"mlp_b{l}"] = jnp.zeros((H,), dtype=jnp.float32)
        params[f"W1_{l}"] = jax.random.normal(next(ks), (H, H), dtype=jnp.float32) * (1.0 / np.sqrt(H))
        params[f"b1_{l}"] = jnp.zeros((H,), dtype=jnp.float32)
        params[f"g{l}"] = jnp.ones((H,), dtype=jnp.float32)
        params[f"b{l}"] = jnp.zeros((H,), dtype=jnp.float32)
    for l in range(NUM_LAYERS):
        in_dim = D if l == 0 else H
        params[f"Wp{l}"] = jax.random.normal(next(ks), (in_dim, O), dtype=jnp.float32) * (1.0 / np.sqrt(in_dim))
        params[f"bp{l}"] = jnp.zeros((O,), dtype=jnp.float32)
    return params


def setup_inputs(seed: int = 0) -> dict:
    key = jax.random.key(seed)
    k1, k2, k3, k4 = jax.random.split(key, 4)
    x = jax.random.normal(k1, (N, D), dtype=jnp.float32)
    edge_index = jax.random.randint(k2, (2, E), 0, N, dtype=jnp.int32)
    batch = jnp.sort(jax.random.randint(k3, (N,), 0, G, dtype=jnp.int32))
    params = _init_params(k4)
    return {"x": x, "edge_index": edge_index, "batch": batch, "params": params}


def _bn_eval(h, gamma, beta):
    # BatchNorm1d in eval mode with fresh running stats (mean=0, var=1)
    return gamma * (h * (1.0 / jnp.sqrt(1.0 + 1e-5))) + beta


def _gin_forward(x, params, edge_index, batch):
    src = edge_index[0]
    dst = edge_index[1]
    hidden_rep = [x]
    h = x
    for l in range(NUM_LAYERS - 1):
        # GINConv: out = MLP((1+eps)*x + sum_{j in N(i)} x_j)
        agg = jax.ops.segment_sum(h[src], dst, num_segments=N)
        z = (1.0 + params[f"eps{l}"]) * h + agg
        # MLP (num_mlp_layers=2): relu(bn(linear0(z))) -> linear1
        z = jnp.maximum(_bn_eval(z @ params[f"W0_{l}"] + params[f"b0_{l}"], params[f"mlp_g{l}"], params[f"mlp_b{l}"]), 0.0)
        z = z @ params[f"W1_{l}"] + params[f"b1_{l}"]
        # outer: relu(batch_norm(x))
        h = jnp.maximum(_bn_eval(z, params[f"g{l}"], params[f"b{l}"]), 0.0)
        hidden_rep.append(h)
    score = jnp.zeros((G, O), dtype=jnp.float32)
    for l, hh in enumerate(hidden_rep):
        pooled = jax.ops.segment_sum(hh, batch, num_segments=G)  # global_add_pool
        score = score + pooled @ params[f"Wp{l}"] + params[f"bp{l}"]  # dropout off (eval)
    return score


def reference(x, edge_index, batch, params):
    return _gin_forward(x, params, edge_index, batch)

if __name__ == "__main__":
    import jax
    _d = setup_inputs()
    print(jax.jit(kernel)(*tuple(_d.values())))

</pallas_src>

<mosaic_0001>
#map = affine_map<(d0, d1) -> (0, 0)>
#map1 = affine_map<(d0, d1) -> (0, 0, 0)>
module attributes {stable_mosaic.version = 14 : i64} {
  func.func @agg(%arg0: i32, %arg1: i32, %arg2: memref<10000x128xf32, #tpu.memory_space<hbm>>, %arg3: memref<5160x64xi32, #tpu.memory_space<hbm>>, %arg4: memref<5160x64xi32, #tpu.memory_space<hbm>>, %arg5: memref<10112x128xf32, #tpu.memory_space<hbm>>, %arg6: memref<2x10112x128xf32, #tpu.memory_space<hbm>>, %arg7: memref<10112x128xf32, #tpu.memory_space<vmem_shared>>, %arg8: memref<64x64xi32, #tpu.memory_space<vmem>>, %arg9: memref<64x64xi32, #tpu.memory_space<vmem>>, %arg10: memref<64x128xf32, #tpu.memory_space<vmem>>, %arg11: memref<64x128xf32, #tpu.memory_space<vmem>>, %arg12: memref<64x128xf32, #tpu.memory_space<vmem>>, %arg13: memref<64x128xf32, #tpu.memory_space<vmem>>, %arg14: memref<!tpu.dma_semaphore, #tpu.memory_space<semaphore_mem>>, %arg15: memref<!tpu.dma_semaphore, #tpu.memory_space<semaphore_mem>>, %arg16: memref<!tpu.dma_semaphore, #tpu.memory_space<semaphore_mem>>, %arg17: memref<!tpu.dma_semaphore, #tpu.memory_space<semaphore_mem>>, %arg18: memref<!tpu.dma_semaphore, #tpu.memory_space<semaphore_mem>>, %arg19: memref<!tpu.dma_semaphore, #tpu.memory_space<semaphore_mem>>, %arg20: memref<!tpu.dma_semaphore, #tpu.memory_space<semaphore_mem>>, %arg21: memref<!tpu.dma_semaphore, #tpu.memory_space<semaphore_mem>>) attributes {dimension_semantics = [#tpu.dimension_semantics<core_parallel>, #tpu.dimension_semantics<subcore_parallel>], iteration_bounds = array<i64: 2, 16>, scalar_prefetch = 0 : i64, scratch_operands = 15 : i64, tpu.core_type = #tpu.core_type<sc_vector_subcore>, window_params = [{transform_indices = #map}, {transform_indices = #map}, {transform_indices = #map}, {transform_indices = #map}, {transform_indices = #map1}]} {
    %mul3A = arith.constant 632 : i32
    %mul3A_0 = arith.muli %arg1, %mul3A : i32
    %mul3A_1 = arith.constant 632 : i32
    %mul3A_2 = arith.muli %arg1, %mul3A_1 : i32
    "tpu.region"() ({
      %run_scoped3A = tpu.sem_alloc : memref<!tpu.dma_semaphore, #tpu.memory_space<semaphore_mem>>
      %dma_start3A_207 = arith.constant 0 : i32
      %dma_start3A_208 = tpu.memref_slice %arg7[%mul3A_2, %dma_start3A_207] : memref<10112x128xf32, #tpu.memory_space<vmem_shared>> -> memref<632x128xf32, #tpu.memory_space<vmem_shared>>
      %dma_start3A_209 = arith.constant 0 : i32
      %dma_start3A_210 = tpu.memref_slice %arg5[%mul3A_0, %dma_start3A_209] : memref<10112x128xf32, #tpu.memory_space<hbm>> -> memref<632x128xf32, #tpu.memory_space<hbm>>
      tpu.enqueue_dma source(%dma_start3A_210 : memref<632x128xf32, #tpu.memory_space<hbm>>) target(%dma_start3A_208 : memref<632x128xf32, #tpu.memory_space<vmem_shared>>) target_semaphore(%run_scoped3A : memref<!tpu.dma_semaphore, #tpu.memory_space<semaphore_mem>>)
      %dma_wait3A_211 = arith.constant 0 : i32
      %dma_wait3A_212 = tpu.memref_slice %arg7[%mul3A_2, %dma_wait3A_211] : memref<10112x128xf32, #tpu.memory_space<vmem_shared>> -> memref<632x128xf32, #tpu.memory_space<vmem_shared>>
      %dma_wait3A_213 = arith.constant 0 : i32
      %dma_wait3A_214 = tpu.memref_slice %arg5[%mul3A_0, %dma_wait3A_213] : memref<10112x128xf32, #tpu.memory_space<hbm>> -> memref<632x128xf32, #tpu.memory_space<hbm>>
      tpu.wait_dma2 semaphore(%run_scoped3A : memref<!tpu.dma_semaphore, #tpu.memory_space<semaphore_mem>>) src(%dma_wait3A_214 : memref<632x128xf32, #tpu.memory_space<hbm>>) dst(%dma_wait3A_212 : memref<632x128xf32, #tpu.memory_space<vmem_shared>>)
      tpu.yield
    }) : () -> ()
    %mul3A_3 = arith.constant 320 : i32
    %mul3A_4 = arith.muli %arg1, %mul3A_3 : i32
    %mul3A_5 = arith.constant 168 : i32
    %mul3A_6 = arith.muli %arg0, %mul3A_5 : i32
    %add3A = arith.addi %mul3A_4, %mul3A_6 : i32
    %barrier3A = arith.constant 0 : index
    tpu.barrier barrier_id(%barrier3A)
    %add3A_7 = arith.constant 0 : i32
    %add3A_8 = arith.addi %add3A, %add3A_7 : i32
    "tpu.region"() ({
      %run_scoped3A = tpu.sem_alloc : memref<!tpu.dma_semaphore, #tpu.memory_space<semaphore_mem>>
      %dma_start3A_207 = arith.constant 0 : i32
      %dma_start3A_208 = tpu.memref_slice %arg3[%add3A_8, %dma_start3A_207] : memref<5160x64xi32, #tpu.memory_space<hbm>> -> memref<64x64xi32, #tpu.memory_space<hbm>>
      %dma_start3A_209 = arith.constant 0 : i32
      %dma_start3A_210 = tpu.memref_slice %arg3[%add3A_8, %dma_start3A_209] : memref<5160x64xi32, #tpu.memory_space<hbm>> -> memref<64x64xi32, #tpu.memory_space<hbm>>
      tpu.enqueue_dma source(%dma_start3A_210 : memref<64x64xi32, #tpu.memory_space<hbm>>) target(%arg8 : memref<64x64xi32, #tpu.memory_space<vmem>>) target_semaphore(%run_scoped3A : memref<!tpu.dma_semaphore, #tpu.memory_space<semaphore_mem>>)
      %dma_wait3A_211 = arith.constant 0 : i32
      %dma_wait3A_212 = tpu.memref_slice %arg3[%add3A_8, %dma_wait3A_211] : memref<5160x64xi32, #tpu.memory_space<hbm>> -> memref<64x64xi32, #tpu.memory_space<hbm>>
      %dma_wait3A_213 = arith.constant 0 : i32
      %dma_wait3A_214 = tpu.memref_slice %arg3[%add3A_8, %dma_wait3A_213] : memref<5160x64xi32, #tpu.memory_space<hbm>> -> memref<64x64xi32, #tpu.memory_space<hbm>>
      tpu.wait_dma2 semaphore(%run_scoped3A : memref<!tpu.dma_semaphore, #tpu.memory_space<semaphore_mem>>) src(%dma_wait3A_214 : memref<64x64xi32, #tpu.memory_space<hbm>>) dst(%arg8 : memref<64x64xi32, #tpu.memory_space<vmem>>)
      tpu.yield
    }) : () -> ()
    "tpu.region"() ({
      %run_scoped3A = tpu.sem_alloc : memref<!tpu.dma_semaphore, #tpu.memory_space<semaphore_mem>>
      %dma_start3A_207 = arith.constant 0 : i32
      %dma_start3A_208 = tpu.memref_slice %arg4[%add3A_8, %dma_start3A_207] : memref<5160x64xi32, #tpu.memory_space<hbm>> -> memref<64x64xi32, #tpu.memory_space<hbm>>
      %dma_start3A_209 = arith.constant 0 : i32
      %dma_start3A_210 = tpu.memref_slice %arg4[%add3A_8, %dma_start3A_209] : memref<5160x64xi32, #tpu.memory_space<hbm>> -> memref<64x64xi32, #tpu.memory_space<hbm>>
      tpu.enqueue_dma source(%dma_start3A_210 : memref<64x64xi32, #tpu.memory_space<hbm>>) target(%arg9 : memref<64x64xi32, #tpu.memory_space<vmem>>) target_semaphore(%run_scoped3A : memref<!tpu.dma_semaphore, #tpu.memory_space<semaphore_mem>>)
      %dma_wait3A_211 = arith.constant 0 : i32
      %dma_wait3A_212 = tpu.memref_slice %arg4[%add3A_8, %dma_wait3A_211] : memref<5160x64xi32, #tpu.memory_space<hbm>> -> memref<64x64xi32, #tpu.memory_space<hbm>>
      %dma_wait3A_213 = arith.constant 0 : i32
      %dma_wait3A_214 = tpu.memref_slice %arg4[%add3A_8, %dma_wait3A_213] : memref<5160x64xi32, #tpu.memory_space<hbm>> -> memref<64x64xi32, #tpu.memory_space<hbm>>
      tpu.wait_dma2 semaphore(%run_scoped3A : memref<!tpu.dma_semaphore, #tpu.memory_space<semaphore_mem>>) src(%dma_wait3A_214 : memref<64x64xi32, #tpu.memory_space<hbm>>) dst(%arg9 : memref<64x64xi32, #tpu.memory_space<vmem>>)
      tpu.yield
    }) : () -> ()
    %dma_start3A = arith.constant 0 : i32
    %dma_start3A_9 = arith.constant 0 : i32
    %dma_start3A_10 = tpu.memref_slice %arg8[%dma_start3A, %dma_start3A_9] : memref<64x64xi32, #tpu.memory_space<vmem>> -> memref<1x64xi32, #tpu.memory_space<vmem>>
    %dma_start3A_11 = tpu.memref_squeeze %dma_start3A_10 : memref<1x64xi32, #tpu.memory_space<vmem>> -> memref<64xi32, #tpu.memory_space<vmem>>
    %dma_start3A_12 = arith.constant 0 : i32
    %dma_start3A_13 = arith.constant 0 : i32
    %dma_start3A_14 = tpu.memref_slice %arg2[%dma_start3A_12, %dma_start3A_13] : memref<10000x128xf32, #tpu.memory_space<hbm>> -> memref<10000x128xf32, #tpu.memory_space<hbm>>
    tpu.enqueue_indirect_dma source(%dma_start3A_14 : memref<10000x128xf32, #tpu.memory_space<hbm>>) target(%arg10 : memref<64x128xf32, #tpu.memory_space<vmem>>) offsets(%dma_start3A_11 : memref<64xi32, #tpu.memory_space<vmem>>) semaphore(%arg14 : memref<!tpu.dma_semaphore, #tpu.memory_space<semaphore_mem>>)
    %dma_start3A_15 = arith.constant 1 : i32
    %dma_start3A_16 = arith.constant 0 : i32
    %dma_start3A_17 = tpu.memref_slice %arg8[%dma_start3A_15, %dma_start3A_16] : memref<64x64xi32, #tpu.memory_space<vmem>> -> memref<1x64xi32, #tpu.memory_space<vmem>>
    %dma_start3A_18 = tpu.memref_squeeze %dma_start3A_17 : memref<1x64xi32, #tpu.memory_space<vmem>> -> memref<64xi32, #tpu.memory_space<vmem>>
    %dma_start3A_19 = arith.constant 0 : i32
    %dma_start3A_20 = arith.constant 0 : i32
    %dma_start3A_21 = tpu.memref_slice %arg2[%dma_start3A_19, %dma_start3A_20] : memref<10000x128xf32, #tpu.memory_space<hbm>> -> memref<10000x128xf32, #tpu.memory_space<hbm>>
    tpu.enqueue_indirect_dma source(%dma_start3A_21 : memref<10000x128xf32, #tpu.memory_space<hbm>>) target(%arg11 : memref<64x128xf32, #tpu.memory_space<vmem>>) offsets(%dma_start3A_18 : memref<64xi32, #tpu.memory_space<vmem>>) semaphore(%arg15 : memref<!tpu.dma_semaphore, #tpu.memory_space<semaphore_mem>>)
    %dma_start3A_22 = arith.constant 2 : i32
    %dma_start3A_23 = arith.constant 0 : i32
    %dma_start3A_24 = tpu.memref_slice %arg8[%dma_start3A_22, %dma_start3A_23] : memref<64x64xi32, #tpu.memory_space<vmem>> -> memref<1x64xi32, #tpu.memory_space<vmem>>
    %dma_start3A_25 = tpu.memref_squeeze %dma_start3A_24 : memref<1x64xi32, #tpu.memory_space<vmem>> -> memref<64xi32, #tpu.memory_space<vmem>>
    %dma_start3A_26 = arith.constant 0 : i32
    %dma_start3A_27 = arith.constant 0 : i32
    %dma_start3A_28 = tpu.memref_slice %arg2[%dma_start3A_26, %dma_start3A_27] : memref<10000x128xf32, #tpu.memory_space<hbm>> -> memref<10000x128xf32, #tpu.memory_space<hbm>>
    tpu.enqueue_indirect_dma source(%dma_start3A_28 : memref<10000x128xf32, #tpu.memory_space<hbm>>) target(%arg12 : memref<64x128xf32, #tpu.memory_space<vmem>>) offsets(%dma_start3A_25 : memref<64xi32, #tpu.memory_space<vmem>>) semaphore(%arg16 : memref<!tpu.dma_semaphore, #tpu.memory_space<semaphore_mem>>)
    %dma_start3A_29 = arith.constant 3 : i32
    %dma_start3A_30 = arith.constant 0 : i32
    %dma_start3A_31 = tpu.memref_slice %arg8[%dma_start3A_29, %dma_start3A_30] : memref<64x64xi32, #tpu.memory_space<vmem>> -> memref<1x64xi32, #tpu.memory_space<vmem>>
    %dma_start3A_32 = tpu.memref_squeeze %dma_start3A_31 : memref<1x64xi32, #tpu.memory_space<vmem>> -> memref<64xi32, #tpu.memory_space<vmem>>
    %dma_start3A_33 = arith.constant 0 : i32
    %dma_start3A_34 = arith.constant 0 : i32
    %dma_start3A_35 = tpu.memref_slice %arg2[%dma_start3A_33, %dma_start3A_34] : memref<10000x128xf32, #tpu.memory_space<hbm>> -> memref<10000x128xf32, #tpu.memory_space<hbm>>
    tpu.enqueue_indirect_dma source(%dma_start3A_35 : memref<10000x128xf32, #tpu.memory_space<hbm>>) target(%arg13 : memref<64x128xf32, #tpu.memory_space<vmem>>) offsets(%dma_start3A_32 : memref<64xi32, #tpu.memory_space<vmem>>) semaphore(%arg17 : memref<!tpu.dma_semaphore, #tpu.memory_space<semaphore_mem>>)
    %scan3A = arith.constant 0 : i32
    %scan3A_36 = arith.constant 0 : i32
    %scan3A_37 = arith.constant 16 : i32
    %scan3A_38 = arith.addi %scan3A_36, %scan3A_37 : i32
    %scan3A_39 = arith.constant 1 : i32
    scf.for %scan3A_207 = %scan3A_36 to %scan3A_38 step %scan3A_39  : i32 {
      %mul3A_208 = arith.constant 4 : i32
      %mul3A_209 = arith.muli %scan3A_207, %mul3A_208 : i32
      %add3A_210 = arith.constant 0 : i32
      %add3A_211 = arith.addi %mul3A_209, %add3A_210 : i32
      %dma_wait3A_212 = arith.constant 0 : i32
      %dma_wait3A_213 = tpu.memref_slice %arg8[%add3A_211, %dma_wait3A_212] : memref<64x64xi32, #tpu.memory_space<vmem>> -> memref<1x64xi32, #tpu.memory_space<vmem>>
      %dma_wait3A_214 = tpu.memref_squeeze %dma_wait3A_213 : memref<1x64xi32, #tpu.memory_space<vmem>> -> memref<64xi32, #tpu.memory_space<vmem>>
      %dma_wait3A_215 = arith.constant 0 : i32
      %dma_wait3A_216 = arith.constant 0 : i32
      %dma_wait3A_217 = tpu.memref_slice %arg2[%dma_wait3A_215, %dma_wait3A_216] : memref<10000x128xf32, #tpu.memory_space<hbm>> -> memref<10000x128xf32, #tpu.memory_space<hbm>>
      tpu.wait_indirect_dma semaphore(%arg14 : memref<!tpu.dma_semaphore, #tpu.memory_space<semaphore_mem>>) src(%dma_wait3A_217 : memref<10000x128xf32, #tpu.memory_space<hbm>>) dst(%arg10 : memref<64x128xf32, #tpu.memory_space<vmem>>)
      %add3A_218 = arith.constant 0 : i32
      %add3A_219 = arith.addi %mul3A_209, %add3A_218 : i32
      %dma_start3A_220 = arith.constant 0 : i32
      %dma_start3A_221 = tpu.memref_slice %arg9[%add3A_219, %dma_start3A_220] : memref<64x64xi32, #tpu.memory_space<vmem>> -> memref<1x64xi32, #tpu.memory_space<vmem>>
      %dma_start3A_222 = tpu.memref_squeeze %dma_start3A_221 : memref<1x64xi32, #tpu.memory_space<vmem>> -> memref<64xi32, #tpu.memory_space<vmem>>
      %dma_start3A_223 = arith.constant 0 : i32
      %dma_start3A_224 = arith.constant 0 : i32
      %dma_start3A_225 = tpu.memref_slice %arg7[%dma_start3A_223, %dma_start3A_224] : memref<10112x128xf32, #tpu.memory_space<vmem_shared>> -> memref<10112x128xf32, #tpu.memory_space<vmem_shared>>
      tpu.enqueue_indirect_dma source(%arg10 : memref<64x128xf32, #tpu.memory_space<vmem>>) target(%dma_start3A_225 : memref<10112x128xf32, #tpu.memory_space<vmem_shared>>) offsets(%dma_start3A_222 : memref<64xi32, #tpu.memory_space<vmem>>) semaphore(%arg18 : memref<!tpu.dma_semaphore, #tpu.memory_space<semaphore_mem>>) {add = true}
      %add3A_226 = arith.constant 1 : i32
      %add3A_227 = arith.addi %mul3A_209, %add3A_226 : i32
      %dma_wait3A_228 = arith.constant 0 : i32
      %dma_wait3A_229 = tpu.memref_slice %arg8[%add3A_227, %dma_wait3A_228] : memref<64x64xi32, #tpu.memory_space<vmem>> -> memref<1x64xi32, #tpu.memory_space<vmem>>
      %dma_wait3A_230 = tpu.memref_squeeze %dma_wait3A_229 : memref<1x64xi32, #tpu.memory_space<vmem>> -> memref<64xi32, #tpu.memory_space<vmem>>
      %dma_wait3A_231 = arith.constant 0 : i32
      %dma_wait3A_232 = arith.constant 0 : i32
      %dma_wait3A_233 = tpu.memref_slice %arg2[%dma_wait3A_231, %dma_wait3A_232] : memref<10000x128xf32, #tpu.memory_space<hbm>> -> memref<10000x128xf32, #tpu.memory_space<hbm>>
      tpu.wait_indirect_dma semaphore(%arg15 : memref<!tpu.dma_semaphore, #tpu.memory_space<semaphore_mem>>) src(%dma_wait3A_233 : memref<10000x128xf32, #tpu.memory_space<hbm>>) dst(%arg11 : memref<64x128xf32, #tpu.memory_space<vmem>>)
      %add3A_234 = arith.constant 1 : i32
      %add3A_235 = arith.addi %mul3A_209, %add3A_234 : i32
      %dma_start3A_236 = arith.constant 0 : i32
      %dma_start3A_237 = tpu.memref_slice %arg9[%add3A_235, %dma_start3A_236] : memref<64x64xi32, #tpu.memory_space<vmem>> -> memref<1x64xi32, #tpu.memory_space<vmem>>
      %dma_start3A_238 = tpu.memref_squeeze %dma_start3A_237 : memref<1x64xi32, #tpu.memory_space<vmem>> -> memref<64xi32, #tpu.memory_space<vmem>>
      %dma_start3A_239 = arith.constant 0 : i32
      %dma_start3A_240 = arith.constant 0 : i32
      %dma_start3A_241 = tpu.memref_slice %arg7[%dma_start3A_239, %dma_start3A_240] : memref<10112x128xf32, #tpu.memory_space<vmem_shared>> -> memref<10112x128xf32, #tpu.memory_space<vmem_shared>>
      tpu.enqueue_indirect_dma source(%arg11 : memref<64x128xf32, #tpu.memory_space<vmem>>) target(%dma_start3A_241 : memref<10112x128xf32, #tpu.memory_space<vmem_shared>>) offsets(%dma_start3A_238 : memref<64xi32, #tpu.memory_space<vmem>>) semaphore(%arg19 : memref<!tpu.dma_semaphore, #tpu.memory_space<semaphore_mem>>) {add = true}
      %add3A_242 = arith.constant 2 : i32
      %add3A_243 = arith.addi %mul3A_209, %add3A_242 : i32
      %dma_wait3A_244 = arith.constant 0 : i32
      %dma_wait3A_245 = tpu.memref_slice %arg8[%add3A_243, %dma_wait3A_244] : memref<64x64xi32, #tpu.memory_space<vmem>> -> memref<1x64xi32, #tpu.memory_space<vmem>>
      %dma_wait3A_246 = tpu.memref_squeeze %dma_wait3A_245 : memref<1x64xi32, #tpu.memory_space<vmem>> -> memref<64xi32, #tpu.memory_space<vmem>>
      %dma_wait3A_247 = arith.constant 0 : i32
      %dma_wait3A_248 = arith.constant 0 : i32
      %dma_wait3A_249 = tpu.memref_slice %arg2[%dma_wait3A_247, %dma_wait3A_248] : memref<10000x128xf32, #tpu.memory_space<hbm>> -> memref<10000x128xf32, #tpu.memory_space<hbm>>
      tpu.wait_indirect_dma semaphore(%arg16 : memref<!tpu.dma_semaphore, #tpu.memory_space<semaphore_mem>>) src(%dma_wait3A_249 : memref<10000x128xf32, #tpu.memory_space<hbm>>) dst(%arg12 : memref<64x128xf32, #tpu.memory_space<vmem>>)
      %add3A_250 = arith.constant 2 : i32
      %add3A_251 = arith.addi %mul3A_209, %add3A_250 : i32
      %dma_start3A_252 = arith.constant 0 : i32
      %dma_start3A_253 = tpu.memref_slice %arg9[%add3A_251, %dma_start3A_252] : memref<64x64xi32, #tpu.memory_space<vmem>> -> memref<1x64xi32, #tpu.memory_space<vmem>>
      %dma_start3A_254 = tpu.memref_squeeze %dma_start3A_253 : memref<1x64xi32, #tpu.memory_space<vmem>> -> memref<64xi32, #tpu.memory_space<vmem>>
      %dma_start3A_255 = arith.constant 0 : i32
      %dma_start3A_256 = arith.constant 0 : i32
      %dma_start3A_257 = tpu.memref_slice %arg7[%dma_start3A_255, %dma_start3A_256] : memref<10112x128xf32, #tpu.memory_space<vmem_shared>> -> memref<10112x128xf32, #tpu.memory_space<vmem_shared>>
      tpu.enqueue_indirect_dma source(%arg12 : memref<64x128xf32, #tpu.memory_space<vmem>>) target(%dma_start3A_257 : memref<10112x128xf32, #tpu.memory_space<vmem_shared>>) offsets(%dma_start3A_254 : memref<64xi32, #tpu.memory_space<vmem>>) semaphore(%arg20 : memref<!tpu.dma_semaphore, #tpu.memory_space<semaphore_mem>>) {add = true}
      %add3A_258 = arith.constant 3 : i32
      %add3A_259 = arith.addi %mul3A_209, %add3A_258 : i32
      %dma_wait3A_260 = arith.constant 0 : i32
      %dma_wait3A_261 = tpu.memref_slice %arg8[%add3A_259, %dma_wait3A_260] : memref<64x64xi32, #tpu.memory_space<vmem>> -> memref<1x64xi32, #tpu.memory_space<vmem>>
      %dma_wait3A_262 = tpu.memref_squeeze %dma_wait3A_261 : memref<1x64xi32, #tpu.memory_space<vmem>> -> memref<64xi32, #tpu.memory_space<vmem>>
      %dma_wait3A_263 = arith.constant 0 : i32
      %dma_wait3A_264 = arith.constant 0 : i32
      %dma_wait3A_265 = tpu.memref_slice %arg2[%dma_wait3A_263, %dma_wait3A_264] : memref<10000x128xf32, #tpu.memory_space<hbm>> -> memref<10000x128xf32, #tpu.memory_space<hbm>>
      tpu.wait_indirect_dma semaphore(%arg17 : memref<!tpu.dma_semaphore, #tpu.memory_space<semaphore_mem>>) src(%dma_wait3A_265 : memref<10000x128xf32, #tpu.memory_space<hbm>>) dst(%arg13 : memref<64x128xf32, #tpu.memory_space<vmem>>)
      %add3A_266 = arith.constant 3 : i32
      %add3A_267 = arith.addi %mul3A_209, %add3A_266 : i32
      %dma_start3A_268 = arith.constant 0 : i32
      %dma_start3A_269 = tpu.memref_slice %arg9[%add3A_267, %dma_start3A_268] : memref<64x64xi32, #tpu.memory_space<vmem>> -> memref<1x64xi32, #tpu.memory_space<vmem>>
      %dma_start3A_270 = tpu.memref_squeeze %dma_start3A_269 : memref<1x64xi32, #tpu.memory_space<vmem>> -> memref<64xi32, #tpu.memory_space<vmem>>
      %dma_start3A_271 = arith.constant 0 : i32
      %dma_start3A_272 = arith.constant 0 : i32
      %dma_start3A_273 = tpu.memref_slice %arg7[%dma_start3A_271, %dma_start3A_272] : memref<10112x128xf32, #tpu.memory_space<vmem_shared>> -> memref<10112x128xf32, #tpu.memory_space<vmem_shared>>
      tpu.enqueue_indirect_dma source(%arg13 : memref<64x128xf32, #tpu.memory_space<vmem>>) target(%dma_start3A_273 : memref<10112x128xf32, #tpu.memory_space<vmem_shared>>) offsets(%dma_start3A_270 : memref<64xi32, #tpu.memory_space<vmem>>) semaphore(%arg21 : memref<!tpu.dma_semaphore, #tpu.memory_space<semaphore_mem>>) {add = true}
      %dma_wait3A_274 = arith.constant 0 : i32
      %dma_wait3A_275 = tpu.memref_slice %arg9[%add3A_219, %dma_wait3A_274] : memref<64x64xi32, #tpu.memory_space<vmem>> -> memref<1x64xi32, #tpu.memory_space<vmem>>
      %dma_wait3A_276 = tpu.memref_squeeze %dma_wait3A_275 : memref<1x64xi32, #tpu.memory_space<vmem>> -> memref<64xi32, #tpu.memory_space<vmem>>
      %dma_wait3A_277 = arith.constant 0 : i32
      %dma_wait3A_278 = arith.constant 0 : i32
      %dma_wait3A_279 = tpu.memref_slice %arg7[%dma_wait3A_277, %dma_wait3A_278] : memref<10112x128xf32, #tpu.memory_space<vmem_shared>> -> memref<10112x128xf32, #tpu.memory_space<vmem_shared>>
      tpu.wait_indirect_dma semaphore(%arg18 : memref<!tpu.dma_semaphore, #tpu.memory_space<semaphore_mem>>) src(%arg10 : memref<64x128xf32, #tpu.memory_space<vmem>>) dst(%dma_wait3A_279 : memref<10112x128xf32, #tpu.memory_space<vmem_shared>>)
      %add3A_280 = arith.constant 4 : i32
      %add3A_281 = arith.addi %mul3A_209, %add3A_280 : i32
      %add3A_282 = arith.constant 0 : i32
      %add3A_283 = arith.addi %add3A_281, %add3A_282 : i32
      %ge3A = arith.constant 64 : i32
      %ge3A_284 = arith.cmpi sge, %add3A_283, %ge3A : i32
      %sub3A = arith.constant 64 : i32
      %sub3A_285 = arith.subi %add3A_283, %sub3A : i32
      %select_n3A_286 = arith.select %ge3A_284, %sub3A_285, %add3A_283 : i32
      %dma_start3A_287 = arith.constant 0 : i32
      %dma_start3A_288 = tpu.memref_slice %arg8[%select_n3A_286, %dma_start3A_287] : memref<64x64xi32, #tpu.memory_space<vmem>> -> memref<1x64xi32, #tpu.memory_space<vmem>>
      %dma_start3A_289 = tpu.memref_squeeze %dma_start3A_288 : memref<1x64xi32, #tpu.memory_space<vmem>> -> memref<64xi32, #tpu.memory_space<vmem>>
      %dma_start3A_290 = arith.constant 0 : i32
      %dma_start3A_291 = arith.constant 0 : i32
      %dma_start3A_292 = tpu.memref_slice %arg2[%dma_start3A_290, %dma_start3A_291] : memref<10000x128xf32, #tpu.memory_space<hbm>> -> memref<10000x128xf32, #tpu.memory_space<hbm>>
      tpu.enqueue_indirect_dma source(%dma_start3A_292 : memref<10000x128xf32, #tpu.memory_space<hbm>>) target(%arg10 : memref<64x128xf32, #tpu.memory_space<vmem>>) offsets(%dma_start3A_289 : memref<64xi32, #tpu.memory_space<vmem>>) semaphore(%arg14 : memref<!tpu.dma_semaphore, #tpu.memory_space<semaphore_mem>>)
      %dma_wait3A_293 = arith.constant 0 : i32
      %dma_wait3A_294 = tpu.memref_slice %arg9[%add3A_235, %dma_wait3A_293] : memref<64x64xi32, #tpu.memory_space<vmem>> -> memref<1x64xi32, #tpu.memory_space<vmem>>
      %dma_wait3A_295 = tpu.memref_squeeze %dma_wait3A_294 : memref<1x64xi32, #tpu.memory_space<vmem>> -> memref<64xi32, #tpu.memory_space<vmem>>
      %dma_wait3A_296 = arith.constant 0 : i32
      %dma_wait3A_297 = arith.constant 0 : i32
      %dma_wait3A_298 = tpu.memref_slice %arg7[%dma_wait3A_296, %dma_wait3A_297] : memref<10112x128xf32, #tpu.memory_space<vmem_shared>> -> memref<10112x128xf32, #tpu.memory_space<vmem_shared>>
      tpu.wait_indirect_dma semaphore(%arg19 : memref<!tpu.dma_semaphore, #tpu.memory_space<semaphore_mem>>) src(%arg11 : memref<64x128xf32, #tpu.memory_space<vmem>>) dst(%dma_wait3A_298 : memref<10112x128xf32, #tpu.memory_space<vmem_shared>>)
      %add3A_299 = arith.constant 4 : i32
      %add3A_300 = arith.addi %mul3A_209, %add3A_299 : i32
      %add3A_301 = arith.constant 1 : i32
      %add3A_302 = arith.addi %add3A_300, %add3A_301 : i32
      %ge3A_303 = arith.constant 64 : i32
      %ge3A_304 = arith.cmpi sge, %add3A_302, %ge3A_303 : i32
      %sub3A_305 = arith.constant 64 : i32
      %sub3A_306 = arith.subi %add3A_302, %sub3A_305 : i32
      %select_n3A_307 = arith.select %ge3A_304, %sub3A_306, %add3A_302 : i32
      %dma_start3A_308 = arith.constant 0 : i32
      %dma_start3A_309 = tpu.memref_slice %arg8[%select_n3A_307, %dma_start3A_308] : memref<64x64xi32, #tpu.memory_space<vmem>> -> memref<1x64xi32, #tpu.memory_space<vmem>>
      %dma_start3A_310 = tpu.memref_squeeze %dma_start3A_309 : memref<1x64xi32, #tpu.memory_space<vmem>> -> memref<64xi32, #tpu.memory_space<vmem>>
      %dma_start3A_311 = arith.constant 0 : i32
      %dma_start3A_312 = arith.constant 0 : i32
      %dma_start3A_313 = tpu.memref_slice %arg2[%dma_start3A_311, %dma_start3A_312] : memref<10000x128xf32, #tpu.memory_space<hbm>> -> memref<10000x128xf32, #tpu.memory_space<hbm>>
      tpu.enqueue_indirect_dma source(%dma_start3A_313 : memref<10000x128xf32, #tpu.memory_space<hbm>>) target(%arg11 : memref<64x128xf32, #tpu.memory_space<vmem>>) offsets(%dma_start3A_310 : memref<64xi32, #tpu.memory_space<vmem>>) semaphore(%arg15 : memref<!tpu.dma_semaphore, #tpu.memory_space<semaphore_mem>>)
      %dma_wait3A_314 = arith.constant 0 : i32
      %dma_wait3A_315 = tpu.memref_slice %arg9[%add3A_251, %dma_wait3A_314] : memref<64x64xi32, #tpu.memory_space<vmem>> -> memref<1x64xi32, #tpu.memory_space<vmem>>
      %dma_wait3A_316 = tpu.memref_squeeze %dma_wait3A_315 : memref<1x64xi32, #tpu.memory_space<vmem>> -> memref<64xi32, #tpu.memory_space<vmem>>
      %dma_wait3A_317 = arith.constant 0 : i32
      %dma_wait3A_318 = arith.constant 0 : i32
      %dma_wait3A_319 = tpu.memref_slice %arg7[%dma_wait3A_317, %dma_wait3A_318] : memref<10112x128xf32, #tpu.memory_space<vmem_shared>> -> memref<10112x128xf32, #tpu.memory_space<vmem_shared>>
      tpu.wait_indirect_dma semaphore(%arg20 : memref<!tpu.dma_semaphore, #tpu.memory_space<semaphore_mem>>) src(%arg12 : memref<64x128xf32, #tpu.memory_space<vmem>>) dst(%dma_wait3A_319 : memref<10112x128xf32, #tpu.memory_space<vmem_shared>>)
      %add3A_320 = arith.constant 4 : i32
      %add3A_321 = arith.addi %mul3A_209, %add3A_320 : i32
      %add3A_322 = arith.constant 2 : i32
      %add3A_323 = arith.addi %add3A_321, %add3A_322 : i32
      %ge3A_324 = arith.constant 64 : i32
      %ge3A_325 = arith.cmpi sge, %add3A_323, %ge3A_324 : i32
      %sub3A_326 = arith.constant 64 : i32
      %sub3A_327 = arith.subi %add3A_323, %sub3A_326 : i32
      %select_n3A_328 = arith.select %ge3A_325, %sub3A_327, %add3A_323 : i32
      %dma_start3A_329 = arith.constant 0 : i32
      %dma_start3A_330 = tpu.memref_slice %arg8[%select_n3A_328, %dma_start3A_329] : memref<64x64xi32, #tpu.memory_space<vmem>> -> memref<1x64xi32, #tpu.memory_space<vmem>>
      %dma_start3A_331 = tpu.memref_squeeze %dma_start3A_330 : memref<1x64xi32, #tpu.memory_space<vmem>> -> memref<64xi32, #tpu.memory_space<vmem>>
      %dma_start3A_332 = arith.constant 0 : i32
      %dma_start3A_333 = arith.constant 0 : i32
      %dma_start3A_334 = tpu.memref_slice %arg2[%dma_start3A_332, %dma_start3A_333] : memref<10000x128xf32, #tpu.memory_space<hbm>> -> memref<10000x128xf32, #tpu.memory_space<hbm>>
      tpu.enqueue_indirect_dma source(%dma_start3A_334 : memref<10000x128xf32, #tpu.memory_space<hbm>>) target(%arg12 : memref<64x128xf32, #tpu.memory_space<vmem>>) offsets(%dma_start3A_331 : memref<64xi32, #tpu.memory_space<vmem>>) semaphore(%arg16 : memref<!tpu.dma_semaphore, #tpu.memory_space<semaphore_mem>>)
      %dma_wait3A_335 = arith.constant 0 : i32
      %dma_wait3A_336 = tpu.memref_slice %arg9[%add3A_267, %dma_wait3A_335] : memref<64x64xi32, #tpu.memory_space<vmem>> -> memref<1x64xi32, #tpu.memory_space<vmem>>
      %dma_wait3A_337 = tpu.memref_squeeze %dma_wait3A_336 : memref<1x64xi32, #tpu.memory_space<vmem>> -> memref<64xi32, #tpu.memory_space<vmem>>
      %dma_wait3A_338 = arith.constant 0 : i32
      %dma_wait3A_339 = arith.constant 0 : i32
      %dma_wait3A_340 = tpu.memref_slice %arg7[%dma_wait3A_338, %dma_wait3A_339] : memref<10112x128xf32, #tpu.memory_space<vmem_shared>> -> memref<10112x128xf32, #tpu.memory_space<vmem_shared>>
      tpu.wait_indirect_dma semaphore(%arg21 : memref<!tpu.dma_semaphore, #tpu.memory_space<semaphore_mem>>) src(%arg13 : memref<64x128xf32, #tpu.memory_space<vmem>>) dst(%dma_wait3A_340 : memref<10112x128xf32, #tpu.memory_space<vmem_shared>>)
      %add3A_341 = arith.constant 4 : i32
      %add3A_342 = arith.addi %mul3A_209, %add3A_341 : i32
      %add3A_343 = arith.constant 3 : i32
      %add3A_344 = arith.addi %add3A_342, %add3A_343 : i32
      %ge3A_345 = arith.constant 64 : i32
      %ge3A_346 = arith.cmpi sge, %add3A_344, %ge3A_345 : i32
      %sub3A_347 = arith.constant 64 : i32
      %sub3A_348 = arith.subi %add3A_344, %sub3A_347 : i32
      %select_n3A_349 = arith.select %ge3A_346, %sub3A_348, %add3A_344 : i32
      %dma_start3A_350 = arith.constant 0 : i32
      %dma_start3A_351 = tpu.memref_slice %arg8[%select_n3A_349, %dma_start3A_350] : memref<64x64xi32, #tpu.memory_space<vmem>> -> memref<1x64xi32, #tpu.memory_space<vmem>>
      %dma_start3A_352 = tpu.memref_squeeze %dma_start3A_351 : memref<1x64xi32, #tpu.memory_space<vmem>> -> memref<64xi32, #tpu.memory_space<vmem>>
      %dma_start3A_353 = arith.constant 0 : i32
      %dma_start3A_354 = arith.constant 0 : i32
      %dma_start3A_355 = tpu.memref_slice %arg2[%dma_start3A_353, %dma_start3A_354] : memref<10000x128xf32, #tpu.memory_space<hbm>> -> memref<10000x128xf32, #tpu.memory_space<hbm>>
      tpu.enqueue_indirect_dma source(%dma_start3A_355 : memref<10000x128xf32, #tpu.memory_space<hbm>>) target(%arg13 : memref<64x128xf32, #tpu.memory_space<vmem>>) offsets(%dma_start3A_352 : memref<64xi32, #tpu.memory_space<vmem>>) semaphore(%arg17 : memref<!tpu.dma_semaphore, #tpu.memory_space<semaphore_mem>>)
    }
    %scan3A_40 = arith.constant 16 : i32
    %dma_wait3A = arith.constant 0 : i32
    %dma_wait3A_41 = arith.constant 0 : i32
    %dma_wait3A_42 = tpu.memref_slice %arg8[%dma_wait3A, %dma_wait3A_41] : memref<64x64xi32, #tpu.memory_space<vmem>> -> memref<1x64xi32, #tpu.memory_space<vmem>>
    %dma_wait3A_43 = tpu.memref_squeeze %dma_wait3A_42 : memref<1x64xi32, #tpu.memory_space<vmem>> -> memref<64xi32, #tpu.memory_space<vmem>>
    %dma_wait3A_44 = arith.constant 0 : i32
    %dma_wait3A_45 = arith.constant 0 : i32
    %dma_wait3A_46 = tpu.memref_slice %arg2[%dma_wait3A_44, %dma_wait3A_45] : memref<10000x128xf32, #tpu.memory_space<hbm>> -> memref<10000x128xf32, #tpu.memory_space<hbm>>
    tpu.wait_indirect_dma semaphore(%arg14 : memref<!tpu.dma_semaphore, #tpu.memory_space<semaphore_mem>>) src(%dma_wait3A_46 : memref<10000x128xf32, #tpu.memory_space<hbm>>) dst(%arg10 : memref<64x128xf32, #tpu.memory_space<vmem>>)
    %dma_wait3A_47 = arith.constant 0 : i32
    %dma_wait3A_48 = arith.constant 0 : i32
    %dma_wait3A_49 = tpu.memref_slice %arg8[%dma_wait3A_47, %dma_wait3A_48] : memref<64x64xi32, #tpu.memory_space<vmem>> -> memref<1x64xi32, #tpu.memory_space<vmem>>
    %dma_wait3A_50 = tpu.memref_squeeze %dma_wait3A_49 : memref<1x64xi32, #tpu.memory_space<vmem>> -> memref<64xi32, #tpu.memory_space<vmem>>
    %dma_wait3A_51 = arith.constant 0 : i32
    %dma_wait3A_52 = arith.constant 0 : i32
    %dma_wait3A_53 = tpu.memref_slice %arg2[%dma_wait3A_51, %dma_wait3A_52] : memref<10000x128xf32, #tpu.memory_space<hbm>> -> memref<10000x128xf32, #tpu.memory_space<hbm>>
    tpu.wait_indirect_dma semaphore(%arg15 : memref<!tpu.dma_semaphore, #tpu.memory_space<semaphore_mem>>) src(%dma_wait3A_53 : memref<10000x128xf32, #tpu.memory_space<hbm>>) dst(%arg11 : memref<64x128xf32, #tpu.memory_space<vmem>>)
    %dma_wait3A_54 = arith.constant 0 : i32
    %dma_wait3A_55 = arith.constant 0 : i32
    %dma_wait3A_56 = tpu.memref_slice %arg8[%dma_wait3A_54, %dma_wait3A_55] : memref<64x64xi32, #tpu.memory_space<vmem>> -> memref<1x64xi32, #tpu.memory_space<vmem>>
    %dma_wait3A_57 = tpu.memref_squeeze %dma_wait3A_56 : memref<1x64xi32, #tpu.memory_space<vmem>> -> memref<64xi32, #tpu.memory_space<vmem>>
    %dma_wait3A_58 = arith.constant 0 : i32
    %dma_wait3A_59 = arith.constant 0 : i32
    %dma_wait3A_60 = tpu.memref_slice %arg2[%dma_wait3A_58, %dma_wait3A_59] : memref<10000x128xf32, #tpu.memory_space<hbm>> -> memref<10000x128xf32, #tpu.memory_space<hbm>>
    tpu.wait_indirect_dma semaphore(%arg16 : memref<!tpu.dma_semaphore, #tpu.memory_space<semaphore_mem>>) src(%dma_wait3A_60 : memref<10000x128xf32, #tpu.memory_space<hbm>>) dst(%arg12 : memref<64x128xf32, #tpu.memory_space<vmem>>)
    %dma_wait3A_61 = arith.constant 0 : i32
    %dma_wait3A_62 = arith.constant 0 : i32
    %dma_wait3A_63 = tpu.memref_slice %arg8[%dma_wait3A_61, %dma_wait3A_62] : memref<64x64xi32, #tpu.memory_space<vmem>> -> memref<1x64xi32, #tpu.memory_space<vmem>>
    %dma_wait3A_64 = tpu.memref_squeeze %dma_wait3A_63 : memref<1x64xi32, #tpu.memory_space<vmem>> -> memref<64xi32, #tpu.memory_space<vmem>>
    %dma_wait3A_65 = arith.constant 0 : i32
    %dma_wait3A_66 = arith.constant 0 : i32
    %dma_wait3A_67 = tpu.memref_slice %arg2[%dma_wait3A_65, %dma_wait3A_66] : memref<10000x128xf32, #tpu.memory_space<hbm>> -> memref<10000x128xf32, #tpu.memory_space<hbm>>
    tpu.wait_indirect_dma semaphore(%arg17 : memref<!tpu.dma_semaphore, #tpu.memory_space<semaphore_mem>>) src(%dma_wait3A_67 : memref<10000x128xf32, #tpu.memory_space<hbm>>) dst(%arg13 : memref<64x128xf32, #tpu.memory_space<vmem>>)
    %add3A_68 = arith.constant 64 : i32
    %add3A_69 = arith.addi %add3A, %add3A_68 : i32
    "tpu.region"() ({
      %run_scoped3A = tpu.sem_alloc : memref<!tpu.dma_semaphore, #tpu.memory_space<semaphore_mem>>
      %dma_start3A_207 = arith.constant 0 : i32
      %dma_start3A_208 = tpu.memref_slice %arg3[%add3A_69, %dma_start3A_207] : memref<5160x64xi32, #tpu.memory_space<hbm>> -> memref<64x64xi32, #tpu.memory_space<hbm>>
      %dma_start3A_209 = arith.constant 0 : i32
      %dma_start3A_210 = tpu.memref_slice %arg3[%add3A_69, %dma_start3A_209] : memref<5160x64xi32, #tpu.memory_space<hbm>> -> memref<64x64xi32, #tpu.memory_space<hbm>>
      tpu.enqueue_dma source(%dma_start3A_210 : memref<64x64xi32, #tpu.memory_space<hbm>>) target(%arg8 : memref<64x64xi32, #tpu.memory_space<vmem>>) target_semaphore(%run_scoped3A : memref<!tpu.dma_semaphore, #tpu.memory_space<semaphore_mem>>)
      %dma_wait3A_211 = arith.constant 0 : i32
      %dma_wait3A_212 = tpu.memref_slice %arg3[%add3A_69, %dma_wait3A_211] : memref<5160x64xi32, #tpu.memory_space<hbm>> -> memref<64x64xi32, #tpu.memory_space<hbm>>
      %dma_wait3A_213 = arith.constant 0 : i32
      %dma_wait3A_214 = tpu.memref_slice %arg3[%add3A_69, %dma_wait3A_213] : memref<5160x64xi32, #tpu.memory_space<hbm>> -> memref<64x64xi32, #tpu.memory_space<hbm>>
      tpu.wait_dma2 semaphore(%run_scoped3A : memref<!tpu.dma_semaphore, #tpu.memory_space<semaphore_mem>>) src(%dma_wait3A_214 : memref<64x64xi32, #tpu.memory_space<hbm>>) dst(%arg8 : memref<64x64xi32, #tpu.memory_space<vmem>>)
      tpu.yield
    }) : () -> ()
    "tpu.region"() ({
      %run_scoped3A = tpu.sem_alloc : memref<!tpu.dma_semaphore, #tpu.memory_space<semaphore_mem>>
      %dma_start3A_207 = arith.constant 0 : i32
      %dma_start3A_208 = tpu.memref_slice %arg4[%add3A_69, %dma_start3A_207] : memref<5160x64xi32, #tpu.memory_space<hbm>> -> memref<64x64xi32, #tpu.memory_space<hbm>>
      %dma_start3A_209 = arith.constant 0 : i32
      %dma_start3A_210 = tpu.memref_slice %arg4[%add3A_69, %dma_start3A_209] : memref<5160x64xi32, #tpu.memory_space<hbm>> -> memref<64x64xi32, #tpu.memory_space<hbm>>
      tpu.enqueue_dma source(%dma_start3A_210 : memref<64x64xi32, #tpu.memory_space<hbm>>) target(%arg9 : memref<64x64xi32, #tpu.memory_space<vmem>>) target_semaphore(%run_scoped3A : memref<!tpu.dma_semaphore, #tpu.memory_space<semaphore_mem>>)
      %dma_wait3A_211 = arith.constant 0 : i32
      %dma_wait3A_212 = tpu.memref_slice %arg4[%add3A_69, %dma_wait3A_211] : memref<5160x64xi32, #tpu.memory_space<hbm>> -> memref<64x64xi32, #tpu.memory_space<hbm>>
      %dma_wait3A_213 = arith.constant 0 : i32
      %dma_wait3A_214 = tpu.memref_slice %arg4[%add3A_69, %dma_wait3A_213] : memref<5160x64xi32, #tpu.memory_space<hbm>> -> memref<64x64xi32, #tpu.memory_space<hbm>>
      tpu.wait_dma2 semaphore(%run_scoped3A : memref<!tpu.dma_semaphore, #tpu.memory_space<semaphore_mem>>) src(%dma_wait3A_214 : memref<64x64xi32, #tpu.memory_space<hbm>>) dst(%arg9 : memref<64x64xi32, #tpu.memory_space<vmem>>)
      tpu.yield
    }) : () -> ()
    %dma_start3A_70 = arith.constant 0 : i32
    %dma_start3A_71 = arith.constant 0 : i32
    %dma_start3A_72 = tpu.memref_slice %arg8[%dma_start3A_70, %dma_start3A_71] : memref<64x64xi32, #tpu.memory_space<vmem>> -> memref<1x64xi32, #tpu.memory_space<vmem>>
    %dma_start3A_73 = tpu.memref_squeeze %dma_start3A_72 : memref<1x64xi32, #tpu.memory_space<vmem>> -> memref<64xi32, #tpu.memory_space<vmem>>
    %dma_start3A_74 = arith.constant 0 : i32
    %dma_start3A_75 = arith.constant 0 : i32
    %dma_start3A_76 = tpu.memref_slice %arg2[%dma_start3A_74, %dma_start3A_75] : memref<10000x128xf32, #tpu.memory_space<hbm>> -> memref<10000x128xf32, #tpu.memory_space<hbm>>
    tpu.enqueue_indirect_dma source(%dma_start3A_76 : memref<10000x128xf32, #tpu.memory_space<hbm>>) target(%arg10 : memref<64x128xf32, #tpu.memory_space<vmem>>) offsets(%dma_start3A_73 : memref<64xi32, #tpu.memory_space<vmem>>) semaphore(%arg14 : memref<!tpu.dma_semaphore, #tpu.memory_space<semaphore_mem>>)
    %dma_start3A_77 = arith.constant 1 : i32
    %dma_start3A_78 = arith.constant 0 : i32
    %dma_start3A_79 = tpu.memref_slice %arg8[%dma_start3A_77, %dma_start3A_78] : memref<64x64xi32, #tpu.memory_space<vmem>> -> memref<1x64xi32, #tpu.memory_space<vmem>>
    %dma_start3A_80 = tpu.memref_squeeze %dma_start3A_79 : memref<1x64xi32, #tpu.memory_space<vmem>> -> memref<64xi32, #tpu.memory_space<vmem>>
    %dma_start3A_81 = arith.constant 0 : i32
    %dma_start3A_82 = arith.constant 0 : i32
    %dma_start3A_83 = tpu.memref_slice %arg2[%dma_start3A_81, %dma_start3A_82] : memref<10000x128xf32, #tpu.memory_space<hbm>> -> memref<10000x128xf32, #tpu.memory_space<hbm>>
    tpu.enqueue_indirect_dma source(%dma_start3A_83 : memref<10000x128xf32, #tpu.memory_space<hbm>>) target(%arg11 : memref<64x128xf32, #tpu.memory_space<vmem>>) offsets(%dma_start3A_80 : memref<64xi32, #tpu.memory_space<vmem>>) semaphore(%arg15 : memref<!tpu.dma_semaphore, #tpu.memory_space<semaphore_mem>>)
    %dma_start3A_84 = arith.constant 2 : i32
    %dma_start3A_85 = arith.constant 0 : i32
    %dma_start3A_86 = tpu.memref_slice %arg8[%dma_start3A_84, %dma_start3A_85] : memref<64x64xi32, #tpu.memory_space<vmem>> -> memref<1x64xi32, #tpu.memory_space<vmem>>
    %dma_start3A_87 = tpu.memref_squeeze %dma_start3A_86 : memref<1x64xi32, #tpu.memory_space<vmem>> -> memref<64xi32, #tpu.memory_space<vmem>>
    %dma_start3A_88 = arith.constant 0 : i32
    %dma_start3A_89 = arith.constant 0 : i32
    %dma_start3A_90 = tpu.memref_slice %arg2[%dma_start3A_88, %dma_start3A_89] : memref<10000x128xf32, #tpu.memory_space<hbm>> -> memref<10000x128xf32, #tpu.memory_space<hbm>>
    tpu.enqueue_indirect_dma source(%dma_start3A_90 : memref<10000x128xf32, #tpu.memory_space<hbm>>) target(%arg12 : memref<64x128xf32, #tpu.memory_space<vmem>>) offsets(%dma_start3A_87 : memref<64xi32, #tpu.memory_space<vmem>>) semaphore(%arg16 : memref<!tpu.dma_semaphore, #tpu.memory_space<semaphore_mem>>)
    %dma_start3A_91 = arith.constant 3 : i32
    %dma_start3A_92 = arith.constant 0 : i32
    %dma_start3A_93 = tpu.memref_slice %arg8[%dma_start3A_91, %dma_start3A_92] : memref<64x64xi32, #tpu.memory_space<vmem>> -> memref<1x64xi32, #tpu.memory_space<vmem>>
    %dma_start3A_94 = tpu.memref_squeeze %dma_start3A_93 : memref<1x64xi32, #tpu.memory_space<vmem>> -> memref<64xi32, #tpu.memory_space<vmem>>
    %dma_start3A_95 = arith.constant 0 : i32
    %dma_start3A_96 = arith.constant 0 : i32
    %dma_start3A_97 = tpu.memref_slice %arg2[%dma_start3A_95, %dma_start3A_96] : memref<10000x128xf32, #tpu.memory_space<hbm>> -> memref<10000x128xf32, #tpu.memory_space<hbm>>
    tpu.enqueue_indirect_dma source(%dma_start3A_97 : memref<10000x128xf32, #tpu.memory_space<hbm>>) target(%arg13 : memref<64x128xf32, #tpu.memory_space<vmem>>) offsets(%dma_start3A_94 : memref<64xi32, #tpu.memory_space<vmem>>) semaphore(%arg17 : memref<!tpu.dma_semaphore, #tpu.memory_space<semaphore_mem>>)
    %scan3A_98 = arith.constant 0 : i32
    %scan3A_99 = arith.constant 0 : i32
    %scan3A_100 = arith.constant 16 : i32
    %scan3A_101 = arith.addi %scan3A_99, %scan3A_100 : i32
    %scan3A_102 = arith.constant 1 : i32
    scf.for %scan3A_207 = %scan3A_99 to %scan3A_101 step %scan3A_102  : i32 {
      %mul3A_208 = arith.constant 4 : i32
      %mul3A_209 = arith.muli %scan3A_207, %mul3A_208 : i32
      %add3A_210 = arith.constant 0 : i32
      %add3A_211 = arith.addi %mul3A_209, %add3A_210 : i32
      %dma_wait3A_212 = arith.constant 0 : i32
      %dma_wait3A_213 = tpu.memref_slice %arg8[%add3A_211, %dma_wait3A_212] : memref<64x64xi32, #tpu.memory_space<vmem>> -> memref<1x64xi32, #tpu.memory_space<vmem>>
      %dma_wait3A_214 = tpu.memref_squeeze %dma_wait3A_213 : memref<1x64xi32, #tpu.memory_space<vmem>> -> memref<64xi32, #tpu.memory_space<vmem>>
      %dma_wait3A_215 = arith.constant 0 : i32
      %dma_wait3A_216 = arith.constant 0 : i32
      %dma_wait3A_217 = tpu.memref_slice %arg2[%dma_wait3A_215, %dma_wait3A_216] : memref<10000x128xf32, #tpu.memory_space<hbm>> -> memref<10000x128xf32, #tpu.memory_space<hbm>>
      tpu.wait_indirect_dma semaphore(%arg14 : memref<!tpu.dma_semaphore, #tpu.memory_space<semaphore_mem>>) src(%dma_wait3A_217 : memref<10000x128xf32, #tpu.memory_space<hbm>>) dst(%arg10 : memref<64x128xf32, #tpu.memory_space<vmem>>)
      %add3A_218 = arith.constant 0 : i32
      %add3A_219 = arith.addi %mul3A_209, %add3A_218 : i32
      %dma_start3A_220 = arith.constant 0 : i32
      %dma_start3A_221 = tpu.memref_slice %arg9[%add3A_219, %dma_start3A_220] : memref<64x64xi32, #tpu.memory_space<vmem>> -> memref<1x64xi32, #tpu.memory_space<vmem>>
      %dma_start3A_222 = tpu.memref_squeeze %dma_start3A_221 : memref<1x64xi32, #tpu.memory_space<vmem>> -> memref<64xi32, #tpu.memory_space<vmem>>
      %dma_start3A_223 = arith.constant 0 : i32
      %dma_start3A_224 = arith.constant 0 : i32
      %dma_start3A_225 = tpu.memref_slice %arg7[%dma_start3A_223, %dma_start3A_224] : memref<10112x128xf32, #tpu.memory_space<vmem_shared>> -> memref<10112x128xf32, #tpu.memory_space<vmem_shared>>
      tpu.enqueue_indirect_dma source(%arg10 : memref<64x128xf32, #tpu.memory_space<vmem>>) target(%dma_start3A_225 : memref<10112x128xf32, #tpu.memory_space<vmem_shared>>) offsets(%dma_start3A_222 : memref<64xi32, #tpu.memory_space<vmem>>) semaphore(%arg18 : memref<!tpu.dma_semaphore, #tpu.memory_space<semaphore_mem>>) {add = true}
      %add3A_226 = arith.constant 1 : i32
      %add3A_227 = arith.addi %mul3A_209, %add3A_226 : i32
      %dma_wait3A_228 = arith.constant 0 : i32
      %dma_wait3A_229 = tpu.memref_slice %arg8[%add3A_227, %dma_wait3A_228] : memref<64x64xi32, #tpu.memory_space<vmem>> -> memref<1x64xi32, #tpu.memory_space<vmem>>
      %dma_wait3A_230 = tpu.memref_squeeze %dma_wait3A_229 : memref<1x64xi32, #tpu.memory_space<vmem>> -> memref<64xi32, #tpu.memory_space<vmem>>
      %dma_wait3A_231 = arith.constant 0 : i32
      %dma_wait3A_232 = arith.constant 0 : i32
      %dma_wait3A_233 = tpu.memref_slice %arg2[%dma_wait3A_231, %dma_wait3A_232] : memref<10000x128xf32, #tpu.memory_space<hbm>> -> memref<10000x128xf32, #tpu.memory_space<hbm>>
      tpu.wait_indirect_dma semaphore(%arg15 : memref<!tpu.dma_semaphore, #tpu.memory_space<semaphore_mem>>) src(%dma_wait3A_233 : memref<10000x128xf32, #tpu.memory_space<hbm>>) dst(%arg11 : memref<64x128xf32, #tpu.memory_space<vmem>>)
      %add3A_234 = arith.constant 1 : i32
      %add3A_235 = arith.addi %mul3A_209, %add3A_234 : i32
      %dma_start3A_236 = arith.constant 0 : i32
      %dma_start3A_237 = tpu.memref_slice %arg9[%add3A_235, %dma_start3A_236] : memref<64x64xi32, #tpu.memory_space<vmem>> -> memref<1x64xi32, #tpu.memory_space<vmem>>
      %dma_start3A_238 = tpu.memref_squeeze %dma_start3A_237 : memref<1x64xi32, #tpu.memory_space<vmem>> -> memref<64xi32, #tpu.memory_space<vmem>>
      %dma_start3A_239 = arith.constant 0 : i32
      %dma_start3A_240 = arith.constant 0 : i32
      %dma_start3A_241 = tpu.memref_slice %arg7[%dma_start3A_239, %dma_start3A_240] : memref<10112x128xf32, #tpu.memory_space<vmem_shared>> -> memref<10112x128xf32, #tpu.memory_space<vmem_shared>>
      tpu.enqueue_indirect_dma source(%arg11 : memref<64x128xf32, #tpu.memory_space<vmem>>) target(%dma_start3A_241 : memref<10112x128xf32, #tpu.memory_space<vmem_shared>>) offsets(%dma_start3A_238 : memref<64xi32, #tpu.memory_space<vmem>>) semaphore(%arg19 : memref<!tpu.dma_semaphore, #tpu.memory_space<semaphore_mem>>) {add = true}
      %add3A_242 = arith.constant 2 : i32
      %add3A_243 = arith.addi %mul3A_209, %add3A_242 : i32
      %dma_wait3A_244 = arith.constant 0 : i32
      %dma_wait3A_245 = tpu.memref_slice %arg8[%add3A_243, %dma_wait3A_244] : memref<64x64xi32, #tpu.memory_space<vmem>> -> memref<1x64xi32, #tpu.memory_space<vmem>>
      %dma_wait3A_246 = tpu.memref_squeeze %dma_wait3A_245 : memref<1x64xi32, #tpu.memory_space<vmem>> -> memref<64xi32, #tpu.memory_space<vmem>>
      %dma_wait3A_247 = arith.constant 0 : i32
      %dma_wait3A_248 = arith.constant 0 : i32
      %dma_wait3A_249 = tpu.memref_slice %arg2[%dma_wait3A_247, %dma_wait3A_248] : memref<10000x128xf32, #tpu.memory_space<hbm>> -> memref<10000x128xf32, #tpu.memory_space<hbm>>
      tpu.wait_indirect_dma semaphore(%arg16 : memref<!tpu.dma_semaphore, #tpu.memory_space<semaphore_mem>>) src(%dma_wait3A_249 : memref<10000x128xf32, #tpu.memory_space<hbm>>) dst(%arg12 : memref<64x128xf32, #tpu.memory_space<vmem>>)
      %add3A_250 = arith.constant 2 : i32
      %add3A_251 = arith.addi %mul3A_209, %add3A_250 : i32
      %dma_start3A_252 = arith.constant 0 : i32
      %dma_start3A_253 = tpu.memref_slice %arg9[%add3A_251, %dma_start3A_252] : memref<64x64xi32, #tpu.memory_space<vmem>> -> memref<1x64xi32, #tpu.memory_space<vmem>>
      %dma_start3A_254 = tpu.memref_squeeze %dma_start3A_253 : memref<1x64xi32, #tpu.memory_space<vmem>> -> memref<64xi32, #tpu.memory_space<vmem>>
      %dma_start3A_255 = arith.constant 0 : i32
      %dma_start3A_256 = arith.constant 0 : i32
      %dma_start3A_257 = tpu.memref_slice %arg7[%dma_start3A_255, %dma_start3A_256] : memref<10112x128xf32, #tpu.memory_space<vmem_shared>> -> memref<10112x128xf32, #tpu.memory_space<vmem_shared>>
      tpu.enqueue_indirect_dma source(%arg12 : memref<64x128xf32, #tpu.memory_space<vmem>>) target(%dma_start3A_257 : memref<10112x128xf32, #tpu.memory_space<vmem_shared>>) offsets(%dma_start3A_254 : memref<64xi32, #tpu.memory_space<vmem>>) semaphore(%arg20 : memref<!tpu.dma_semaphore, #tpu.memory_space<semaphore_mem>>) {add = true}
      %add3A_258 = arith.constant 3 : i32
      %add3A_259 = arith.addi %mul3A_209, %add3A_258 : i32
      %dma_wait3A_260 = arith.constant 0 : i32
      %dma_wait3A_261 = tpu.memref_slice %arg8[%add3A_259, %dma_wait3A_260] : memref<64x64xi32, #tpu.memory_space<vmem>> -> memref<1x64xi32, #tpu.memory_space<vmem>>
      %dma_wait3A_262 = tpu.memref_squeeze %dma_wait3A_261 : memref<1x64xi32, #tpu.memory_space<vmem>> -> memref<64xi32, #tpu.memory_space<vmem>>
      %dma_wait3A_263 = arith.constant 0 : i32
      %dma_wait3A_264 = arith.constant 0 : i32
      %dma_wait3A_265 = tpu.memref_slice %arg2[%dma_wait3A_263, %dma_wait3A_264] : memref<10000x128xf32, #tpu.memory_space<hbm>> -> memref<10000x128xf32, #tpu.memory_space<hbm>>
      tpu.wait_indirect_dma semaphore(%arg17 : memref<!tpu.dma_semaphore, #tpu.memory_space<semaphore_mem>>) src(%dma_wait3A_265 : memref<10000x128xf32, #tpu.memory_space<hbm>>) dst(%arg13 : memref<64x128xf32, #tpu.memory_space<vmem>>)
      %add3A_266 = arith.constant 3 : i32
      %add3A_267 = arith.addi %mul3A_209, %add3A_266 : i32
      %dma_start3A_268 = arith.constant 0 : i32
      %dma_start3A_269 = tpu.memref_slice %arg9[%add3A_267, %dma_start3A_268] : memref<64x64xi32, #tpu.memory_space<vmem>> -> memref<1x64xi32, #tpu.memory_space<vmem>>
      %dma_start3A_270 = tpu.memref_squeeze %dma_start3A_269 : memref<1x64xi32, #tpu.memory_space<vmem>> -> memref<64xi32, #tpu.memory_space<vmem>>
      %dma_start3A_271 = arith.constant 0 : i32
      %dma_start3A_272 = arith.constant 0 : i32
      %dma_start3A_273 = tpu.memref_slice %arg7[%dma_start3A_271, %dma_start3A_272] : memref<10112x128xf32, #tpu.memory_space<vmem_shared>> -> memref<10112x128xf32, #tpu.memory_space<vmem_shared>>
      tpu.enqueue_indirect_dma source(%arg13 : memref<64x128xf32, #tpu.memory_space<vmem>>) target(%dma_start3A_273 : memref<10112x128xf32, #tpu.memory_space<vmem_shared>>) offsets(%dma_start3A_270 : memref<64xi32, #tpu.memory_space<vmem>>) semaphore(%arg21 : memref<!tpu.dma_semaphore, #tpu.memory_space<semaphore_mem>>) {add = true}
      %dma_wait3A_274 = arith.constant 0 : i32
      %dma_wait3A_275 = tpu.memref_slice %arg9[%add3A_219, %dma_wait3A_274] : memref<64x64xi32, #tpu.memory_space<vmem>> -> memref<1x64xi32, #tpu.memory_space<vmem>>
      %dma_wait3A_276 = tpu.memref_squeeze %dma_wait3A_275 : memref<1x64xi32, #tpu.memory_space<vmem>> -> memref<64xi32, #tpu.memory_space<vmem>>
      %dma_wait3A_277 = arith.constant 0 : i32
      %dma_wait3A_278 = arith.constant 0 : i32
      %dma_wait3A_279 = tpu.memref_slice %arg7[%dma_wait3A_277, %dma_wait3A_278] : memref<10112x128xf32, #tpu.memory_space<vmem_shared>> -> memref<10112x128xf32, #tpu.memory_space<vmem_shared>>
      tpu.wait_indirect_dma semaphore(%arg18 : memref<!tpu.dma_semaphore, #tpu.memory_space<semaphore_mem>>) src(%arg10 : memref<64x128xf32, #tpu.memory_space<vmem>>) dst(%dma_wait3A_279 : memref<10112x128xf32, #tpu.memory_space<vmem_shared>>)
      %add3A_280 = arith.constant 4 : i32
      %add3A_281 = arith.addi %mul3A_209, %add3A_280 : i32
      %add3A_282 = arith.constant 0 : i32
      %add3A_283 = arith.addi %add3A_281, %add3A_282 : i32
      %ge3A = arith.constant 64 : i32
      %ge3A_284 = arith.cmpi sge, %add3A_283, %ge3A : i32
      %sub3A = arith.constant 64 : i32
      %sub3A_285 = arith.subi %add3A_283, %sub3A : i32
      %select_n3A_286 = arith.select %ge3A_284, %sub3A_285, %add3A_283 : i32
      %dma_start3A_287 = arith.constant 0 : i32
      %dma_start3A_288 = tpu.memref_slice %arg8[%select_n3A_286, %dma_start3A_287] : memref<64x64xi32, #tpu.memory_space<vmem>> -> memref<1x64xi32, #tpu.memory_space<vmem>>
      %dma_start3A_289 = tpu.memref_squeeze %dma_start3A_288 : memref<1x64xi32, #tpu.memory_space<vmem>> -> memref<64xi32, #tpu.memory_space<vmem>>
      %dma_start3A_290 = arith.constant 0 : i32
      %dma_start3A_291 = arith.constant 0 : i32
      %dma_start3A_292 = tpu.memref_slice %arg2[%dma_start3A_290, %dma_start3A_291] : memref<10000x128xf32, #tpu.memory_space<hbm>> -> memref<10000x128xf32, #tpu.memory_space<hbm>>
      tpu.enqueue_indirect_dma source(%dma_start3A_292 : memref<10000x128xf32, #tpu.memory_space<hbm>>) target(%arg10 : memref<64x128xf32, #tpu.memory_space<vmem>>) offsets(%dma_start3A_289 : memref<64xi32, #tpu.memory_space<vmem>>) semaphore(%arg14 : memref<!tpu.dma_semaphore, #tpu.memory_space<semaphore_mem>>)
      %dma_wait3A_293 = arith.constant 0 : i32
      %dma_wait3A_294 = tpu.memref_slice %arg9[%add3A_235, %dma_wait3A_293] : memref<64x64xi32, #tpu.memory_space<vmem>> -> memref<1x64xi32, #tpu.memory_space<vmem>>
      %dma_wait3A_295 = tpu.memref_squeeze %dma_wait3A_294 : memref<1x64xi32, #tpu.memory_space<vmem>> -> memref<64xi32, #tpu.memory_space<vmem>>
      %dma_wait3A_296 = arith.constant 0 : i32
      %dma_wait3A_297 = arith.constant 0 : i32
      %dma_wait3A_298 = tpu.memref_slice %arg7[%dma_wait3A_296, %dma_wait3A_297] : memref<10112x128xf32, #tpu.memory_space<vmem_shared>> -> memref<10112x128xf32, #tpu.memory_space<vmem_shared>>
      tpu.wait_indirect_dma semaphore(%arg19 : memref<!tpu.dma_semaphore, #tpu.memory_space<semaphore_mem>>) src(%arg11 : memref<64x128xf32, #tpu.memory_space<vmem>>) dst(%dma_wait3A_298 : memref<10112x128xf32, #tpu.memory_space<vmem_shared>>)
      %add3A_299 = arith.constant 4 : i32
      %add3A_300 = arith.addi %mul3A_209, %add3A_299 : i32
      %add3A_301 = arith.constant 1 : i32
      %add3A_302 = arith.addi %add3A_300, %add3A_301 : i32
      %ge3A_303 = arith.constant 64 : i32
      %ge3A_304 = arith.cmpi sge, %add3A_302, %ge3A_303 : i32
      %sub3A_305 = arith.constant 64 : i32
      %sub3A_306 = arith.subi %add3A_302, %sub3A_305 : i32
      %select_n3A_307 = arith.select %ge3A_304, %sub3A_306, %add3A_302 : i32
      %dma_start3A_308 = arith.constant 0 : i32
      %dma_start3A_309 = tpu.memref_slice %arg8[%select_n3A_307, %dma_start3A_308] : memref<64x64xi32, #tpu.memory_space<vmem>> -> memref<1x64xi32, #tpu.memory_space<vmem>>
      %dma_start3A_310 = tpu.memref_squeeze %dma_start3A_309 : memref<1x64xi32, #tpu.memory_space<vmem>> -> memref<64xi32, #tpu.memory_space<vmem>>
      %dma_start3A_311 = arith.constant 0 : i32
      %dma_start3A_312 = arith.constant 0 : i32
      %dma_start3A_313 = tpu.memref_slice %arg2[%dma_start3A_311, %dma_start3A_312] : memref<10000x128xf32, #tpu.memory_space<hbm>> -> memref<10000x128xf32, #tpu.memory_space<hbm>>
      tpu.enqueue_indirect_dma source(%dma_start3A_313 : memref<10000x128xf32, #tpu.memory_space<hbm>>) target(%arg11 : memref<64x128xf32, #tpu.memory_space<vmem>>) offsets(%dma_start3A_310 : memref<64xi32, #tpu.memory_space<vmem>>) semaphore(%arg15 : memref<!tpu.dma_semaphore, #tpu.memory_space<semaphore_mem>>)
      %dma_wait3A_314 = arith.constant 0 : i32
      %dma_wait3A_315 = tpu.memref_slice %arg9[%add3A_251, %dma_wait3A_314] : memref<64x64xi32, #tpu.memory_space<vmem>> -> memref<1x64xi32, #tpu.memory_space<vmem>>
      %dma_wait3A_316 = tpu.memref_squeeze %dma_wait3A_315 : memref<1x64xi32, #tpu.memory_space<vmem>> -> memref<64xi32, #tpu.memory_space<vmem>>
      %dma_wait3A_317 = arith.constant 0 : i32
      %dma_wait3A_318 = arith.constant 0 : i32
      %dma_wait3A_319 = tpu.memref_slice %arg7[%dma_wait3A_317, %dma_wait3A_318] : memref<10112x128xf32, #tpu.memory_space<vmem_shared>> -> memref<10112x128xf32, #tpu.memory_space<vmem_shared>>
      tpu.wait_indirect_dma semaphore(%arg20 : memref<!tpu.dma_semaphore, #tpu.memory_space<semaphore_mem>>) src(%arg12 : memref<64x128xf32, #tpu.memory_space<vmem>>) dst(%dma_wait3A_319 : memref<10112x128xf32, #tpu.memory_space<vmem_shared>>)
      %add3A_320 = arith.constant 4 : i32
      %add3A_321 = arith.addi %mul3A_209, %add3A_320 : i32
      %add3A_322 = arith.constant 2 : i32
      %add3A_323 = arith.addi %add3A_321, %add3A_322 : i32
      %ge3A_324 = arith.constant 64 : i32
      %ge3A_325 = arith.cmpi sge, %add3A_323, %ge3A_324 : i32
      %sub3A_326 = arith.constant 64 : i32
      %sub3A_327 = arith.subi %add3A_323, %sub3A_326 : i32
      %select_n3A_328 = arith.select %ge3A_325, %sub3A_327, %add3A_323 : i32
      %dma_start3A_329 = arith.constant 0 : i32
      %dma_start3A_330 = tpu.memref_slice %arg8[%select_n3A_328, %dma_start3A_329] : memref<64x64xi32, #tpu.memory_space<vmem>> -> memref<1x64xi32, #tpu.memory_space<vmem>>
      %dma_start3A_331 = tpu.memref_squeeze %dma_start3A_330 : memref<1x64xi32, #tpu.memory_space<vmem>> -> memref<64xi32, #tpu.memory_space<vmem>>
      %dma_start3A_332 = arith.constant 0 : i32
      %dma_start3A_333 = arith.constant 0 : i32
      %dma_start3A_334 = tpu.memref_slice %arg2[%dma_start3A_332, %dma_start3A_333] : memref<10000x128xf32, #tpu.memory_space<hbm>> -> memref<10000x128xf32, #tpu.memory_space<hbm>>
      tpu.enqueue_indirect_dma source(%dma_start3A_334 : memref<10000x128xf32, #tpu.memory_space<hbm>>) target(%arg12 : memref<64x128xf32, #tpu.memory_space<vmem>>) offsets(%dma_start3A_331 : memref<64xi32, #tpu.memory_space<vmem>>) semaphore(%arg16 : memref<!tpu.dma_semaphore, #tpu.memory_space<semaphore_mem>>)
      %dma_wait3A_335 = arith.constant 0 : i32
      %dma_wait3A_336 = tpu.memref_slice %arg9[%add3A_267, %dma_wait3A_335] : memref<64x64xi32, #tpu.memory_space<vmem>> -> memref<1x64xi32, #tpu.memory_space<vmem>>
      %dma_wait3A_337 = tpu.memref_squeeze %dma_wait3A_336 : memref<1x64xi32, #tpu.memory_space<vmem>> -> memref<64xi32, #tpu.memory_space<vmem>>
      %dma_wait3A_338 = arith.constant 0 : i32
      %dma_wait3A_339 = arith.constant 0 : i32
      %dma_wait3A_340 = tpu.memref_slice %arg7[%dma_wait3A_338, %dma_wait3A_339] : memref<10112x128xf32, #tpu.memory_space<vmem_shared>> -> memref<10112x128xf32, #tpu.memory_space<vmem_shared>>
      tpu.wait_indirect_dma semaphore(%arg21 : memref<!tpu.dma_semaphore, #tpu.memory_space<semaphore_mem>>) src(%arg13 : memref<64x128xf32, #tpu.memory_space<vmem>>) dst(%dma_wait3A_340 : memref<10112x128xf32, #tpu.memory_space<vmem_shared>>)
      %add3A_341 = arith.constant 4 : i32
      %add3A_342 = arith.addi %mul3A_209, %add3A_341 : i32
      %add3A_343 = arith.constant 3 : i32
      %add3A_344 = arith.addi %add3A_342, %add3A_343 : i32
      %ge3A_345 = arith.constant 64 : i32
      %ge3A_346 = arith.cmpi sge, %add3A_344, %ge3A_345 : i32
      %sub3A_347 = arith.constant 64 : i32
      %sub3A_348 = arith.subi %add3A_344, %sub3A_347 : i32
      %select_n3A_349 = arith.select %ge3A_346, %sub3A_348, %add3A_344 : i32
      %dma_start3A_350 = arith.constant 0 : i32
      %dma_start3A_351 = tpu.memref_slice %arg8[%select_n3A_349, %dma_start3A_350] : memref<64x64xi32, #tpu.memory_space<vmem>> -> memref<1x64xi32, #tpu.memory_space<vmem>>
      %dma_start3A_352 = tpu.memref_squeeze %dma_start3A_351 : memref<1x64xi32, #tpu.memory_space<vmem>> -> memref<64xi32, #tpu.memory_space<vmem>>
      %dma_start3A_353 = arith.constant 0 : i32
      %dma_start3A_354 = arith.constant 0 : i32
      %dma_start3A_355 = tpu.memref_slice %arg2[%dma_start3A_353, %dma_start3A_354] : memref<10000x128xf32, #tpu.memory_space<hbm>> -> memref<10000x128xf32, #tpu.memory_space<hbm>>
      tpu.enqueue_indirect_dma source(%dma_start3A_355 : memref<10000x128xf32, #tpu.memory_space<hbm>>) target(%arg13 : memref<64x128xf32, #tpu.memory_space<vmem>>) offsets(%dma_start3A_352 : memref<64xi32, #tpu.memory_space<vmem>>) semaphore(%arg17 : memref<!tpu.dma_semaphore, #tpu.memory_space<semaphore_mem>>)
    }
    %scan3A_103 = arith.constant 16 : i32
    %dma_wait3A_104 = arith.constant 0 : i32
    %dma_wait3A_105 = arith.constant 0 : i32
    %dma_wait3A_106 = tpu.memref_slice %arg8[%dma_wait3A_104, %dma_wait3A_105] : memref<64x64xi32, #tpu.memory_space<vmem>> -> memref<1x64xi32, #tpu.memory_space<vmem>>
    %dma_wait3A_107 = tpu.memref_squeeze %dma_wait3A_106 : memref<1x64xi32, #tpu.memory_space<vmem>> -> memref<64xi32, #tpu.memory_space<vmem>>
    %dma_wait3A_108 = arith.constant 0 : i32
    %dma_wait3A_109 = arith.constant 0 : i32
    %dma_wait3A_110 = tpu.memref_slice %arg2[%dma_wait3A_108, %dma_wait3A_109] : memref<10000x128xf32, #tpu.memory_space<hbm>> -> memref<10000x128xf32, #tpu.memory_space<hbm>>
    tpu.wait_indirect_dma semaphore(%arg14 : memref<!tpu.dma_semaphore, #tpu.memory_space<semaphore_mem>>) src(%dma_wait3A_110 : memref<10000x128xf32, #tpu.memory_space<hbm>>) dst(%arg10 : memref<64x128xf32, #tpu.memory_space<vmem>>)
    %dma_wait3A_111 = arith.constant 0 : i32
    %dma_wait3A_112 = arith.constant 0 : i32
    %dma_wait3A_113 = tpu.memref_slice %arg8[%dma_wait3A_111, %dma_wait3A_112] : memref<64x64xi32, #tpu.memory_space<vmem>> -> memref<1x64xi32, #tpu.memory_space<vmem>>
    %dma_wait3A_114 = tpu.memref_squeeze %dma_wait3A_113 : memref<1x64xi32, #tpu.memory_space<vmem>> -> memref<64xi32, #tpu.memory_space<vmem>>
    %dma_wait3A_115 = arith.constant 0 : i32
    %dma_wait3A_116 = arith.constant 0 : i32
    %dma_wait3A_117 = tpu.memref_slice %arg2[%dma_wait3A_115, %dma_wait3A_116] : memref<10000x128xf32, #tpu.memory_space<hbm>> -> memref<10000x128xf32, #tpu.memory_space<hbm>>
    tpu.wait_indirect_dma semaphore(%arg15 : memref<!tpu.dma_semaphore, #tpu.memory_space<semaphore_mem>>) src(%dma_wait3A_117 : memref<10000x128xf32, #tpu.memory_space<hbm>>) dst(%arg11 : memref<64x128xf32, #tpu.memory_space<vmem>>)
    %dma_wait3A_118 = arith.constant 0 : i32
    %dma_wait3A_119 = arith.constant 0 : i32
    %dma_wait3A_120 = tpu.memref_slice %arg8[%dma_wait3A_118, %dma_wait3A_119] : memref<64x64xi32, #tpu.memory_space<vmem>> -> memref<1x64xi32, #tpu.memory_space<vmem>>
    %dma_wait3A_121 = tpu.memref_squeeze %dma_wait3A_120 : memref<1x64xi32, #tpu.memory_space<vmem>> -> memref<64xi32, #tpu.memory_space<vmem>>
    %dma_wait3A_122 = arith.constant 0 : i32
    %dma_wait3A_123 = arith.constant 0 : i32
    %dma_wait3A_124 = tpu.memref_slice %arg2[%dma_wait3A_122, %dma_wait3A_123] : memref<10000x128xf32, #tpu.memory_space<hbm>> -> memref<10000x128xf32, #tpu.memory_space<hbm>>
    tpu.wait_indirect_dma semaphore(%arg16 : memref<!tpu.dma_semaphore, #tpu.memory_space<semaphore_mem>>) src(%dma_wait3A_124 : memref<10000x128xf32, #tpu.memory_space<hbm>>) dst(%arg12 : memref<64x128xf32, #tpu.memory_space<vmem>>)
    %dma_wait3A_125 = arith.constant 0 : i32
    %dma_wait3A_126 = arith.constant 0 : i32
    %dma_wait3A_127 = tpu.memref_slice %arg8[%dma_wait3A_125, %dma_wait3A_126] : memref<64x64xi32, #tpu.memory_space<vmem>> -> memref<1x64xi32, #tpu.memory_space<vmem>>
    %dma_wait3A_128 = tpu.memref_squeeze %dma_wait3A_127 : memref<1x64xi32, #tpu.memory_space<vmem>> -> memref<64xi32, #tpu.memory_space<vmem>>
    %dma_wait3A_129 = arith.constant 0 : i32
    %dma_wait3A_130 = arith.constant 0 : i32
    %dma_wait3A_131 = tpu.memref_slice %arg2[%dma_wait3A_129, %dma_wait3A_130] : memref<10000x128xf32, #tpu.memory_space<hbm>> -> memref<10000x128xf32, #tpu.memory_space<hbm>>
    tpu.wait_indirect_dma semaphore(%arg17 : memref<!tpu.dma_semaphore, #tpu.memory_space<semaphore_mem>>) src(%dma_wait3A_131 : memref<10000x128xf32, #tpu.memory_space<hbm>>) dst(%arg13 : memref<64x128xf32, #tpu.memory_space<vmem>>)
    %add3A_132 = arith.constant 128 : i32
    %add3A_133 = arith.addi %add3A, %add3A_132 : i32
    "tpu.region"() ({
      %run_scoped3A = tpu.sem_alloc : memref<!tpu.dma_semaphore, #tpu.memory_space<semaphore_mem>>
      %dma_start3A_207 = arith.constant 0 : i32
      %dma_start3A_208 = tpu.memref_slice %arg3[%add3A_133, %dma_start3A_207] : memref<5160x64xi32, #tpu.memory_space<hbm>> -> memref<64x64xi32, #tpu.memory_space<hbm>>
      %dma_start3A_209 = arith.constant 0 : i32
      %dma_start3A_210 = tpu.memref_slice %arg3[%add3A_133, %dma_start3A_209] : memref<5160x64xi32, #tpu.memory_space<hbm>> -> memref<64x64xi32, #tpu.memory_space<hbm>>
      tpu.enqueue_dma source(%dma_start3A_210 : memref<64x64xi32, #tpu.memory_space<hbm>>) target(%arg8 : memref<64x64xi32, #tpu.memory_space<vmem>>) target_semaphore(%run_scoped3A : memref<!tpu.dma_semaphore, #tpu.memory_space<semaphore_mem>>)
      %dma_wait3A_211 = arith.constant 0 : i32
      %dma_wait3A_212 = tpu.memref_slice %arg3[%add3A_133, %dma_wait3A_211] : memref<5160x64xi32, #tpu.memory_space<hbm>> -> memref<64x64xi32, #tpu.memory_space<hbm>>
      %dma_wait3A_213 = arith.constant 0 : i32
      %dma_wait3A_214 = tpu.memref_slice %arg3[%add3A_133, %dma_wait3A_213] : memref<5160x64xi32, #tpu.memory_space<hbm>> -> memref<64x64xi32, #tpu.memory_space<hbm>>
      tpu.wait_dma2 semaphore(%run_scoped3A : memref<!tpu.dma_semaphore, #tpu.memory_space<semaphore_mem>>) src(%dma_wait3A_214 : memref<64x64xi32, #tpu.memory_space<hbm>>) dst(%arg8 : memref<64x64xi32, #tpu.memory_space<vmem>>)
      tpu.yield
    }) : () -> ()
    "tpu.region"() ({
      %run_scoped3A = tpu.sem_alloc : memref<!tpu.dma_semaphore, #tpu.memory_space<semaphore_mem>>
      %dma_start3A_207 = arith.constant 0 : i32
      %dma_start3A_208 = tpu.memref_slice %arg4[%add3A_133, %dma_start3A_207] : memref<5160x64xi32, #tpu.memory_space<hbm>> -> memref<64x64xi32, #tpu.memory_space<hbm>>
      %dma_start3A_209 = arith.constant 0 : i32
      %dma_start3A_210 = tpu.memref_slice %arg4[%add3A_133, %dma_start3A_209] : memref<5160x64xi32, #tpu.memory_space<hbm>> -> memref<64x64xi32, #tpu.memory_space<hbm>>
      tpu.enqueue_dma source(%dma_start3A_210 : memref<64x64xi32, #tpu.memory_space<hbm>>) target(%arg9 : memref<64x64xi32, #tpu.memory_space<vmem>>) target_semaphore(%run_scoped3A : memref<!tpu.dma_semaphore, #tpu.memory_space<semaphore_mem>>)
      %dma_wait3A_211 = arith.constant 0 : i32
      %dma_wait3A_212 = tpu.memref_slice %arg4[%add3A_133, %dma_wait3A_211] : memref<5160x64xi32, #tpu.memory_space<hbm>> -> memref<64x64xi32, #tpu.memory_space<hbm>>
      %dma_wait3A_213 = arith.constant 0 : i32
      %dma_wait3A_214 = tpu.memref_slice %arg4[%add3A_133, %dma_wait3A_213] : memref<5160x64xi32, #tpu.memory_space<hbm>> -> memref<64x64xi32, #tpu.memory_space<hbm>>
      tpu.wait_dma2 semaphore(%run_scoped3A : memref<!tpu.dma_semaphore, #tpu.memory_space<semaphore_mem>>) src(%dma_wait3A_214 : memref<64x64xi32, #tpu.memory_space<hbm>>) dst(%arg9 : memref<64x64xi32, #tpu.memory_space<vmem>>)
      tpu.yield
    }) : () -> ()
    %eq3A = arith.constant 0 : i32
    %eq3A_134 = arith.cmpi eq, %arg0, %eq3A : i32
    %select_n3A = arith.constant 6 : i32
    %select_n3A_135 = arith.constant 10 : i32
    %select_n3A_136 = arith.select %eq3A_134, %select_n3A_135, %select_n3A : i32
    %dma_start3A_137 = arith.constant 0 : i32
    %dma_start3A_138 = arith.constant 0 : i32
    %dma_start3A_139 = tpu.memref_slice %arg8[%dma_start3A_137, %dma_start3A_138] : memref<64x64xi32, #tpu.memory_space<vmem>> -> memref<1x64xi32, #tpu.memory_space<vmem>>
    %dma_start3A_140 = tpu.memref_squeeze %dma_start3A_139 : memref<1x64xi32, #tpu.memory_space<vmem>> -> memref<64xi32, #tpu.memory_space<vmem>>
    %dma_start3A_141 = arith.constant 0 : i32
    %dma_start3A_142 = arith.constant 0 : i32
    %dma_start3A_143 = tpu.memref_slice %arg2[%dma_start3A_141, %dma_start3A_142] : memref<10000x128xf32, #tpu.memory_space<hbm>> -> memref<10000x128xf32, #tpu.memory_space<hbm>>
    tpu.enqueue_indirect_dma source(%dma_start3A_143 : memref<10000x128xf32, #tpu.memory_space<hbm>>) target(%arg10 : memref<64x128xf32, #tpu.memory_space<vmem>>) offsets(%dma_start3A_140 : memref<64xi32, #tpu.memory_space<vmem>>) semaphore(%arg14 : memref<!tpu.dma_semaphore, #tpu.memory_space<semaphore_mem>>)
    %dma_start3A_144 = arith.constant 1 : i32
    %dma_start3A_145 = arith.constant 0 : i32
    %dma_start3A_146 = tpu.memref_slice %arg8[%dma_start3A_144, %dma_start3A_145] : memref<64x64xi32, #tpu.memory_space<vmem>> -> memref<1x64xi32, #tpu.memory_space<vmem>>
    %dma_start3A_147 = tpu.memref_squeeze %dma_start3A_146 : memref<1x64xi32, #tpu.memory_space<vmem>> -> memref<64xi32, #tpu.memory_space<vmem>>
    %dma_start3A_148 = arith.constant 0 : i32
    %dma_start3A_149 = arith.constant 0 : i32
    %dma_start3A_150 = tpu.memref_slice %arg2[%dma_start3A_148, %dma_start3A_149] : memref<10000x128xf32, #tpu.memory_space<hbm>> -> memref<10000x128xf32, #tpu.memory_space<hbm>>
    tpu.enqueue_indirect_dma source(%dma_start3A_150 : memref<10000x128xf32, #tpu.memory_space<hbm>>) target(%arg11 : memref<64x128xf32, #tpu.memory_space<vmem>>) offsets(%dma_start3A_147 : memref<64xi32, #tpu.memory_space<vmem>>) semaphore(%arg15 : memref<!tpu.dma_semaphore, #tpu.memory_space<semaphore_mem>>)
    %dma_start3A_151 = arith.constant 2 : i32
    %dma_start3A_152 = arith.constant 0 : i32
    %dma_start3A_153 = tpu.memref_slice %arg8[%dma_start3A_151, %dma_start3A_152] : memref<64x64xi32, #tpu.memory_space<vmem>> -> memref<1x64xi32, #tpu.memory_space<vmem>>
    %dma_start3A_154 = tpu.memref_squeeze %dma_start3A_153 : memref<1x64xi32, #tpu.memory_space<vmem>> -> memref<64xi32, #tpu.memory_space<vmem>>
    %dma_start3A_155 = arith.constant 0 : i32
    %dma_start3A_156 = arith.constant 0 : i32
    %dma_start3A_157 = tpu.memref_slice %arg2[%dma_start3A_155, %dma_start3A_156] : memref<10000x128xf32, #tpu.memory_space<hbm>> -> memref<10000x128xf32, #tpu.memory_space<hbm>>
    tpu.enqueue_indirect_dma source(%dma_start3A_157 : memref<10000x128xf32, #tpu.memory_space<hbm>>) target(%arg12 : memref<64x128xf32, #tpu.memory_space<vmem>>) offsets(%dma_start3A_154 : memref<64xi32, #tpu.memory_space<vmem>>) semaphore(%arg16 : memref<!tpu.dma_semaphore, #tpu.memory_space<semaphore_mem>>)
    %dma_start3A_158 = arith.constant 3 : i32
    %dma_start3A_159 = arith.constant 0 : i32
    %dma_start3A_160 = tpu.memref_slice %arg8[%dma_start3A_158, %dma_start3A_159] : memref<64x64xi32, #tpu.memory_space<vmem>> -> memref<1x64xi32, #tpu.memory_space<vmem>>
    %dma_start3A_161 = tpu.memref_squeeze %dma_start3A_160 : memref<1x64xi32, #tpu.memory_space<vmem>> -> memref<64xi32, #tpu.memory_space<vmem>>
    %dma_start3A_162 = arith.constant 0 : i32
    %dma_start3A_163 = arith.constant 0 : i32
    %dma_start3A_164 = tpu.memref_slice %arg2[%dma_start3A_162, %dma_start3A_163] : memref<10000x128xf32, #tpu.memory_space<hbm>> -> memref<10000x128xf32, #tpu.memory_space<hbm>>
    tpu.enqueue_indirect_dma source(%dma_start3A_164 : memref<10000x128xf32, #tpu.memory_space<hbm>>) target(%arg13 : memref<64x128xf32, #tpu.memory_space<vmem>>) offsets(%dma_start3A_161 : memref<64xi32, #tpu.memory_space<vmem>>) semaphore(%arg17 : memref<!tpu.dma_semaphore, #tpu.memory_space<semaphore_mem>>)
    %while3A = arith.constant 0 : i32
    %while3A_165 = arith.constant 0 : i32
    %while3A_166 = arith.subi %select_n3A_136, %while3A_165 : i32
    %while3A_167 = arith.addi %while3A_165, %while3A_166 : i32
    %while3A_168 = arith.constant 1 : i32
    %while3A_169 = arith.divsi %while3A_166, %while3A_168 : i32
    %while3A_170 = arith.muli %while3A_169, %while3A_168 : i32
    %while3A_171 = arith.addi %while3A_165, %while3A_170 : i32
    %while3A_172 = arith.constant 1 : i32
    scf.for %while3A_207 = %while3A_165 to %while3A_171 step %while3A_172  : i32 {
      %mul3A_208 = arith.constant 4 : i32
      %mul3A_209 = arith.muli %while3A_207, %mul3A_208 : i32
      %add3A_210 = arith.constant 0 : i32
      %add3A_211 = arith.addi %mul3A_209, %add3A_210 : i32
      %dma_wait3A_212 = arith.constant 0 : i32
      %dma_wait3A_213 = tpu.memref_slice %arg8[%add3A_211, %dma_wait3A_212] : memref<64x64xi32, #tpu.memory_space<vmem>> -> memref<1x64xi32, #tpu.memory_space<vmem>>
      %dma_wait3A_214 = tpu.memref_squeeze %dma_wait3A_213 : memref<1x64xi32, #tpu.memory_space<vmem>> -> memref<64xi32, #tpu.memory_space<vmem>>
      %dma_wait3A_215 = arith.constant 0 : i32
      %dma_wait3A_216 = arith.constant 0 : i32
      %dma_wait3A_217 = tpu.memref_slice %arg2[%dma_wait3A_215, %dma_wait3A_216] : memref<10000x128xf32, #tpu.memory_space<hbm>> -> memref<10000x128xf32, #tpu.memory_space<hbm>>
      tpu.wait_indirect_dma semaphore(%arg14 : memref<!tpu.dma_semaphore, #tpu.memory_space<semaphore_mem>>) src(%dma_wait3A_217 : memref<10000x128xf32, #tpu.memory_space<hbm>>) dst(%arg10 : memref<64x128xf32, #tpu.memory_space<vmem>>)
      %add3A_218 = arith.constant 0 : i32
      %add3A_219 = arith.addi %mul3A_209, %add3A_218 : i32
      %dma_start3A_220 = arith.constant 0 : i32
      %dma_start3A_221 = tpu.memref_slice %arg9[%add3A_219, %dma_start3A_220] : memref<64x64xi32, #tpu.memory_space<vmem>> -> memref<1x64xi32, #tpu.memory_space<vmem>>
      %dma_start3A_222 = tpu.memref_squeeze %dma_start3A_221 : memref<1x64xi32, #tpu.memory_space<vmem>> -> memref<64xi32, #tpu.memory_space<vmem>>
      %dma_start3A_223 = arith.constant 0 : i32
      %dma_start3A_224 = arith.constant 0 : i32
      %dma_start3A_225 = tpu.memref_slice %arg7[%dma_start3A_223, %dma_start3A_224] : memref<10112x128xf32, #tpu.memory_space<vmem_shared>> -> memref<10112x128xf32, #tpu.memory_space<vmem_shared>>
      tpu.enqueue_indirect_dma source(%arg10 : memref<64x128xf32, #tpu.memory_space<vmem>>) target(%dma_start3A_225 : memref<10112x128xf32, #tpu.memory_space<vmem_shared>>) offsets(%dma_start3A_222 : memref<64xi32, #tpu.memory_space<vmem>>) semaphore(%arg18 : memref<!tpu.dma_semaphore, #tpu.memory_space<semaphore_mem>>) {add = true}
      %add3A_226 = arith.constant 1 : i32
      %add3A_227 = arith.addi %mul3A_209, %add3A_226 : i32
      %dma_wait3A_228 = arith.constant 0 : i32
      %dma_wait3A_229 = tpu.memref_slice %arg8[%add3A_227, %dma_wait3A_228] : memref<64x64xi32, #tpu.memory_space<vmem>> -> memref<1x64xi32, #tpu.memory_space<vmem>>
      %dma_wait3A_230 = tpu.memref_squeeze %dma_wait3A_229 : memref<1x64xi32, #tpu.memory_space<vmem>> -> memref<64xi32, #tpu.memory_space<vmem>>
      %dma_wait3A_231 = arith.constant 0 : i32
      %dma_wait3A_232 = arith.constant 0 : i32
      %dma_wait3A_233 = tpu.memref_slice %arg2[%dma_wait3A_231, %dma_wait3A_232] : memref<10000x128xf32, #tpu.memory_space<hbm>> -> memref<10000x128xf32, #tpu.memory_space<hbm>>
      tpu.wait_indirect_dma semaphore(%arg15 : memref<!tpu.dma_semaphore, #tpu.memory_space<semaphore_mem>>) src(%dma_wait3A_233 : memref<10000x128xf32, #tpu.memory_space<hbm>>) dst(%arg11 : memref<64x128xf32, #tpu.memory_space<vmem>>)
      %add3A_234 = arith.constant 1 : i32
      %add3A_235 = arith.addi %mul3A_209, %add3A_234 : i32
      %dma_start3A_236 = arith.constant 0 : i32
      %dma_start3A_237 = tpu.memref_slice %arg9[%add3A_235, %dma_start3A_236] : memref<64x64xi32, #tpu.memory_space<vmem>> -> memref<1x64xi32, #tpu.memory_space<vmem>>
      %dma_start3A_238 = tpu.memref_squeeze %dma_start3A_237 : memref<1x64xi32, #tpu.memory_space<vmem>> -> memref<64xi32, #tpu.memory_space<vmem>>
      %dma_start3A_239 = arith.constant 0 : i32
      %dma_start3A_240 = arith.constant 0 : i32
      %dma_start3A_241 = tpu.memref_slice %arg7[%dma_start3A_239, %dma_start3A_240] : memref<10112x128xf32, #tpu.memory_space<vmem_shared>> -> memref<10112x128xf32, #tpu.memory_space<vmem_shared>>
      tpu.enqueue_indirect_dma source(%arg11 : memref<64x128xf32, #tpu.memory_space<vmem>>) target(%dma_start3A_241 : memref<10112x128xf32, #tpu.memory_space<vmem_shared>>) offsets(%dma_start3A_238 : memref<64xi32, #tpu.memory_space<vmem>>) semaphore(%arg19 : memref<!tpu.dma_semaphore, #tpu.memory_space<semaphore_mem>>) {add = true}
      %add3A_242 = arith.constant 2 : i32
      %add3A_243 = arith.addi %mul3A_209, %add3A_242 : i32
      %dma_wait3A_244 = arith.constant 0 : i32
      %dma_wait3A_245 = tpu.memref_slice %arg8[%add3A_243, %dma_wait3A_244] : memref<64x64xi32, #tpu.memory_space<vmem>> -> memref<1x64xi32, #tpu.memory_space<vmem>>
      %dma_wait3A_246 = tpu.memref_squeeze %dma_wait3A_245 : memref<1x64xi32, #tpu.memory_space<vmem>> -> memref<64xi32, #tpu.memory_space<vmem>>
      %dma_wait3A_247 = arith.constant 0 : i32
      %dma_wait3A_248 = arith.constant 0 : i32
      %dma_wait3A_249 = tpu.memref_slice %arg2[%dma_wait3A_247, %dma_wait3A_248] : memref<10000x128xf32, #tpu.memory_space<hbm>> -> memref<10000x128xf32, #tpu.memory_space<hbm>>
      tpu.wait_indirect_dma semaphore(%arg16 : memref<!tpu.dma_semaphore, #tpu.memory_space<semaphore_mem>>) src(%dma_wait3A_249 : memref<10000x128xf32, #tpu.memory_space<hbm>>) dst(%arg12 : memref<64x128xf32, #tpu.memory_space<vmem>>)
      %add3A_250 = arith.constant 2 : i32
      %add3A_251 = arith.addi %mul3A_209, %add3A_250 : i32
      %dma_start3A_252 = arith.constant 0 : i32
      %dma_start3A_253 = tpu.memref_slice %arg9[%add3A_251, %dma_start3A_252] : memref<64x64xi32, #tpu.memory_space<vmem>> -> memref<1x64xi32, #tpu.memory_space<vmem>>
      %dma_start3A_254 = tpu.memref_squeeze %dma_start3A_253 : memref<1x64xi32, #tpu.memory_space<vmem>> -> memref<64xi32, #tpu.memory_space<vmem>>
      %dma_start3A_255 = arith.constant 0 : i32
      %dma_start3A_256 = arith.constant 0 : i32
      %dma_start3A_257 = tpu.memref_slice %arg7[%dma_start3A_255, %dma_start3A_256] : memref<10112x128xf32, #tpu.memory_space<vmem_shared>> -> memref<10112x128xf32, #tpu.memory_space<vmem_shared>>
      tpu.enqueue_indirect_dma source(%arg12 : memref<64x128xf32, #tpu.memory_space<vmem>>) target(%dma_start3A_257 : memref<10112x128xf32, #tpu.memory_space<vmem_shared>>) offsets(%dma_start3A_254 : memref<64xi32, #tpu.memory_space<vmem>>) semaphore(%arg20 : memref<!tpu.dma_semaphore, #tpu.memory_space<semaphore_mem>>) {add = true}
      %add3A_258 = arith.constant 3 : i32
      %add3A_259 = arith.addi %mul3A_209, %add3A_258 : i32
      %dma_wait3A_260 = arith.constant 0 : i32
      %dma_wait3A_261 = tpu.memref_slice %arg8[%add3A_259, %dma_wait3A_260] : memref<64x64xi32, #tpu.memory_space<vmem>> -> memref<1x64xi32, #tpu.memory_space<vmem>>
      %dma_wait3A_262 = tpu.memref_squeeze %dma_wait3A_261 : memref<1x64xi32, #tpu.memory_space<vmem>> -> memref<64xi32, #tpu.memory_space<vmem>>
      %dma_wait3A_263 = arith.constant 0 : i32
      %dma_wait3A_264 = arith.constant 0 : i32
      %dma_wait3A_265 = tpu.memref_slice %arg2[%dma_wait3A_263, %dma_wait3A_264] : memref<10000x128xf32, #tpu.memory_space<hbm>> -> memref<10000x128xf32, #tpu.memory_space<hbm>>
      tpu.wait_indirect_dma semaphore(%arg17 : memref<!tpu.dma_semaphore, #tpu.memory_space<semaphore_mem>>) src(%dma_wait3A_265 : memref<10000x128xf32, #tpu.memory_space<hbm>>) dst(%arg13 : memref<64x128xf32, #tpu.memory_space<vmem>>)
      %add3A_266 = arith.constant 3 : i32
      %add3A_267 = arith.addi %mul3A_209, %add3A_266 : i32
      %dma_start3A_268 = arith.constant 0 : i32
      %dma_start3A_269 = tpu.memref_slice %arg9[%add3A_267, %dma_start3A_268] : memref<64x64xi32, #tpu.memory_space<vmem>> -> memref<1x64xi32, #tpu.memory_space<vmem>>
      %dma_start3A_270 = tpu.memref_squeeze %dma_start3A_269 : memref<1x64xi32, #tpu.memory_space<vmem>> -> memref<64xi32, #tpu.memory_space<vmem>>
      %dma_start3A_271 = arith.constant 0 : i32
      %dma_start3A_272 = arith.constant 0 : i32
      %dma_start3A_273 = tpu.memref_slice %arg7[%dma_start3A_271, %dma_start3A_272] : memref<10112x128xf32, #tpu.memory_space<vmem_shared>> -> memref<10112x128xf32, #tpu.memory_space<vmem_shared>>
      tpu.enqueue_indirect_dma source(%arg13 : memref<64x128xf32, #tpu.memory_space<vmem>>) target(%dma_start3A_273 : memref<10112x128xf32, #tpu.memory_space<vmem_shared>>) offsets(%dma_start3A_270 : memref<64xi32, #tpu.memory_space<vmem>>) semaphore(%arg21 : memref<!tpu.dma_semaphore, #tpu.memory_space<semaphore_mem>>) {add = true}
      %dma_wait3A_274 = arith.constant 0 : i32
      %dma_wait3A_275 = tpu.memref_slice %arg9[%add3A_219, %dma_wait3A_274] : memref<64x64xi32, #tpu.memory_space<vmem>> -> memref<1x64xi32, #tpu.memory_space<vmem>>
      %dma_wait3A_276 = tpu.memref_squeeze %dma_wait3A_275 : memref<1x64xi32, #tpu.memory_space<vmem>> -> memref<64xi32, #tpu.memory_space<vmem>>
      %dma_wait3A_277 = arith.constant 0 : i32
      %dma_wait3A_278 = arith.constant 0 : i32
      %dma_wait3A_279 = tpu.memref_slice %arg7[%dma_wait3A_277, %dma_wait3A_278] : memref<10112x128xf32, #tpu.memory_space<vmem_shared>> -> memref<10112x128xf32, #tpu.memory_space<vmem_shared>>
      tpu.wait_indirect_dma semaphore(%arg18 : memref<!tpu.dma_semaphore, #tpu.memory_space<semaphore_mem>>) src(%arg10 : memref<64x128xf32, #tpu.memory_space<vmem>>) dst(%dma_wait3A_279 : memref<10112x128xf32, #tpu.memory_space<vmem_shared>>)
      %add3A_280 = arith.constant 4 : i32
      %add3A_281 = arith.addi %mul3A_209, %add3A_280 : i32
      %add3A_282 = arith.constant 0 : i32
      %add3A_283 = arith.addi %add3A_281, %add3A_282 : i32
      %dma_start3A_284 = arith.constant 0 : i32
      %dma_start3A_285 = tpu.memref_slice %arg8[%add3A_283, %dma_start3A_284] : memref<64x64xi32, #tpu.memory_space<vmem>> -> memref<1x64xi32, #tpu.memory_space<vmem>>
      %dma_start3A_286 = tpu.memref_squeeze %dma_start3A_285 : memref<1x64xi32, #tpu.memory_space<vmem>> -> memref<64xi32, #tpu.memory_space<vmem>>
      %dma_start3A_287 = arith.constant 0 : i32
      %dma_start3A_288 = arith.constant 0 : i32
      %dma_start3A_289 = tpu.memref_slice %arg2[%dma_start3A_287, %dma_start3A_288] : memref<10000x128xf32, #tpu.memory_space<hbm>> -> memref<10000x128xf32, #tpu.memory_space<hbm>>
      tpu.enqueue_indirect_dma source(%dma_start3A_289 : memref<10000x128xf32, #tpu.memory_space<hbm>>) target(%arg10 : memref<64x128xf32, #tpu.memory_space<vmem>>) offsets(%dma_start3A_286 : memref<64xi32, #tpu.memory_space<vmem>>) semaphore(%arg14 : memref<!tpu.dma_semaphore, #tpu.memory_space<semaphore_mem>>)
      %dma_wait3A_290 = arith.constant 0 : i32
      %dma_wait3A_291 = tpu.memref_slice %arg9[%add3A_235, %dma_wait3A_290] : memref<64x64xi32, #tpu.memory_space<vmem>> -> memref<1x64xi32, #tpu.memory_space<vmem>>
      %dma_wait3A_292 = tpu.memref_squeeze %dma_wait3A_291 : memref<1x64xi32, #tpu.memory_space<vmem>> -> memref<64xi32, #tpu.memory_space<vmem>>
      %dma_wait3A_293 = arith.constant 0 : i32
      %dma_wait3A_294 = arith.constant 0 : i32
      %dma_wait3A_295 = tpu.memref_slice %arg7[%dma_wait3A_293, %dma_wait3A_294] : memref<10112x128xf32, #tpu.memory_space<vmem_shared>> -> memref<10112x128xf32, #tpu.memory_space<vmem_shared>>
      tpu.wait_indirect_dma semaphore(%arg19 : memref<!tpu.dma_semaphore, #tpu.memory_space<semaphore_mem>>) src(%arg11 : memref<64x128xf32, #tpu.memory_space<vmem>>) dst(%dma_wait3A_295 : memref<10112x128xf32, #tpu.memory_space<vmem_shared>>)
      %add3A_296 = arith.constant 4 : i32
      %add3A_297 = arith.addi %mul3A_209, %add3A_296 : i32
      %add3A_298 = arith.constant 1 : i32
      %add3A_299 = arith.addi %add3A_297, %add3A_298 : i32
      %dma_start3A_300 = arith.constant 0 : i32
      %dma_start3A_301 = tpu.memref_slice %arg8[%add3A_299, %dma_start3A_300] : memref<64x64xi32, #tpu.memory_space<vmem>> -> memref<1x64xi32, #tpu.memory_space<vmem>>
      %dma_start3A_302 = tpu.memref_squeeze %dma_start3A_301 : memref<1x64xi32, #tpu.memory_space<vmem>> -> memref<64xi32, #tpu.memory_space<vmem>>
      %dma_start3A_303 = arith.constant 0 : i32
      %dma_start3A_304 = arith.constant 0 : i32
      %dma_start3A_305 = tpu.memref_slice %arg2[%dma_start3A_303, %dma_start3A_304] : memref<10000x128xf32, #tpu.memory_space<hbm>> -> memref<10000x128xf32, #tpu.memory_space<hbm>>
      tpu.enqueue_indirect_dma source(%dma_start3A_305 : memref<10000x128xf32, #tpu.memory_space<hbm>>) target(%arg11 : memref<64x128xf32, #tpu.memory_space<vmem>>) offsets(%dma_start3A_302 : memref<64xi32, #tpu.memory_space<vmem>>) semaphore(%arg15 : memref<!tpu.dma_semaphore, #tpu.memory_space<semaphore_mem>>)
      %dma_wait3A_306 = arith.constant 0 : i32
      %dma_wait3A_307 = tpu.memref_slice %arg9[%add3A_251, %dma_wait3A_306] : memref<64x64xi32, #tpu.memory_space<vmem>> -> memref<1x64xi32, #tpu.memory_space<vmem>>
      %dma_wait3A_308 = tpu.memref_squeeze %dma_wait3A_307 : memref<1x64xi32, #tpu.memory_space<vmem>> -> memref<64xi32, #tpu.memory_space<vmem>>
      %dma_wait3A_309 = arith.constant 0 : i32
      %dma_wait3A_310 = arith.constant 0 : i32
      %dma_wait3A_311 = tpu.memref_slice %arg7[%dma_wait3A_309, %dma_wait3A_310] : memref<10112x128xf32, #tpu.memory_space<vmem_shared>> -> memref<10112x128xf32, #tpu.memory_space<vmem_shared>>
      tpu.wait_indirect_dma semaphore(%arg20 : memref<!tpu.dma_semaphore, #tpu.memory_space<semaphore_mem>>) src(%arg12 : memref<64x128xf32, #tpu.memory_space<vmem>>) dst(%dma_wait3A_311 : memref<10112x128xf32, #tpu.memory_space<vmem_shared>>)
      %add3A_312 = arith.constant 4 : i32
      %add3A_313 = arith.addi %mul3A_209, %add3A_312 : i32
      %add3A_314 = arith.constant 2 : i32
      %add3A_315 = arith.addi %add3A_313, %add3A_314 : i32
      %dma_start3A_316 = arith.constant 0 : i32
      %dma_start3A_317 = tpu.memref_slice %arg8[%add3A_315, %dma_start3A_316] : memref<64x64xi32, #tpu.memory_space<vmem>> -> memref<1x64xi32, #tpu.memory_space<vmem>>
      %dma_start3A_318 = tpu.memref_squeeze %dma_start3A_317 : memref<1x64xi32, #tpu.memory_space<vmem>> -> memref<64xi32, #tpu.memory_space<vmem>>
      %dma_start3A_319 = arith.constant 0 : i32
      %dma_start3A_320 = arith.constant 0 : i32
      %dma_start3A_321 = tpu.memref_slice %arg2[%dma_start3A_319, %dma_start3A_320] : memref<10000x128xf32, #tpu.memory_space<hbm>> -> memref<10000x128xf32, #tpu.memory_space<hbm>>
      tpu.enqueue_indirect_dma source(%dma_start3A_321 : memref<10000x128xf32, #tpu.memory_space<hbm>>) target(%arg12 : memref<64x128xf32, #tpu.memory_space<vmem>>) offsets(%dma_start3A_318 : memref<64xi32, #tpu.memory_space<vmem>>) semaphore(%arg16 : memref<!tpu.dma_semaphore, #tpu.memory_space<semaphore_mem>>)
      %dma_wait3A_322 = arith.constant 0 : i32
      %dma_wait3A_323 = tpu.memref_slice %arg9[%add3A_267, %dma_wait3A_322] : memref<64x64xi32, #tpu.memory_space<vmem>> -> memref<1x64xi32, #tpu.memory_space<vmem>>
      %dma_wait3A_324 = tpu.memref_squeeze %dma_wait3A_323 : memref<1x64xi32, #tpu.memory_space<vmem>> -> memref<64xi32, #tpu.memory_space<vmem>>
      %dma_wait3A_325 = arith.constant 0 : i32
      %dma_wait3A_326 = arith.constant 0 : i32
      %dma_wait3A_327 = tpu.memref_slice %arg7[%dma_wait3A_325, %dma_wait3A_326] : memref<10112x128xf32, #tpu.memory_space<vmem_shared>> -> memref<10112x128xf32, #tpu.memory_space<vmem_shared>>
      tpu.wait_indirect_dma semaphore(%arg21 : memref<!tpu.dma_semaphore, #tpu.memory_space<semaphore_mem>>) src(%arg13 : memref<64x128xf32, #tpu.memory_space<vmem>>) dst(%dma_wait3A_327 : memref<10112x128xf32, #tpu.memory_space<vmem_shared>>)
      %add3A_328 = arith.constant 4 : i32
      %add3A_329 = arith.addi %mul3A_209, %add3A_328 : i32
      %add3A_330 = arith.constant 3 : i32
      %add3A_331 = arith.addi %add3A_329, %add3A_330 : i32
      %dma_start3A_332 = arith.constant 0 : i32
      %dma_start3A_333 = tpu.memref_slice %arg8[%add3A_331, %dma_start3A_332] : memref<64x64xi32, #tpu.memory_space<vmem>> -> memref<1x64xi32, #tpu.memory_space<vmem>>
      %dma_start3A_334 = tpu.memref_squeeze %dma_start3A_333 : memref<1x64xi32, #tpu.memory_space<vmem>> -> memref<64xi32, #tpu.memory_space<vmem>>
      %dma_start3A_335 = arith.constant 0 : i32
      %dma_start3A_336 = arith.constant 0 : i32
      %dma_start3A_337 = tpu.memref_slice %arg2[%dma_start3A_335, %dma_start3A_336] : memref<10000x128xf32, #tpu.memory_space<hbm>> -> memref<10000x128xf32, #tpu.memory_space<hbm>>
      tpu.enqueue_indirect_dma source(%dma_start3A_337 : memref<10000x128xf32, #tpu.memory_space<hbm>>) target(%arg13 : memref<64x128xf32, #tpu.memory_space<vmem>>) offsets(%dma_start3A_334 : memref<64xi32, #tpu.memory_space<vmem>>) semaphore(%arg17 : memref<!tpu.dma_semaphore, #tpu.memory_space<semaphore_mem>>)
    }
    %while3A_173 = arith.constant 1 : i32
    scf.for %while3A_207 = %while3A_171 to %while3A_167 step %while3A_173  : i32 {
      %mul3A_208 = arith.constant 4 : i32
      %mul3A_209 = arith.muli %while3A_207, %mul3A_208 : i32
      %add3A_210 = arith.constant 0 : i32
      %add3A_211 = arith.addi %mul3A_209, %add3A_210 : i32
      %dma_wait3A_212 = arith.constant 0 : i32
      %dma_wait3A_213 = tpu.memref_slice %arg8[%add3A_211, %dma_wait3A_212] : memref<64x64xi32, #tpu.memory_space<vmem>> -> memref<1x64xi32, #tpu.memory_space<vmem>>
      %dma_wait3A_214 = tpu.memref_squeeze %dma_wait3A_213 : memref<1x64xi32, #tpu.memory_space<vmem>> -> memref<64xi32, #tpu.memory_space<vmem>>
      %dma_wait3A_215 = arith.constant 0 : i32
      %dma_wait3A_216 = arith.constant 0 : i32
      %dma_wait3A_217 = tpu.memref_slice %arg2[%dma_wait3A_215, %dma_wait3A_216] : memref<10000x128xf32, #tpu.memory_space<hbm>> -> memref<10000x128xf32, #tpu.memory_space<hbm>>
      tpu.wait_indirect_dma semaphore(%arg14 : memref<!tpu.dma_semaphore, #tpu.memory_space<semaphore_mem>>) src(%dma_wait3A_217 : memref<10000x128xf32, #tpu.memory_space<hbm>>) dst(%arg10 : memref<64x128xf32, #tpu.memory_space<vmem>>)
      %add3A_218 = arith.constant 0 : i32
      %add3A_219 = arith.addi %mul3A_209, %add3A_218 : i32
      %dma_start3A_220 = arith.constant 0 : i32
      %dma_start3A_221 = tpu.memref_slice %arg9[%add3A_219, %dma_start3A_220] : memref<64x64xi32, #tpu.memory_space<vmem>> -> memref<1x64xi32, #tpu.memory_space<vmem>>
      %dma_start3A_222 = tpu.memref_squeeze %dma_start3A_221 : memref<1x64xi32, #tpu.memory_space<vmem>> -> memref<64xi32, #tpu.memory_space<vmem>>
      %dma_start3A_223 = arith.constant 0 : i32
      %dma_start3A_224 = arith.constant 0 : i32
      %dma_start3A_225 = tpu.memref_slice %arg7[%dma_start3A_223, %dma_start3A_224] : memref<10112x128xf32, #tpu.memory_space<vmem_shared>> -> memref<10112x128xf32, #tpu.memory_space<vmem_shared>>
      tpu.enqueue_indirect_dma source(%arg10 : memref<64x128xf32, #tpu.memory_space<vmem>>) target(%dma_start3A_225 : memref<10112x128xf32, #tpu.memory_space<vmem_shared>>) offsets(%dma_start3A_222 : memref<64xi32, #tpu.memory_space<vmem>>) semaphore(%arg18 : memref<!tpu.dma_semaphore, #tpu.memory_space<semaphore_mem>>) {add = true}
      %add3A_226 = arith.constant 1 : i32
      %add3A_227 = arith.addi %mul3A_209, %add3A_226 : i32
      %dma_wait3A_228 = arith.constant 0 : i32
      %dma_wait3A_229 = tpu.memref_slice %arg8[%add3A_227, %dma_wait3A_228] : memref<64x64xi32, #tpu.memory_space<vmem>> -> memref<1x64xi32, #tpu.memory_space<vmem>>
      %dma_wait3A_230 = tpu.memref_squeeze %dma_wait3A_229 : memref<1x64xi32, #tpu.memory_space<vmem>> -> memref<64xi32, #tpu.memory_space<vmem>>
      %dma_wait3A_231 = arith.constant 0 : i32
      %dma_wait3A_232 = arith.constant 0 : i32
      %dma_wait3A_233 = tpu.memref_slice %arg2[%dma_wait3A_231, %dma_wait3A_232] : memref<10000x128xf32, #tpu.memory_space<hbm>> -> memref<10000x128xf32, #tpu.memory_space<hbm>>
      tpu.wait_indirect_dma semaphore(%arg15 : memref<!tpu.dma_semaphore, #tpu.memory_space<semaphore_mem>>) src(%dma_wait3A_233 : memref<10000x128xf32, #tpu.memory_space<hbm>>) dst(%arg11 : memref<64x128xf32, #tpu.memory_space<vmem>>)
      %add3A_234 = arith.constant 1 : i32
      %add3A_235 = arith.addi %mul3A_209, %add3A_234 : i32
      %dma_start3A_236 = arith.constant 0 : i32
      %dma_start3A_237 = tpu.memref_slice %arg9[%add3A_235, %dma_start3A_236] : memref<64x64xi32, #tpu.memory_space<vmem>> -> memref<1x64xi32, #tpu.memory_space<vmem>>
      %dma_start3A_238 = tpu.memref_squeeze %dma_start3A_237 : memref<1x64xi32, #tpu.memory_space<vmem>> -> memref<64xi32, #tpu.memory_space<vmem>>
      %dma_start3A_239 = arith.constant 0 : i32
      %dma_start3A_240 = arith.constant 0 : i32
      %dma_start3A_241 = tpu.memref_slice %arg7[%dma_start3A_239, %dma_start3A_240] : memref<10112x128xf32, #tpu.memory_space<vmem_shared>> -> memref<10112x128xf32, #tpu.memory_space<vmem_shared>>
      tpu.enqueue_indirect_dma source(%arg11 : memref<64x128xf32, #tpu.memory_space<vmem>>) target(%dma_start3A_241 : memref<10112x128xf32, #tpu.memory_space<vmem_shared>>) offsets(%dma_start3A_238 : memref<64xi32, #tpu.memory_space<vmem>>) semaphore(%arg19 : memref<!tpu.dma_semaphore, #tpu.memory_space<semaphore_mem>>) {add = true}
      %add3A_242 = arith.constant 2 : i32
      %add3A_243 = arith.addi %mul3A_209, %add3A_242 : i32
      %dma_wait3A_244 = arith.constant 0 : i32
      %dma_wait3A_245 = tpu.memref_slice %arg8[%add3A_243, %dma_wait3A_244] : memref<64x64xi32, #tpu.memory_space<vmem>> -> memref<1x64xi32, #tpu.memory_space<vmem>>
      %dma_wait3A_246 = tpu.memref_squeeze %dma_wait3A_245 : memref<1x64xi32, #tpu.memory_space<vmem>> -> memref<64xi32, #tpu.memory_space<vmem>>
      %dma_wait3A_247 = arith.constant 0 : i32
      %dma_wait3A_248 = arith.constant 0 : i32
      %dma_wait3A_249 = tpu.memref_slice %arg2[%dma_wait3A_247, %dma_wait3A_248] : memref<10000x128xf32, #tpu.memory_space<hbm>> -> memref<10000x128xf32, #tpu.memory_space<hbm>>
      tpu.wait_indirect_dma semaphore(%arg16 : memref<!tpu.dma_semaphore, #tpu.memory_space<semaphore_mem>>) src(%dma_wait3A_249 : memref<10000x128xf32, #tpu.memory_space<hbm>>) dst(%arg12 : memref<64x128xf32, #tpu.memory_space<vmem>>)
      %add3A_250 = arith.constant 2 : i32
      %add3A_251 = arith.addi %mul3A_209, %add3A_250 : i32
      %dma_start3A_252 = arith.constant 0 : i32
      %dma_start3A_253 = tpu.memref_slice %arg9[%add3A_251, %dma_start3A_252] : memref<64x64xi32, #tpu.memory_space<vmem>> -> memref<1x64xi32, #tpu.memory_space<vmem>>
      %dma_start3A_254 = tpu.memref_squeeze %dma_start3A_253 : memref<1x64xi32, #tpu.memory_space<vmem>> -> memref<64xi32, #tpu.memory_space<vmem>>
      %dma_start3A_255 = arith.constant 0 : i32
      %dma_start3A_256 = arith.constant 0 : i32
      %dma_start3A_257 = tpu.memref_slice %arg7[%dma_start3A_255, %dma_start3A_256] : memref<10112x128xf32, #tpu.memory_space<vmem_shared>> -> memref<10112x128xf32, #tpu.memory_space<vmem_shared>>
      tpu.enqueue_indirect_dma source(%arg12 : memref<64x128xf32, #tpu.memory_space<vmem>>) target(%dma_start3A_257 : memref<10112x128xf32, #tpu.memory_space<vmem_shared>>) offsets(%dma_start3A_254 : memref<64xi32, #tpu.memory_space<vmem>>) semaphore(%arg20 : memref<!tpu.dma_semaphore, #tpu.memory_space<semaphore_mem>>) {add = true}
      %add3A_258 = arith.constant 3 : i32
      %add3A_259 = arith.addi %mul3A_209, %add3A_258 : i32
      %dma_wait3A_260 = arith.constant 0 : i32
      %dma_wait3A_261 = tpu.memref_slice %arg8[%add3A_259, %dma_wait3A_260] : memref<64x64xi32, #tpu.memory_space<vmem>> -> memref<1x64xi32, #tpu.memory_space<vmem>>
      %dma_wait3A_262 = tpu.memref_squeeze %dma_wait3A_261 : memref<1x64xi32, #tpu.memory_space<vmem>> -> memref<64xi32, #tpu.memory_space<vmem>>
      %dma_wait3A_263 = arith.constant 0 : i32
      %dma_wait3A_264 = arith.constant 0 : i32
      %dma_wait3A_265 = tpu.memref_slice %arg2[%dma_wait3A_263, %dma_wait3A_264] : memref<10000x128xf32, #tpu.memory_space<hbm>> -> memref<10000x128xf32, #tpu.memory_space<hbm>>
      tpu.wait_indirect_dma semaphore(%arg17 : memref<!tpu.dma_semaphore, #tpu.memory_space<semaphore_mem>>) src(%dma_wait3A_265 : memref<10000x128xf32, #tpu.memory_space<hbm>>) dst(%arg13 : memref<64x128xf32, #tpu.memory_space<vmem>>)
      %add3A_266 = arith.constant 3 : i32
      %add3A_267 = arith.addi %mul3A_209, %add3A_266 : i32
      %dma_start3A_268 = arith.constant 0 : i32
      %dma_start3A_269 = tpu.memref_slice %arg9[%add3A_267, %dma_start3A_268] : memref<64x64xi32, #tpu.memory_space<vmem>> -> memref<1x64xi32, #tpu.memory_space<vmem>>
      %dma_start3A_270 = tpu.memref_squeeze %dma_start3A_269 : memref<1x64xi32, #tpu.memory_space<vmem>> -> memref<64xi32, #tpu.memory_space<vmem>>
      %dma_start3A_271 = arith.constant 0 : i32
      %dma_start3A_272 = arith.constant 0 : i32
      %dma_start3A_273 = tpu.memref_slice %arg7[%dma_start3A_271, %dma_start3A_272] : memref<10112x128xf32, #tpu.memory_space<vmem_shared>> -> memref<10112x128xf32, #tpu.memory_space<vmem_shared>>
      tpu.enqueue_indirect_dma source(%arg13 : memref<64x128xf32, #tpu.memory_space<vmem>>) target(%dma_start3A_273 : memref<10112x128xf32, #tpu.memory_space<vmem_shared>>) offsets(%dma_start3A_270 : memref<64xi32, #tpu.memory_space<vmem>>) semaphore(%arg21 : memref<!tpu.dma_semaphore, #tpu.memory_space<semaphore_mem>>) {add = true}
      %dma_wait3A_274 = arith.constant 0 : i32
      %dma_wait3A_275 = tpu.memref_slice %arg9[%add3A_219, %dma_wait3A_274] : memref<64x64xi32, #tpu.memory_space<vmem>> -> memref<1x64xi32, #tpu.memory_space<vmem>>
      %dma_wait3A_276 = tpu.memref_squeeze %dma_wait3A_275 : memref<1x64xi32, #tpu.memory_space<vmem>> -> memref<64xi32, #tpu.memory_space<vmem>>
      %dma_wait3A_277 = arith.constant 0 : i32
      %dma_wait3A_278 = arith.constant 0 : i32
      %dma_wait3A_279 = tpu.memref_slice %arg7[%dma_wait3A_277, %dma_wait3A_278] : memref<10112x128xf32, #tpu.memory_space<vmem_shared>> -> memref<10112x128xf32, #tpu.memory_space<vmem_shared>>
      tpu.wait_indirect_dma semaphore(%arg18 : memref<!tpu.dma_semaphore, #tpu.memory_space<semaphore_mem>>) src(%arg10 : memref<64x128xf32, #tpu.memory_space<vmem>>) dst(%dma_wait3A_279 : memref<10112x128xf32, #tpu.memory_space<vmem_shared>>)
      %add3A_280 = arith.constant 4 : i32
      %add3A_281 = arith.addi %mul3A_209, %add3A_280 : i32
      %add3A_282 = arith.constant 0 : i32
      %add3A_283 = arith.addi %add3A_281, %add3A_282 : i32
      %dma_start3A_284 = arith.constant 0 : i32
      %dma_start3A_285 = tpu.memref_slice %arg8[%add3A_283, %dma_start3A_284] : memref<64x64xi32, #tpu.memory_space<vmem>> -> memref<1x64xi32, #tpu.memory_space<vmem>>
      %dma_start3A_286 = tpu.memref_squeeze %dma_start3A_285 : memref<1x64xi32, #tpu.memory_space<vmem>> -> memref<64xi32, #tpu.memory_space<vmem>>
      %dma_start3A_287 = arith.constant 0 : i32
      %dma_start3A_288 = arith.constant 0 : i32
      %dma_start3A_289 = tpu.memref_slice %arg2[%dma_start3A_287, %dma_start3A_288] : memref<10000x128xf32, #tpu.memory_space<hbm>> -> memref<10000x128xf32, #tpu.memory_space<hbm>>
      tpu.enqueue_indirect_dma source(%dma_start3A_289 : memref<10000x128xf32, #tpu.memory_space<hbm>>) target(%arg10 : memref<64x128xf32, #tpu.memory_space<vmem>>) offsets(%dma_start3A_286 : memref<64xi32, #tpu.memory_space<vmem>>) semaphore(%arg14 : memref<!tpu.dma_semaphore, #tpu.memory_space<semaphore_mem>>)
      %dma_wait3A_290 = arith.constant 0 : i32
      %dma_wait3A_291 = tpu.memref_slice %arg9[%add3A_235, %dma_wait3A_290] : memref<64x64xi32, #tpu.memory_space<vmem>> -> memref<1x64xi32, #tpu.memory_space<vmem>>
      %dma_wait3A_292 = tpu.memref_squeeze %dma_wait3A_291 : memref<1x64xi32, #tpu.memory_space<vmem>> -> memref<64xi32, #tpu.memory_space<vmem>>
      %dma_wait3A_293 = arith.constant 0 : i32
      %dma_wait3A_294 = arith.constant 0 : i32
      %dma_wait3A_295 = tpu.memref_slice %arg7[%dma_wait3A_293, %dma_wait3A_294] : memref<10112x128xf32, #tpu.memory_space<vmem_shared>> -> memref<10112x128xf32, #tpu.memory_space<vmem_shared>>
      tpu.wait_indirect_dma semaphore(%arg19 : memref<!tpu.dma_semaphore, #tpu.memory_space<semaphore_mem>>) src(%arg11 : memref<64x128xf32, #tpu.memory_space<vmem>>) dst(%dma_wait3A_295 : memref<10112x128xf32, #tpu.memory_space<vmem_shared>>)
      %add3A_296 = arith.constant 4 : i32
      %add3A_297 = arith.addi %mul3A_209, %add3A_296 : i32
      %add3A_298 = arith.constant 1 : i32
      %add3A_299 = arith.addi %add3A_297, %add3A_298 : i32
      %dma_start3A_300 = arith.constant 0 : i32
      %dma_start3A_301 = tpu.memref_slice %arg8[%add3A_299, %dma_start3A_300] : memref<64x64xi32, #tpu.memory_space<vmem>> -> memref<1x64xi32, #tpu.memory_space<vmem>>
      %dma_start3A_302 = tpu.memref_squeeze %dma_start3A_301 : memref<1x64xi32, #tpu.memory_space<vmem>> -> memref<64xi32, #tpu.memory_space<vmem>>
      %dma_start3A_303 = arith.constant 0 : i32
      %dma_start3A_304 = arith.constant 0 : i32
      %dma_start3A_305 = tpu.memref_slice %arg2[%dma_start3A_303, %dma_start3A_304] : memref<10000x128xf32, #tpu.memory_space<hbm>> -> memref<10000x128xf32, #tpu.memory_space<hbm>>
      tpu.enqueue_indirect_dma source(%dma_start3A_305 : memref<10000x128xf32, #tpu.memory_space<hbm>>) target(%arg11 : memref<64x128xf32, #tpu.memory_space<vmem>>) offsets(%dma_start3A_302 : memref<64xi32, #tpu.memory_space<vmem>>) semaphore(%arg15 : memref<!tpu.dma_semaphore, #tpu.memory_space<semaphore_mem>>)
      %dma_wait3A_306 = arith.constant 0 : i32
      %dma_wait3A_307 = tpu.memref_slice %arg9[%add3A_251, %dma_wait3A_306] : memref<64x64xi32, #tpu.memory_space<vmem>> -> memref<1x64xi32, #tpu.memory_space<vmem>>
      %dma_wait3A_308 = tpu.memref_squeeze %dma_wait3A_307 : memref<1x64xi32, #tpu.memory_space<vmem>> -> memref<64xi32, #tpu.memory_space<vmem>>
      %dma_wait3A_309 = arith.constant 0 : i32
      %dma_wait3A_310 = arith.constant 0 : i32
      %dma_wait3A_311 = tpu.memref_slice %arg7[%dma_wait3A_309, %dma_wait3A_310] : memref<10112x128xf32, #tpu.memory_space<vmem_shared>> -> memref<10112x128xf32, #tpu.memory_space<vmem_shared>>
      tpu.wait_indirect_dma semaphore(%arg20 : memref<!tpu.dma_semaphore, #tpu.memory_space<semaphore_mem>>) src(%arg12 : memref<64x128xf32, #tpu.memory_space<vmem>>) dst(%dma_wait3A_311 : memref<10112x128xf32, #tpu.memory_space<vmem_shared>>)
      %add3A_312 = arith.constant 4 : i32
      %add3A_313 = arith.addi %mul3A_209, %add3A_312 : i32
      %add3A_314 = arith.constant 2 : i32
      %add3A_315 = arith.addi %add3A_313, %add3A_314 : i32
      %dma_start3A_316 = arith.constant 0 : i32
      %dma_start3A_317 = tpu.memref_slice %arg8[%add3A_315, %dma_start3A_316] : memref<64x64xi32, #tpu.memory_space<vmem>> -> memref<1x64xi32, #tpu.memory_space<vmem>>
      %dma_start3A_318 = tpu.memref_squeeze %dma_start3A_317 : memref<1x64xi32, #tpu.memory_space<vmem>> -> memref<64xi32, #tpu.memory_space<vmem>>
      %dma_start3A_319 = arith.constant 0 : i32
      %dma_start3A_320 = arith.constant 0 : i32
      %dma_start3A_321 = tpu.memref_slice %arg2[%dma_start3A_319, %dma_start3A_320] : memref<10000x128xf32, #tpu.memory_space<hbm>> -> memref<10000x128xf32, #tpu.memory_space<hbm>>
      tpu.enqueue_indirect_dma source(%dma_start3A_321 : memref<10000x128xf32, #tpu.memory_space<hbm>>) target(%arg12 : memref<64x128xf32, #tpu.memory_space<vmem>>) offsets(%dma_start3A_318 : memref<64xi32, #tpu.memory_space<vmem>>) semaphore(%arg16 : memref<!tpu.dma_semaphore, #tpu.memory_space<semaphore_mem>>)
      %dma_wait3A_322 = arith.constant 0 : i32
      %dma_wait3A_323 = tpu.memref_slice %arg9[%add3A_267, %dma_wait3A_322] : memref<64x64xi32, #tpu.memory_space<vmem>> -> memref<1x64xi32, #tpu.memory_space<vmem>>
      %dma_wait3A_324 = tpu.memref_squeeze %dma_wait3A_323 : memref<1x64xi32, #tpu.memory_space<vmem>> -> memref<64xi32, #tpu.memory_space<vmem>>
      %dma_wait3A_325 = arith.constant 0 : i32
      %dma_wait3A_326 = arith.constant 0 : i32
      %dma_wait3A_327 = tpu.memref_slice %arg7[%dma_wait3A_325, %dma_wait3A_326] : memref<10112x128xf32, #tpu.memory_space<vmem_shared>> -> memref<10112x128xf32, #tpu.memory_space<vmem_shared>>
      tpu.wait_indirect_dma semaphore(%arg21 : memref<!tpu.dma_semaphore, #tpu.memory_space<semaphore_mem>>) src(%arg13 : memref<64x128xf32, #tpu.memory_space<vmem>>) dst(%dma_wait3A_327 : memref<10112x128xf32, #tpu.memory_space<vmem_shared>>)
      %add3A_328 = arith.constant 4 : i32
      %add3A_329 = arith.addi %mul3A_209, %add3A_328 : i32
      %add3A_330 = arith.constant 3 : i32
      %add3A_331 = arith.addi %add3A_329, %add3A_330 : i32
      %dma_start3A_332 = arith.constant 0 : i32
      %dma_start3A_333 = tpu.memref_slice %arg8[%add3A_331, %dma_start3A_332] : memref<64x64xi32, #tpu.memory_space<vmem>> -> memref<1x64xi32, #tpu.memory_space<vmem>>
      %dma_start3A_334 = tpu.memref_squeeze %dma_start3A_333 : memref<1x64xi32, #tpu.memory_space<vmem>> -> memref<64xi32, #tpu.memory_space<vmem>>
      %dma_start3A_335 = arith.constant 0 : i32
      %dma_start3A_336 = arith.constant 0 : i32
      %dma_start3A_337 = tpu.memref_slice %arg2[%dma_start3A_335, %dma_start3A_336] : memref<10000x128xf32, #tpu.memory_space<hbm>> -> memref<10000x128xf32, #tpu.memory_space<hbm>>
      tpu.enqueue_indirect_dma source(%dma_start3A_337 : memref<10000x128xf32, #tpu.memory_space<hbm>>) target(%arg13 : memref<64x128xf32, #tpu.memory_space<vmem>>) offsets(%dma_start3A_334 : memref<64xi32, #tpu.memory_space<vmem>>) semaphore(%arg17 : memref<!tpu.dma_semaphore, #tpu.memory_space<semaphore_mem>>)
    }
    %dma_wait3A_174 = arith.constant 0 : i32
    %dma_wait3A_175 = arith.constant 0 : i32
    %dma_wait3A_176 = tpu.memref_slice %arg8[%dma_wait3A_174, %dma_wait3A_175] : memref<64x64xi32, #tpu.memory_space<vmem>> -> memref<1x64xi32, #tpu.memory_space<vmem>>
    %dma_wait3A_177 = tpu.memref_squeeze %dma_wait3A_176 : memref<1x64xi32, #tpu.memory_space<vmem>> -> memref<64xi32, #tpu.memory_space<vmem>>
    %dma_wait3A_178 = arith.constant 0 : i32
    %dma_wait3A_179 = arith.constant 0 : i32
    %dma_wait3A_180 = tpu.memref_slice %arg2[%dma_wait3A_178, %dma_wait3A_179] : memref<10000x128xf32, #tpu.memory_space<hbm>> -> memref<10000x128xf32, #tpu.memory_space<hbm>>
    tpu.wait_indirect_dma semaphore(%arg14 : memref<!tpu.dma_semaphore, #tpu.memory_space<semaphore_mem>>) src(%dma_wait3A_180 : memref<10000x128xf32, #tpu.memory_space<hbm>>) dst(%arg10 : memref<64x128xf32, #tpu.memory_space<vmem>>)
    %dma_wait3A_181 = arith.constant 0 : i32
    %dma_wait3A_182 = arith.constant 0 : i32
    %dma_wait3A_183 = tpu.memref_slice %arg8[%dma_wait3A_181, %dma_wait3A_182] : memref<64x64xi32, #tpu.memory_space<vmem>> -> memref<1x64xi32, #tpu.memory_space<vmem>>
    %dma_wait3A_184 = tpu.memref_squeeze %dma_wait3A_183 : memref<1x64xi32, #tpu.memory_space<vmem>> -> memref<64xi32, #tpu.memory_space<vmem>>
    %dma_wait3A_185 = arith.constant 0 : i32
    %dma_wait3A_186 = arith.constant 0 : i32
    %dma_wait3A_187 = tpu.memref_slice %arg2[%dma_wait3A_185, %dma_wait3A_186] : memref<10000x128xf32, #tpu.memory_space<hbm>> -> memref<10000x128xf32, #tpu.memory_space<hbm>>
    tpu.wait_indirect_dma semaphore(%arg15 : memref<!tpu.dma_semaphore, #tpu.memory_space<semaphore_mem>>) src(%dma_wait3A_187 : memref<10000x128xf32, #tpu.memory_space<hbm>>) dst(%arg11 : memref<64x128xf32, #tpu.memory_space<vmem>>)
    %dma_wait3A_188 = arith.constant 0 : i32
    %dma_wait3A_189 = arith.constant 0 : i32
    %dma_wait3A_190 = tpu.memref_slice %arg8[%dma_wait3A_188, %dma_wait3A_189] : memref<64x64xi32, #tpu.memory_space<vmem>> -> memref<1x64xi32, #tpu.memory_space<vmem>>
    %dma_wait3A_191 = tpu.memref_squeeze %dma_wait3A_190 : memref<1x64xi32, #tpu.memory_space<vmem>> -> memref<64xi32, #tpu.memory_space<vmem>>
    %dma_wait3A_192 = arith.constant 0 : i32
    %dma_wait3A_193 = arith.constant 0 : i32
    %dma_wait3A_194 = tpu.memref_slice %arg2[%dma_wait3A_192, %dma_wait3A_193] : memref<10000x128xf32, #tpu.memory_space<hbm>> -> memref<10000x128xf32, #tpu.memory_space<hbm>>
    tpu.wait_indirect_dma semaphore(%arg16 : memref<!tpu.dma_semaphore, #tpu.memory_space<semaphore_mem>>) src(%dma_wait3A_194 : memref<10000x128xf32, #tpu.memory_space<hbm>>) dst(%arg12 : memref<64x128xf32, #tpu.memory_space<vmem>>)
    %dma_wait3A_195 = arith.constant 0 : i32
    %dma_wait3A_196 = arith.constant 0 : i32
    %dma_wait3A_197 = tpu.memref_slice %arg8[%dma_wait3A_195, %dma_wait3A_196] : memref<64x64xi32, #tpu.memory_space<vmem>> -> memref<1x64xi32, #tpu.memory_space<vmem>>
    %dma_wait3A_198 = tpu.memref_squeeze %dma_wait3A_197 : memref<1x64xi32, #tpu.memory_space<vmem>> -> memref<64xi32, #tpu.memory_space<vmem>>
    %dma_wait3A_199 = arith.constant 0 : i32
    %dma_wait3A_200 = arith.constant 0 : i32
    %dma_wait3A_201 = tpu.memref_slice %arg2[%dma_wait3A_199, %dma_wait3A_200] : memref<10000x128xf32, #tpu.memory_space<hbm>> -> memref<10000x128xf32, #tpu.memory_space<hbm>>
    tpu.wait_indirect_dma semaphore(%arg17 : memref<!tpu.dma_semaphore, #tpu.memory_space<semaphore_mem>>) src(%dma_wait3A_201 : memref<10000x128xf32, #tpu.memory_space<hbm>>) dst(%arg13 : memref<64x128xf32, #tpu.memory_space<vmem>>)
    %barrier3A_202 = arith.constant 0 : index
    tpu.barrier barrier_id(%barrier3A_202)
    %mul3A_203 = arith.constant 632 : i32
    %mul3A_204 = arith.muli %arg1, %mul3A_203 : i32
    %mul3A_205 = arith.constant 632 : i32
    %mul3A_206 = arith.muli %arg1, %mul3A_205 : i32
    "tpu.region"() ({
      %run_scoped3A = tpu.sem_alloc : memref<!tpu.dma_semaphore, #tpu.memory_space<semaphore_mem>>
      %dma_start3A_207 = arith.constant 0 : i32
      %dma_start3A_208 = arith.constant 0 : i32
      %dma_start3A_209 = tpu.memref_slice %arg6[%arg0, %dma_start3A_207, %dma_start3A_208] : memref<2x10112x128xf32, #tpu.memory_space<hbm>> -> memref<1x10112x128xf32, #tpu.memory_space<hbm>>
      %dma_start3A_210 = tpu.memref_squeeze %dma_start3A_209 : memref<1x10112x128xf32, #tpu.memory_space<hbm>> -> memref<10112x128xf32, #tpu.memory_space<hbm>>
      %dma_start3A_211 = arith.constant 0 : i32
      %dma_start3A_212 = tpu.memref_slice %dma_start3A_210[%mul3A_206, %dma_start3A_211] : memref<10112x128xf32, #tpu.memory_space<hbm>> -> memref<632x128xf32, #tpu.memory_space<hbm>>
      %dma_start3A_213 = arith.constant 0 : i32
      %dma_start3A_214 = tpu.memref_slice %arg7[%mul3A_204, %dma_start3A_213] : memref<10112x128xf32, #tpu.memory_space<vmem_shared>> -> memref<632x128xf32, #tpu.memory_space<vmem_shared>>
      tpu.enqueue_dma source(%dma_start3A_214 : memref<632x128xf32, #tpu.memory_space<vmem_shared>>) target(%dma_start3A_212 : memref<632x128xf32, #tpu.memory_space<hbm>>) target_semaphore(%run_scoped3A : memref<!tpu.dma_semaphore, #tpu.memory_space<semaphore_mem>>)
      %dma_wait3A_215 = arith.constant 0 : i32
      %dma_wait3A_216 = arith.constant 0 : i32
      %dma_wait3A_217 = tpu.memref_slice %arg6[%arg0, %dma_wait3A_215, %dma_wait3A_216] : memref<2x10112x128xf32, #tpu.memory_space<hbm>> -> memref<1x10112x128xf32, #tpu.memory_space<hbm>>
      %dma_wait3A_218 = tpu.memref_squeeze %dma_wait3A_217 : memref<1x10112x128xf32, #tpu.memory_space<hbm>> -> memref<10112x128xf32, #tpu.memory_space<hbm>>
      %dma_wait3A_219 = arith.constant 0 : i32
      %dma_wait3A_220 = tpu.memref_slice %dma_wait3A_218[%mul3A_206, %dma_wait3A_219] : memref<10112x128xf32, #tpu.memory_space<hbm>> -> memref<632x128xf32, #tpu.memory_space<hbm>>
      %dma_wait3A_221 = arith.constant 0 : i32
      %dma_wait3A_222 = tpu.memref_slice %arg7[%mul3A_204, %dma_wait3A_221] : memref<10112x128xf32, #tpu.memory_space<vmem_shared>> -> memref<632x128xf32, #tpu.memory_space<vmem_shared>>
      tpu.wait_dma2 semaphore(%run_scoped3A : memref<!tpu.dma_semaphore, #tpu.memory_space<semaphore_mem>>) src(%dma_wait3A_222 : memref<632x128xf32, #tpu.memory_space<vmem_shared>>) dst(%dma_wait3A_220 : memref<632x128xf32, #tpu.memory_space<hbm>>)
      tpu.yield
    }) : () -> ()
    return
  }
}

#map = affine_map<(d0, d1) -> (0, 0)>
#map1 = affine_map<(d0, d1) -> (0, 0, 0)>
module attributes {stable_mosaic.version = 14 : i64} {
  func.func @agg(%arg0: i32, %arg1: i32, %arg2: memref<10000x128xf32, #tpu.memory_space<hbm>>, %arg3: memref<5160x64xi32, #tpu.memory_space<hbm>>, %arg4: memref<5160x64xi32, #tpu.memory_space<hbm>>, %arg5: memref<10112x128xf32, #tpu.memory_space<hbm>>, %arg6: memref<2x10112x128xf32, #tpu.memory_space<hbm>>, %arg7: memref<10112x128xf32, #tpu.memory_space<vmem_shared>>, %arg8: memref<64x64xi32, #tpu.memory_space<vmem>>, %arg9: memref<64x64xi32, #tpu.memory_space<vmem>>, %arg10: memref<64x128xf32, #tpu.memory_space<vmem>>, %arg11: memref<64x128xf32, #tpu.memory_space<vmem>>, %arg12: memref<64x128xf32, #tpu.memory_space<vmem>>, %arg13: memref<64x128xf32, #tpu.memory_space<vmem>>, %arg14: memref<!tpu.dma_semaphore, #tpu.memory_space<semaphore_mem>>, %arg15: memref<!tpu.dma_semaphore, #tpu.memory_space<semaphore_mem>>, %arg16: memref<!tpu.dma_semaphore, #tpu.memory_space<semaphore_mem>>, %arg17: memref<!tpu.dma_semaphore, #tpu.memory_space<semaphore_mem>>, %arg18: memref<!tpu.dma_semaphore, #tpu.memory_space<semaphore_mem>>, %arg19: memref<!tpu.dma_semaphore, #tpu.memory_space<semaphore_mem>>, %arg20: memref<!tpu.dma_semaphore, #tpu.memory_space<semaphore_mem>>, %arg21: memref<!tpu.dma_semaphore, #tpu.memory_space<semaphore_mem>>) attributes {dimension_semantics = [#tpu.dimension_semantics<core_parallel>, #tpu.dimension_semantics<subcore_parallel>], iteration_bounds = array<i64: 2, 16>, scalar_prefetch = 0 : i64, scratch_operands = 15 : i64, tpu.core_type = #tpu.core_type<sc_vector_subcore>, window_params = [{transform_indices = #map}, {transform_indices = #map}, {transform_indices = #map}, {transform_indices = #map}, {transform_indices = #map1}]} {
    %mul3A = arith.constant 632 : i32
    %mul3A_0 = arith.muli %arg1, %mul3A : i32
    %mul3A_1 = arith.constant 632 : i32
    %mul3A_2 = arith.muli %arg1, %mul3A_1 : i32
    "tpu.region"() ({
      %run_scoped3A = tpu.sem_alloc : memref<!tpu.dma_semaphore, #tpu.memory_space<semaphore_mem>>
      %dma_start3A_207 = arith.constant 0 : i32
      %dma_start3A_208 = tpu.memref_slice %arg7[%mul3A_2, %dma_start3A_207] : memref<10112x128xf32, #tpu.memory_space<vmem_shared>> -> memref<632x128xf32, #tpu.memory_space<vmem_shared>>
      %dma_start3A_209 = arith.constant 0 : i32
      %dma_start3A_210 = tpu.memref_slice %arg5[%mul3A_0, %dma_start3A_209] : memref<10112x128xf32, #tpu.memory_space<hbm>> -> memref<632x128xf32, #tpu.memory_space<hbm>>
      tpu.enqueue_dma source(%dma_start3A_210 : memref<632x128xf32, #tpu.memory_space<hbm>>) target(%dma_start3A_208 : memref<632x128xf32, #tpu.memory_space<vmem_shared>>) target_semaphore(%run_scoped3A : memref<!tpu.dma_semaphore, #tpu.memory_space<semaphore_mem>>)
      %dma_wait3A_211 = arith.constant 0 : i32
      %dma_wait3A_212 = tpu.memref_slice %arg7[%mul3A_2, %dma_wait3A_211] : memref<10112x128xf32, #tpu.memory_space<vmem_shared>> -> memref<632x128xf32, #tpu.memory_space<vmem_shared>>
      %dma_wait3A_213 = arith.constant 0 : i32
      %dma_wait3A_214 = tpu.memref_slice %arg5[%mul3A_0, %dma_wait3A_213] : memref<10112x128xf32, #tpu.memory_space<hbm>> -> memref<632x128xf32, #tpu.memory_space<hbm>>
      tpu.wait_dma2 semaphore(%run_scoped3A : memref<!tpu.dma_semaphore, #tpu.memory_space<semaphore_mem>>) src(%dma_wait3A_214 : memref<632x128xf32, #tpu.memory_space<hbm>>) dst(%dma_wait3A_212 : memref<632x128xf32, #tpu.memory_space<vmem_shared>>)
      tpu.yield
    }) : () -> ()
    %mul3A_3 = arith.constant 320 : i32
    %mul3A_4 = arith.muli %arg1, %mul3A_3 : i32
    %mul3A_5 = arith.constant 168 : i32
    %mul3A_6 = arith.muli %arg0, %mul3A_5 : i32
    %add3A = arith.addi %mul3A_4, %mul3A_6 : i32
    %barrier3A = arith.constant 0 : index
    tpu.barrier barrier_id(%barrier3A)
    %add3A_7 = arith.constant 0 : i32
    %add3A_8 = arith.addi %add3A, %add3A_7 : i32
    "tpu.region"() ({
      %run_scoped3A = tpu.sem_alloc : memref<!tpu.dma_semaphore, #tpu.memory_space<semaphore_mem>>
      %dma_start3A_207 = arith.constant 0 : i32
      %dma_start3A_208 = tpu.memref_slice %arg3[%add3A_8, %dma_start3A_207] : memref<5160x64xi32, #tpu.memory_space<hbm>> -> memref<64x64xi32, #tpu.memory_space<hbm>>
      %dma_start3A_209 = arith.constant 0 : i32
      %dma_start3A_210 = tpu.memref_slice %arg3[%add3A_8, %dma_start3A_209] : memref<5160x64xi32, #tpu.memory_space<hbm>> -> memref<64x64xi32, #tpu.memory_space<hbm>>
      tpu.enqueue_dma source(%dma_start3A_210 : memref<64x64xi32, #tpu.memory_space<hbm>>) target(%arg8 : memref<64x64xi32, #tpu.memory_space<vmem>>) target_semaphore(%run_scoped3A : memref<!tpu.dma_semaphore, #tpu.memory_space<semaphore_mem>>)
      %dma_wait3A_211 = arith.constant 0 : i32
      %dma_wait3A_212 = tpu.memref_slice %arg3[%add3A_8, %dma_wait3A_211] : memref<5160x64xi32, #tpu.memory_space<hbm>> -> memref<64x64xi32, #tpu.memory_space<hbm>>
      %dma_wait3A_213 = arith.constant 0 : i32
      %dma_wait3A_214 = tpu.memref_slice %arg3[%add3A_8, %dma_wait3A_213] : memref<5160x64xi32, #tpu.memory_space<hbm>> -> memref<64x64xi32, #tpu.memory_space<hbm>>
      tpu.wait_dma2 semaphore(%run_scoped3A : memref<!tpu.dma_semaphore, #tpu.memory_space<semaphore_mem>>) src(%dma_wait3A_214 : memref<64x64xi32, #tpu.memory_space<hbm>>) dst(%arg8 : memref<64x64xi32, #tpu.memory_space<vmem>>)
      tpu.yield
    }) : () -> ()
    "tpu.region"() ({
      %run_scoped3A = tpu.sem_alloc : memref<!tpu.dma_semaphore, #tpu.memory_space<semaphore_mem>>
      %dma_start3A_207 = arith.constant 0 : i32
      %dma_start3A_208 = tpu.memref_slice %arg4[%add3A_8, %dma_start3A_207] : memref<5160x64xi32, #tpu.memory_space<hbm>> -> memref<64x64xi32, #tpu.memory_space<hbm>>
      %dma_start3A_209 = arith.constant 0 : i32
      %dma_start3A_210 = tpu.memref_slice %arg4[%add3A_8, %dma_start3A_209] : memref<5160x64xi32, #tpu.memory_space<hbm>> -> memref<64x64xi32, #tpu.memory_space<hbm>>
      tpu.enqueue_dma source(%dma_start3A_210 : memref<64x64xi32, #tpu.memory_space<hbm>>) target(%arg9 : memref<64x64xi32, #tpu.memory_space<vmem>>) target_semaphore(%run_scoped3A : memref<!tpu.dma_semaphore, #tpu.memory_space<semaphore_mem>>)
      %dma_wait3A_211 = arith.constant 0 : i32
      %dma_wait3A_212 = tpu.memref_slice %arg4[%add3A_8, %dma_wait3A_211] : memref<5160x64xi32, #tpu.memory_space<hbm>> -> memref<64x64xi32, #tpu.memory_space<hbm>>
      %dma_wait3A_213 = arith.constant 0 : i32
      %dma_wait3A_214 = tpu.memref_slice %arg4[%add3A_8, %dma_wait3A_213] : memref<5160x64xi32, #tpu.memory_space<hbm>> -> memref<64x64xi32, #tpu.memory_space<hbm>>
      tpu.wait_dma2 semaphore(%run_scoped3A : memref<!tpu.dma_semaphore, #tpu.memory_space<semaphore_mem>>) src(%dma_wait3A_214 : memref<64x64xi32, #tpu.memory_space<hbm>>) dst(%arg9 : memref<64x64xi32, #tpu.memory_space<vmem>>)
      tpu.yield
    }) : () -> ()
    %dma_start3A = arith.constant 0 : i32
    %dma_start3A_9 = arith.constant 0 : i32
    %dma_start3A_10 = tpu.memref_slice %arg8[%dma_start3A, %dma_start3A_9] : memref<64x64xi32, #tpu.memory_space<vmem>> -> memref<1x64xi32, #tpu.memory_space<vmem>>
    %dma_start3A_11 = tpu.memref_squeeze %dma_start3A_10 : memref<1x64xi32, #tpu.memory_space<vmem>> -> memref<64xi32, #tpu.memory_space<vmem>>
    %dma_start3A_12 = arith.constant 0 : i32
    %dma_start3A_13 = arith.constant 0 : i32
    %dma_start3A_14 = tpu.memref_slice %arg2[%dma_start3A_12, %dma_start3A_13] : memref<10000x128xf32, #tpu.memory_space<hbm>> -> memref<10000x128xf32, #tpu.memory_space<hbm>>
    tpu.enqueue_indirect_dma source(%dma_start3A_14 : memref<10000x128xf32, #tpu.memory_space<hbm>>) target(%arg10 : memref<64x128xf32, #tpu.memory_space<vmem>>) offsets(%dma_start3A_11 : memref<64xi32, #tpu.memory_space<vmem>>) semaphore(%arg14 : memref<!tpu.dma_semaphore, #tpu.memory_space<semaphore_mem>>)
    %dma_start3A_15 = arith.constant 1 : i32
    %dma_start3A_16 = arith.constant 0 : i32
    %dma_start3A_17 = tpu.memref_slice %arg8[%dma_start3A_15, %dma_start3A_16] : memref<64x64xi32, #tpu.memory_space<vmem>> -> memref<1x64xi32, #tpu.memory_space<vmem>>
    %dma_start3A_18 = tpu.memref_squeeze %dma_start3A_17 : memref<1x64xi32, #tpu.memory_space<vmem>> -> memref<64xi32, #tpu.memory_space<vmem>>
    %dma_start3A_19 = arith.constant 0 : i32
    %dma_start3A_20 = arith.constant 0 : i32
    %dma_start3A_21 = tpu.memref_slice %arg2[%dma_start3A_19, %dma_start3A_20] : memref<10000x128xf32, #tpu.memory_space<hbm>> -> memref<10000x128xf32, #tpu.memory_space<hbm>>
    tpu.enqueue_indirect_dma source(%dma_start3A_21 : memref<10000x128xf32, #tpu.memory_space<hbm>>) target(%arg11 : memref<64x128xf32, #tpu.memory_space<vmem>>) offsets(%dma_start3A_18 : memref<64xi32, #tpu.memory_space<vmem>>) semaphore(%arg15 : memref<!tpu.dma_semaphore, #tpu.memory_space<semaphore_mem>>)
    %dma_start3A_22 = arith.constant 2 : i32
    %dma_start3A_23 = arith.constant 0 : i32
    %dma_start3A_24 = tpu.memref_slice %arg8[%dma_start3A_22, %dma_start3A_23] : memref<64x64xi32, #tpu.memory_space<vmem>> -> memref<1x64xi32, #tpu.memory_space<vmem>>
    %dma_start3A_25 = tpu.memref_squeeze %dma_start3A_24 : memref<1x64xi32, #tpu.memory_space<vmem>> -> memref<64xi32, #tpu.memory_space<vmem>>
    %dma_start3A_26 = arith.constant 0 : i32
    %dma_start3A_27 = arith.constant 0 : i32
    %dma_start3A_28 = tpu.memref_slice %arg2[%dma_start3A_26, %dma_start3A_27] : memref<10000x128xf32, #tpu.memory_space<hbm>> -> memref<10000x128xf32, #tpu.memory_space<hbm>>
    tpu.enqueue_indirect_dma source(%dma_start3A_28 : memref<10000x128xf32, #tpu.memory_space<hbm>>) target(%arg12 : memref<64x128xf32, #tpu.memory_space<vmem>>) offsets(%dma_start3A_25 : memref<64xi32, #tpu.memory_space<vmem>>) semaphore(%arg16 : memref<!tpu.dma_semaphore, #tpu.memory_space<semaphore_mem>>)
    %dma_start3A_29 = arith.constant 3 : i32
    %dma_start3A_30 = arith.constant 0 : i32
    %dma_start3A_31 = tpu.memref_slice %arg8[%dma_start3A_29, %dma_start3A_30] : memref<64x64xi32, #tpu.memory_space<vmem>> -> memref<1x64xi32, #tpu.memory_space<vmem>>
    %dma_start3A_32 = tpu.memref_squeeze %dma_start3A_31 : memref<1x64xi32, #tpu.memory_space<vmem>> -> memref<64xi32, #tpu.memory_space<vmem>>
    %dma_start3A_33 = arith.constant 0 : i32
    %dma_start3A_34 = arith.constant 0 : i32
    %dma_start3A_35 = tpu.memref_slice %arg2[%dma_start3A_33, %dma_start3A_34] : memref<10000x128xf32, #tpu.memory_space<hbm>> -> memref<10000x128xf32, #tpu.memory_space<hbm>>
    tpu.enqueue_indirect_dma source(%dma_start3A_35 : memref<10000x128xf32, #tpu.memory_space<hbm>>) target(%arg13 : memref<64x128xf32, #tpu.memory_space<vmem>>) offsets(%dma_start3A_32 : memref<64xi32, #tpu.memory_space<vmem>>) semaphore(%arg17 : memref<!tpu.dma_semaphore, #tpu.memory_space<semaphore_mem>>)
    %scan3A = arith.constant 0 : i32
    %scan3A_36 = arith.constant 0 : i32
    %scan3A_37 = arith.constant 16 : i32
    %scan3A_38 = arith.addi %scan3A_36, %scan3A_37 : i32
    %scan3A_39 = arith.constant 1 : i32
    scf.for %scan3A_207 = %scan3A_36 to %scan3A_38 step %scan3A_39  : i32 {
      %mul3A_208 = arith.constant 4 : i32
      %mul3A_209 = arith.muli %scan3A_207, %mul3A_208 : i32
      %add3A_210 = arith.constant 0 : i32
      %add3A_211 = arith.addi %mul3A_209, %add3A_210 : i32
      %dma_wait3A_212 = arith.constant 0 : i32
      %dma_wait3A_213 = tpu.memref_slice %arg8[%add3A_211, %dma_wait3A_212] : memref<64x64xi32, #tpu.memory_space<vmem>> -> memref<1x64xi32, #tpu.memory_space<vmem>>
      %dma_wait3A_214 = tpu.memref_squeeze %dma_wait3A_213 : memref<1x64xi32, #tpu.memory_space<vmem>> -> memref<64xi32, #tpu.memory_space<vmem>>
      %dma_wait3A_215 = arith.constant 0 : i32
      %dma_wait3A_216 = arith.constant 0 : i32
      %dma_wait3A_217 = tpu.memref_slice %arg2[%dma_wait3A_215, %dma_wait3A_216] : memref<10000x128xf32, #tpu.memory_space<hbm>> -> memref<10000x128xf32, #tpu.memory_space<hbm>>
      tpu.wait_indirect_dma semaphore(%arg14 : memref<!tpu.dma_semaphore, #tpu.memory_space<semaphore_mem>>) src(%dma_wait3A_217 : memref<10000x128xf32, #tpu.memory_space<hbm>>) dst(%arg10 : memref<64x128xf32, #tpu.memory_space<vmem>>)
      %add3A_218 = arith.constant 0 : i32
      %add3A_219 = arith.addi %mul3A_209, %add3A_218 : i32
      %dma_start3A_220 = arith.constant 0 : i32
      %dma_start3A_221 = tpu.memref_slice %arg9[%add3A_219, %dma_start3A_220] : memref<64x64xi32, #tpu.memory_space<vmem>> -> memref<1x64xi32, #tpu.memory_space<vmem>>
      %dma_start3A_222 = tpu.memref_squeeze %dma_start3A_221 : memref<1x64xi32, #tpu.memory_space<vmem>> -> memref<64xi32, #tpu.memory_space<vmem>>
      %dma_start3A_223 = arith.constant 0 : i32
      %dma_start3A_224 = arith.constant 0 : i32
      %dma_start3A_225 = tpu.memref_slice %arg7[%dma_start3A_223, %dma_start3A_224] : memref<10112x128xf32, #tpu.memory_space<vmem_shared>> -> memref<10112x128xf32, #tpu.memory_space<vmem_shared>>
      tpu.enqueue_indirect_dma source(%arg10 : memref<64x128xf32, #tpu.memory_space<vmem>>) target(%dma_start3A_225 : memref<10112x128xf32, #tpu.memory_space<vmem_shared>>) offsets(%dma_start3A_222 : memref<64xi32, #tpu.memory_space<vmem>>) semaphore(%arg18 : memref<!tpu.dma_semaphore, #tpu.memory_space<semaphore_mem>>) {add = true}
      %add3A_226 = arith.constant 1 : i32
      %add3A_227 = arith.addi %mul3A_209, %add3A_226 : i32
      %dma_wait3A_228 = arith.constant 0 : i32
      %dma_wait3A_229 = tpu.memref_slice %arg8[%add3A_227, %dma_wait3A_228] : memref<64x64xi32, #tpu.memory_space<vmem>> -> memref<1x64xi32, #tpu.memory_space<vmem>>
      %dma_wait3A_230 = tpu.memref_squeeze %dma_wait3A_229 : memref<1x64xi32, #tpu.memory_space<vmem>> -> memref<64xi32, #tpu.memory_space<vmem>>
      %dma_wait3A_231 = arith.constant 0 : i32
      %dma_wait3A_232 = arith.constant 0 : i32
      %dma_wait3A_233 = tpu.memref_slice %arg2[%dma_wait3A_231, %dma_wait3A_232] : memref<10000x128xf32, #tpu.memory_space<hbm>> -> memref<10000x128xf32, #tpu.memory_space<hbm>>
      tpu.wait_indirect_dma semaphore(%arg15 : memref<!tpu.dma_semaphore, #tpu.memory_space<semaphore_mem>>) src(%dma_wait3A_233 : memref<10000x128xf32, #tpu.memory_space<hbm>>) dst(%arg11 : memref<64x128xf32, #tpu.memory_space<vmem>>)
      %add3A_234 = arith.constant 1 : i32
      %add3A_235 = arith.addi %mul3A_209, %add3A_234 : i32
      %dma_start3A_236 = arith.constant 0 : i32
      %dma_start3A_237 = tpu.memref_slice %arg9[%add3A_235, %dma_start3A_236] : memref<64x64xi32, #tpu.memory_space<vmem>> -> memref<1x64xi32, #tpu.memory_space<vmem>>
      %dma_start3A_238 = tpu.memref_squeeze %dma_start3A_237 : memref<1x64xi32, #tpu.memory_space<vmem>> -> memref<64xi32, #tpu.memory_space<vmem>>
      %dma_start3A_239 = arith.constant 0 : i32
      %dma_start3A_240 = arith.constant 0 : i32
      %dma_start3A_241 = tpu.memref_slice %arg7[%dma_start3A_239, %dma_start3A_240] : memref<10112x128xf32, #tpu.memory_space<vmem_shared>> -> memref<10112x128xf32, #tpu.memory_space<vmem_shared>>
      tpu.enqueue_indirect_dma source(%arg11 : memref<64x128xf32, #tpu.memory_space<vmem>>) target(%dma_start3A_241 : memref<10112x128xf32, #tpu.memory_space<vmem_shared>>) offsets(%dma_start3A_238 : memref<64xi32, #tpu.memory_space<vmem>>) semaphore(%arg19 : memref<!tpu.dma_semaphore, #tpu.memory_space<semaphore_mem>>) {add = true}
      %add3A_242 = arith.constant 2 : i32
      %add3A_243 = arith.addi %mul3A_209, %add3A_242 : i32
      %dma_wait3A_244 = arith.constant 0 : i32
      %dma_wait3A_245 = tpu.memref_slice %arg8[%add3A_243, %dma_wait3A_244] : memref<64x64xi32, #tpu.memory_space<vmem>> -> memref<1x64xi32, #tpu.memory_space<vmem>>
      %dma_wait3A_246 = tpu.memref_squeeze %dma_wait3A_245 : memref<1x64xi32, #tpu.memory_space<vmem>> -> memref<64xi32, #tpu.memory_space<vmem>>
      %dma_wait3A_247 = arith.constant 0 : i32
      %dma_wait3A_248 = arith.constant 0 : i32
      %dma_wait3A_249 = tpu.memref_slice %arg2[%dma_wait3A_247, %dma_wait3A_248] : memref<10000x128xf32, #tpu.memory_space<hbm>> -> memref<10000x128xf32, #tpu.memory_space<hbm>>
      tpu.wait_indirect_dma semaphore(%arg16 : memref<!tpu.dma_semaphore, #tpu.memory_space<semaphore_mem>>) src(%dma_wait3A_249 : memref<10000x128xf32, #tpu.memory_space<hbm>>) dst(%arg12 : memref<64x128xf32, #tpu.memory_space<vmem>>)
      %add3A_250 = arith.constant 2 : i32
      %add3A_251 = arith.addi %mul3A_209, %add3A_250 : i32
      %dma_start3A_252 = arith.constant 0 : i32
      %dma_start3A_253 = tpu.memref_slice %arg9[%add3A_251, %dma_start3A_252] : memref<64x64xi32, #tpu.memory_space<vmem>> -> memref<1x64xi32, #tpu.memory_space<vmem>>
      %dma_start3A_254 = tpu.memref_squeeze %dma_start3A_253 : memref<1x64xi32, #tpu.memory_space<vmem>> -> memref<64xi32, #tpu.memory_space<vmem>>
      %dma_start3A_255 = arith.constant 0 : i32
      %dma_start3A_256 = arith.constant 0 : i32
      %dma_start3A_257 = tpu.memref_slice %arg7[%dma_start3A_255, %dma_start3A_256] : memref<10112x128xf32, #tpu.memory_space<vmem_shared>> -> memref<10112x128xf32, #tpu.memory_space<vmem_shared>>
      tpu.enqueue_indirect_dma source(%arg12 : memref<64x128xf32, #tpu.memory_space<vmem>>) target(%dma_start3A_257 : memref<10112x128xf32, #tpu.memory_space<vmem_shared>>) offsets(%dma_start3A_254 : memref<64xi32, #tpu.memory_space<vmem>>) semaphore(%arg20 : memref<!tpu.dma_semaphore, #tpu.memory_space<semaphore_mem>>) {add = true}
      %add3A_258 = arith.constant 3 : i32
      %add3A_259 = arith.addi %mul3A_209, %add3A_258 : i32
      %dma_wait3A_260 = arith.constant 0 : i32
      %dma_wait3A_261 = tpu.memref_slice %arg8[%add3A_259, %dma_wait3A_260] : memref<64x64xi32, #tpu.memory_space<vmem>> -> memref<1x64xi32, #tpu.memory_space<vmem>>
      %dma_wait3A_262 = tpu.memref_squeeze %dma_wait3A_261 : memref<1x64xi32, #tpu.memory_space<vmem>> -> memref<64xi32, #tpu.memory_space<vmem>>
      %dma_wait3A_263 = arith.constant 0 : i32
      %dma_wait3A_264 = arith.constant 0 : i32
      %dma_wait3A_265 = tpu.memref_slice %arg2[%dma_wait3A_263, %dma_wait3A_264] : memref<10000x128xf32, #tpu.memory_space<hbm>> -> memref<10000x128xf32, #tpu.memory_space<hbm>>
      tpu.wait_indirect_dma semaphore(%arg17 : memref<!tpu.dma_semaphore, #tpu.memory_space<semaphore_mem>>) src(%dma_wait3A_265 : memref<10000x128xf32, #tpu.memory_space<hbm>>) dst(%arg13 : memref<64x128xf32, #tpu.memory_space<vmem>>)
      %add3A_266 = arith.constant 3 : i32
      %add3A_267 = arith.addi %mul3A_209, %add3A_266 : i32
      %dma_start3A_268 = arith.constant 0 : i32
      %dma_start3A_269 = tpu.memref_slice %arg9[%add3A_267, %dma_start3A_268] : memref<64x64xi32, #tpu.memory_space<vmem>> -> memref<1x64xi32, #tpu.memory_space<vmem>>
      %dma_start3A_270 = tpu.memref_squeeze %dma_start3A_269 : memref<1x64xi32, #tpu.memory_space<vmem>> -> memref<64xi32, #tpu.memory_space<vmem>>
      %dma_start3A_271 = arith.constant 0 : i32
      %dma_start3A_272 = arith.constant 0 : i32
      %dma_start3A_273 = tpu.memref_slice %arg7[%dma_start3A_271, %dma_start3A_272] : memref<10112x128xf32, #tpu.memory_space<vmem_shared>> -> memref<10112x128xf32, #tpu.memory_space<vmem_shared>>
      tpu.enqueue_indirect_dma source(%arg13 : memref<64x128xf32, #tpu.memory_space<vmem>>) target(%dma_start3A_273 : memref<10112x128xf32, #tpu.memory_space<vmem_shared>>) offsets(%dma_start3A_270 : memref<64xi32, #tpu.memory_space<vmem>>) semaphore(%arg21 : memref<!tpu.dma_semaphore, #tpu.memory_space<semaphore_mem>>) {add = true}
      %dma_wait3A_274 = arith.constant 0 : i32
      %dma_wait3A_275 = tpu.memref_slice %arg9[%add3A_219, %dma_wait3A_274] : memref<64x64xi32, #tpu.memory_space<vmem>> -> memref<1x64xi32, #tpu.memory_space<vmem>>
      %dma_wait3A_276 = tpu.memref_squeeze %dma_wait3A_275 : memref<1x64xi32, #tpu.memory_space<vmem>> -> memref<64xi32, #tpu.memory_space<vmem>>
      %dma_wait3A_277 = arith.constant 0 : i32
      %dma_wait3A_278 = arith.constant 0 : i32
      %dma_wait3A_279 = tpu.memref_slice %arg7[%dma_wait3A_277, %dma_wait3A_278] : memref<10112x128xf32, #tpu.memory_space<vmem_shared>> -> memref<10112x128xf32, #tpu.memory_space<vmem_shared>>
      tpu.wait_indirect_dma semaphore(%arg18 : memref<!tpu.dma_semaphore, #tpu.memory_space<semaphore_mem>>) src(%arg10 : memref<64x128xf32, #tpu.memory_space<vmem>>) dst(%dma_wait3A_279 : memref<10112x128xf32, #tpu.memory_space<vmem_shared>>)
      %add3A_280 = arith.constant 4 : i32
      %add3A_281 = arith.addi %mul3A_209, %add3A_280 : i32
      %add3A_282 = arith.constant 0 : i32
      %add3A_283 = arith.addi %add3A_281, %add3A_282 : i32
      %ge3A = arith.constant 64 : i32
      %ge3A_284 = arith.cmpi sge, %add3A_283, %ge3A : i32
      %sub3A = arith.constant 64 : i32
      %sub3A_285 = arith.subi %add3A_283, %sub3A : i32
      %select_n3A_286 = arith.select %ge3A_284, %sub3A_285, %add3A_283 : i32
      %dma_start3A_287 = arith.constant 0 : i32
      %dma_start3A_288 = tpu.memref_slice %arg8[%select_n3A_286, %dma_start3A_287] : memref<64x64xi32, #tpu.memory_space<vmem>> -> memref<1x64xi32, #tpu.memory_space<vmem>>
      %dma_start3A_289 = tpu.memref_squeeze %dma_start3A_288 : memref<1x64xi32, #tpu.memory_space<vmem>> -> memref<64xi32, #tpu.memory_space<vmem>>
      %dma_start3A_290 = arith.constant 0 : i32
      %dma_start3A_291 = arith.constant 0 : i32
      %dma_start3A_292 = tpu.memref_slice %arg2[%dma_start3A_290, %dma_start3A_291] : memref<10000x128xf32, #tpu.memory_space<hbm>> -> memref<10000x128xf32, #tpu.memory_space<hbm>>
      tpu.enqueue_indirect_dma source(%dma_start3A_292 : memref<10000x128xf32, #tpu.memory_space<hbm>>) target(%arg10 : memref<64x128xf32, #tpu.memory_space<vmem>>) offsets(%dma_start3A_289 : memref<64xi32, #tpu.memory_space<vmem>>) semaphore(%arg14 : memref<!tpu.dma_semaphore, #tpu.memory_space<semaphore_mem>>)
      %dma_wait3A_293 = arith.constant 0 : i32
      %dma_wait3A_294 = tpu.memref_slice %arg9[%add3A_235, %dma_wait3A_293] : memref<64x64xi32, #tpu.memory_space<vmem>> -> memref<1x64xi32, #tpu.memory_space<vmem>>
      %dma_wait3A_295 = tpu.memref_squeeze %dma_wait3A_294 : memref<1x64xi32, #tpu.memory_space<vmem>> -> memref<64xi32, #tpu.memory_space<vmem>>
      %dma_wait3A_296 = arith.constant 0 : i32
      %dma_wait3A_297 = arith.constant 0 : i32
      %dma_wait3A_298 = tpu.memref_slice %arg7[%dma_wait3A_296, %dma_wait3A_297] : memref<10112x128xf32, #tpu.memory_space<vmem_shared>> -> memref<10112x128xf32, #tpu.memory_space<vmem_shared>>
      tpu.wait_indirect_dma semaphore(%arg19 : memref<!tpu.dma_semaphore, #tpu.memory_space<semaphore_mem>>) src(%arg11 : memref<64x128xf32, #tpu.memory_space<vmem>>) dst(%dma_wait3A_298 : memref<10112x128xf32, #tpu.memory_space<vmem_shared>>)
      %add3A_299 = arith.constant 4 : i32
      %add3A_300 = arith.addi %mul3A_209, %add3A_299 : i32
      %add3A_301 = arith.constant 1 : i32
      %add3A_302 = arith.addi %add3A_300, %add3A_301 : i32
      %ge3A_303 = arith.constant 64 : i32
      %ge3A_304 = arith.cmpi sge, %add3A_302, %ge3A_303 : i32
      %sub3A_305 = arith.constant 64 : i32
      %sub3A_306 = arith.subi %add3A_302, %sub3A_305 : i32
      %select_n3A_307 = arith.select %ge3A_304, %sub3A_306, %add3A_302 : i32
      %dma_start3A_308 = arith.constant 0 : i32
      %dma_start3A_309 = tpu.memref_slice %arg8[%select_n3A_307, %dma_start3A_308] : memref<64x64xi32, #tpu.memory_space<vmem>> -> memref<1x64xi32, #tpu.memory_space<vmem>>
      %dma_start3A_310 = tpu.memref_squeeze %dma_start3A_309 : memref<1x64xi32, #tpu.memory_space<vmem>> -> memref<64xi32, #tpu.memory_space<vmem>>
      %dma_start3A_311 = arith.constant 0 : i32
      %dma_start3A_312 = arith.constant 0 : i32
      %dma_start3A_313 = tpu.memref_slice %arg2[%dma_start3A_311, %dma_start3A_312] : memref<10000x128xf32, #tpu.memory_space<hbm>> -> memref<10000x128xf32, #tpu.memory_space<hbm>>
      tpu.enqueue_indirect_dma source(%dma_start3A_313 : memref<10000x128xf32, #tpu.memory_space<hbm>>) target(%arg11 : memref<64x128xf32, #tpu.memory_space<vmem>>) offsets(%dma_start3A_310 : memref<64xi32, #tpu.memory_space<vmem>>) semaphore(%arg15 : memref<!tpu.dma_semaphore, #tpu.memory_space<semaphore_mem>>)
      %dma_wait3A_314 = arith.constant 0 : i32
      %dma_wait3A_315 = tpu.memref_slice %arg9[%add3A_251, %dma_wait3A_314] : memref<64x64xi32, #tpu.memory_space<vmem>> -> memref<1x64xi32, #tpu.memory_space<vmem>>
      %dma_wait3A_316 = tpu.memref_squeeze %dma_wait3A_315 : memref<1x64xi32, #tpu.memory_space<vmem>> -> memref<64xi32, #tpu.memory_space<vmem>>
      %dma_wait3A_317 = arith.constant 0 : i32
      %dma_wait3A_318 = arith.constant 0 : i32
      %dma_wait3A_319 = tpu.memref_slice %arg7[%dma_wait3A_317, %dma_wait3A_318] : memref<10112x128xf32, #tpu.memory_space<vmem_shared>> -> memref<10112x128xf32, #tpu.memory_space<vmem_shared>>
      tpu.wait_indirect_dma semaphore(%arg20 : memref<!tpu.dma_semaphore, #tpu.memory_space<semaphore_mem>>) src(%arg12 : memref<64x128xf32, #tpu.memory_space<vmem>>) dst(%dma_wait3A_319 : memref<10112x128xf32, #tpu.memory_space<vmem_shared>>)
      %add3A_320 = arith.constant 4 : i32
      %add3A_321 = arith.addi %mul3A_209, %add3A_320 : i32
      %add3A_322 = arith.constant 2 : i32
      %add3A_323 = arith.addi %add3A_321, %add3A_322 : i32
      %ge3A_324 = arith.constant 64 : i32
      %ge3A_325 = arith.cmpi sge, %add3A_323, %ge3A_324 : i32
      %sub3A_326 = arith.constant 64 : i32
      %sub3A_327 = arith.subi %add3A_323, %sub3A_326 : i32
      %select_n3A_328 = arith.select %ge3A_325, %sub3A_327, %add3A_323 : i32
      %dma_start3A_329 = arith.constant 0 : i32
      %dma_start3A_330 = tpu.memref_slice %arg8[%select_n3A_328, %dma_start3A_329] : memref<64x64xi32, #tpu.memory_space<vmem>> -> memref<1x64xi32, #tpu.memory_space<vmem>>
      %dma_start3A_331 = tpu.memref_squeeze %dma_start3A_330 : memref<1x64xi32, #tpu.memory_space<vmem>> -> memref<64xi32, #tpu.memory_space<vmem>>
      %dma_start3A_332 = arith.constant 0 : i32
      %dma_start3A_333 = arith.constant 0 : i32
      %dma_start3A_334 = tpu.memref_slice %arg2[%dma_start3A_332, %dma_start3A_333] : memref<10000x128xf32, #tpu.memory_space<hbm>> -> memref<10000x128xf32, #tpu.memory_space<hbm>>
      tpu.enqueue_indirect_dma source(%dma_start3A_334 : memref<10000x128xf32, #tpu.memory_space<hbm>>) target(%arg12 : memref<64x128xf32, #tpu.memory_space<vmem>>) offsets(%dma_start3A_331 : memref<64xi32, #tpu.memory_space<vmem>>) semaphore(%arg16 : memref<!tpu.dma_semaphore, #tpu.memory_space<semaphore_mem>>)
      %dma_wait3A_335 = arith.constant 0 : i32
      %dma_wait3A_336 = tpu.memref_slice %arg9[%add3A_267, %dma_wait3A_335] : memref<64x64xi32, #tpu.memory_space<vmem>> -> memref<1x64xi32, #tpu.memory_space<vmem>>
      %dma_wait3A_337 = tpu.memref_squeeze %dma_wait3A_336 : memref<1x64xi32, #tpu.memory_space<vmem>> -> memref<64xi32, #tpu.memory_space<vmem>>
      %dma_wait3A_338 = arith.constant 0 : i32
      %dma_wait3A_339 = arith.constant 0 : i32
      %dma_wait3A_340 = tpu.memref_slice %arg7[%dma_wait3A_338, %dma_wait3A_339] : memref<10112x128xf32, #tpu.memory_space<vmem_shared>> -> memref<10112x128xf32, #tpu.memory_space<vmem_shared>>
      tpu.wait_indirect_dma semaphore(%arg21 : memref<!tpu.dma_semaphore, #tpu.memory_space<semaphore_mem>>) src(%arg13 : memref<64x128xf32, #tpu.memory_space<vmem>>) dst(%dma_wait3A_340 : memref<10112x128xf32, #tpu.memory_space<vmem_shared>>)
      %add3A_341 = arith.constant 4 : i32
      %add3A_342 = arith.addi %mul3A_209, %add3A_341 : i32
      %add3A_343 = arith.constant 3 : i32
      %add3A_344 = arith.addi %add3A_342, %add3A_343 : i32
      %ge3A_345 = arith.constant 64 : i32
      %ge3A_346 = arith.cmpi sge, %add3A_344, %ge3A_345 : i32
      %sub3A_347 = arith.constant 64 : i32
      %sub3A_348 = arith.subi %add3A_344, %sub3A_347 : i32
      %select_n3A_349 = arith.select %ge3A_346, %sub3A_348, %add3A_344 : i32
      %dma_start3A_350 = arith.constant 0 : i32
      %dma_start3A_351 = tpu.memref_slice %arg8[%select_n3A_349, %dma_start3A_350] : memref<64x64xi32, #tpu.memory_space<vmem>> -> memref<1x64xi32, #tpu.memory_space<vmem>>
      %dma_start3A_352 = tpu.memref_squeeze %dma_start3A_351 : memref<1x64xi32, #tpu.memory_space<vmem>> -> memref<64xi32, #tpu.memory_space<vmem>>
      %dma_start3A_353 = arith.constant 0 : i32
      %dma_start3A_354 = arith.constant 0 : i32
      %dma_start3A_355 = tpu.memref_slice %arg2[%dma_start3A_353, %dma_start3A_354] : memref<10000x128xf32, #tpu.memory_space<hbm>> -> memref<10000x128xf32, #tpu.memory_space<hbm>>
      tpu.enqueue_indirect_dma source(%dma_start3A_355 : memref<10000x128xf32, #tpu.memory_space<hbm>>) target(%arg13 : memref<64x128xf32, #tpu.memory_space<vmem>>) offsets(%dma_start3A_352 : memref<64xi32, #tpu.memory_space<vmem>>) semaphore(%arg17 : memref<!tpu.dma_semaphore, #tpu.memory_space<semaphore_mem>>)
    }
    %scan3A_40 = arith.constant 16 : i32
    %dma_wait3A = arith.constant 0 : i32
    %dma_wait3A_41 = arith.constant 0 : i32
    %dma_wait3A_42 = tpu.memref_slice %arg8[%dma_wait3A, %dma_wait3A_41] : memref<64x64xi32, #tpu.memory_space<vmem>> -> memref<1x64xi32, #tpu.memory_space<vmem>>
    %dma_wait3A_43 = tpu.memref_squeeze %dma_wait3A_42 : memref<1x64xi32, #tpu.memory_space<vmem>> -> memref<64xi32, #tpu.memory_space<vmem>>
    %dma_wait3A_44 = arith.constant 0 : i32
    %dma_wait3A_45 = arith.constant 0 : i32
    %dma_wait3A_46 = tpu.memref_slice %arg2[%dma_wait3A_44, %dma_wait3A_45] : memref<10000x128xf32, #tpu.memory_space<hbm>> -> memref<10000x128xf32, #tpu.memory_space<hbm>>
    tpu.wait_indirect_dma semaphore(%arg14 : memref<!tpu.dma_semaphore, #tpu.memory_space<semaphore_mem>>) src(%dma_wait3A_46 : memref<10000x128xf32, #tpu.memory_space<hbm>>) dst(%arg10 : memref<64x128xf32, #tpu.memory_space<vmem>>)
    %dma_wait3A_47 = arith.constant 0 : i32
    %dma_wait3A_48 = arith.constant 0 : i32
    %dma_wait3A_49 = tpu.memref_slice %arg8[%dma_wait3A_47, %dma_wait3A_48] : memref<64x64xi32, #tpu.memory_space<vmem>> -> memref<1x64xi32, #tpu.memory_space<vmem>>
    %dma_wait3A_50 = tpu.memref_squeeze %dma_wait3A_49 : memref<1x64xi32, #tpu.memory_space<vmem>> -> memref<64xi32, #tpu.memory_space<vmem>>
    %dma_wait3A_51 = arith.constant 0 : i32
    %dma_wait3A_52 = arith.constant 0 : i32
    %dma_wait3A_53 = tpu.memref_slice %arg2[%dma_wait3A_51, %dma_wait3A_52] : memref<10000x128xf32, #tpu.memory_space<hbm>> -> memref<10000x128xf32, #tpu.memory_space<hbm>>
    tpu.wait_indirect_dma semaphore(%arg15 : memref<!tpu.dma_semaphore, #tpu.memory_space<semaphore_mem>>) src(%dma_wait3A_53 : memref<10000x128xf32, #tpu.memory_space<hbm>>) dst(%arg11 : memref<64x128xf32, #tpu.memory_space<vmem>>)
    %dma_wait3A_54 = arith.constant 0 : i32
    %dma_wait3A_55 = arith.constant 0 : i32
    %dma_wait3A_56 = tpu.memref_slice %arg8[%dma_wait3A_54, %dma_wait3A_55] : memref<64x64xi32, #tpu.memory_space<vmem>> -> memref<1x64xi32, #tpu.memory_space<vmem>>
    %dma_wait3A_57 = tpu.memref_squeeze %dma_wait3A_56 : memref<1x64xi32, #tpu.memory_space<vmem>> -> memref<64xi32, #tpu.memory_space<vmem>>
    %dma_wait3A_58 = arith.constant 0 : i32
    %dma_wait3A_59 = arith.constant 0 : i32
    %dma_wait3A_60 = tpu.memref_slice %arg2[%dma_wait3A_58, %dma_wait3A_59] : memref<10000x128xf32, #tpu.memory_space<hbm>> -> memref<10000x128xf32, #tpu.memory_space<hbm>>
    tpu.wait_indirect_dma semaphore(%arg16 : memref<!tpu.dma_semaphore, #tpu.memory_space<semaphore_mem>>) src(%dma_wait3A_60 : memref<10000x128xf32, #tpu.memory_space<hbm>>) dst(%arg12 : memref<64x128xf32, #tpu.memory_space<vmem>>)
    %dma_wait3A_61 = arith.constant 0 : i32
    %dma_wait3A_62 = arith.constant 0 : i32
    %dma_wait3A_63 = tpu.memref_slice %arg8[%dma_wait3A_61, %dma_wait3A_62] : memref<64x64xi32, #tpu.memory_space<vmem>> -> memref<1x64xi32, #tpu.memory_space<vmem>>
    %dma_wait3A_64 = tpu.memref_squeeze %dma_wait3A_63 : memref<1x64xi32, #tpu.memory_space<vmem>> -> memref<64xi32, #tpu.memory_space<vmem>>
    %dma_wait3A_65 = arith.constant 0 : i32
    %dma_wait3A_66 = arith.constant 0 : i32
    %dma_wait3A_67 = tpu.memref_slice %arg2[%dma_wait3A_65, %dma_wait3A_66] : memref<10000x128xf32, #tpu.memory_space<hbm>> -> memref<10000x128xf32, #tpu.memory_space<hbm>>
    tpu.wait_indirect_dma semaphore(%arg17 : memref<!tpu.dma_semaphore, #tpu.memory_space<semaphore_mem>>) src(%dma_wait3A_67 : memref<10000x128xf32, #tpu.memory_space<hbm>>) dst(%arg13 : memref<64x128xf32, #tpu.memory_space<vmem>>)
    %add3A_68 = arith.constant 64 : i32
    %add3A_69 = arith.addi %add3A, %add3A_68 : i32
    "tpu.region"() ({
      %run_scoped3A = tpu.sem_alloc : memref<!tpu.dma_semaphore, #tpu.memory_space<semaphore_mem>>
      %dma_start3A_207 = arith.constant 0 : i32
      %dma_start3A_208 = tpu.memref_slice %arg3[%add3A_69, %dma_start3A_207] : memref<5160x64xi32, #tpu.memory_space<hbm>> -> memref<64x64xi32, #tpu.memory_space<hbm>>
      %dma_start3A_209 = arith.constant 0 : i32
      %dma_start3A_210 = tpu.memref_slice %arg3[%add3A_69, %dma_start3A_209] : memref<5160x64xi32, #tpu.memory_space<hbm>> -> memref<64x64xi32, #tpu.memory_space<hbm>>
      tpu.enqueue_dma source(%dma_start3A_210 : memref<64x64xi32, #tpu.memory_space<hbm>>) target(%arg8 : memref<64x64xi32, #tpu.memory_space<vmem>>) target_semaphore(%run_scoped3A : memref<!tpu.dma_semaphore, #tpu.memory_space<semaphore_mem>>)
      %dma_wait3A_211 = arith.constant 0 : i32
      %dma_wait3A_212 = tpu.memref_slice %arg3[%add3A_69, %dma_wait3A_211] : memref<5160x64xi32, #tpu.memory_space<hbm>> -> memref<64x64xi32, #tpu.memory_space<hbm>>
      %dma_wait3A_213 = arith.constant 0 : i32
      %dma_wait3A_214 = tpu.memref_slice %arg3[%add3A_69, %dma_wait3A_213] : memref<5160x64xi32, #tpu.memory_space<hbm>> -> memref<64x64xi32, #tpu.memory_space<hbm>>
      tpu.wait_dma2 semaphore(%run_scoped3A : memref<!tpu.dma_semaphore, #tpu.memory_space<semaphore_mem>>) src(%dma_wait3A_214 : memref<64x64xi32, #tpu.memory_space<hbm>>) dst(%arg8 : memref<64x64xi32, #tpu.memory_space<vmem>>)
      tpu.yield
    }) : () -> ()
    "tpu.region"() ({
      %run_scoped3A = tpu.sem_alloc : memref<!tpu.dma_semaphore, #tpu.memory_space<semaphore_mem>>
      %dma_start3A_207 = arith.constant 0 : i32
      %dma_start3A_208 = tpu.memref_slice %arg4[%add3A_69, %dma_start3A_207] : memref<5160x64xi32, #tpu.memory_space<hbm>> -> memref<64x64xi32, #tpu.memory_space<hbm>>
      %dma_start3A_209 = arith.constant 0 : i32
      %dma_start3A_210 = tpu.memref_slice %arg4[%add3A_69, %dma_start3A_209] : memref<5160x64xi32, #tpu.memory_space<hbm>> -> memref<64x64xi32, #tpu.memory_space<hbm>>
      tpu.enqueue_dma source(%dma_start3A_210 : memref<64x64xi32, #tpu.memory_space<hbm>>) target(%arg9 : memref<64x64xi32, #tpu.memory_space<vmem>>) target_semaphore(%run_scoped3A : memref<!tpu.dma_semaphore, #tpu.memory_space<semaphore_mem>>)
      %dma_wait3A_211 = arith.constant 0 : i32
      %dma_wait3A_212 = tpu.memref_slice %arg4[%add3A_69, %dma_wait3A_211] : memref<5160x64xi32, #tpu.memory_space<hbm>> -> memref<64x64xi32, #tpu.memory_space<hbm>>
      %dma_wait3A_213 = arith.constant 0 : i32
      %dma_wait3A_214 = tpu.memref_slice %arg4[%add3A_69, %dma_wait3A_213] : memref<5160x64xi32, #tpu.memory_space<hbm>> -> memref<64x64xi32, #tpu.memory_space<hbm>>
      tpu.wait_dma2 semaphore(%run_scoped3A : memref<!tpu.dma_semaphore, #tpu.memory_space<semaphore_mem>>) src(%dma_wait3A_214 : memref<64x64xi32, #tpu.memory_space<hbm>>) dst(%arg9 : memref<64x64xi32, #tpu.memory_space<vmem>>)
      tpu.yield
    }) : () -> ()
    %dma_start3A_70 = arith.constant 0 : i32
    %dma_start3A_71 = arith.constant 0 : i32
    %dma_start3A_72 = tpu.memref_slice %arg8[%dma_start3A_70, %dma_start3A_71] : memref<64x64xi32, #tpu.memory_space<vmem>> -> memref<1x64xi32, #tpu.memory_space<vmem>>
    %dma_start3A_73 = tpu.memref_squeeze %dma_start3A_72 : memref<1x64xi32, #tpu.memory_space<vmem>> -> memref<64xi32, #tpu.memory_space<vmem>>
    %dma_start3A_74 = arith.constant 0 : i32
    %dma_start3A_75 = arith.constant 0 : i32
    %dma_start3A_76 = tpu.memref_slice %arg2[%dma_start3A_74, %dma_start3A_75] : memref<10000x128xf32, #tpu.memory_space<hbm>> -> memref<10000x128xf32, #tpu.memory_space<hbm>>
    tpu.enqueue_indirect_dma source(%dma_start3A_76 : memref<10000x128xf32, #tpu.memory_space<hbm>>) target(%arg10 : memref<64x128xf32, #tpu.memory_space<vmem>>) offsets(%dma_start3A_73 : memref<64xi32, #tpu.memory_space<vmem>>) semaphore(%arg14 : memref<!tpu.dma_semaphore, #tpu.memory_space<semaphore_mem>>)
    %dma_start3A_77 = arith.constant 1 : i32
    %dma_start3A_78 = arith.constant 0 : i32
    %dma_start3A_79 = tpu.memref_slice %arg8[%dma_start3A_77, %dma_start3A_78] : memref<64x64xi32, #tpu.memory_space<vmem>> -> memref<1x64xi32, #tpu.memory_space<vmem>>
    %dma_start3A_80 = tpu.memref_squeeze %dma_start3A_79 : memref<1x64xi32, #tpu.memory_space<vmem>> -> memref<64xi32, #tpu.memory_space<vmem>>
    %dma_start3A_81 = arith.constant 0 : i32
    %dma_start3A_82 = arith.constant 0 : i32
    %dma_start3A_83 = tpu.memref_slice %arg2[%dma_start3A_81, %dma_start3A_82] : memref<10000x128xf32, #tpu.memory_space<hbm>> -> memref<10000x128xf32, #tpu.memory_space<hbm>>
    tpu.enqueue_indirect_dma source(%dma_start3A_83 : memref<10000x128xf32, #tpu.memory_space<hbm>>) target(%arg11 : memref<64x128xf32, #tpu.memory_space<vmem>>) offsets(%dma_start3A_80 : memref<64xi32, #tpu.memory_space<vmem>>) semaphore(%arg15 : memref<!tpu.dma_semaphore, #tpu.memory_space<semaphore_mem>>)
    %dma_start3A_84 = arith.constant 2 : i32
    %dma_start3A_85 = arith.constant 0 : i32
    %dma_start3A_86 = tpu.memref_slice %arg8[%dma_start3A_84, %dma_start3A_85] : memref<64x64xi32, #tpu.memory_space<vmem>> -> memref<1x64xi32, #tpu.memory_space<vmem>>
    %dma_start3A_87 = tpu.memref_squeeze %dma_start3A_86 : memref<1x64xi32, #tpu.memory_space<vmem>> -> memref<64xi32, #tpu.memory_space<vmem>>
    %dma_start3A_88 = arith.constant 0 : i32
    %dma_start3A_89 = arith.constant 0 : i32
    %dma_start3A_90 = tpu.memref_slice %arg2[%dma_start3A_88, %dma_start3A_89] : memref<10000x128xf32, #tpu.memory_space<hbm>> -> memref<10000x128xf32, #tpu.memory_space<hbm>>
    tpu.enqueue_indirect_dma source(%dma_start3A_90 : memref<10000x128xf32, #tpu.memory_space<hbm>>) target(%arg12 : memref<64x128xf32, #tpu.memory_space<vmem>>) offsets(%dma_start3A_87 : memref<64xi32, #tpu.memory_space<vmem>>) semaphore(%arg16 : memref<!tpu.dma_semaphore, #tpu.memory_space<semaphore_mem>>)
    %dma_start3A_91 = arith.constant 3 : i32
    %dma_start3A_92 = arith.constant 0 : i32
    %dma_start3A_93 = tpu.memref_slice %arg8[%dma_start3A_91, %dma_start3A_92] : memref<64x64xi32, #tpu.memory_space<vmem>> -> memref<1x64xi32, #tpu.memory_space<vmem>>
    %dma_start3A_94 = tpu.memref_squeeze %dma_start3A_93 : memref<1x64xi32, #tpu.memory_space<vmem>> -> memref<64xi32, #tpu.memory_space<vmem>>
    %dma_start3A_95 = arith.constant 0 : i32
    %dma_start3A_96 = arith.constant 0 : i32
    %dma_start3A_97 = tpu.memref_slice %arg2[%dma_start3A_95, %dma_start3A_96] : memref<10000x128xf32, #tpu.memory_space<hbm>> -> memref<10000x128xf32, #tpu.memory_space<hbm>>
    tpu.enqueue_indirect_dma source(%dma_start3A_97 : memref<10000x128xf32, #tpu.memory_space<hbm>>) target(%arg13 : memref<64x128xf32, #tpu.memory_space<vmem>>) offsets(%dma_start3A_94 : memref<64xi32, #tpu.memory_space<vmem>>) semaphore(%arg17 : memref<!tpu.dma_semaphore, #tpu.memory_space<semaphore_mem>>)
    %scan3A_98 = arith.constant 0 : i32
    %scan3A_99 = arith.constant 0 : i32
    %scan3A_100 = arith.constant 16 : i32
    %scan3A_101 = arith.addi %scan3A_99, %scan3A_100 : i32
    %scan3A_102 = arith.constant 1 : i32
    scf.for %scan3A_207 = %scan3A_99 to %scan3A_101 step %scan3A_102  : i32 {
      %mul3A_208 = arith.constant 4 : i32
      %mul3A_209 = arith.muli %scan3A_207, %mul3A_208 : i32
      %add3A_210 = arith.constant 0 : i32
      %add3A_211 = arith.addi %mul3A_209, %add3A_210 : i32
      %dma_wait3A_212 = arith.constant 0 : i32
      %dma_wait3A_213 = tpu.memref_slice %arg8[%add3A_211, %dma_wait3A_212] : memref<64x64xi32, #tpu.memory_space<vmem>> -> memref<1x64xi32, #tpu.memory_space<vmem>>
      %dma_wait3A_214 = tpu.memref_squeeze %dma_wait3A_213 : memref<1x64xi32, #tpu.memory_space<vmem>> -> memref<64xi32, #tpu.memory_space<vmem>>
      %dma_wait3A_215 = arith.constant 0 : i32
      %dma_wait3A_216 = arith.constant 0 : i32
      %dma_wait3A_217 = tpu.memref_slice %arg2[%dma_wait3A_215, %dma_wait3A_216] : memref<10000x128xf32, #tpu.memory_space<hbm>> -> memref<10000x128xf32, #tpu.memory_space<hbm>>
      tpu.wait_indirect_dma semaphore(%arg14 : memref<!tpu.dma_semaphore, #tpu.memory_space<semaphore_mem>>) src(%dma_wait3A_217 : memref<10000x128xf32, #tpu.memory_space<hbm>>) dst(%arg10 : memref<64x128xf32, #tpu.memory_space<vmem>>)
      %add3A_218 = arith.constant 0 : i32
      %add3A_219 = arith.addi %mul3A_209, %add3A_218 : i32
      %dma_start3A_220 = arith.constant 0 : i32
      %dma_start3A_221 = tpu.memref_slice %arg9[%add3A_219, %dma_start3A_220] : memref<64x64xi32, #tpu.memory_space<vmem>> -> memref<1x64xi32, #tpu.memory_space<vmem>>
      %dma_start3A_222 = tpu.memref_squeeze %dma_start3A_221 : memref<1x64xi32, #tpu.memory_space<vmem>> -> memref<64xi32, #tpu.memory_space<vmem>>
      %dma_start3A_223 = arith.constant 0 : i32
      %dma_start3A_224 = arith.constant 0 : i32
      %dma_start3A_225 = tpu.memref_slice %arg7[%dma_start3A_223, %dma_start3A_224] : memref<10112x128xf32, #tpu.memory_space<vmem_shared>> -> memref<10112x128xf32, #tpu.memory_space<vmem_shared>>
      tpu.enqueue_indirect_dma source(%arg10 : memref<64x128xf32, #tpu.memory_space<vmem>>) target(%dma_start3A_225 : memref<10112x128xf32, #tpu.memory_space<vmem_shared>>) offsets(%dma_start3A_222 : memref<64xi32, #tpu.memory_space<vmem>>) semaphore(%arg18 : memref<!tpu.dma_semaphore, #tpu.memory_space<semaphore_mem>>) {add = true}
      %add3A_226 = arith.constant 1 : i32
      %add3A_227 = arith.addi %mul3A_209, %add3A_226 : i32
      %dma_wait3A_228 = arith.constant 0 : i32
      %dma_wait3A_229 = tpu.memref_slice %arg8[%add3A_227, %dma_wait3A_228] : memref<64x64xi32, #tpu.memory_space<vmem>> -> memref<1x64xi32, #tpu.memory_space<vmem>>
      %dma_wait3A_230 = tpu.memref_squeeze %dma_wait3A_229 : memref<1x64xi32, #tpu.memory_space<vmem>> -> memref<64xi32, #tpu.memory_space<vmem>>
      %dma_wait3A_231 = arith.constant 0 : i32
      %dma_wait3A_232 = arith.constant 0 : i32
      %dma_wait3A_233 = tpu.memref_slice %arg2[%dma_wait3A_231, %dma_wait3A_232] : memref<10000x128xf32, #tpu.memory_space<hbm>> -> memref<10000x128xf32, #tpu.memory_space<hbm>>
      tpu.wait_indirect_dma semaphore(%arg15 : memref<!tpu.dma_semaphore, #tpu.memory_space<semaphore_mem>>) src(%dma_wait3A_233 : memref<10000x128xf32, #tpu.memory_space<hbm>>) dst(%arg11 : memref<64x128xf32, #tpu.memory_space<vmem>>)
      %add3A_234 = arith.constant 1 : i32
      %add3A_235 = arith.addi %mul3A_209, %add3A_234 : i32
      %dma_start3A_236 = arith.constant 0 : i32
      %dma_start3A_237 = tpu.memref_slice %arg9[%add3A_235, %dma_start3A_236] : memref<64x64xi32, #tpu.memory_space<vmem>> -> memref<1x64xi32, #tpu.memory_space<vmem>>
      %dma_start3A_238 = tpu.memref_squeeze %dma_start3A_237 : memref<1x64xi32, #tpu.memory_space<vmem>> -> memref<64xi32, #tpu.memory_space<vmem>>
      %dma_start3A_239 = arith.constant 0 : i32
      %dma_start3A_240 = arith.constant 0 : i32
      %dma_start3A_241 = tpu.memref_slice %arg7[%dma_start3A_239, %dma_start3A_240] : memref<10112x128xf32, #tpu.memory_space<vmem_shared>> -> memref<10112x128xf32, #tpu.memory_space<vmem_shared>>
      tpu.enqueue_indirect_dma source(%arg11 : memref<64x128xf32, #tpu.memory_space<vmem>>) target(%dma_start3A_241 : memref<10112x128xf32, #tpu.memory_space<vmem_shared>>) offsets(%dma_start3A_238 : memref<64xi32, #tpu.memory_space<vmem>>) semaphore(%arg19 : memref<!tpu.dma_semaphore, #tpu.memory_space<semaphore_mem>>) {add = true}
      %add3A_242 = arith.constant 2 : i32
      %add3A_243 = arith.addi %mul3A_209, %add3A_242 : i32
      %dma_wait3A_244 = arith.constant 0 : i32
      %dma_wait3A_245 = tpu.memref_slice %arg8[%add3A_243, %dma_wait3A_244] : memref<64x64xi32, #tpu.memory_space<vmem>> -> memref<1x64xi32, #tpu.memory_space<vmem>>
      %dma_wait3A_246 = tpu.memref_squeeze %dma_wait3A_245 : memref<1x64xi32, #tpu.memory_space<vmem>> -> memref<64xi32, #tpu.memory_space<vmem>>
      %dma_wait3A_247 = arith.constant 0 : i32
      %dma_wait3A_248 = arith.constant 0 : i32
      %dma_wait3A_249 = tpu.memref_slice %arg2[%dma_wait3A_247, %dma_wait3A_248] : memref<10000x128xf32, #tpu.memory_space<hbm>> -> memref<10000x128xf32, #tpu.memory_space<hbm>>
      tpu.wait_indirect_dma semaphore(%arg16 : memref<!tpu.dma_semaphore, #tpu.memory_space<semaphore_mem>>) src(%dma_wait3A_249 : memref<10000x128xf32, #tpu.memory_space<hbm>>) dst(%arg12 : memref<64x128xf32, #tpu.memory_space<vmem>>)
      %add3A_250 = arith.constant 2 : i32
      %add3A_251 = arith.addi %mul3A_209, %add3A_250 : i32
      %dma_start3A_252 = arith.constant 0 : i32
      %dma_start3A_253 = tpu.memref_slice %arg9[%add3A_251, %dma_start3A_252] : memref<64x64xi32, #tpu.memory_space<vmem>> -> memref<1x64xi32, #tpu.memory_space<vmem>>
      %dma_start3A_254 = tpu.memref_squeeze %dma_start3A_253 : memref<1x64xi32, #tpu.memory_space<vmem>> -> memref<64xi32, #tpu.memory_space<vmem>>
      %dma_start3A_255 = arith.constant 0 : i32
      %dma_start3A_256 = arith.constant 0 : i32
      %dma_start3A_257 = tpu.memref_slice %arg7[%dma_start3A_255, %dma_start3A_256] : memref<10112x128xf32, #tpu.memory_space<vmem_shared>> -> memref<10112x128xf32, #tpu.memory_space<vmem_shared>>
      tpu.enqueue_indirect_dma source(%arg12 : memref<64x128xf32, #tpu.memory_space<vmem>>) target(%dma_start3A_257 : memref<10112x128xf32, #tpu.memory_space<vmem_shared>>) offsets(%dma_start3A_254 : memref<64xi32, #tpu.memory_space<vmem>>) semaphore(%arg20 : memref<!tpu.dma_semaphore, #tpu.memory_space<semaphore_mem>>) {add = true}
      %add3A_258 = arith.constant 3 : i32
      %add3A_259 = arith.addi %mul3A_209, %add3A_258 : i32
      %dma_wait3A_260 = arith.constant 0 : i32
      %dma_wait3A_261 = tpu.memref_slice %arg8[%add3A_259, %dma_wait3A_260] : memref<64x64xi32, #tpu.memory_space<vmem>> -> memref<1x64xi32, #tpu.memory_space<vmem>>
      %dma_wait3A_262 = tpu.memref_squeeze %dma_wait3A_261 : memref<1x64xi32, #tpu.memory_space<vmem>> -> memref<64xi32, #tpu.memory_space<vmem>>
      %dma_wait3A_263 = arith.constant 0 : i32
      %dma_wait3A_264 = arith.constant 0 : i32
      %dma_wait3A_265 = tpu.memref_slice %arg2[%dma_wait3A_263, %dma_wait3A_264] : memref<10000x128xf32, #tpu.memory_space<hbm>> -> memref<10000x128xf32, #tpu.memory_space<hbm>>
      tpu.wait_indirect_dma semaphore(%arg17 : memref<!tpu.dma_semaphore, #tpu.memory_space<semaphore_mem>>) src(%dma_wait3A_265 : memref<10000x128xf32, #tpu.memory_space<hbm>>) dst(%arg13 : memref<64x128xf32, #tpu.memory_space<vmem>>)
      %add3A_266 = arith.constant 3 : i32
      %add3A_267 = arith.addi %mul3A_209, %add3A_266 : i32
      %dma_start3A_268 = arith.constant 0 : i32
      %dma_start3A_269 = tpu.memref_slice %arg9[%add3A_267, %dma_start3A_268] : memref<64x64xi32, #tpu.memory_space<vmem>> -> memref<1x64xi32, #tpu.memory_space<vmem>>
      %dma_start3A_270 = tpu.memref_squeeze %dma_start3A_269 : memref<1x64xi32, #tpu.memory_space<vmem>> -> memref<64xi32, #tpu.memory_space<vmem>>
      %dma_start3A_271 = arith.constant 0 : i32
      %dma_start3A_272 = arith.constant 0 : i32
      %dma_start3A_273 = tpu.memref_slice %arg7[%dma_start3A_271, %dma_start3A_272] : memref<10112x128xf32, #tpu.memory_space<vmem_shared>> -> memref<10112x128xf32, #tpu.memory_space<vmem_shared>>
      tpu.enqueue_indirect_dma source(%arg13 : memref<64x128xf32, #tpu.memory_space<vmem>>) target(%dma_start3A_273 : memref<10112x128xf32, #tpu.memory_space<vmem_shared>>) offsets(%dma_start3A_270 : memref<64xi32, #tpu.memory_space<vmem>>) semaphore(%arg21 : memref<!tpu.dma_semaphore, #tpu.memory_space<semaphore_mem>>) {add = true}
      %dma_wait3A_274 = arith.constant 0 : i32
      %dma_wait3A_275 = tpu.memref_slice %arg9[%add3A_219, %dma_wait3A_274] : memref<64x64xi32, #tpu.memory_space<vmem>> -> memref<1x64xi32, #tpu.memory_space<vmem>>
      %dma_wait3A_276 = tpu.memref_squeeze %dma_wait3A_275 : memref<1x64xi32, #tpu.memory_space<vmem>> -> memref<64xi32, #tpu.memory_space<vmem>>
      %dma_wait3A_277 = arith.constant 0 : i32
      %dma_wait3A_278 = arith.constant 0 : i32
      %dma_wait3A_279 = tpu.memref_slice %arg7[%dma_wait3A_277, %dma_wait3A_278] : memref<10112x128xf32, #tpu.memory_space<vmem_shared>> -> memref<10112x128xf32, #tpu.memory_space<vmem_shared>>
      tpu.wait_indirect_dma semaphore(%arg18 : memref<!tpu.dma_semaphore, #tpu.memory_space<semaphore_mem>>) src(%arg10 : memref<64x128xf32, #tpu.memory_space<vmem>>) dst(%dma_wait3A_279 : memref<10112x128xf32, #tpu.memory_space<vmem_shared>>)
      %add3A_280 = arith.constant 4 : i32
      %add3A_281 = arith.addi %mul3A_209, %add3A_280 : i32
      %add3A_282 = arith.constant 0 : i32
      %add3A_283 = arith.addi %add3A_281, %add3A_282 : i32
      %ge3A = arith.constant 64 : i32
      %ge3A_284 = arith.cmpi sge, %add3A_283, %ge3A : i32
      %sub3A = arith.constant 64 : i32
      %sub3A_285 = arith.subi %add3A_283, %sub3A : i32
      %select_n3A_286 = arith.select %ge3A_284, %sub3A_285, %add3A_283 : i32
      %dma_start3A_287 = arith.constant 0 : i32
      %dma_start3A_288 = tpu.memref_slice %arg8[%select_n3A_286, %dma_start3A_287] : memref<64x64xi32, #tpu.memory_space<vmem>> -> memref<1x64xi32, #tpu.memory_space<vmem>>
      %dma_start3A_289 = tpu.memref_squeeze %dma_start3A_288 : memref<1x64xi32, #tpu.memory_space<vmem>> -> memref<64xi32, #tpu.memory_space<vmem>>
      %dma_start3A_290 = arith.constant 0 : i32
      %dma_start3A_291 = arith.constant 0 : i32
      %dma_start3A_292 = tpu.memref_slice %arg2[%dma_start3A_290, %dma_start3A_291] : memref<10000x128xf32, #tpu.memory_space<hbm>> -> memref<10000x128xf32, #tpu.memory_space<hbm>>
      tpu.enqueue_indirect_dma source(%dma_start3A_292 : memref<10000x128xf32, #tpu.memory_space<hbm>>) target(%arg10 : memref<64x128xf32, #tpu.memory_space<vmem>>) offsets(%dma_start3A_289 : memref<64xi32, #tpu.memory_space<vmem>>) semaphore(%arg14 : memref<!tpu.dma_semaphore, #tpu.memory_space<semaphore_mem>>)
      %dma_wait3A_293 = arith.constant 0 : i32
      %dma_wait3A_294 = tpu.memref_slice %arg9[%add3A_235, %dma_wait3A_293] : memref<64x64xi32, #tpu.memory_space<vmem>> -> memref<1x64xi32, #tpu.memory_space<vmem>>
      %dma_wait3A_295 = tpu.memref_squeeze %dma_wait3A_294 : memref<1x64xi32, #tpu.memory_space<vmem>> -> memref<64xi32, #tpu.memory_space<vmem>>
      %dma_wait3A_296 = arith.constant 0 : i32
      %dma_wait3A_297 = arith.constant 0 : i32
      %dma_wait3A_298 = tpu.memref_slice %arg7[%dma_wait3A_296, %dma_wait3A_297] : memref<10112x128xf32, #tpu.memory_space<vmem_shared>> -> memref<10112x128xf32, #tpu.memory_space<vmem_shared>>
      tpu.wait_indirect_dma semaphore(%arg19 : memref<!tpu.dma_semaphore, #tpu.memory_space<semaphore_mem>>) src(%arg11 : memref<64x128xf32, #tpu.memory_space<vmem>>) dst(%dma_wait3A_298 : memref<10112x128xf32, #tpu.memory_space<vmem_shared>>)
      %add3A_299 = arith.constant 4 : i32
      %add3A_300 = arith.addi %mul3A_209, %add3A_299 : i32
      %add3A_301 = arith.constant 1 : i32
      %add3A_302 = arith.addi %add3A_300, %add3A_301 : i32
      %ge3A_303 = arith.constant 64 : i32
      %ge3A_304 = arith.cmpi sge, %add3A_302, %ge3A_303 : i32
      %sub3A_305 = arith.constant 64 : i32
      %sub3A_306 = arith.subi %add3A_302, %sub3A_305 : i32
      %select_n3A_307 = arith.select %ge3A_304, %sub3A_306, %add3A_302 : i32
      %dma_start3A_308 = arith.constant 0 : i32
      %dma_start3A_309 = tpu.memref_slice %arg8[%select_n3A_307, %dma_start3A_308] : memref<64x64xi32, #tpu.memory_space<vmem>> -> memref<1x64xi32, #tpu.memory_space<vmem>>
      %dma_start3A_310 = tpu.memref_squeeze %dma_start3A_309 : memref<1x64xi32, #tpu.memory_space<vmem>> -> memref<64xi32, #tpu.memory_space<vmem>>
      %dma_start3A_311 = arith.constant 0 : i32
      %dma_start3A_312 = arith.constant 0 : i32
      %dma_start3A_313 = tpu.memref_slice %arg2[%dma_start3A_311, %dma_start3A_312] : memref<10000x128xf32, #tpu.memory_space<hbm>> -> memref<10000x128xf32, #tpu.memory_space<hbm>>
      tpu.enqueue_indirect_dma source(%dma_start3A_313 : memref<10000x128xf32, #tpu.memory_space<hbm>>) target(%arg11 : memref<64x128xf32, #tpu.memory_space<vmem>>) offsets(%dma_start3A_310 : memref<64xi32, #tpu.memory_space<vmem>>) semaphore(%arg15 : memref<!tpu.dma_semaphore, #tpu.memory_space<semaphore_mem>>)
      %dma_wait3A_314 = arith.constant 0 : i32
      %dma_wait3A_315 = tpu.memref_slice %arg9[%add3A_251, %dma_wait3A_314] : memref<64x64xi32, #tpu.memory_space<vmem>> -> memref<1x64xi32, #tpu.memory_space<vmem>>
      %dma_wait3A_316 = tpu.memref_squeeze %dma_wait3A_315 : memref<1x64xi32, #tpu.memory_space<vmem>> -> memref<64xi32, #tpu.memory_space<vmem>>
      %dma_wait3A_317 = arith.constant 0 : i32
      %dma_wait3A_318 = arith.constant 0 : i32
      %dma_wait3A_319 = tpu.memref_slice %arg7[%dma_wait3A_317, %dma_wait3A_318] : memref<10112x128xf32, #tpu.memory_space<vmem_shared>> -> memref<10112x128xf32, #tpu.memory_space<vmem_shared>>
      tpu.wait_indirect_dma semaphore(%arg20 : memref<!tpu.dma_semaphore, #tpu.memory_space<semaphore_mem>>) src(%arg12 : memref<64x128xf32, #tpu.memory_space<vmem>>) dst(%dma_wait3A_319 : memref<10112x128xf32, #tpu.memory_space<vmem_shared>>)
      %add3A_320 = arith.constant 4 : i32
      %add3A_321 = arith.addi %mul3A_209, %add3A_320 : i32
      %add3A_322 = arith.constant 2 : i32
      %add3A_323 = arith.addi %add3A_321, %add3A_322 : i32
      %ge3A_324 = arith.constant 64 : i32
      %ge3A_325 = arith.cmpi sge, %add3A_323, %ge3A_324 : i32
      %sub3A_326 = arith.constant 64 : i32
      %sub3A_327 = arith.subi %add3A_323, %sub3A_326 : i32
      %select_n3A_328 = arith.select %ge3A_325, %sub3A_327, %add3A_323 : i32
      %dma_start3A_329 = arith.constant 0 : i32
      %dma_start3A_330 = tpu.memref_slice %arg8[%select_n3A_328, %dma_start3A_329] : memref<64x64xi32, #tpu.memory_space<vmem>> -> memref<1x64xi32, #tpu.memory_space<vmem>>
      %dma_start3A_331 = tpu.memref_squeeze %dma_start3A_330 : memref<1x64xi32, #tpu.memory_space<vmem>> -> memref<64xi32, #tpu.memory_space<vmem>>
      %dma_start3A_332 = arith.constant 0 : i32
      %dma_start3A_333 = arith.constant 0 : i32
      %dma_start3A_334 = tpu.memref_slice %arg2[%dma_start3A_332, %dma_start3A_333] : memref<10000x128xf32, #tpu.memory_space<hbm>> -> memref<10000x128xf32, #tpu.memory_space<hbm>>
      tpu.enqueue_indirect_dma source(%dma_start3A_334 : memref<10000x128xf32, #tpu.memory_space<hbm>>) target(%arg12 : memref<64x128xf32, #tpu.memory_space<vmem>>) offsets(%dma_start3A_331 : memref<64xi32, #tpu.memory_space<vmem>>) semaphore(%arg16 : memref<!tpu.dma_semaphore, #tpu.memory_space<semaphore_mem>>)
      %dma_wait3A_335 = arith.constant 0 : i32
      %dma_wait3A_336 = tpu.memref_slice %arg9[%add3A_267, %dma_wait3A_335] : memref<64x64xi32, #tpu.memory_space<vmem>> -> memref<1x64xi32, #tpu.memory_space<vmem>>
      %dma_wait3A_337 = tpu.memref_squeeze %dma_wait3A_336 : memref<1x64xi32, #tpu.memory_space<vmem>> -> memref<64xi32, #tpu.memory_space<vmem>>
      %dma_wait3A_338 = arith.constant 0 : i32
      %dma_wait3A_339 = arith.constant 0 : i32
      %dma_wait3A_340 = tpu.memref_slice %arg7[%dma_wait3A_338, %dma_wait3A_339] : memref<10112x128xf32, #tpu.memory_space<vmem_shared>> -> memref<10112x128xf32, #tpu.memory_space<vmem_shared>>
      tpu.wait_indirect_dma semaphore(%arg21 : memref<!tpu.dma_semaphore, #tpu.memory_space<semaphore_mem>>) src(%arg13 : memref<64x128xf32, #tpu.memory_space<vmem>>) dst(%dma_wait3A_340 : memref<10112x128xf32, #tpu.memory_space<vmem_shared>>)
      %add3A_341 = arith.constant 4 : i32
      %add3A_342 = arith.addi %mul3A_209, %add3A_341 : i32
      %add3A_343 = arith.constant 3 : i32
      %add3A_344 = arith.addi %add3A_342, %add3A_343 : i32
      %ge3A_345 = arith.constant 64 : i32
      %ge3A_346 = arith.cmpi sge, %add3A_344, %ge3A_345 : i32
      %sub3A_347 = arith.constant 64 : i32
      %sub3A_348 = arith.subi %add3A_344, %sub3A_347 : i32
      %select_n3A_349 = arith.select %ge3A_346, %sub3A_348, %add3A_344 : i32
      %dma_start3A_350 = arith.constant 0 : i32
      %dma_start3A_351 = tpu.memref_slice %arg8[%select_n3A_349, %dma_start3A_350] : memref<64x64xi32, #tpu.memory_space<vmem>> -> memref<1x64xi32, #tpu.memory_space<vmem>>
      %dma_start3A_352 = tpu.memref_squeeze %dma_start3A_351 : memref<1x64xi32, #tpu.memory_space<vmem>> -> memref<64xi32, #tpu.memory_space<vmem>>
      %dma_start3A_353 = arith.constant 0 : i32
      %dma_start3A_354 = arith.constant 0 : i32
      %dma_start3A_355 = tpu.memref_slice %arg2[%dma_start3A_353, %dma_start3A_354] : memref<10000x128xf32, #tpu.memory_space<hbm>> -> memref<10000x128xf32, #tpu.memory_space<hbm>>
      tpu.enqueue_indirect_dma source(%dma_start3A_355 : memref<10000x128xf32, #tpu.memory_space<hbm>>) target(%arg13 : memref<64x128xf32, #tpu.memory_space<vmem>>) offsets(%dma_start3A_352 : memref<64xi32, #tpu.memory_space<vmem>>) semaphore(%arg17 : memref<!tpu.dma_semaphore, #tpu.memory_space<semaphore_mem>>)
    }
    %scan3A_103 = arith.constant 16 : i32
    %dma_wait3A_104 = arith.constant 0 : i32
    %dma_wait3A_105 = arith.constant 0 : i32
    %dma_wait3A_106 = tpu.memref_slice %arg8[%dma_wait3A_104, %dma_wait3A_105] : memref<64x64xi32, #tpu.memory_space<vmem>> -> memref<1x64xi32, #tpu.memory_space<vmem>>
    %dma_wait3A_107 = tpu.memref_squeeze %dma_wait3A_106 : memref<1x64xi32, #tpu.memory_space<vmem>> -> memref<64xi32, #tpu.memory_space<vmem>>
    %dma_wait3A_108 = arith.constant 0 : i32
    %dma_wait3A_109 = arith.constant 0 : i32
    %dma_wait3A_110 = tpu.memref_slice %arg2[%dma_wait3A_108, %dma_wait3A_109] : memref<10000x128xf32, #tpu.memory_space<hbm>> -> memref<10000x128xf32, #tpu.memory_space<hbm>>
    tpu.wait_indirect_dma semaphore(%arg14 : memref<!tpu.dma_semaphore, #tpu.memory_space<semaphore_mem>>) src(%dma_wait3A_110 : memref<10000x128xf32, #tpu.memory_space<hbm>>) dst(%arg10 : memref<64x128xf32, #tpu.memory_space<vmem>>)
    %dma_wait3A_111 = arith.constant 0 : i32
    %dma_wait3A_112 = arith.constant 0 : i32
    %dma_wait3A_113 = tpu.memref_slice %arg8[%dma_wait3A_111, %dma_wait3A_112] : memref<64x64xi32, #tpu.memory_space<vmem>> -> memref<1x64xi32, #tpu.memory_space<vmem>>
    %dma_wait3A_114 = tpu.memref_squeeze %dma_wait3A_113 : memref<1x64xi32, #tpu.memory_space<vmem>> -> memref<64xi32, #tpu.memory_space<vmem>>
    %dma_wait3A_115 = arith.constant 0 : i32
    %dma_wait3A_116 = arith.constant 0 : i32
    %dma_wait3A_117 = tpu.memref_slice %arg2[%dma_wait3A_115, %dma_wait3A_116] : memref<10000x128xf32, #tpu.memory_space<hbm>> -> memref<10000x128xf32, #tpu.memory_space<hbm>>
    tpu.wait_indirect_dma semaphore(%arg15 : memref<!tpu.dma_semaphore, #tpu.memory_space<semaphore_mem>>) src(%dma_wait3A_117 : memref<10000x128xf32, #tpu.memory_space<hbm>>) dst(%arg11 : memref<64x128xf32, #tpu.memory_space<vmem>>)
    %dma_wait3A_118 = arith.constant 0 : i32
    %dma_wait3A_119 = arith.constant 0 : i32
    %dma_wait3A_120 = tpu.memref_slice %arg8[%dma_wait3A_118, %dma_wait3A_119] : memref<64x64xi32, #tpu.memory_space<vmem>> -> memref<1x64xi32, #tpu.memory_space<vmem>>
    %dma_wait3A_121 = tpu.memref_squeeze %dma_wait3A_120 : memref<1x64xi32, #tpu.memory_space<vmem>> -> memref<64xi32, #tpu.memory_space<vmem>>
    %dma_wait3A_122 = arith.constant 0 : i32
    %dma_wait3A_123 = arith.constant 0 : i32
    %dma_wait3A_124 = tpu.memref_slice %arg2[%dma_wait3A_122, %dma_wait3A_123] : memref<10000x128xf32, #tpu.memory_space<hbm>> -> memref<10000x128xf32, #tpu.memory_space<hbm>>
    tpu.wait_indirect_dma semaphore(%arg16 : memref<!tpu.dma_semaphore, #tpu.memory_space<semaphore_mem>>) src(%dma_wait3A_124 : memref<10000x128xf32, #tpu.memory_space<hbm>>) dst(%arg12 : memref<64x128xf32, #tpu.memory_space<vmem>>)
    %dma_wait3A_125 = arith.constant 0 : i32
    %dma_wait3A_126 = arith.constant 0 : i32
    %dma_wait3A_127 = tpu.memref_slice %arg8[%dma_wait3A_125, %dma_wait3A_126] : memref<64x64xi32, #tpu.memory_space<vmem>> -> memref<1x64xi32, #tpu.memory_space<vmem>>
    %dma_wait3A_128 = tpu.memref_squeeze %dma_wait3A_127 : memref<1x64xi32, #tpu.memory_space<vmem>> -> memref<64xi32, #tpu.memory_space<vmem>>
    %dma_wait3A_129 = arith.constant 0 : i32
    %dma_wait3A_130 = arith.constant 0 : i32
    %dma_wait3A_131 = tpu.memref_slice %arg2[%dma_wait3A_129, %dma_wait3A_130] : memref<10000x128xf32, #tpu.memory_space<hbm>> -> memref<10000x128xf32, #tpu.memory_space<hbm>>
    tpu.wait_indirect_dma semaphore(%arg17 : memref<!tpu.dma_semaphore, #tpu.memory_space<semaphore_mem>>) src(%dma_wait3A_131 : memref<10000x128xf32, #tpu.memory_space<hbm>>) dst(%arg13 : memref<64x128xf32, #tpu.memory_space<vmem>>)
    %add3A_132 = arith.constant 128 : i32
    %add3A_133 = arith.addi %add3A, %add3A_132 : i32
    "tpu.region"() ({
      %run_scoped3A = tpu.sem_alloc : memref<!tpu.dma_semaphore, #tpu.memory_space<semaphore_mem>>
      %dma_start3A_207 = arith.constant 0 : i32
      %dma_start3A_208 = tpu.memref_slice %arg3[%add3A_133, %dma_start3A_207] : memref<5160x64xi32, #tpu.memory_space<hbm>> -> memref<64x64xi32, #tpu.memory_space<hbm>>
      %dma_start3A_209 = arith.constant 0 : i32
      %dma_start3A_210 = tpu.memref_slice %arg3[%add3A_133, %dma_start3A_209] : memref<5160x64xi32, #tpu.memory_space<hbm>> -> memref<64x64xi32, #tpu.memory_space<hbm>>
      tpu.enqueue_dma source(%dma_start3A_210 : memref<64x64xi32, #tpu.memory_space<hbm>>) target(%arg8 : memref<64x64xi32, #tpu.memory_space<vmem>>) target_semaphore(%run_scoped3A : memref<!tpu.dma_semaphore, #tpu.memory_space<semaphore_mem>>)
      %dma_wait3A_211 = arith.constant 0 : i32
      %dma_wait3A_212 = tpu.memref_slice %arg3[%add3A_133, %dma_wait3A_211] : memref<5160x64xi32, #tpu.memory_space<hbm>> -> memref<64x64xi32, #tpu.memory_space<hbm>>
      %dma_wait3A_213 = arith.constant 0 : i32
      %dma_wait3A_214 = tpu.memref_slice %arg3[%add3A_133, %dma_wait3A_213] : memref<5160x64xi32, #tpu.memory_space<hbm>> -> memref<64x64xi32, #tpu.memory_space<hbm>>
      tpu.wait_dma2 semaphore(%run_scoped3A : memref<!tpu.dma_semaphore, #tpu.memory_space<semaphore_mem>>) src(%dma_wait3A_214 : memref<64x64xi32, #tpu.memory_space<hbm>>) dst(%arg8 : memref<64x64xi32, #tpu.memory_space<vmem>>)
      tpu.yield
    }) : () -> ()
    "tpu.region"() ({
      %run_scoped3A = tpu.sem_alloc : memref<!tpu.dma_semaphore, #tpu.memory_space<semaphore_mem>>
      %dma_start3A_207 = arith.constant 0 : i32
      %dma_start3A_208 = tpu.memref_slice %arg4[%add3A_133, %dma_start3A_207] : memref<5160x64xi32, #tpu.memory_space<hbm>> -> memref<64x64xi32, #tpu.memory_space<hbm>>
      %dma_start3A_209 = arith.constant 0 : i32
      %dma_start3A_210 = tpu.memref_slice %arg4[%add3A_133, %dma_start3A_209] : memref<5160x64xi32, #tpu.memory_space<hbm>> -> memref<64x64xi32, #tpu.memory_space<hbm>>
      tpu.enqueue_dma source(%dma_start3A_210 : memref<64x64xi32, #tpu.memory_space<hbm>>) target(%arg9 : memref<64x64xi32, #tpu.memory_space<vmem>>) target_semaphore(%run_scoped3A : memref<!tpu.dma_semaphore, #tpu.memory_space<semaphore_mem>>)
      %dma_wait3A_211 = arith.constant 0 : i32
      %dma_wait3A_212 = tpu.memref_slice %arg4[%add3A_133, %dma_wait3A_211] : memref<5160x64xi32, #tpu.memory_space<hbm>> -> memref<64x64xi32, #tpu.memory_space<hbm>>
      %dma_wait3A_213 = arith.constant 0 : i32
      %dma_wait3A_214 = tpu.memref_slice %arg4[%add3A_133, %dma_wait3A_213] : memref<5160x64xi32, #tpu.memory_space<hbm>> -> memref<64x64xi32, #tpu.memory_space<hbm>>
      tpu.wait_dma2 semaphore(%run_scoped3A : memref<!tpu.dma_semaphore, #tpu.memory_space<semaphore_mem>>) src(%dma_wait3A_214 : memref<64x64xi32, #tpu.memory_space<hbm>>) dst(%arg9 : memref<64x64xi32, #tpu.memory_space<vmem>>)
      tpu.yield
    }) : () -> ()
    %eq3A = arith.constant 0 : i32
    %eq3A_134 = arith.cmpi eq, %arg0, %eq3A : i32
    %select_n3A = arith.constant 6 : i32
    %select_n3A_135 = arith.constant 10 : i32
    %select_n3A_136 = arith.select %eq3A_134, %select_n3A_135, %select_n3A : i32
    %dma_start3A_137 = arith.constant 0 : i32
    %dma_start3A_138 = arith.constant 0 : i32
    %dma_start3A_139 = tpu.memref_slice %arg8[%dma_start3A_137, %dma_start3A_138] : memref<64x64xi32, #tpu.memory_space<vmem>> -> memref<1x64xi32, #tpu.memory_space<vmem>>
    %dma_start3A_140 = tpu.memref_squeeze %dma_start3A_139 : memref<1x64xi32, #tpu.memory_space<vmem>> -> memref<64xi32, #tpu.memory_space<vmem>>
    %dma_start3A_141 = arith.constant 0 : i32
    %dma_start3A_142 = arith.constant 0 : i32
    %dma_start3A_143 = tpu.memref_slice %arg2[%dma_start3A_141, %dma_start3A_142] : memref<10000x128xf32, #tpu.memory_space<hbm>> -> memref<10000x128xf32, #tpu.memory_space<hbm>>
    tpu.enqueue_indirect_dma source(%dma_start3A_143 : memref<10000x128xf32, #tpu.memory_space<hbm>>) target(%arg10 : memref<64x128xf32, #tpu.memory_space<vmem>>) offsets(%dma_start3A_140 : memref<64xi32, #tpu.memory_space<vmem>>) semaphore(%arg14 : memref<!tpu.dma_semaphore, #tpu.memory_space<semaphore_mem>>)
    %dma_start3A_144 = arith.constant 1 : i32
    %dma_start3A_145 = arith.constant 0 : i32
    %dma_start3A_146 = tpu.memref_slice %arg8[%dma_start3A_144, %dma_start3A_145] : memref<64x64xi32, #tpu.memory_space<vmem>> -> memref<1x64xi32, #tpu.memory_space<vmem>>
    %dma_start3A_147 = tpu.memref_squeeze %dma_start3A_146 : memref<1x64xi32, #tpu.memory_space<vmem>> -> memref<64xi32, #tpu.memory_space<vmem>>
    %dma_start3A_148 = arith.constant 0 : i32
    %dma_start3A_149 = arith.constant 0 : i32
    %dma_start3A_150 = tpu.memref_slice %arg2[%dma_start3A_148, %dma_start3A_149] : memref<10000x128xf32, #tpu.memory_space<hbm>> -> memref<10000x128xf32, #tpu.memory_space<hbm>>
    tpu.enqueue_indirect_dma source(%dma_start3A_150 : memref<10000x128xf32, #tpu.memory_space<hbm>>) target(%arg11 : memref<64x128xf32, #tpu.memory_space<vmem>>) offsets(%dma_start3A_147 : memref<64xi32, #tpu.memory_space<vmem>>) semaphore(%arg15 : memref<!tpu.dma_semaphore, #tpu.memory_space<semaphore_mem>>)
    %dma_start3A_151 = arith.constant 2 : i32
    %dma_start3A_152 = arith.constant 0 : i32
    %dma_start3A_153 = tpu.memref_slice %arg8[%dma_start3A_151, %dma_start3A_152] : memref<64x64xi32, #tpu.memory_space<vmem>> -> memref<1x64xi32, #tpu.memory_space<vmem>>
    %dma_start3A_154 = tpu.memref_squeeze %dma_start3A_153 : memref<1x64xi32, #tpu.memory_space<vmem>> -> memref<64xi32, #tpu.memory_space<vmem>>
    %dma_start3A_155 = arith.constant 0 : i32
    %dma_start3A_156 = arith.constant 0 : i32
    %dma_start3A_157 = tpu.memref_slice %arg2[%dma_start3A_155, %dma_start3A_156] : memref<10000x128xf32, #tpu.memory_space<hbm>> -> memref<10000x128xf32, #tpu.memory_space<hbm>>
    tpu.enqueue_indirect_dma source(%dma_start3A_157 : memref<10000x128xf32, #tpu.memory_space<hbm>>) target(%arg12 : memref<64x128xf32, #tpu.memory_space<vmem>>) offsets(%dma_start3A_154 : memref<64xi32, #tpu.memory_space<vmem>>) semaphore(%arg16 : memref<!tpu.dma_semaphore, #tpu.memory_space<semaphore_mem>>)
    %dma_start3A_158 = arith.constant 3 : i32
    %dma_start3A_159 = arith.constant 0 : i32
    %dma_start3A_160 = tpu.memref_slice %arg8[%dma_start3A_158, %dma_start3A_159] : memref<64x64xi32, #tpu.memory_space<vmem>> -> memref<1x64xi32, #tpu.memory_space<vmem>>
    %dma_start3A_161 = tpu.memref_squeeze %dma_start3A_160 : memref<1x64xi32, #tpu.memory_space<vmem>> -> memref<64xi32, #tpu.memory_space<vmem>>
    %dma_start3A_162 = arith.constant 0 : i32
    %dma_start3A_163 = arith.constant 0 : i32
    %dma_start3A_164 = tpu.memref_slice %arg2[%dma_start3A_162, %dma_start3A_163] : memref<10000x128xf32, #tpu.memory_space<hbm>> -> memref<10000x128xf32, #tpu.memory_space<hbm>>
    tpu.enqueue_indirect_dma source(%dma_start3A_164 : memref<10000x128xf32, #tpu.memory_space<hbm>>) target(%arg13 : memref<64x128xf32, #tpu.memory_space<vmem>>) offsets(%dma_start3A_161 : memref<64xi32, #tpu.memory_space<vmem>>) semaphore(%arg17 : memref<!tpu.dma_semaphore, #tpu.memory_space<semaphore_mem>>)
    %while3A = arith.constant 0 : i32
    %while3A_165 = arith.constant 0 : i32
    %while3A_166 = arith.subi %select_n3A_136, %while3A_165 : i32
    %while3A_167 = arith.addi %while3A_165, %while3A_166 : i32
    %while3A_168 = arith.constant 1 : i32
    %while3A_169 = arith.divsi %while3A_166, %while3A_168 : i32
    %while3A_170 = arith.muli %while3A_169, %while3A_168 : i32
    %while3A_171 = arith.addi %while3A_165, %while3A_170 : i32
    %while3A_172 = arith.constant 1 : i32
    scf.for %while3A_207 = %while3A_165 to %while3A_171 step %while3A_172  : i32 {
      %mul3A_208 = arith.constant 4 : i32
      %mul3A_209 = arith.muli %while3A_207, %mul3A_208 : i32
      %add3A_210 = arith.constant 0 : i32
      %add3A_211 = arith.addi %mul3A_209, %add3A_210 : i32
      %dma_wait3A_212 = arith.constant 0 : i32
      %dma_wait3A_213 = tpu.memref_slice %arg8[%add3A_211, %dma_wait3A_212] : memref<64x64xi32, #tpu.memory_space<vmem>> -> memref<1x64xi32, #tpu.memory_space<vmem>>
      %dma_wait3A_214 = tpu.memref_squeeze %dma_wait3A_213 : memref<1x64xi32, #tpu.memory_space<vmem>> -> memref<64xi32, #tpu.memory_space<vmem>>
      %dma_wait3A_215 = arith.constant 0 : i32
      %dma_wait3A_216 = arith.constant 0 : i32
      %dma_wait3A_217 = tpu.memref_slice %arg2[%dma_wait3A_215, %dma_wait3A_216] : memref<10000x128xf32, #tpu.memory_space<hbm>> -> memref<10000x128xf32, #tpu.memory_space<hbm>>
      tpu.wait_indirect_dma semaphore(%arg14 : memref<!tpu.dma_semaphore, #tpu.memory_space<semaphore_mem>>) src(%dma_wait3A_217 : memref<10000x128xf32, #tpu.memory_space<hbm>>) dst(%arg10 : memref<64x128xf32, #tpu.memory_space<vmem>>)
      %add3A_218 = arith.constant 0 : i32
      %add3A_219 = arith.addi %mul3A_209, %add3A_218 : i32
      %dma_start3A_220 = arith.constant 0 : i32
      %dma_start3A_221 = tpu.memref_slice %arg9[%add3A_219, %dma_start3A_220] : memref<64x64xi32, #tpu.memory_space<vmem>> -> memref<1x64xi32, #tpu.memory_space<vmem>>
      %dma_start3A_222 = tpu.memref_squeeze %dma_start3A_221 : memref<1x64xi32, #tpu.memory_space<vmem>> -> memref<64xi32, #tpu.memory_space<vmem>>
      %dma_start3A_223 = arith.constant 0 : i32
      %dma_start3A_224 = arith.constant 0 : i32
      %dma_start3A_225 = tpu.memref_slice %arg7[%dma_start3A_223, %dma_start3A_224] : memref<10112x128xf32, #tpu.memory_space<vmem_shared>> -> memref<10112x128xf32, #tpu.memory_space<vmem_shared>>
      tpu.enqueue_indirect_dma source(%arg10 : memref<64x128xf32, #tpu.memory_space<vmem>>) target(%dma_start3A_225 : memref<10112x128xf32, #tpu.memory_space<vmem_shared>>) offsets(%dma_start3A_222 : memref<64xi32, #tpu.memory_space<vmem>>) semaphore(%arg18 : memref<!tpu.dma_semaphore, #tpu.memory_space<semaphore_mem>>) {add = true}
      %add3A_226 = arith.constant 1 : i32
      %add3A_227 = arith.addi %mul3A_209, %add3A_226 : i32
      %dma_wait3A_228 = arith.constant 0 : i32
      %dma_wait3A_229 = tpu.memref_slice %arg8[%add3A_227, %dma_wait3A_228] : memref<64x64xi32, #tpu.memory_space<vmem>> -> memref<1x64xi32, #tpu.memory_space<vmem>>
      %dma_wait3A_230 = tpu.memref_squeeze %dma_wait3A_229 : memref<1x64xi32, #tpu.memory_space<vmem>> -> memref<64xi32, #tpu.memory_space<vmem>>
      %dma_wait3A_231 = arith.constant 0 : i32
      %dma_wait3A_232 = arith.constant 0 : i32
      %dma_wait3A_233 = tpu.memref_slice %arg2[%dma_wait3A_231, %dma_wait3A_232] : memref<10000x128xf32, #tpu.memory_space<hbm>> -> memref<10000x128xf32, #tpu.memory_space<hbm>>
      tpu.wait_indirect_dma semaphore(%arg15 : memref<!tpu.dma_semaphore, #tpu.memory_space<semaphore_mem>>) src(%dma_wait3A_233 : memref<10000x128xf32, #tpu.memory_space<hbm>>) dst(%arg11 : memref<64x128xf32, #tpu.memory_space<vmem>>)
      %add3A_234 = arith.constant 1 : i32
      %add3A_235 = arith.addi %mul3A_209, %add3A_234 : i32
      %dma_start3A_236 = arith.constant 0 : i32
      %dma_start3A_237 = tpu.memref_slice %arg9[%add3A_235, %dma_start3A_236] : memref<64x64xi32, #tpu.memory_space<vmem>> -> memref<1x64xi32, #tpu.memory_space<vmem>>
      %dma_start3A_238 = tpu.memref_squeeze %dma_start3A_237 : memref<1x64xi32, #tpu.memory_space<vmem>> -> memref<64xi32, #tpu.memory_space<vmem>>
      %dma_start3A_239 = arith.constant 0 : i32
      %dma_start3A_240 = arith.constant 0 : i32
      %dma_start3A_241 = tpu.memref_slice %arg7[%dma_start3A_239, %dma_start3A_240] : memref<10112x128xf32, #tpu.memory_space<vmem_shared>> -> memref<10112x128xf32, #tpu.memory_space<vmem_shared>>
      tpu.enqueue_indirect_dma source(%arg11 : memref<64x128xf32, #tpu.memory_space<vmem>>) target(%dma_start3A_241 : memref<10112x128xf32, #tpu.memory_space<vmem_shared>>) offsets(%dma_start3A_238 : memref<64xi32, #tpu.memory_space<vmem>>) semaphore(%arg19 : memref<!tpu.dma_semaphore, #tpu.memory_space<semaphore_mem>>) {add = true}
      %add3A_242 = arith.constant 2 : i32
      %add3A_243 = arith.addi %mul3A_209, %add3A_242 : i32
      %dma_wait3A_244 = arith.constant 0 : i32
      %dma_wait3A_245 = tpu.memref_slice %arg8[%add3A_243, %dma_wait3A_244] : memref<64x64xi32, #tpu.memory_space<vmem>> -> memref<1x64xi32, #tpu.memory_space<vmem>>
      %dma_wait3A_246 = tpu.memref_squeeze %dma_wait3A_245 : memref<1x64xi32, #tpu.memory_space<vmem>> -> memref<64xi32, #tpu.memory_space<vmem>>
      %dma_wait3A_247 = arith.constant 0 : i32
      %dma_wait3A_248 = arith.constant 0 : i32
      %dma_wait3A_249 = tpu.memref_slice %arg2[%dma_wait3A_247, %dma_wait3A_248] : memref<10000x128xf32, #tpu.memory_space<hbm>> -> memref<10000x128xf32, #tpu.memory_space<hbm>>
      tpu.wait_indirect_dma semaphore(%arg16 : memref<!tpu.dma_semaphore, #tpu.memory_space<semaphore_mem>>) src(%dma_wait3A_249 : memref<10000x128xf32, #tpu.memory_space<hbm>>) dst(%arg12 : memref<64x128xf32, #tpu.memory_space<vmem>>)
      %add3A_250 = arith.constant 2 : i32
      %add3A_251 = arith.addi %mul3A_209, %add3A_250 : i32
      %dma_start3A_252 = arith.constant 0 : i32
      %dma_start3A_253 = tpu.memref_slice %arg9[%add3A_251, %dma_start3A_252] : memref<64x64xi32, #tpu.memory_space<vmem>> -> memref<1x64xi32, #tpu.memory_space<vmem>>
      %dma_start3A_254 = tpu.memref_squeeze %dma_start3A_253 : memref<1x64xi32, #tpu.memory_space<vmem>> -> memref<64xi32, #tpu.memory_space<vmem>>
      %dma_start3A_255 = arith.constant 0 : i32
      %dma_start3A_256 = arith.constant 0 : i32
      %dma_start3A_257 = tpu.memref_slice %arg7[%dma_start3A_255, %dma_start3A_256] : memref<10112x128xf32, #tpu.memory_space<vmem_shared>> -> memref<10112x128xf32, #tpu.memory_space<vmem_shared>>
      tpu.enqueue_indirect_dma source(%arg12 : memref<64x128xf32, #tpu.memory_space<vmem>>) target(%dma_start3A_257 : memref<10112x128xf32, #tpu.memory_space<vmem_shared>>) offsets(%dma_start3A_254 : memref<64xi32, #tpu.memory_space<vmem>>) semaphore(%arg20 : memref<!tpu.dma_semaphore, #tpu.memory_space<semaphore_mem>>) {add = true}
      %add3A_258 = arith.constant 3 : i32
      %add3A_259 = arith.addi %mul3A_209, %add3A_258 : i32
      %dma_wait3A_260 = arith.constant 0 : i32
      %dma_wait3A_261 = tpu.memref_slice %arg8[%add3A_259, %dma_wait3A_260] : memref<64x64xi32, #tpu.memory_space<vmem>> -> memref<1x64xi32, #tpu.memory_space<vmem>>
      %dma_wait3A_262 = tpu.memref_squeeze %dma_wait3A_261 : memref<1x64xi32, #tpu.memory_space<vmem>> -> memref<64xi32, #tpu.memory_space<vmem>>
      %dma_wait3A_263 = arith.constant 0 : i32
      %dma_wait3A_264 = arith.constant 0 : i32
      %dma_wait3A_265 = tpu.memref_slice %arg2[%dma_wait3A_263, %dma_wait3A_264] : memref<10000x128xf32, #tpu.memory_space<hbm>> -> memref<10000x128xf32, #tpu.memory_space<hbm>>
      tpu.wait_indirect_dma semaphore(%arg17 : memref<!tpu.dma_semaphore, #tpu.memory_space<semaphore_mem>>) src(%dma_wait3A_265 : memref<10000x128xf32, #tpu.memory_space<hbm>>) dst(%arg13 : memref<64x128xf32, #tpu.memory_space<vmem>>)
      %add3A_266 = arith.constant 3 : i32
      %add3A_267 = arith.addi %mul3A_209, %add3A_266 : i32
      %dma_start3A_268 = arith.constant 0 : i32
      %dma_start3A_269 = tpu.memref_slice %arg9[%add3A_267, %dma_start3A_268] : memref<64x64xi32, #tpu.memory_space<vmem>> -> memref<1x64xi32, #tpu.memory_space<vmem>>
      %dma_start3A_270 = tpu.memref_squeeze %dma_start3A_269 : memref<1x64xi32, #tpu.memory_space<vmem>> -> memref<64xi32, #tpu.memory_space<vmem>>
      %dma_start3A_271 = arith.constant 0 : i32
      %dma_start3A_272 = arith.constant 0 : i32
      %dma_start3A_273 = tpu.memref_slice %arg7[%dma_start3A_271, %dma_start3A_272] : memref<10112x128xf32, #tpu.memory_space<vmem_shared>> -> memref<10112x128xf32, #tpu.memory_space<vmem_shared>>
      tpu.enqueue_indirect_dma source(%arg13 : memref<64x128xf32, #tpu.memory_space<vmem>>) target(%dma_start3A_273 : memref<10112x128xf32, #tpu.memory_space<vmem_shared>>) offsets(%dma_start3A_270 : memref<64xi32, #tpu.memory_space<vmem>>) semaphore(%arg21 : memref<!tpu.dma_semaphore, #tpu.memory_space<semaphore_mem>>) {add = true}
      %dma_wait3A_274 = arith.constant 0 : i32
      %dma_wait3A_275 = tpu.memref_slice %arg9[%add3A_219, %dma_wait3A_274] : memref<64x64xi32, #tpu.memory_space<vmem>> -> memref<1x64xi32, #tpu.memory_space<vmem>>
      %dma_wait3A_276 = tpu.memref_squeeze %dma_wait3A_275 : memref<1x64xi32, #tpu.memory_space<vmem>> -> memref<64xi32, #tpu.memory_space<vmem>>
      %dma_wait3A_277 = arith.constant 0 : i32
      %dma_wait3A_278 = arith.constant 0 : i32
      %dma_wait3A_279 = tpu.memref_slice %arg7[%dma_wait3A_277, %dma_wait3A_278] : memref<10112x128xf32, #tpu.memory_space<vmem_shared>> -> memref<10112x128xf32, #tpu.memory_space<vmem_shared>>
      tpu.wait_indirect_dma semaphore(%arg18 : memref<!tpu.dma_semaphore, #tpu.memory_space<semaphore_mem>>) src(%arg10 : memref<64x128xf32, #tpu.memory_space<vmem>>) dst(%dma_wait3A_279 : memref<10112x128xf32, #tpu.memory_space<vmem_shared>>)
      %add3A_280 = arith.constant 4 : i32
      %add3A_281 = arith.addi %mul3A_209, %add3A_280 : i32
      %add3A_282 = arith.constant 0 : i32
      %add3A_283 = arith.addi %add3A_281, %add3A_282 : i32
      %dma_start3A_284 = arith.constant 0 : i32
      %dma_start3A_285 = tpu.memref_slice %arg8[%add3A_283, %dma_start3A_284] : memref<64x64xi32, #tpu.memory_space<vmem>> -> memref<1x64xi32, #tpu.memory_space<vmem>>
      %dma_start3A_286 = tpu.memref_squeeze %dma_start3A_285 : memref<1x64xi32, #tpu.memory_space<vmem>> -> memref<64xi32, #tpu.memory_space<vmem>>
      %dma_start3A_287 = arith.constant 0 : i32
      %dma_start3A_288 = arith.constant 0 : i32
      %dma_start3A_289 = tpu.memref_slice %arg2[%dma_start3A_287, %dma_start3A_288] : memref<10000x128xf32, #tpu.memory_space<hbm>> -> memref<10000x128xf32, #tpu.memory_space<hbm>>
      tpu.enqueue_indirect_dma source(%dma_start3A_289 : memref<10000x128xf32, #tpu.memory_space<hbm>>) target(%arg10 : memref<64x128xf32, #tpu.memory_space<vmem>>) offsets(%dma_start3A_286 : memref<64xi32, #tpu.memory_space<vmem>>) semaphore(%arg14 : memref<!tpu.dma_semaphore, #tpu.memory_space<semaphore_mem>>)
      %dma_wait3A_290 = arith.constant 0 : i32
      %dma_wait3A_291 = tpu.memref_slice %arg9[%add3A_235, %dma_wait3A_290] : memref<64x64xi32, #tpu.memory_space<vmem>> -> memref<1x64xi32, #tpu.memory_space<vmem>>
      %dma_wait3A_292 = tpu.memref_squeeze %dma_wait3A_291 : memref<1x64xi32, #tpu.memory_space<vmem>> -> memref<64xi32, #tpu.memory_space<vmem>>
      %dma_wait3A_293 = arith.constant 0 : i32
      %dma_wait3A_294 = arith.constant 0 : i32
      %dma_wait3A_295 = tpu.memref_slice %arg7[%dma_wait3A_293, %dma_wait3A_294] : memref<10112x128xf32, #tpu.memory_space<vmem_shared>> -> memref<10112x128xf32, #tpu.memory_space<vmem_shared>>
      tpu.wait_indirect_dma semaphore(%arg19 : memref<!tpu.dma_semaphore, #tpu.memory_space<semaphore_mem>>) src(%arg11 : memref<64x128xf32, #tpu.memory_space<vmem>>) dst(%dma_wait3A_295 : memref<10112x128xf32, #tpu.memory_space<vmem_shared>>)
      %add3A_296 = arith.constant 4 : i32
      %add3A_297 = arith.addi %mul3A_209, %add3A_296 : i32
      %add3A_298 = arith.constant 1 : i32
      %add3A_299 = arith.addi %add3A_297, %add3A_298 : i32
      %dma_start3A_300 = arith.constant 0 : i32
      %dma_start3A_301 = tpu.memref_slice %arg8[%add3A_299, %dma_start3A_300] : memref<64x64xi32, #tpu.memory_space<vmem>> -> memref<1x64xi32, #tpu.memory_space<vmem>>
      %dma_start3A_302 = tpu.memref_squeeze %dma_start3A_301 : memref<1x64xi32, #tpu.memory_space<vmem>> -> memref<64xi32, #tpu.memory_space<vmem>>
      %dma_start3A_303 = arith.constant 0 : i32
      %dma_start3A_304 = arith.constant 0 : i32
      %dma_start3A_305 = tpu.memref_slice %arg2[%dma_start3A_303, %dma_start3A_304] : memref<10000x128xf32, #tpu.memory_space<hbm>> -> memref<10000x128xf32, #tpu.memory_space<hbm>>
      tpu.enqueue_indirect_dma source(%dma_start3A_305 : memref<10000x128xf32, #tpu.memory_space<hbm>>) target(%arg11 : memref<64x128xf32, #tpu.memory_space<vmem>>) offsets(%dma_start3A_302 : memref<64xi32, #tpu.memory_space<vmem>>) semaphore(%arg15 : memref<!tpu.dma_semaphore, #tpu.memory_space<semaphore_mem>>)
      %dma_wait3A_306 = arith.constant 0 : i32
      %dma_wait3A_307 = tpu.memref_slice %arg9[%add3A_251, %dma_wait3A_306] : memref<64x64xi32, #tpu.memory_space<vmem>> -> memref<1x64xi32, #tpu.memory_space<vmem>>
      %dma_wait3A_308 = tpu.memref_squeeze %dma_wait3A_307 : memref<1x64xi32, #tpu.memory_space<vmem>> -> memref<64xi32, #tpu.memory_space<vmem>>
      %dma_wait3A_309 = arith.constant 0 : i32
      %dma_wait3A_310 = arith.constant 0 : i32
      %dma_wait3A_311 = tpu.memref_slice %arg7[%dma_wait3A_309, %dma_wait3A_310] : memref<10112x128xf32, #tpu.memory_space<vmem_shared>> -> memref<10112x128xf32, #tpu.memory_space<vmem_shared>>
      tpu.wait_indirect_dma semaphore(%arg20 : memref<!tpu.dma_semaphore, #tpu.memory_space<semaphore_mem>>) src(%arg12 : memref<64x128xf32, #tpu.memory_space<vmem>>) dst(%dma_wait3A_311 : memref<10112x128xf32, #tpu.memory_space<vmem_shared>>)
      %add3A_312 = arith.constant 4 : i32
      %add3A_313 = arith.addi %mul3A_209, %add3A_312 : i32
      %add3A_314 = arith.constant 2 : i32
      %add3A_315 = arith.addi %add3A_313, %add3A_314 : i32
      %dma_start3A_316 = arith.constant 0 : i32
      %dma_start3A_317 = tpu.memref_slice %arg8[%add3A_315, %dma_start3A_316] : memref<64x64xi32, #tpu.memory_space<vmem>> -> memref<1x64xi32, #tpu.memory_space<vmem>>
      %dma_start3A_318 = tpu.memref_squeeze %dma_start3A_317 : memref<1x64xi32, #tpu.memory_space<vmem>> -> memref<64xi32, #tpu.memory_space<vmem>>
      %dma_start3A_319 = arith.constant 0 : i32
      %dma_start3A_320 = arith.constant 0 : i32
      %dma_start3A_321 = tpu.memref_slice %arg2[%dma_start3A_319, %dma_start3A_320] : memref<10000x128xf32, #tpu.memory_space<hbm>> -> memref<10000x128xf32, #tpu.memory_space<hbm>>
      tpu.enqueue_indirect_dma source(%dma_start3A_321 : memref<10000x128xf32, #tpu.memory_space<hbm>>) target(%arg12 : memref<64x128xf32, #tpu.memory_space<vmem>>) offsets(%dma_start3A_318 : memref<64xi32, #tpu.memory_space<vmem>>) semaphore(%arg16 : memref<!tpu.dma_semaphore, #tpu.memory_space<semaphore_mem>>)
      %dma_wait3A_322 = arith.constant 0 : i32
      %dma_wait3A_323 = tpu.memref_slice %arg9[%add3A_267, %dma_wait3A_322] : memref<64x64xi32, #tpu.memory_space<vmem>> -> memref<1x64xi32, #tpu.memory_space<vmem>>
      %dma_wait3A_324 = tpu.memref_squeeze %dma_wait3A_323 : memref<1x64xi32, #tpu.memory_space<vmem>> -> memref<64xi32, #tpu.memory_space<vmem>>
      %dma_wait3A_325 = arith.constant 0 : i32
      %dma_wait3A_326 = arith.constant 0 : i32
      %dma_wait3A_327 = tpu.memref_slice %arg7[%dma_wait3A_325, %dma_wait3A_326] : memref<10112x128xf32, #tpu.memory_space<vmem_shared>> -> memref<10112x128xf32, #tpu.memory_space<vmem_shared>>
      tpu.wait_indirect_dma semaphore(%arg21 : memref<!tpu.dma_semaphore, #tpu.memory_space<semaphore_mem>>) src(%arg13 : memref<64x128xf32, #tpu.memory_space<vmem>>) dst(%dma_wait3A_327 : memref<10112x128xf32, #tpu.memory_space<vmem_shared>>)
      %add3A_328 = arith.constant 4 : i32
      %add3A_329 = arith.addi %mul3A_209, %add3A_328 : i32
      %add3A_330 = arith.constant 3 : i32
      %add3A_331 = arith.addi %add3A_329, %add3A_330 : i32
      %dma_start3A_332 = arith.constant 0 : i32
      %dma_start3A_333 = tpu.memref_slice %arg8[%add3A_331, %dma_start3A_332] : memref<64x64xi32, #tpu.memory_space<vmem>> -> memref<1x64xi32, #tpu.memory_space<vmem>>
      %dma_start3A_334 = tpu.memref_squeeze %dma_start3A_333 : memref<1x64xi32, #tpu.memory_space<vmem>> -> memref<64xi32, #tpu.memory_space<vmem>>
      %dma_start3A_335 = arith.constant 0 : i32
      %dma_start3A_336 = arith.constant 0 : i32
      %dma_start3A_337 = tpu.memref_slice %arg2[%dma_start3A_335, %dma_start3A_336] : memref<10000x128xf32, #tpu.memory_space<hbm>> -> memref<10000x128xf32, #tpu.memory_space<hbm>>
      tpu.enqueue_indirect_dma source(%dma_start3A_337 : memref<10000x128xf32, #tpu.memory_space<hbm>>) target(%arg13 : memref<64x128xf32, #tpu.memory_space<vmem>>) offsets(%dma_start3A_334 : memref<64xi32, #tpu.memory_space<vmem>>) semaphore(%arg17 : memref<!tpu.dma_semaphore, #tpu.memory_space<semaphore_mem>>)
    }
    %while3A_173 = arith.constant 1 : i32
    scf.for %while3A_207 = %while3A_171 to %while3A_167 step %while3A_173  : i32 {
      %mul3A_208 = arith.constant 4 : i32
      %mul3A_209 = arith.muli %while3A_207, %mul3A_208 : i32
      %add3A_210 = arith.constant 0 : i32
      %add3A_211 = arith.addi %mul3A_209, %add3A_210 : i32
      %dma_wait3A_212 = arith.constant 0 : i32
      %dma_wait3A_213 = tpu.memref_slice %arg8[%add3A_211, %dma_wait3A_212] : memref<64x64xi32, #tpu.memory_space<vmem>> -> memref<1x64xi32, #tpu.memory_space<vmem>>
      %dma_wait3A_214 = tpu.memref_squeeze %dma_wait3A_213 : memref<1x64xi32, #tpu.memory_space<vmem>> -> memref<64xi32, #tpu.memory_space<vmem>>
      %dma_wait3A_215 = arith.constant 0 : i32
      %dma_wait3A_216 = arith.constant 0 : i32
      %dma_wait3A_217 = tpu.memref_slice %arg2[%dma_wait3A_215, %dma_wait3A_216] : memref<10000x128xf32, #tpu.memory_space<hbm>> -> memref<10000x128xf32, #tpu.memory_space<hbm>>
      tpu.wait_indirect_dma semaphore(%arg14 : memref<!tpu.dma_semaphore, #tpu.memory_space<semaphore_mem>>) src(%dma_wait3A_217 : memref<10000x128xf32, #tpu.memory_space<hbm>>) dst(%arg10 : memref<64x128xf32, #tpu.memory_space<vmem>>)
      %add3A_218 = arith.constant 0 : i32
      %add3A_219 = arith.addi %mul3A_209, %add3A_218 : i32
      %dma_start3A_220 = arith.constant 0 : i32
      %dma_start3A_221 = tpu.memref_slice %arg9[%add3A_219, %dma_start3A_220] : memref<64x64xi32, #tpu.memory_space<vmem>> -> memref<1x64xi32, #tpu.memory_space<vmem>>
      %dma_start3A_222 = tpu.memref_squeeze %dma_start3A_221 : memref<1x64xi32, #tpu.memory_space<vmem>> -> memref<64xi32, #tpu.memory_space<vmem>>
      %dma_start3A_223 = arith.constant 0 : i32
      %dma_start3A_224 = arith.constant 0 : i32
      %dma_start3A_225 = tpu.memref_slice %arg7[%dma_start3A_223, %dma_start3A_224] : memref<10112x128xf32, #tpu.memory_space<vmem_shared>> -> memref<10112x128xf32, #tpu.memory_space<vmem_shared>>
      tpu.enqueue_indirect_dma source(%arg10 : memref<64x128xf32, #tpu.memory_space<vmem>>) target(%dma_start3A_225 : memref<10112x128xf32, #tpu.memory_space<vmem_shared>>) offsets(%dma_start3A_222 : memref<64xi32, #tpu.memory_space<vmem>>) semaphore(%arg18 : memref<!tpu.dma_semaphore, #tpu.memory_space<semaphore_mem>>) {add = true}
      %add3A_226 = arith.constant 1 : i32
      %add3A_227 = arith.addi %mul3A_209, %add3A_226 : i32
      %dma_wait3A_228 = arith.constant 0 : i32
      %dma_wait3A_229 = tpu.memref_slice %arg8[%add3A_227, %dma_wait3A_228] : memref<64x64xi32, #tpu.memory_space<vmem>> -> memref<1x64xi32, #tpu.memory_space<vmem>>
      %dma_wait3A_230 = tpu.memref_squeeze %dma_wait3A_229 : memref<1x64xi32, #tpu.memory_space<vmem>> -> memref<64xi32, #tpu.memory_space<vmem>>
      %dma_wait3A_231 = arith.constant 0 : i32
      %dma_wait3A_232 = arith.constant 0 : i32
      %dma_wait3A_233 = tpu.memref_slice %arg2[%dma_wait3A_231, %dma_wait3A_232] : memref<10000x128xf32, #tpu.memory_space<hbm>> -> memref<10000x128xf32, #tpu.memory_space<hbm>>
      tpu.wait_indirect_dma semaphore(%arg15 : memref<!tpu.dma_semaphore, #tpu.memory_space<semaphore_mem>>) src(%dma_wait3A_233 : memref<10000x128xf32, #tpu.memory_space<hbm>>) dst(%arg11 : memref<64x128xf32, #tpu.memory_space<vmem>>)
      %add3A_234 = arith.constant 1 : i32
      %add3A_235 = arith.addi %mul3A_209, %add3A_234 : i32
      %dma_start3A_236 = arith.constant 0 : i32
      %dma_start3A_237 = tpu.memref_slice %arg9[%add3A_235, %dma_start3A_236] : memref<64x64xi32, #tpu.memory_space<vmem>> -> memref<1x64xi32, #tpu.memory_space<vmem>>
      %dma_start3A_238 = tpu.memref_squeeze %dma_start3A_237 : memref<1x64xi32, #tpu.memory_space<vmem>> -> memref<64xi32, #tpu.memory_space<vmem>>
      %dma_start3A_239 = arith.constant 0 : i32
      %dma_start3A_240 = arith.constant 0 : i32
      %dma_start3A_241 = tpu.memref_slice %arg7[%dma_start3A_239, %dma_start3A_240] : memref<10112x128xf32, #tpu.memory_space<vmem_shared>> -> memref<10112x128xf32, #tpu.memory_space<vmem_shared>>
      tpu.enqueue_indirect_dma source(%arg11 : memref<64x128xf32, #tpu.memory_space<vmem>>) target(%dma_start3A_241 : memref<10112x128xf32, #tpu.memory_space<vmem_shared>>) offsets(%dma_start3A_238 : memref<64xi32, #tpu.memory_space<vmem>>) semaphore(%arg19 : memref<!tpu.dma_semaphore, #tpu.memory_space<semaphore_mem>>) {add = true}
      %add3A_242 = arith.constant 2 : i32
      %add3A_243 = arith.addi %mul3A_209, %add3A_242 : i32
      %dma_wait3A_244 = arith.constant 0 : i32
      %dma_wait3A_245 = tpu.memref_slice %arg8[%add3A_243, %dma_wait3A_244] : memref<64x64xi32, #tpu.memory_space<vmem>> -> memref<1x64xi32, #tpu.memory_space<vmem>>
      %dma_wait3A_246 = tpu.memref_squeeze %dma_wait3A_245 : memref<1x64xi32, #tpu.memory_space<vmem>> -> memref<64xi32, #tpu.memory_space<vmem>>
      %dma_wait3A_247 = arith.constant 0 : i32
      %dma_wait3A_248 = arith.constant 0 : i32
      %dma_wait3A_249 = tpu.memref_slice %arg2[%dma_wait3A_247, %dma_wait3A_248] : memref<10000x128xf32, #tpu.memory_space<hbm>> -> memref<10000x128xf32, #tpu.memory_space<hbm>>
      tpu.wait_indirect_dma semaphore(%arg16 : memref<!tpu.dma_semaphore, #tpu.memory_space<semaphore_mem>>) src(%dma_wait3A_249 : memref<10000x128xf32, #tpu.memory_space<hbm>>) dst(%arg12 : memref<64x128xf32, #tpu.memory_space<vmem>>)
      %add3A_250 = arith.constant 2 : i32
      %add3A_251 = arith.addi %mul3A_209, %add3A_250 : i32
      %dma_start3A_252 = arith.constant 0 : i32
      %dma_start3A_253 = tpu.memref_slice %arg9[%add3A_251, %dma_start3A_252] : memref<64x64xi32, #tpu.memory_space<vmem>> -> memref<1x64xi32, #tpu.memory_space<vmem>>
      %dma_start3A_254 = tpu.memref_squeeze %dma_start3A_253 : memref<1x64xi32, #tpu.memory_space<vmem>> -> memref<64xi32, #tpu.memory_space<vmem>>
      %dma_start3A_255 = arith.constant 0 : i32
      %dma_start3A_256 = arith.constant 0 : i32
      %dma_start3A_257 = tpu.memref_slice %arg7[%dma_start3A_255, %dma_start3A_256] : memref<10112x128xf32, #tpu.memory_space<vmem_shared>> -> memref<10112x128xf32, #tpu.memory_space<vmem_shared>>
      tpu.enqueue_indirect_dma source(%arg12 : memref<64x128xf32, #tpu.memory_space<vmem>>) target(%dma_start3A_257 : memref<10112x128xf32, #tpu.memory_space<vmem_shared>>) offsets(%dma_start3A_254 : memref<64xi32, #tpu.memory_space<vmem>>) semaphore(%arg20 : memref<!tpu.dma_semaphore, #tpu.memory_space<semaphore_mem>>) {add = true}
      %add3A_258 = arith.constant 3 : i32
      %add3A_259 = arith.addi %mul3A_209, %add3A_258 : i32
      %dma_wait3A_260 = arith.constant 0 : i32
      %dma_wait3A_261 = tpu.memref_slice %arg8[%add3A_259, %dma_wait3A_260] : memref<64x64xi32, #tpu.memory_space<vmem>> -> memref<1x64xi32, #tpu.memory_space<vmem>>
      %dma_wait3A_262 = tpu.memref_squeeze %dma_wait3A_261 : memref<1x64xi32, #tpu.memory_space<vmem>> -> memref<64xi32, #tpu.memory_space<vmem>>
      %dma_wait3A_263 = arith.constant 0 : i32
      %dma_wait3A_264 = arith.constant 0 : i32
      %dma_wait3A_265 = tpu.memref_slice %arg2[%dma_wait3A_263, %dma_wait3A_264] : memref<10000x128xf32, #tpu.memory_space<hbm>> -> memref<10000x128xf32, #tpu.memory_space<hbm>>
      tpu.wait_indirect_dma semaphore(%arg17 : memref<!tpu.dma_semaphore, #tpu.memory_space<semaphore_mem>>) src(%dma_wait3A_265 : memref<10000x128xf32, #tpu.memory_space<hbm>>) dst(%arg13 : memref<64x128xf32, #tpu.memory_space<vmem>>)
      %add3A_266 = arith.constant 3 : i32
      %add3A_267 = arith.addi %mul3A_209, %add3A_266 : i32
      %dma_start3A_268 = arith.constant 0 : i32
      %dma_start3A_269 = tpu.memref_slice %arg9[%add3A_267, %dma_start3A_268] : memref<64x64xi32, #tpu.memory_space<vmem>> -> memref<1x64xi32, #tpu.memory_space<vmem>>
      %dma_start3A_270 = tpu.memref_squeeze %dma_start3A_269 : memref<1x64xi32, #tpu.memory_space<vmem>> -> memref<64xi32, #tpu.memory_space<vmem>>
      %dma_start3A_271 = arith.constant 0 : i32
      %dma_start3A_272 = arith.constant 0 : i32
      %dma_start3A_273 = tpu.memref_slice %arg7[%dma_start3A_271, %dma_start3A_272] : memref<10112x128xf32, #tpu.memory_space<vmem_shared>> -> memref<10112x128xf32, #tpu.memory_space<vmem_shared>>
      tpu.enqueue_indirect_dma source(%arg13 : memref<64x128xf32, #tpu.memory_space<vmem>>) target(%dma_start3A_273 : memref<10112x128xf32, #tpu.memory_space<vmem_shared>>) offsets(%dma_start3A_270 : memref<64xi32, #tpu.memory_space<vmem>>) semaphore(%arg21 : memref<!tpu.dma_semaphore, #tpu.memory_space<semaphore_mem>>) {add = true}
      %dma_wait3A_274 = arith.constant 0 : i32
      %dma_wait3A_275 = tpu.memref_slice %arg9[%add3A_219, %dma_wait3A_274] : memref<64x64xi32, #tpu.memory_space<vmem>> -> memref<1x64xi32, #tpu.memory_space<vmem>>
      %dma_wait3A_276 = tpu.memref_squeeze %dma_wait3A_275 : memref<1x64xi32, #tpu.memory_space<vmem>> -> memref<64xi32, #tpu.memory_space<vmem>>
      %dma_wait3A_277 = arith.constant 0 : i32
      %dma_wait3A_278 = arith.constant 0 : i32
      %dma_wait3A_279 = tpu.memref_slice %arg7[%dma_wait3A_277, %dma_wait3A_278] : memref<10112x128xf32, #tpu.memory_space<vmem_shared>> -> memref<10112x128xf32, #tpu.memory_space<vmem_shared>>
      tpu.wait_indirect_dma semaphore(%arg18 : memref<!tpu.dma_semaphore, #tpu.memory_space<semaphore_mem>>) src(%arg10 : memref<64x128xf32, #tpu.memory_space<vmem>>) dst(%dma_wait3A_279 : memref<10112x128xf32, #tpu.memory_space<vmem_shared>>)
      %add3A_280 = arith.constant 4 : i32
      %add3A_281 = arith.addi %mul3A_209, %add3A_280 : i32
      %add3A_282 = arith.constant 0 : i32
      %add3A_283 = arith.addi %add3A_281, %add3A_282 : i32
      %dma_start3A_284 = arith.constant 0 : i32
      %dma_start3A_285 = tpu.memref_slice %arg8[%add3A_283, %dma_start3A_284] : memref<64x64xi32, #tpu.memory_space<vmem>> -> memref<1x64xi32, #tpu.memory_space<vmem>>
      %dma_start3A_286 = tpu.memref_squeeze %dma_start3A_285 : memref<1x64xi32, #tpu.memory_space<vmem>> -> memref<64xi32, #tpu.memory_space<vmem>>
      %dma_start3A_287 = arith.constant 0 : i32
      %dma_start3A_288 = arith.constant 0 : i32
      %dma_start3A_289 = tpu.memref_slice %arg2[%dma_start3A_287, %dma_start3A_288] : memref<10000x128xf32, #tpu.memory_space<hbm>> -> memref<10000x128xf32, #tpu.memory_space<hbm>>
      tpu.enqueue_indirect_dma source(%dma_start3A_289 : memref<10000x128xf32, #tpu.memory_space<hbm>>) target(%arg10 : memref<64x128xf32, #tpu.memory_space<vmem>>) offsets(%dma_start3A_286 : memref<64xi32, #tpu.memory_space<vmem>>) semaphore(%arg14 : memref<!tpu.dma_semaphore, #tpu.memory_space<semaphore_mem>>)
      %dma_wait3A_290 = arith.constant 0 : i32
      %dma_wait3A_291 = tpu.memref_slice %arg9[%add3A_235, %dma_wait3A_290] : memref<64x64xi32, #tpu.memory_space<vmem>> -> memref<1x64xi32, #tpu.memory_space<vmem>>
      %dma_wait3A_292 = tpu.memref_squeeze %dma_wait3A_291 : memref<1x64xi32, #tpu.memory_space<vmem>> -> memref<64xi32, #tpu.memory_space<vmem>>
      %dma_wait3A_293 = arith.constant 0 : i32
      %dma_wait3A_294 = arith.constant 0 : i32
      %dma_wait3A_295 = tpu.memref_slice %arg7[%dma_wait3A_293, %dma_wait3A_294] : memref<10112x128xf32, #tpu.memory_space<vmem_shared>> -> memref<10112x128xf32, #tpu.memory_space<vmem_shared>>
      tpu.wait_indirect_dma semaphore(%arg19 : memref<!tpu.dma_semaphore, #tpu.memory_space<semaphore_mem>>) src(%arg11 : memref<64x128xf32, #tpu.memory_space<vmem>>) dst(%dma_wait3A_295 : memref<10112x128xf32, #tpu.memory_space<vmem_shared>>)
      %add3A_296 = arith.constant 4 : i32
      %add3A_297 = arith.addi %mul3A_209, %add3A_296 : i32
      %add3A_298 = arith.constant 1 : i32
      %add3A_299 = arith.addi %add3A_297, %add3A_298 : i32
      %dma_start3A_300 = arith.constant 0 : i32
      %dma_start3A_301 = tpu.memref_slice %arg8[%add3A_299, %dma_start3A_300] : memref<64x64xi32, #tpu.memory_space<vmem>> -> memref<1x64xi32, #tpu.memory_space<vmem>>
      %dma_start3A_302 = tpu.memref_squeeze %dma_start3A_301 : memref<1x64xi32, #tpu.memory_space<vmem>> -> memref<64xi32, #tpu.memory_space<vmem>>
      %dma_start3A_303 = arith.constant 0 : i32
      %dma_start3A_304 = arith.constant 0 : i32
      %dma_start3A_305 = tpu.memref_slice %arg2[%dma_start3A_303, %dma_start3A_304] : memref<10000x128xf32, #tpu.memory_space<hbm>> -> memref<10000x128xf32, #tpu.memory_space<hbm>>
      tpu.enqueue_indirect_dma source(%dma_start3A_305 : memref<10000x128xf32, #tpu.memory_space<hbm>>) target(%arg11 : memref<64x128xf32, #tpu.memory_space<vmem>>) offsets(%dma_start3A_302 : memref<64xi32, #tpu.memory_space<vmem>>) semaphore(%arg15 : memref<!tpu.dma_semaphore, #tpu.memory_space<semaphore_mem>>)
      %dma_wait3A_306 = arith.constant 0 : i32
      %dma_wait3A_307 = tpu.memref_slice %arg9[%add3A_251, %dma_wait3A_306] : memref<64x64xi32, #tpu.memory_space<vmem>> -> memref<1x64xi32, #tpu.memory_space<vmem>>
      %dma_wait3A_308 = tpu.memref_squeeze %dma_wait3A_307 : memref<1x64xi32, #tpu.memory_space<vmem>> -> memref<64xi32, #tpu.memory_space<vmem>>
      %dma_wait3A_309 = arith.constant 0 : i32
      %dma_wait3A_310 = arith.constant 0 : i32
      %dma_wait3A_311 = tpu.memref_slice %arg7[%dma_wait3A_309, %dma_wait3A_310] : memref<10112x128xf32, #tpu.memory_space<vmem_shared>> -> memref<10112x128xf32, #tpu.memory_space<vmem_shared>>
      tpu.wait_indirect_dma semaphore(%arg20 : memref<!tpu.dma_semaphore, #tpu.memory_space<semaphore_mem>>) src(%arg12 : memref<64x128xf32, #tpu.memory_space<vmem>>) dst(%dma_wait3A_311 : memref<10112x128xf32, #tpu.memory_space<vmem_shared>>)
      %add3A_312 = arith.constant 4 : i32
      %add3A_313 = arith.addi %mul3A_209, %add3A_312 : i32
      %add3A_314 = arith.constant 2 : i32
      %add3A_315 = arith.addi %add3A_313, %add3A_314 : i32
      %dma_start3A_316 = arith.constant 0 : i32
      %dma_start3A_317 = tpu.memref_slice %arg8[%add3A_315, %dma_start3A_316] : memref<64x64xi32, #tpu.memory_space<vmem>> -> memref<1x64xi32, #tpu.memory_space<vmem>>
      %dma_start3A_318 = tpu.memref_squeeze %dma_start3A_317 : memref<1x64xi32, #tpu.memory_space<vmem>> -> memref<64xi32, #tpu.memory_space<vmem>>
      %dma_start3A_319 = arith.constant 0 : i32
      %dma_start3A_320 = arith.constant 0 : i32
      %dma_start3A_321 = tpu.memref_slice %arg2[%dma_start3A_319, %dma_start3A_320] : memref<10000x128xf32, #tpu.memory_space<hbm>> -> memref<10000x128xf32, #tpu.memory_space<hbm>>
      tpu.enqueue_indirect_dma source(%dma_start3A_321 : memref<10000x128xf32, #tpu.memory_space<hbm>>) target(%arg12 : memref<64x128xf32, #tpu.memory_space<vmem>>) offsets(%dma_start3A_318 : memref<64xi32, #tpu.memory_space<vmem>>) semaphore(%arg16 : memref<!tpu.dma_semaphore, #tpu.memory_space<semaphore_mem>>)
      %dma_wait3A_322 = arith.constant 0 : i32
      %dma_wait3A_323 = tpu.memref_slice %arg9[%add3A_267, %dma_wait3A_322] : memref<64x64xi32, #tpu.memory_space<vmem>> -> memref<1x64xi32, #tpu.memory_space<vmem>>
      %dma_wait3A_324 = tpu.memref_squeeze %dma_wait3A_323 : memref<1x64xi32, #tpu.memory_space<vmem>> -> memref<64xi32, #tpu.memory_space<vmem>>
      %dma_wait3A_325 = arith.constant 0 : i32
      %dma_wait3A_326 = arith.constant 0 : i32
      %dma_wait3A_327 = tpu.memref_slice %arg7[%dma_wait3A_325, %dma_wait3A_326] : memref<10112x128xf32, #tpu.memory_space<vmem_shared>> -> memref<10112x128xf32, #tpu.memory_space<vmem_shared>>
      tpu.wait_indirect_dma semaphore(%arg21 : memref<!tpu.dma_semaphore, #tpu.memory_space<semaphore_mem>>) src(%arg13 : memref<64x128xf32, #tpu.memory_space<vmem>>) dst(%dma_wait3A_327 : memref<10112x128xf32, #tpu.memory_space<vmem_shared>>)
      %add3A_328 = arith.constant 4 : i32
      %add3A_329 = arith.addi %mul3A_209, %add3A_328 : i32
      %add3A_330 = arith.constant 3 : i32
      %add3A_331 = arith.addi %add3A_329, %add3A_330 : i32
      %dma_start3A_332 = arith.constant 0 : i32
      %dma_start3A_333 = tpu.memref_slice %arg8[%add3A_331, %dma_start3A_332] : memref<64x64xi32, #tpu.memory_space<vmem>> -> memref<1x64xi32, #tpu.memory_space<vmem>>
      %dma_start3A_334 = tpu.memref_squeeze %dma_start3A_333 : memref<1x64xi32, #tpu.memory_space<vmem>> -> memref<64xi32, #tpu.memory_space<vmem>>
      %dma_start3A_335 = arith.constant 0 : i32
      %dma_start3A_336 = arith.constant 0 : i32
      %dma_start3A_337 = tpu.memref_slice %arg2[%dma_start3A_335, %dma_start3A_336] : memref<10000x128xf32, #tpu.memory_space<hbm>> -> memref<10000x128xf32, #tpu.memory_space<hbm>>
      tpu.enqueue_indirect_dma source(%dma_start3A_337 : memref<10000x128xf32, #tpu.memory_space<hbm>>) target(%arg13 : memref<64x128xf32, #tpu.memory_space<vmem>>) offsets(%dma_start3A_334 : memref<64xi32, #tpu.memory_space<vmem>>) semaphore(%arg17 : memref<!tpu.dma_semaphore, #tpu.memory_space<semaphore_mem>>)
    }
    %dma_wait3A_174 = arith.constant 0 : i32
    %dma_wait3A_175 = arith.constant 0 : i32
    %dma_wait3A_176 = tpu.memref_slice %arg8[%dma_wait3A_174, %dma_wait3A_175] : memref<64x64xi32, #tpu.memory_space<vmem>> -> memref<1x64xi32, #tpu.memory_space<vmem>>
    %dma_wait3A_177 = tpu.memref_squeeze %dma_wait3A_176 : memref<1x64xi32, #tpu.memory_space<vmem>> -> memref<64xi32, #tpu.memory_space<vmem>>
    %dma_wait3A_178 = arith.constant 0 : i32
    %dma_wait3A_179 = arith.constant 0 : i32
    %dma_wait3A_180 = tpu.memref_slice %arg2[%dma_wait3A_178, %dma_wait3A_179] : memref<10000x128xf32, #tpu.memory_space<hbm>> -> memref<10000x128xf32, #tpu.memory_space<hbm>>
    tpu.wait_indirect_dma semaphore(%arg14 : memref<!tpu.dma_semaphore, #tpu.memory_space<semaphore_mem>>) src(%dma_wait3A_180 : memref<10000x128xf32, #tpu.memory_space<hbm>>) dst(%arg10 : memref<64x128xf32, #tpu.memory_space<vmem>>)
    %dma_wait3A_181 = arith.constant 0 : i32
    %dma_wait3A_182 = arith.constant 0 : i32
    %dma_wait3A_183 = tpu.memref_slice %arg8[%dma_wait3A_181, %dma_wait3A_182] : memref<64x64xi32, #tpu.memory_space<vmem>> -> memref<1x64xi32, #tpu.memory_space<vmem>>
    %dma_wait3A_184 = tpu.memref_squeeze %dma_wait3A_183 : memref<1x64xi32, #tpu.memory_space<vmem>> -> memref<64xi32, #tpu.memory_space<vmem>>
    %dma_wait3A_185 = arith.constant 0 : i32
    %dma_wait3A_186 = arith.constant 0 : i32
    %dma_wait3A_187 = tpu.memref_slice %arg2[%dma_wait3A_185, %dma_wait3A_186] : memref<10000x128xf32, #tpu.memory_space<hbm>> -> memref<10000x128xf32, #tpu.memory_space<hbm>>
    tpu.wait_indirect_dma semaphore(%arg15 : memref<!tpu.dma_semaphore, #tpu.memory_space<semaphore_mem>>) src(%dma_wait3A_187 : memref<10000x128xf32, #tpu.memory_space<hbm>>) dst(%arg11 : memref<64x128xf32, #tpu.memory_space<vmem>>)
    %dma_wait3A_188 = arith.constant 0 : i32
    %dma_wait3A_189 = arith.constant 0 : i32
    %dma_wait3A_190 = tpu.memref_slice %arg8[%dma_wait3A_188, %dma_wait3A_189] : memref<64x64xi32, #tpu.memory_space<vmem>> -> memref<1x64xi32, #tpu.memory_space<vmem>>
    %dma_wait3A_191 = tpu.memref_squeeze %dma_wait3A_190 : memref<1x64xi32, #tpu.memory_space<vmem>> -> memref<64xi32, #tpu.memory_space<vmem>>
    %dma_wait3A_192 = arith.constant 0 : i32
    %dma_wait3A_193 = arith.constant 0 : i32
    %dma_wait3A_194 = tpu.memref_slice %arg2[%dma_wait3A_192, %dma_wait3A_193] : memref<10000x128xf32, #tpu.memory_space<hbm>> -> memref<10000x128xf32, #tpu.memory_space<hbm>>
    tpu.wait_indirect_dma semaphore(%arg16 : memref<!tpu.dma_semaphore, #tpu.memory_space<semaphore_mem>>) src(%dma_wait3A_194 : memref<10000x128xf32, #tpu.memory_space<hbm>>) dst(%arg12 : memref<64x128xf32, #tpu.memory_space<vmem>>)
    %dma_wait3A_195 = arith.constant 0 : i32
    %dma_wait3A_196 = arith.constant 0 : i32
    %dma_wait3A_197 = tpu.memref_slice %arg8[%dma_wait3A_195, %dma_wait3A_196] : memref<64x64xi32, #tpu.memory_space<vmem>> -> memref<1x64xi32, #tpu.memory_space<vmem>>
    %dma_wait3A_198 = tpu.memref_squeeze %dma_wait3A_197 : memref<1x64xi32, #tpu.memory_space<vmem>> -> memref<64xi32, #tpu.memory_space<vmem>>
    %dma_wait3A_199 = arith.constant 0 : i32
    %dma_wait3A_200 = arith.constant 0 : i32
    %dma_wait3A_201 = tpu.memref_slice %arg2[%dma_wait3A_199, %dma_wait3A_200] : memref<10000x128xf32, #tpu.memory_space<hbm>> -> memref<10000x128xf32, #tpu.memory_space<hbm>>
    tpu.wait_indirect_dma semaphore(%arg17 : memref<!tpu.dma_semaphore, #tpu.memory_space<semaphore_mem>>) src(%dma_wait3A_201 : memref<10000x128xf32, #tpu.memory_space<hbm>>) dst(%arg13 : memref<64x128xf32, #tpu.memory_space<vmem>>)
    %barrier3A_202 = arith.constant 0 : index
    tpu.barrier barrier_id(%barrier3A_202)
    %mul3A_203 = arith.constant 632 : i32
    %mul3A_204 = arith.muli %arg1, %mul3A_203 : i32
    %mul3A_205 = arith.constant 632 : i32
    %mul3A_206 = arith.muli %arg1, %mul3A_205 : i32
    "tpu.region"() ({
      %run_scoped3A = tpu.sem_alloc : memref<!tpu.dma_semaphore, #tpu.memory_space<semaphore_mem>>
      %dma_start3A_207 = arith.constant 0 : i32
      %dma_start3A_208 = arith.constant 0 : i32
      %dma_start3A_209 = tpu.memref_slice %arg6[%arg0, %dma_start3A_207, %dma_start3A_208] : memref<2x10112x128xf32, #tpu.memory_space<hbm>> -> memref<1x10112x128xf32, #tpu.memory_space<hbm>>
      %dma_start3A_210 = tpu.memref_squeeze %dma_start3A_209 : memref<1x10112x128xf32, #tpu.memory_space<hbm>> -> memref<10112x128xf32, #tpu.memory_space<hbm>>
      %dma_start3A_211 = arith.constant 0 : i32
      %dma_start3A_212 = tpu.memref_slice %dma_start3A_210[%mul3A_206, %dma_start3A_211] : memref<10112x128xf32, #tpu.memory_space<hbm>> -> memref<632x128xf32, #tpu.memory_space<hbm>>
      %dma_start3A_213 = arith.constant 0 : i32
      %dma_start3A_214 = tpu.memref_slice %arg7[%mul3A_204, %dma_start3A_213] : memref<10112x128xf32, #tpu.memory_space<vmem_shared>> -> memref<632x128xf32, #tpu.memory_space<vmem_shared>>
      tpu.enqueue_dma source(%dma_start3A_214 : memref<632x128xf32, #tpu.memory_space<vmem_shared>>) target(%dma_start3A_212 : memref<632x128xf32, #tpu.memory_space<hbm>>) target_semaphore(%run_scoped3A : memref<!tpu.dma_semaphore, #tpu.memory_space<semaphore_mem>>)
      %dma_wait3A_215 = arith.constant 0 : i32
      %dma_wait3A_216 = arith.constant 0 : i32
      %dma_wait3A_217 = tpu.memref_slice %arg6[%arg0, %dma_wait3A_215, %dma_wait3A_216] : memref<2x10112x128xf32, #tpu.memory_space<hbm>> -> memref<1x10112x128xf32, #tpu.memory_space<hbm>>
      %dma_wait3A_218 = tpu.memref_squeeze %dma_wait3A_217 : memref<1x10112x128xf32, #tpu.memory_space<hbm>> -> memref<10112x128xf32, #tpu.memory_space<hbm>>
      %dma_wait3A_219 = arith.constant 0 : i32
      %dma_wait3A_220 = tpu.memref_slice %dma_wait3A_218[%mul3A_206, %dma_wait3A_219] : memref<10112x128xf32, #tpu.memory_space<hbm>> -> memref<632x128xf32, #tpu.memory_space<hbm>>
      %dma_wait3A_221 = arith.constant 0 : i32
      %dma_wait3A_222 = tpu.memref_slice %arg7[%mul3A_204, %dma_wait3A_221] : memref<10112x128xf32, #tpu.memory_space<vmem_shared>> -> memref<632x128xf32, #tpu.memory_space<vmem_shared>>
      tpu.wait_dma2 semaphore(%run_scoped3A : memref<!tpu.dma_semaphore, #tpu.memory_space<semaphore_mem>>) src(%dma_wait3A_222 : memref<632x128xf32, #tpu.memory_space<vmem_shared>>) dst(%dma_wait3A_220 : memref<632x128xf32, #tpu.memory_space<hbm>>)
      tpu.yield
    }) : () -> ()
    return
  }
}

module attributes {stable_mosaic.version = 14 : i64} {
  func.func @_mlp_body(%arg0: i32, %arg1: memref<1x1xf32, #tpu.memory_space<smem>>, %arg2: memref<1000x128xf32, #tpu.memory_space<vmem>>, %arg3: memref<2x1000x128xf32, #tpu.memory_space<vmem>>, %arg4: memref<128x128xf32, #tpu.memory_space<vmem>>, %arg5: memref<1x128xf32, #tpu.memory_space<vmem>>, %arg6: memref<128x128xf32, #tpu.memory_space<vmem>>, %arg7: memref<1x128xf32, #tpu.memory_space<vmem>>, %arg8: memref<1000x128xf32, #tpu.memory_space<vmem>>) attributes {dimension_semantics = [#tpu.dimension_semantics<arbitrary>], iteration_bounds = array<i64: 10>, scalar_prefetch = 0 : i64, scratch_operands = 0 : i64, tpu.core_type = #tpu.core_type<tc>, window_params = [{transform_indices = @transform_0, window_bounds = array<i64: 1, 1>}, {transform_indices = @transform_1, window_bounds = array<i64: 1000, 128>}, {transform_indices = @transform_2, window_bounds = array<i64: 2, 1000, 128>}, {pipeline_mode = #tpu.pipeline_mode<synchronous>, transform_indices = @transform_3, window_bounds = array<i64: 128, 128>}, {pipeline_mode = #tpu.pipeline_mode<synchronous>, transform_indices = @transform_4, window_bounds = array<i64: 1, 128>}, {pipeline_mode = #tpu.pipeline_mode<synchronous>, transform_indices = @transform_5, window_bounds = array<i64: 128, 128>}, {pipeline_mode = #tpu.pipeline_mode<synchronous>, transform_indices = @transform_6, window_bounds = array<i64: 1, 128>}, {transform_indices = @transform_7, window_bounds = array<i64: 1000, 128>}]} {
    %get3A = arith.constant 0 : index
    %get3A_0 = arith.constant 0 : index
    %get3A_1 = memref.load %arg1[%get3A, %get3A_0] : memref<1x1xf32, #tpu.memory_space<smem>>
    %get3A_2 = arith.constant 0 : index
    %get3A_3 = arith.constant 0 : index
    %get3A_4 = vector.load %arg2[%get3A_2, %get3A_3] : memref<1000x128xf32, #tpu.memory_space<vmem>>, vector<1000x128xf32>
    %mul3A = vector.broadcast %get3A_1 : f32 to vector<1000x128xf32>
    %mul3A_5 = arith.mulf %mul3A, %get3A_4 : vector<1000x128xf32>
    %get3A_6 = arith.constant 0 : index
    %get3A_7 = arith.constant 0 : index
    %get3A_8 = arith.constant 0 : index
    %get3A_9 = vector.load %arg3[%get3A_6, %get3A_7, %get3A_8] : memref<2x1000x128xf32, #tpu.memory_space<vmem>>, vector<1x1000x128xf32>
    %get3A_10 = vector.shape_cast %get3A_9 : vector<1x1000x128xf32> to vector<1000x128xf32>
    %add3A = arith.addf %mul3A_5, %get3A_10 : vector<1000x128xf32>
    %get3A_11 = arith.constant 1 : index
    %get3A_12 = arith.constant 0 : index
    %get3A_13 = arith.constant 0 : index
    %get3A_14 = vector.load %arg3[%get3A_11, %get3A_12, %get3A_13] : memref<2x1000x128xf32, #tpu.memory_space<vmem>>, vector<1x1000x128xf32>
    %get3A_15 = vector.shape_cast %get3A_14 : vector<1x1000x128xf32> to vector<1000x128xf32>
    %add3A_16 = arith.addf %add3A, %get3A_15 : vector<1000x128xf32>
    %get3A_17 = arith.constant 0 : index
    %get3A_18 = arith.constant 0 : index
    %get3A_19 = vector.load %arg4[%get3A_17, %get3A_18] : memref<128x128xf32, #tpu.memory_space<vmem>>, vector<128x128xf32>
    %dot_general3A = arith.constant dense<0.000000e+00> : vector<1000x128xf32>
    %dot_general3A_20 = tpu.matmul %add3A_16, %get3A_19, %dot_general3A {dimension_numbers = #tpu.dot_dimension_numbers<[1], [0], [0], [1], [0, 0, 1, 1], [], []>, transpose_lhs_hint = false} : vector<1000x128xf32>, vector<128x128xf32>, vector<1000x128xf32> -> vector<1000x128xf32>
    %get3A_21 = arith.constant 0 : index
    %get3A_22 = arith.constant 0 : index
    %get3A_23 = vector.load %arg5[%get3A_21, %get3A_22] : memref<1x128xf32, #tpu.memory_space<vmem>>, vector<1x128xf32>
    %add3A_24 = vector.broadcast %get3A_23 : vector<1x128xf32> to vector<1000x128xf32>
    %add3A_25 = arith.addf %dot_general3A_20, %add3A_24 : vector<1000x128xf32>
    %max3A = arith.constant 0.000000e+00 : f32
    %max3A_26 = vector.broadcast %max3A : f32 to vector<1000x128xf32>
    %max3A_27 = arith.maximumf %add3A_25, %max3A_26 : vector<1000x128xf32>
    %get3A_28 = arith.constant 0 : index
    %get3A_29 = arith.constant 0 : index
    %get3A_30 = vector.load %arg6[%get3A_28, %get3A_29] : memref<128x128xf32, #tpu.memory_space<vmem>>, vector<128x128xf32>
    %dot_general3A_31 = arith.constant dense<0.000000e+00> : vector<1000x128xf32>
    %dot_general3A_32 = tpu.matmul %max3A_27, %get3A_30, %dot_general3A_31 {dimension_numbers = #tpu.dot_dimension_numbers<[1], [0], [0], [1], [0, 0, 1, 1], [], []>, transpose_lhs_hint = false} : vector<1000x128xf32>, vector<128x128xf32>, vector<1000x128xf32> -> vector<1000x128xf32>
    %get3A_33 = arith.constant 0 : index
    %get3A_34 = arith.constant 0 : index
    %get3A_35 = vector.load %arg7[%get3A_33, %get3A_34] : memref<1x128xf32, #tpu.memory_space<vmem>>, vector<1x128xf32>
    %add3A_36 = vector.broadcast %get3A_35 : vector<1x128xf32> to vector<1000x128xf32>
    %add3A_37 = arith.addf %dot_general3A_32, %add3A_36 : vector<1000x128xf32>
    %max3A_38 = arith.constant 0.000000e+00 : f32
    %max3A_39 = vector.broadcast %max3A_38 : f32 to vector<1000x128xf32>
    %max3A_40 = arith.maximumf %add3A_37, %max3A_39 : vector<1000x128xf32>
    %swap3A = arith.constant 0 : index
    %swap3A_41 = arith.constant 0 : index
    %swap3A_42 = vector.load %arg8[%swap3A, %swap3A_41] : memref<1000x128xf32, #tpu.memory_space<vmem>>, vector<1000x128xf32>
    tpu.vector_store %arg8[%swap3A, %swap3A_41], %max3A_40 {strides = array<i32>} : memref<1000x128xf32, #tpu.memory_space<vmem>>, vector<1000x128xf32>,
    return
  }
  func.func @transform_0(%arg0: i32) -> (i32, i32) {
    %c0_i32 = arith.constant 0 : i32
    %c0_i32_0 = arith.constant 0 : i32
    %c0_i32_1 = arith.constant 0 : i32
    return %c0_i32, %c0_i32_0 : i32, i32
  }
  func.func @transform_1(%arg0: i32) -> (i32, i32) {
    %c0_i32 = arith.constant 0 : i32
    %c0_i32_0 = arith.constant 0 : i32
    return %arg0, %c0_i32 : i32, i32
  }
  func.func @transform_2(%arg0: i32) -> (i32, i32, i32) {
    %c0_i32 = arith.constant 0 : i32
    %c0_i32_0 = arith.constant 0 : i32
    %c0_i32_1 = arith.constant 0 : i32
    return %c0_i32, %arg0, %c0_i32_0 : i32, i32, i32
  }
  func.func @transform_3(%arg0: i32) -> (i32, i32) {
    %c0_i32 = arith.constant 0 : i32
    %c0_i32_0 = arith.constant 0 : i32
    %c0_i32_1 = arith.constant 0 : i32
    return %c0_i32, %c0_i32_0 : i32, i32
  }
  func.func @transform_4(%arg0: i32) -> (i32, i32) {
    %c0_i32 = arith.constant 0 : i32
    %c0_i32_0 = arith.constant 0 : i32
    %c0_i32_1 = arith.constant 0 : i32
    return %c0_i32, %c0_i32_0 : i32, i32
  }
  func.func @transform_5(%arg0: i32) -> (i32, i32) {
    %c0_i32 = arith.constant 0 : i32
    %c0_i32_0 = arith.constant 0 : i32
    %c0_i32_1 = arith.constant 0 : i32
    return %c0_i32, %c0_i32_0 : i32, i32
  }
  func.func @transform_6(%arg0: i32) -> (i32, i32) {
    %c0_i32 = arith.constant 0 : i32
    %c0_i32_0 = arith.constant 0 : i32
    %c0_i32_1 = arith.constant 0 : i32
    return %c0_i32, %c0_i32_0 : i32, i32
  }
  func.func @transform_7(%arg0: i32) -> (i32, i32) {
    %c0_i32 = arith.constant 0 : i32
    %c0_i32_0 = arith.constant 0 : i32
    return %arg0, %c0_i32 : i32, i32
  }
}

module attributes {stable_mosaic.version = 14 : i64} {
  func.func @_pool_body(%arg0: i32, %arg1: memref<1x1x1000xi32, #tpu.memory_space<vmem>>, %arg2: memref<1000x128xf32, #tpu.memory_space<vmem>>, %arg3: memref<1000x128xf32, #tpu.memory_space<vmem>>, %arg4: memref<1000x128xf32, #tpu.memory_space<vmem>>, %arg5: memref<128x64xf32, #tpu.memory_space<vmem>>, %arg6: memref<128x64xf32, #tpu.memory_space<vmem>>, %arg7: memref<128x64xf32, #tpu.memory_space<vmem>>, %arg8: memref<1x64xf32, #tpu.memory_space<vmem>>, %arg9: memref<128x64xf32, #tpu.memory_space<vmem>>) attributes {dimension_semantics = [#tpu.dimension_semantics<arbitrary>], iteration_bounds = array<i64: 10>, scalar_prefetch = 0 : i64, scratch_operands = 0 : i64, tpu.core_type = #tpu.core_type<tc>, window_params = [{transform_indices = @transform_0, window_bounds = array<i64: 1, 1, 1000>}, {transform_indices = @transform_1, window_bounds = array<i64: 1000, 128>}, {transform_indices = @transform_2, window_bounds = array<i64: 1000, 128>}, {transform_indices = @transform_3, window_bounds = array<i64: 1000, 128>}, {pipeline_mode = #tpu.pipeline_mode<synchronous>, transform_indices = @transform_4, window_bounds = array<i64: 128, 64>}, {pipeline_mode = #tpu.pipeline_mode<synchronous>, transform_indices = @transform_5, window_bounds = array<i64: 128, 64>}, {pipeline_mode = #tpu.pipeline_mode<synchronous>, transform_indices = @transform_6, window_bounds = array<i64: 128, 64>}, {pipeline_mode = #tpu.pipeline_mode<synchronous>, transform_indices = @transform_7, window_bounds = array<i64: 1, 64>}, {pipeline_mode = #tpu.pipeline_mode<synchronous>, transform_indices = @transform_8, window_bounds = array<i64: 128, 64>}]} {
    %get3A = arith.constant 0 : index
    %get3A_0 = arith.constant 0 : index
    %get3A_1 = vector.load %arg2[%get3A, %get3A_0] : memref<1000x128xf32, #tpu.memory_space<vmem>>, vector<1000x128xf32>
    %get3A_2 = arith.constant 0 : index
    %get3A_3 = arith.constant 0 : index
    %get3A_4 = vector.load %arg5[%get3A_2, %get3A_3] : memref<128x64xf32, #tpu.memory_space<vmem>>, vector<128x64xf32>
    %dot_general3A = arith.constant dense<0.000000e+00> : vector<1000x64xf32>
    %dot_general3A_5 = tpu.matmul %get3A_1, %get3A_4, %dot_general3A {dimension_numbers = #tpu.dot_dimension_numbers<[1], [0], [0], [1], [0, 0, 1, 1], [], []>, transpose_lhs_hint = false} : vector<1000x128xf32>, vector<128x64xf32>, vector<1000x64xf32> -> vector<1000x64xf32>
    %get3A_6 = arith.constant 0 : index
    %get3A_7 = arith.constant 0 : index
    %get3A_8 = vector.load %arg3[%get3A_6, %get3A_7] : memref<1000x128xf32, #tpu.memory_space<vmem>>, vector<1000x128xf32>
    %get3A_9 = arith.constant 0 : index
    %get3A_10 = arith.constant 0 : index
    %get3A_11 = vector.load %arg6[%get3A_9, %get3A_10] : memref<128x64xf32, #tpu.memory_space<vmem>>, vector<128x64xf32>
    %dot_general3A_12 = arith.constant dense<0.000000e+00> : vector<1000x64xf32>
    %dot_general3A_13 = tpu.matmul %get3A_8, %get3A_11, %dot_general3A_12 {dimension_numbers = #tpu.dot_dimension_numbers<[1], [0], [0], [1], [0, 0, 1, 1], [], []>, transpose_lhs_hint = false} : vector<1000x128xf32>, vector<128x64xf32>, vector<1000x64xf32> -> vector<1000x64xf32>
    %add3A = arith.addf %dot_general3A_5, %dot_general3A_13 : vector<1000x64xf32>
    %get3A_14 = arith.constant 0 : index
    %get3A_15 = arith.constant 0 : index
    %get3A_16 = vector.load %arg4[%get3A_14, %get3A_15] : memref<1000x128xf32, #tpu.memory_space<vmem>>, vector<1000x128xf32>
    %get3A_17 = arith.constant 0 : index
    %get3A_18 = arith.constant 0 : index
    %get3A_19 = vector.load %arg7[%get3A_17, %get3A_18] : memref<128x64xf32, #tpu.memory_space<vmem>>, vector<128x64xf32>
    %dot_general3A_20 = arith.constant dense<0.000000e+00> : vector<1000x64xf32>
    %dot_general3A_21 = tpu.matmul %get3A_16, %get3A_19, %dot_general3A_20 {dimension_numbers = #tpu.dot_dimension_numbers<[1], [0], [0], [1], [0, 0, 1, 1], [], []>, transpose_lhs_hint = false} : vector<1000x128xf32>, vector<128x64xf32>, vector<1000x64xf32> -> vector<1000x64xf32>
    %add3A_22 = arith.addf %add3A, %dot_general3A_21 : vector<1000x64xf32>
    %get3A_23 = arith.constant 0 : index
    %get3A_24 = arith.constant 0 : index
    %get3A_25 = arith.constant 0 : index
    %get3A_26 = vector.load %arg1[%get3A_23, %get3A_24, %get3A_25] : memref<1x1x1000xi32, #tpu.memory_space<vmem>>, vector<1x1x1000xi32>
    %get3A_27 = vector.shape_cast %get3A_26 : vector<1x1x1000xi32> to vector<1000xi32>
    %broadcast_in_dim3A = vector.shape_cast %get3A_27 : vector<1000xi32> to vector<1000x1xi32>
    %iota3A = tpu.iota {dimensions = array<i32: 1>} : vector<1000x128xi32>
    %eq3A = vector.broadcast %broadcast_in_dim3A : vector<1000x1xi32> to vector<1000x128xi32>
    %eq3A_28 = arith.cmpi eq, %eq3A, %iota3A : vector<1000x128xi32>
    %convert_element_type3A = arith.extui %eq3A_28 : vector<1000x128xi1> to vector<1000x128xi32>
    %convert_element_type3A_29 = arith.sitofp %convert_element_type3A : vector<1000x128xi32> to vector<1000x128xf32>
    %dot_general3A_30 = arith.constant dense<0.000000e+00> : vector<128x64xf32>
    %dot_general3A_31 = tpu.matmul %convert_element_type3A_29, %add3A_22, %dot_general3A_30 {dimension_numbers = #tpu.dot_dimension_numbers<[0], [0], [1], [1], [0, 1, 1, 1], [], []>, transpose_lhs_hint = false} : vector<1000x128xf32>, vector<1000x64xf32>, vector<128x64xf32> -> vector<128x64xf32>
    %eq3A_32 = arith.constant 0 : i32
    %eq3A_33 = arith.cmpi eq, %arg0, %eq3A_32 : i32
    %convert_element_type3A_34 = arith.extui %eq3A_33 : i1 to i32
    %cond3A = arith.constant 0 : i32
    %cond3A_35 = arith.cmpi ne, %convert_element_type3A_34, %cond3A : i32
    scf.if %cond3A_35 {
      %get3A_42 = arith.constant 0 : index
      %get3A_43 = arith.constant 0 : index
      %get3A_44 = vector.load %arg8[%get3A_42, %get3A_43] : memref<1x64xf32, #tpu.memory_space<vmem>>, vector<1x64xf32>
      %broadcast_in_dim3A_45 = vector.shape_cast %get3A_44 : vector<1x64xf32> to vector<1x64xf32>
      %broadcast_in_dim3A_46 = vector.broadcast %broadcast_in_dim3A_45 : vector<1x64xf32> to vector<128x64xf32>
      %swap3A_47 = arith.constant 0 : index
      %swap3A_48 = arith.constant 0 : index
      %swap3A_49 = vector.load %arg9[%swap3A_47, %swap3A_48] : memref<128x64xf32, #tpu.memory_space<vmem>>, vector<128x64xf32>
      tpu.vector_store %arg9[%swap3A_47, %swap3A_48], %broadcast_in_dim3A_46 {strides = array<i32>} : memref<128x64xf32, #tpu.memory_space<vmem>>, vector<128x64xf32>,
    } else {
    }
    %get3A_36 = arith.constant 0 : index
    %get3A_37 = arith.constant 0 : index
    %get3A_38 = vector.load %arg9[%get3A_36, %get3A_37] : memref<128x64xf32, #tpu.memory_space<vmem>>, vector<128x64xf32>
    %add3A_39 = arith.addf %get3A_38, %dot_general3A_31 : vector<128x64xf32>
    %swap3A = arith.constant 0 : index
    %swap3A_40 = arith.constant 0 : index
    %swap3A_41 = vector.load %arg9[%swap3A, %swap3A_40] : memref<128x64xf32, #tpu.memory_space<vmem>>, vector<128x64xf32>
    tpu.vector_store %arg9[%swap3A, %swap3A_40], %add3A_39 {strides = array<i32>} : memref<128x64xf32, #tpu.memory_space<vmem>>, vector<128x64xf32>,
    return
  }
  func.func @transform_0(%arg0: i32) -> (i32, i32, i32) {
    %c0_i32 = arith.constant 0 : i32
    %c0_i32_0 = arith.constant 0 : i32
    %c0_i32_1 = arith.constant 0 : i32
    return %arg0, %c0_i32, %c0_i32_0 : i32, i32, i32
  }
  func.func @transform_1(%arg0: i32) -> (i32, i32) {
    %c0_i32 = arith.constant 0 : i32
    %c0_i32_0 = arith.constant 0 : i32
    return %arg0, %c0_i32 : i32, i32
  }
  func.func @transform_2(%arg0: i32) -> (i32, i32) {
    %c0_i32 = arith.constant 0 : i32
    %c0_i32_0 = arith.constant 0 : i32
    return %arg0, %c0_i32 : i32, i32
  }
  func.func @transform_3(%arg0: i32) -> (i32, i32) {
    %c0_i32 = arith.constant 0 : i32
    %c0_i32_0 = arith.constant 0 : i32
    return %arg0, %c0_i32 : i32, i32
  }
  func.func @transform_4(%arg0: i32) -> (i32, i32) {
    %c0_i32 = arith.constant 0 : i32
    %c0_i32_0 = arith.constant 0 : i32
    %c0_i32_1 = arith.constant 0 : i32
    return %c0_i32, %c0_i32_0 : i32, i32
  }
  func.func @transform_5(%arg0: i32) -> (i32, i32) {
    %c0_i32 = arith.constant 0 : i32
    %c0_i32_0 = arith.constant 0 : i32
    %c0_i32_1 = arith.constant 0 : i32
    return %c0_i32, %c0_i32_0 : i32, i32
  }
  func.func @transform_6(%arg0: i32) -> (i32, i32) {
    %c0_i32 = arith.constant 0 : i32
    %c0_i32_0 = arith.constant 0 : i32
    %c0_i32_1 = arith.constant 0 : i32
    return %c0_i32, %c0_i32_0 : i32, i32
  }
  func.func @transform_7(%arg0: i32) -> (i32, i32) {
    %c0_i32 = arith.constant 0 : i32
    %c0_i32_0 = arith.constant 0 : i32
    %c0_i32_1 = arith.constant 0 : i32
    return %c0_i32, %c0_i32_0 : i32, i32
  }
  func.func @transform_8(%arg0: i32) -> (i32, i32) {
    %c0_i32 = arith.constant 0 : i32
    %c0_i32_0 = arith.constant 0 : i32
    %c0_i32_1 = arith.constant 0 : i32
    return %c0_i32, %c0_i32_0 : i32, i32
  }
}

</mosaic_0001>

<sc_bundles>
// kernel: kernel.10.cloned.1.call-start
scs
__scs_entry_jumppad:
0x0: {  	(pc) =	sbr.rel $0x88, $3  }
0x1: {  	(tag) =	ssettag $0x0;
	lr =	simm.s32 $0x1  }
0x2: {  	[smem:$0x3F86] =	sst lr;
	_ =	strace $0xD0000000  }
0x3: {  	_ = 	snop  }
0x4: {  	_ = 	snop  }
0x5: {  	_ = 	snop  }
0x6: {  	_ = 	snop  }
0x7: {  	_ = 	snop  }
__scs_overlays_trampoline_lowered:
0x8: {  	[smem:$0x3F95] =	sst s0  }
0x9: {  	[smem:$0x3F96] =	sst s1  }
0xa: {  	[smem:$0x3F97] =	sst s2  }
0xb: {  	[smem:$0x3F98] =	sst s3  }
0xc: {  	[smem:$0x3F99] =	sst s4  }
0xd: {  	[smem:$0x3F9A] =	sst s5  }
0xe: {  	[smem:$0x3F9B] =	sst s6  }
0xf: {  	[smem:$0x3F9C] =	sst s7  }
0x10: {  	[smem:$0x3F9D] =	sst s8  }
0x11: {  	[smem:$0x3F9E] =	sst s9;
	s0 =	simm.s32 @!p0 $0x0  }
0x12: {  	s1 =	sld [smem:$0x3F84];
	s0 =	simm.s32 @p0 $0x1  }
0x13: {  	[smem:$0x3F9F] =	sst s0;
	s0 =	simm.s32 @!p1 $0x0  }
0x14: {  	s2 =	sld [smem:$0x3F83];
	s0 =	simm.s32 @p1 $0x1  }
0x15: {  	[smem:$0x3FA0] =	sst s0;
	s0 =	simm.s32 @!p2 $0x0  }
0x16: {  	s3 =	sld [smem:$0x3FDB];
	s0 =	simm.s32 @p2 $0x1  }
0x17: {  	s4 =	simm.s32 $0x1BF5;
	[smem:$0x3FA2] =	sst s0  }
0x18: {  	s0 =	sld [smem:$0x3F85];
	_ =	swait.ge [sflag:s4], $0x0  }
0x19: {  	s7 =	sld [smem:$0x3F86]  }
0x1a: {  	s8 =	sadd.s32 $0xFFFFE003, lr  }
0x1b: {  	s9 =	sadd.s32 $0xFFFFFEF7, lr;
	s5 =	simm.s32 $0xFFFFFFFF;
	p2 =	slt.u32 s8, $0xFFFFF086  }
0x1c: {  	p1 =	slt.u32 s9, $0xF7A;
	s5 =	simm.s32 @!p2 $0x0  }
0x1d: {  	s5 =	simm.s32 @p1 $0x1;
	p0 =	seq.s32 s7, s2  }
0x1e: {  	s7 =	smul.u32 @!p0 $0xF7A, s2;
	p2 =	seq.s32 @!p0 s5, $0x0  }
0x1f: {  	s9 =	smul.u32 $0xF7A, s1;
	s8 =	simm.s32 @!p0 $0x1BF5;
	p2 =	por !p2, p0  }
0x20: {  	[sflag:s8] =	ssyncset.s32 @!p0 $0xFFFFF086;
	s6 =	sadd.s32 @!p0 s3, s7;
	s7 =	simm.s32 @!p0 $0x108  }
0x21: {  	s3 =	sadd.s32 s3, s9;
	s6 =	sadd.s32 @!p0 $0x88, s6;
	s7 =	simm.s32 @p2 $0x1082  }
0x22: {  	[simem:s7], [sflag:s8] =	dma.local @!p0 [hbm:s6], $0xF7A  }
0x23: {  	s9 =	sor.u32 $0xD0000000, s2;
	s6 =	simm.s32 $0x108;
	_ =	swait.ge @!p0 [sflag:s8], $0x0  }
0x24: {  	s3 =	sadd.s32 $0x88, s3;
	s6 =	simm.s32 @!p1 $0x1082;
	[sflag:s4] =	ssyncset.s32 $0xFFFFF086  }
0x25: {  	[simem:s6], [sflag:s4] =	dma.local [hbm:s3], $0xF7A  }
0x26: {  	[smem:$0x3F86] =	sst s1;
	(tag) =	ssettag s2;
	_ =	strace s9  }
0x27: {  	s1 =	sld [smem:$0x3F96]  }
0x28: {  	s2 =	sld [smem:$0x3F97]  }
0x29: {  	s4 =	sld [smem:$0x3F99]  }
0x2a: {  	p0 =	seq.s32 s5, $0x0;
	s5 =	sld [smem:$0x3F9A]  }
0x2b: {  	s6 =	sld [smem:$0x3F9B]  }
0x2c: {  	s7 =	sld [smem:$0x3F9C]  }
0x2d: {  	s3 =	simm.s32 $0x108;
	s8 =	sld [smem:$0x3F9D]  }
0x2e: {  	s3 =	simm.s32 @!p0 $0x1082;
	s9 =	sld [smem:$0x3F9E]  }
0x2f: {  	lr =	sadd.s32 s0, s3;
	s0 =	sld [smem:$0x3F95]  }
0x30: {  	s3 =	sld [smem:$0x3F98]  }
0x31: {  	[smem:$0x3FA1] =	sst s10  }
0x32: {  	s10 =	sld [smem:$0x3F9F];
	_ =	sdelay $0x3  }
0x33: {  	p0 =	seq.s32 s10, $0x1;
	s10 =	sld [smem:$0x3FA1];
	_ =	sdelay $0x3  }
0x34: {  	[smem:$0x3FA1] =	sst s10  }
0x35: {  	s10 =	sld [smem:$0x3FA0];
	_ =	sdelay $0x3  }
0x36: {  	p1 =	seq.s32 s10, $0x1;
	s10 =	sld [smem:$0x3FA1];
	_ =	sdelay $0x3  }
0x37: {  	[smem:$0x3FA1] =	sst s10  }
0x38: {  	s10 =	sld [smem:$0x3FA2]  }
0x39: {  	_ = 	snop;
	(pc) =	sbr.ind lr, $3  }
0x3a: {  	_ = 	snop  }
0x3b: {  	_ = 	snop  }
0x3c: {  	p2 =	seq.s32 s10, $0x1;
	s10 =	sld [smem:$0x3FA1]  }
0x3d: {  	_ =	shalt  }
0x3e: {  	_ =	shalt  }
0x3f: {  	_ =	shalt  }
0x40: {  	_ =	shalt  }
0x41: {  	_ =	shalt  }
0x42: {  	_ =	shalt  }
0x43: {  	_ =	shalt  }
0x44: {  	_ =	shalt  }
0x45: {  	_ =	shalt  }
0x46: {  	_ =	shalt  }
0x47: {  	_ =	shalt  }
0x48: {  	_ =	shalt  }
0x49: {  	_ =	shalt  }
0x4a: {  	_ =	shalt  }
0x4b: {  	_ =	shalt  }
0x4c: {  	_ =	shalt  }
0x4d: {  	_ =	shalt  }
0x4e: {  	_ =	shalt  }
0x4f: {  	_ =	shalt  }
0x50: {  	_ =	shalt  }
0x51: {  	_ =	shalt  }
0x52: {  	_ =	shalt  }
0x53: {  	_ =	shalt  }
0x54: {  	_ =	shalt  }
0x55: {  	_ =	shalt  }
0x56: {  	_ =	shalt  }
0x57: {  	_ =	shalt  }
0x58: {  	_ =	shalt  }
0x59: {  	_ =	shalt  }
0x5a: {  	_ =	shalt  }
0x5b: {  	_ =	shalt  }
0x5c: {  	_ =	shalt  }
0x5d: {  	_ =	shalt  }
0x5e: {  	_ =	shalt  }
0x5f: {  	_ =	shalt  }
0x60: {  	_ =	shalt  }
0x61: {  	_ =	shalt  }
0x62: {  	_ =	shalt  }
0x63: {  	_ =	shalt  }
0x64: {  	_ =	shalt  }
0x65: {  	_ =	shalt  }
0x66: {  	_ =	shalt  }
0x67: {  	_ =	shalt  }
0x68: {  	_ =	shalt  }
0x69: {  	_ =	shalt  }
0x6a: {  	_ =	shalt  }
0x6b: {  	_ =	shalt  }
0x6c: {  	_ =	shalt  }
0x6d: {  	_ =	shalt  }
0x6e: {  	_ =	shalt  }
0x6f: {  	_ =	shalt  }
0x70: {  	_ =	shalt  }
0x71: {  	_ =	shalt  }
0x72: {  	_ =	shalt  }
0x73: {  	_ =	shalt  }
0x74: {  	_ =	shalt  }
0x75: {  	_ =	shalt  }
0x76: {  	_ =	shalt  }
0x77: {  	_ =	shalt  }
0x78: {  	_ =	shalt  }
0x79: {  	_ =	shalt  }
0x7a: {  	_ =	shalt  }
0x7b: {  	_ =	shalt  }
0x7c: {  	_ =	shalt  }
0x7d: {  	_ =	shalt  }
0x7e: {  	_ =	shalt  }
0x7f: {  	_ =	shalt  }
0x80: {  	_ =	shalt  }
0x81: {  	_ =	shalt  }
0x82: {  	_ =	shalt  }
0x83: {  	_ =	shalt  }
0x84: {  	_ =	shalt  }
0x85: {  	_ =	shalt  }
0x86: {  	_ =	shalt  }
0x87: {  	_ =	shalt  }
.Lfunc_end0:
.L_simem_size_0:
called_computation.1_lowered:
.L_overlay_start_0:
0x88: {  	s2 =	sld [smem:$0x3FD9]  }
0x89: {  	s3 =	sld [smem:$0x3FFE];
	_ =	sdelay $0x1  }
0x8a: {  	s1 =	srdreg.scid  }
0x8b: {  	s0 =	sand.u32 $0x1, s1  }
0x8c: {  	s16 =	sshll.u32 s0, $0xA;
	s2 =	sadd.s32 s3, s2  }
0x8d: {  	s2 =	sadd.s32 s2, s16  }
0x8e: {  	[smem:$0x3FAD] =	sst s2  }
0x8f: {  	_ = 	snop  }
0x90: {  	(tm) =	ssettm $0x1  }
0x91: {  	s17 =	sld [smem:$0x3FFB];
	_ =	sdelay $0x3  }
0x92: {  	_ =	strace s17  }
0x93: {  	s2 =	sld [smem:$0x3FFC];
	_ =	sdelay $0x3  }
0x94: {  	_ =	strace s2  }
0x95: {  	s2 =	sld [smem:$0x3FFD];
	_ =	sdelay $0x3  }
0x96: {  	_ =	strace s2  }
0x97: {  	_ =	strace $0x8FFFFFFF  }
0x98: {  	s18 =	sld [smem:$0x3FDB];
	_ =	sdelay $0x1  }
0x99: {  	s19 =	simm.s32 $_scs_section_size  }
0x9a: {  	s4 =	simm.s32 $_size__tile_overlayer_lowered;
	s5 =	simm.s32 $_tile_overlayer_lowered  }
0x9b: {  	s22 =	simm.s32 $0x1BFF;
	s21 =	sshll.u32 s5, $0x1;
	s2 =	sadd.s32 s19, s18  }
0x9c: {  	s6 =	simm.s32 $0x0;
	s20 =	sshll.u32 s4, $0x1;
	s4 =	sadd.s32 s21, s2  }
0x9d: {  	[timem:s6], [sflag:s22] =	dma.local [hbm:s4], s20  }
0x9e: {  	_ =	swait.ge [sflag:s22], s20  }
0x9f: {  	s3 =	ssub.s32 $0x0, s20;
	[sflag:s22] =	ssyncset.done $0x0  }
0xa0: {  	[sflag:s22] =	ssyncadd.s32 s3;
	_ =	sdelay $0x1  }
0xa1: {  	s23 =	simm.s32 $0x1B8B  }
0xa2: {  	_ =	swait.ge [sflag:s23], $0x1  }
0xa3: {  	[sflag:s23] =	ssyncset.done $0x0  }
0xa4: {  	s25 =	simm.s32 $0x1B8E;
	s24 =	sld [smem:$0x3FFE];
	[sflag:s23] =	ssyncadd.s32 $0xFFFFFFFF  }
0xa5: {  	s26 =	simm.s32 $execute0_lowered;
	[smem:$0x3FD2] =	sst s25  }
0xa6: {  	s4 =	sshll.u32 s26, $0x1;
	_ =	strace $0x80000049;
	[dreg:$0x1] =	wrdreg $0xFFFFFFFF  }
0xa7: {  	s28 =	simm.s32 $_size_execute0_lowered;
	s2 =	sadd.s32 s2, s4;
	[dreg:$0x0] =	wrdreg $0x0  }
0xa8: {  	s4 =	sshll.u32 s28, $0x1;
	[dreg:$0x2] =	wrdreg s2  }
0xa9: {  	[dreg:$0x3] =	wrdreg s4  }
0xaa: {  	[dreg:$0x4] =	wrdreg $0xC0  }
0xab: {  	_ =	task [dreg:s6], $0x5FFFF  }
0xac: {  	[dreg:$0x1] =	wrdreg $0xFFFFFFFF  }
0xad: {  	[dreg:$0x0] =	wrdreg $0x60  }
0xae: {  	[dreg:$0x2] =	wrdreg s24  }
0xaf: {  	[dreg:$0x3] =	wrdreg $0x0  }
0xb0: {  	[dreg:$0x4] =	wrdreg $0x9  }
0xb1: {  	_ =	task.clear_ibuf [dreg:s6], $0x5FFFF;
	_ =	strace $0x90000049  }
0xb2: {  	s29 =	simm.s32 $0x9;
	_ =	strace $0x8000004B  }
0xb3: {  	_ =	swait.ge [sflag:s29], $0x1  }
0xb4: {  	[sflag:s29] =	ssyncadd.s32 $0xFFFFFFFF  }
0xb5: {  	_ =	strace $0x9000004B  }
0xb6: {  	_ =	sfence  }
0xb7: {  	s30 =	sld [smem:$0x0];
	_ =	sdelay $0x2  }
0xb8: {  	s31 =	sshll.u32 s1, $0xD;
	s1 =	sshrl.u32 s1, $0x2  }
0xb9: {  	s3 =	sand.u32 $0x4000, s31;
	s1 =	sadd.s32 s1, s30  }
0xba: {  	s0 =	sor.u32 s3, s0;
	s1 =	sshll.u32 s1, $0x11  }
0xbb: {  	s0 =	sor.u32 s1, s0  }
0xbc: {  	s0 =	sadd.s32 $0x8F2B, s0  }
0xbd: {  	[sflag:s0] =	ssyncadd.remote.s32 $0x1  }
0xbe: {  	_ =	sfence.sel $0xFFFF  }
0xbf: {  	[dreg:$0x0] =	wrdreg $0xFFFFFFFF;
	(pc) =	sbr.abs _section_cstart, $3  }
0xc0: {  	[dreg:$0x1] =	wrdreg $0xFFFFFFFF  }
0xc1: {  	_ =	task.clear_ibuf [dreg:s6], $0x2FFFF;
	_ =	strace $0x9FFFFFFF  }
0xc2: {  	(tm) =	ssettm $0x7FFFFFFF  }
0xc3: {  	_ =	shalt  }
tec
execute0_lowered:
.L_overlay_start_1:
0x0: {  	(tag) =	ssettag $0x1  }
0x1: {  	s0 =	rddreg [dreg:$0x0]  }
0x2: {  	s2 =	rddreg [dreg:$0x1];
	s3 =	simm.s32 $0x0  }
0x3: {  	s14 =	stileid.u32;
	s1 =	srdreg.scid;
	s16 =	simm.s32 $0x9  }
0x4: {  	s17 =	simm.s32 $0x13C00;
	s28 =	simm.s32 $0x1DC00;
	s29 =	simm.s32 $0x1  }
0x5: {  	s30 =	simm.s32 $0x2;
	[smem:$0x7FF] =	sst s3;
	s3 =	smul.u32 $0x2780, s14  }
0x6: {  	s31 =	simm.s32 $0x3;
	s1 =	sand.u32 $0x1, s1;
	s6 =	smul.u32 $0x4F000, s14  }
0x7: {  	s4 =	sadd.s32 $0x55000, s0;
	s7 =	sadd.s32 $0x5000, s0;
	s10 =	smul.u32 $0x140, s14  }
0x8: {  	s8 =	sadd.s32 $0x19400, s0;
	s20 =	sshll.u32 s14, $0x6;
	s5 =	smul.u32 $0x27800, s1  }
0x9: {  	_ =	strace $0x8000004A;
	s9 =	ssub.s32 $0x2, s1;
	s13 =	smul.u32 $0xA8, s1  }
0xa: {  	p0 =	seq.s32 s1, $0x0;
	s1 =	simm.s32 $0x5;
	s11 =	sadd.s32 s3, s0  }
0xb: {  	s12 =	sshrl.u32 s9, $0x1;
	s6 =	sshrl.u32 s6, $0x2;
	s0 =	sadd.s32 s5, s0  }
0xc: {  	s18 =	ssub.s32 s9, s12;
	s19 =	sadd.s32 s6, s2;
	s10 =	sadd.s32 s13, s10  }
0xd: {  	s11 =	sadd.s32 $0x2D800, s11;
	s6 =	sor.u32 $0x1C09, s20;
	s12 =	simm.s32 $0x5000  }
0xe: {  	s20 =	simm.s32 $0x17C00;
	s5 =	simm.s32 $0x7;
	s9 =	simm.s32 $0x17A80  }
0xf: {  	s13 =	simm.s32 $0x0;
	[dreg:$0x3] =	wrdreg s11;
	s10 =	sshll.u32 s10, $0x4  }
0x10: {  	s12 =	simm.s32 @!p0 $0x3000;
	s0 =	sadd.s32 $0x7C200, s0;
	s26 =	smax.u32 s18, $0x1  }
0x11: {  	s15 =	sshrl.u32 s19, $0x3;
	s18 =	simm.s32 $0x15C00;
	s19 =	simm.s32 $0x40  }
0x12: {  	s21 =	sadd.s32 s7, s10;
	s22 =	sadd.s32 s8, s10;
	[dreg:$0xa] =	wrdreg s26  }
0x13: {  	s23 =	sadd.s32 $0x400, s10;
	s10 =	sadd.s32 $0x800, s10;
	[dreg:$0x4] =	wrdreg s21  }
0x14: {  	s0 =	sadd.s32 s3, s0;
	s26 =	simm.s32 $0x13D80;
	[dreg:$0x5] =	wrdreg s22  }
0x15: {  	s3 =	simm.s32 $0x6;
	s24 =	sadd.s32 s7, s23;
	[dreg:$0xb] =	wrdreg s0  }
0x16: {  	s11 =	sadd.s32 s8, s23;
	s7 =	sadd.s32 s7, s10;
	[dreg:$0x6] =	wrdreg s24  }
0x17: {  	s25 =	sadd.s32 s8, s10;
	s21 =	simm.s32 $0x13C80;
	[dreg:$0x7] =	wrdreg s11  }
0x18: {  	s22 =	simm.s32 $0x19C00;
	s23 =	simm.s32 $0x13D00;
	[dreg:$0x8] =	wrdreg s7  }
0x19: {  	s0 =	simm.s32 $0x4;
	s10 =	simm.s32 $0x17B00;
	[dreg:$0x9] =	wrdreg s25  }
0x1a: {  	s25 =	simm.s32 $0x1BC00;
	s7 =	simm.s32 $0x8;
	s11 =	simm.s32 $0x17B80  }
.LBB2_1:
0x1b: {  	s8 =	rddreg [dreg:$0x3]  }
0x1c: {  	[spmem:s15], [sflag:s6] =	dma.local [hbm:s8], $0x2780  }
0x1d: {  	_ =	swait.ge [sflag:s16], $0x2780  }
0x1e: {  	[sflag:s16] =	ssyncset.done $0x0  }
0x1f: {  	[sflag:s16] =	ssyncadd.s32 $0xFFFFD880  }
0x20: {  	[bflag:$0x0] =	sbarrier.arrive $0xFFFF  }
0x21: {  	s8 =	simm.s32 $0x0;
	s14 =	rddreg [dreg:$0x4]  }
0x22: {  	[tilespmem:s17], [sflag:$0x9] =	stream.linear.gather [hbm4b:s14+s8], $0x2000, $0x38;
	[tilespmem:$0x1FC00] =	vst v63  }
0x23: {  	_ =	swait.ge [sflag:s16], $0x2000  }
0x24: {  	[sflag:s16] =	ssyncset.done $0x0  }
0x25: {  	s24 =	rddreg [dreg:$0x5];
	[sflag:s16] =	ssyncadd.s32 $0xFFFFE000  }
0x26: {  	[tilespmem:s18], [sflag:$0x9] =	stream.linear.gather [hbm4b:s24+s8], $0x2000, $0x38;
	[tilespmem:$0x1FC00] =	vst v63  }
0x27: {  	_ =	swait.ge [sflag:s16], $0x2000  }
0x28: {  	[sflag:s16] =	ssyncset.done $0x0  }
0x29: {  	[sflag:s16] =	ssyncadd.s32 $0xFFFFE000  }
0x2a: {  	[tilespmem:s20], [sflag:$0x1] =	stream.indirect.gather [hbm4b:s4+s19], $0x80, s17, s19, $0xb8;
	[tilespmem:$0x1FC00] =	vst v63  }
0x2b: {  	_ = 	snop  }
0x2c: {  	[tilespmem:s22], [sflag:$0x2] =	stream.indirect.gather [hbm4b:s4+s19], $0x80, s21, s19, $0xb8;
	[tilespmem:$0x1FC00] =	vst v63  }
0x2d: {  	_ = 	snop  }
0x2e: {  	[tilespmem:s25], [sflag:$0x3] =	stream.indirect.gather [hbm4b:s4+s19], $0x80, s23, s19, $0xb8;
	[tilespmem:$0x1FC00] =	vst v63  }
0x2f: {  	_ = 	snop  }
0x30: {  	[tilespmem:s28], [sflag:$0x4] =	stream.indirect.gather [hbm4b:s4+s19], $0x80, s26, s19, $0xb8;
	[tilespmem:$0x1FC00] =	vst v63  }
0x31: {  	_ =	swait.ge [sflag:s29], $0x2000  }
0x32: {  	[sflag:s29] =	ssyncset.done $0x0  }
0x33: {  	s24 =	simm.s32 $0x15C00;
	[sflag:s29] =	ssyncadd.s32 $0xFFFFE000  }
0x34: {  	[spmem:s2] =	stream.indirect.scatter.add.f32 [tilespmem:s20], [sflag:$0x5], $0x80, s24, s19, $0xb8;
	[tilespmem:$0x1FC00] =	vst v63  }
0x35: {  	_ =	swait.ge [sflag:s30], $0x2000  }
0x36: {  	[sflag:s30] =	ssyncset.done $0x0  }
0x37: {  	s8 =	simm.s32 $0x15C80;
	[sflag:s30] =	ssyncadd.s32 $0xFFFFE000  }
0x38: {  	[spmem:s2] =	stream.indirect.scatter.add.f32 [tilespmem:s22], [sflag:$0x6], $0x80, s8, s19, $0xb8;
	[tilespmem:$0x1FC00] =	vst v63  }
0x39: {  	_ =	swait.ge [sflag:s31], $0x2000  }
0x3a: {  	[sflag:s31] =	ssyncset.done $0x0  }
0x3b: {  	s24 =	simm.s32 $0x15D00;
	[sflag:s31] =	ssyncadd.s32 $0xFFFFE000  }
0x3c: {  	[spmem:s2] =	stream.indirect.scatter.add.f32 [tilespmem:s25], [sflag:$0x7], $0x80, s24, s19, $0xb8;
	[tilespmem:$0x1FC00] =	vst v63  }
0x3d: {  	_ =	swait.ge [sflag:s0], $0x2000  }
0x3e: {  	[sflag:s0] =	ssyncset.done $0x0  }
0x3f: {  	s8 =	simm.s32 $0x15D80;
	[sflag:s0] =	ssyncadd.s32 $0xFFFFE000  }
0x40: {  	[spmem:s2] =	stream.indirect.scatter.add.f32 [tilespmem:s28], [sflag:$0x8], $0x80, s8, s19, $0xb8;
	[tilespmem:$0x1FC00] =	vst v63  }
0x41: {  	_ =	swait.ge [sflag:s1], $0x2000  }
0x42: {  	[sflag:s1] =	ssyncset.done $0x0  }
0x43: {  	s24 =	simm.s32 $0x13E00;
	[sflag:s1] =	ssyncadd.s32 $0xFFFFE000  }
0x44: {  	[tilespmem:s20], [sflag:$0x1] =	stream.indirect.gather [hbm4b:s4+s19], $0x80, s24, s19, $0xb8;
	[tilespmem:$0x1FC00] =	vst v63  }
0x45: {  	_ =	swait.ge [sflag:s3], $0x2000  }
0x46: {  	[sflag:s3] =	ssyncset.done $0x0  }
0x47: {  	s8 =	simm.s32 $0x13E80;
	[sflag:s3] =	ssyncadd.s32 $0xFFFFE000  }
0x48: {  	[tilespmem:s22], [sflag:$0x2] =	stream.indirect.gather [hbm4b:s4+s19], $0x80, s8, s19, $0xb8;
	[tilespmem:$0x1FC00] =	vst v63  }
0x49: {  	_ =	swait.ge [sflag:s5], $0x2000  }
0x4a: {  	[sflag:s5] =	ssyncset.done $0x0  }
0x4b: {  	s24 =	simm.s32 $0x13F00;
	[sflag:s5] =	ssyncadd.s32 $0xFFFFE000  }
0x4c: {  	[tilespmem:s25], [sflag:$0x3] =	stream.indirect.gather [hbm4b:s4+s19], $0x80, s24, s19, $0xb8;
	[tilespmem:$0x1FC00] =	vst v63  }
0x4d: {  	_ =	swait.ge [sflag:s7], $0x2000  }
0x4e: {  	[sflag:s7] =	ssyncset.done $0x0  }
0x4f: {  	s14 =	simm.s32 $0x800;
	s24 =	simm.s32 $0x13F80;
	[sflag:s7] =	ssyncadd.s32 $0xFFFFE000  }
.LBB2_2:
0x50: {  	[tilespmem:s28], [sflag:$0x4] =	stream.indirect.gather [hbm4b:s4+s19], $0x80, s24, s19, $0xb8;
	[tilespmem:$0x1FC00] =	vst v63  }
0x51: {  	s24 =	smov.u32 s14  }
0x52: {  	p0 =	sne.s32 s14, $0x7000;
	s14 =	sadd.s32 $0x800, s14;
	_ =	swait.ge [sflag:s29], $0x2000  }
0x53: {  	s24 =	sshra.s32 s24, $0x2;
	[sflag:s29] =	ssyncset.done $0x0  }
0x54: {  	s8 =	sadd.s32 $0x15C00, s24;
	[sflag:s29] =	ssyncadd.s32 $0xFFFFE000  }
0x55: {  	[spmem:s2] =	stream.indirect.scatter.add.f32 [tilespmem:s20], [sflag:$0x5], $0x80, s8, s19, $0xb8;
	[tilespmem:$0x1FC00] =	vst v63  }
0x56: {  	_ =	swait.ge [sflag:s30], $0x2000  }
0x57: {  	[sflag:s30] =	ssyncset.done $0x0  }
0x58: {  	s8 =	sadd.s32 $0x15C80, s24;
	[sflag:s30] =	ssyncadd.s32 $0xFFFFE000  }
0x59: {  	[spmem:s2] =	stream.indirect.scatter.add.f32 [tilespmem:s22], [sflag:$0x6], $0x80, s8, s19, $0xb8;
	[tilespmem:$0x1FC00] =	vst v63  }
0x5a: {  	_ =	swait.ge [sflag:s31], $0x2000  }
0x5b: {  	[sflag:s31] =	ssyncset.done $0x0  }
0x5c: {  	s8 =	sadd.s32 $0x15D00, s24;
	[sflag:s31] =	ssyncadd.s32 $0xFFFFE000  }
0x5d: {  	[spmem:s2] =	stream.indirect.scatter.add.f32 [tilespmem:s25], [sflag:$0x7], $0x80, s8, s19, $0xb8;
	[tilespmem:$0x1FC00] =	vst v63  }
0x5e: {  	_ =	swait.ge [sflag:s0], $0x2000  }
0x5f: {  	[sflag:s0] =	ssyncset.done $0x0  }
0x60: {  	s8 =	sadd.s32 $0x15D80, s24;
	[sflag:s0] =	ssyncadd.s32 $0xFFFFE000  }
0x61: {  	[spmem:s2] =	stream.indirect.scatter.add.f32 [tilespmem:s28], [sflag:$0x8], $0x80, s8, s19, $0xb8;
	[tilespmem:$0x1FC00] =	vst v63  }
0x62: {  	_ =	swait.ge [sflag:s1], $0x2000  }
0x63: {  	[sflag:s1] =	ssyncset.done $0x0  }
0x64: {  	s8 =	sadd.s32 $0x13E00, s24;
	[sflag:s1] =	ssyncadd.s32 $0xFFFFE000  }
0x65: {  	[tilespmem:s20], [sflag:$0x1] =	stream.indirect.gather [hbm4b:s4+s19], $0x80, s8, s19, $0xb8;
	[tilespmem:$0x1FC00] =	vst v63  }
0x66: {  	_ =	swait.ge [sflag:s3], $0x2000  }
0x67: {  	[sflag:s3] =	ssyncset.done $0x0  }
0x68: {  	s8 =	sadd.s32 $0x13E80, s24;
	[sflag:s3] =	ssyncadd.s32 $0xFFFFE000  }
0x69: {  	[tilespmem:s22], [sflag:$0x2] =	stream.indirect.gather [hbm4b:s4+s19], $0x80, s8, s19, $0xb8;
	[tilespmem:$0x1FC00] =	vst v63  }
0x6a: {  	_ =	swait.ge [sflag:s5], $0x2000  }
0x6b: {  	[sflag:s5] =	ssyncset.done $0x0  }
.Ltmp0:
0x6c: {  	s8 =	sadd.s32 $0x13F00, s24;
	[sflag:s5] =	ssyncadd.s32 $0xFFFFE000;
	(pc) =	sbr.rel @p0 .LBB2_2-.Ltmp0, $4  }
0x6d: {  	[tilespmem:s25], [sflag:$0x3] =	stream.indirect.gather [hbm4b:s4+s19], $0x80, s8, s19, $0xb8;
	[tilespmem:$0x1FC00] =	vst v63  }
0x6e: {  	_ =	swait.ge [sflag:s7], $0x2000  }
0x6f: {  	[sflag:s7] =	ssyncset.done $0x0  }
0x70: {  	s24 =	sadd.s32 $0x13F80, s24;
	[sflag:s7] =	ssyncadd.s32 $0xFFFFE000  }
0x71: {  	[tilespmem:s28], [sflag:$0x4] =	stream.indirect.gather [hbm4b:s4+s19], $0x80, s24, s19, $0xb8;
	[tilespmem:$0x1FC00] =	vst v63  }
0x72: {  	_ =	swait.ge [sflag:s29], $0x2000  }
0x73: {  	[sflag:s29] =	ssyncset.done $0x0  }
0x74: {  	s8 =	simm.s32 $0x17A00;
	[sflag:s29] =	ssyncadd.s32 $0xFFFFE000  }
0x75: {  	[spmem:s2] =	stream.indirect.scatter.add.f32 [tilespmem:s20], [sflag:$0x5], $0x80, s8, s19, $0xb8;
	[tilespmem:$0x1FC00] =	vst v63  }
0x76: {  	_ =	swait.ge [sflag:s30], $0x2000  }
0x77: {  	[sflag:s30] =	ssyncset.done $0x0  }
0x78: {  	[sflag:s30] =	ssyncadd.s32 $0xFFFFE000  }
0x79: {  	[spmem:s2] =	stream.indirect.scatter.add.f32 [tilespmem:s22], [sflag:$0x6], $0x80, s9, s19, $0xb8;
	[tilespmem:$0x1FC00] =	vst v63  }
0x7a: {  	_ =	swait.ge [sflag:s31], $0x2000  }
0x7b: {  	[sflag:s31] =	ssyncset.done $0x0  }
0x7c: {  	[sflag:s31] =	ssyncadd.s32 $0xFFFFE000  }
0x7d: {  	[spmem:s2] =	stream.indirect.scatter.add.f32 [tilespmem:s25], [sflag:$0x7], $0x80, s10, s19, $0xb8;
	[tilespmem:$0x1FC00] =	vst v63  }
0x7e: {  	_ =	swait.ge [sflag:s0], $0x2000  }
0x7f: {  	[sflag:s0] =	ssyncset.done $0x0  }
0x80: {  	[sflag:s0] =	ssyncadd.s32 $0xFFFFE000  }
0x81: {  	[spmem:s2] =	stream.indirect.scatter.add.f32 [tilespmem:s28], [sflag:$0x8], $0x80, s11, s19, $0xb8;
	[tilespmem:$0x1FC00] =	vst v63  }
0x82: {  	_ =	swait.ge [sflag:s1], $0x2000  }
0x83: {  	[sflag:s1] =	ssyncset.done $0x0  }
0x84: {  	[sflag:s1] =	ssyncadd.s32 $0xFFFFE000  }
0x85: {  	[tilespmem:s20], [sflag:$0x1] =	stream.indirect.gather [hbm4b:s4+s19], $0x80, s17, s19, $0xb8;
	[tilespmem:$0x1FC00] =	vst v63  }
0x86: {  	_ =	swait.ge [sflag:s3], $0x2000  }
0x87: {  	[sflag:s3] =	ssyncset.done $0x0  }
0x88: {  	[sflag:s3] =	ssyncadd.s32 $0xFFFFE000  }
0x89: {  	[tilespmem:s22], [sflag:$0x2] =	stream.indirect.gather [hbm4b:s4+s19], $0x80, s21, s19, $0xb8;
	[tilespmem:$0x1FC00] =	vst v63  }
0x8a: {  	_ =	swait.ge [sflag:s5], $0x2000  }
0x8b: {  	[sflag:s5] =	ssyncset.done $0x0  }
0x8c: {  	[sflag:s5] =	ssyncadd.s32 $0xFFFFE000  }
0x8d: {  	[tilespmem:s25], [sflag:$0x3] =	stream.indirect.gather [hbm4b:s4+s19], $0x80, s23, s19, $0xb8;
	[tilespmem:$0x1FC00] =	vst v63  }
0x8e: {  	_ =	swait.ge [sflag:s7], $0x2000  }
0x8f: {  	[sflag:s7] =	ssyncset.done $0x0  }
0x90: {  	[sflag:s7] =	ssyncadd.s32 $0xFFFFE000  }
0x91: {  	[tilespmem:s28], [sflag:$0x4] =	stream.indirect.gather [hbm4b:s4+s19], $0x80, s26, s19, $0xb8;
	[tilespmem:$0x1FC00] =	vst v63  }
0x92: {  	_ =	swait.ge [sflag:s29], $0x2000  }
0x93: {  	[sflag:s29] =	ssyncset.done $0x0  }
0x94: {  	[sflag:s29] =	ssyncadd.s32 $0xFFFFE000  }
0x95: {  	_ =	swait.ge [sflag:s30], $0x2000  }
0x96: {  	[sflag:s30] =	ssyncset.done $0x0  }
0x97: {  	[sflag:s30] =	ssyncadd.s32 $0xFFFFE000  }
0x98: {  	_ =	swait.ge [sflag:s31], $0x2000  }
0x99: {  	[sflag:s31] =	ssyncset.done $0x0  }
0x9a: {  	[sflag:s31] =	ssyncadd.s32 $0xFFFFE000  }
0x9b: {  	_ =	swait.ge [sflag:s0], $0x2000  }
0x9c: {  	[sflag:s0] =	ssyncset.done $0x0  }
0x9d: {  	s8 =	simm.s32 $0x0;
	s14 =	rddreg [dreg:$0x6];
	[sflag:s0] =	ssyncadd.s32 $0xFFFFE000  }
0x9e: {  	[tilespmem:s17], [sflag:$0x9] =	stream.linear.gather [hbm4b:s14+s8], $0x2000, $0x38;
	[tilespmem:$0x1FC00] =	vst v63  }
0x9f: {  	_ =	swait.ge [sflag:s16], $0x2000  }
0xa0: {  	[sflag:s16] =	ssyncset.done $0x0  }
0xa1: {  	s24 =	rddreg [dreg:$0x7];
	[sflag:s16] =	ssyncadd.s32 $0xFFFFE000  }
0xa2: {  	[tilespmem:s18], [sflag:$0x9] =	stream.linear.gather [hbm4b:s24+s8], $0x2000, $0x38;
	[tilespmem:$0x1FC00] =	vst v63  }
0xa3: {  	_ =	swait.ge [sflag:s16], $0x2000  }
0xa4: {  	[sflag:s16] =	ssyncset.done $0x0  }
0xa5: {  	[sflag:s16] =	ssyncadd.s32 $0xFFFFE000  }
0xa6: {  	[tilespmem:s20], [sflag:$0x1] =	stream.indirect.gather [hbm4b:s4+s19], $0x80, s17, s19, $0xb8;
	[tilespmem:$0x1FC00] =	vst v63  }
0xa7: {  	_ = 	snop  }
0xa8: {  	[tilespmem:s22], [sflag:$0x2] =	stream.indirect.gather [hbm4b:s4+s19], $0x80, s21, s19, $0xb8;
	[tilespmem:$0x1FC00] =	vst v63  }
0xa9: {  	_ = 	snop  }
0xaa: {  	[tilespmem:s25], [sflag:$0x3] =	stream.indirect.gather [hbm4b:s4+s19], $0x80, s23, s19, $0xb8;
	[tilespmem:$0x1FC00] =	vst v63  }
0xab: {  	_ = 	snop  }
0xac: {  	[tilespmem:s28], [sflag:$0x4] =	stream.indirect.gather [hbm4b:s4+s19], $0x80, s26, s19, $0xb8;
	[tilespmem:$0x1FC00] =	vst v63  }
0xad: {  	_ =	swait.ge [sflag:s29], $0x2000  }
0xae: {  	[sflag:s29] =	ssyncset.done $0x0  }
0xaf: {  	s24 =	simm.s32 $0x15C00;
	[sflag:s29] =	ssyncadd.s32 $0xFFFFE000  }
0xb0: {  	[spmem:s2] =	stream.indirect.scatter.add.f32 [tilespmem:s20], [sflag:$0x5], $0x80, s24, s19, $0xb8;
	[tilespmem:$0x1FC00] =	vst v63  }
0xb1: {  	_ =	swait.ge [sflag:s30], $0x2000  }
0xb2: {  	[sflag:s30] =	ssyncset.done $0x0  }
0xb3: {  	s14 =	simm.s32 $0x15C80;
	[sflag:s30] =	ssyncadd.s32 $0xFFFFE000  }
0xb4: {  	[spmem:s2] =	stream.indirect.scatter.add.f32 [tilespmem:s22], [sflag:$0x6], $0x80, s14, s19, $0xb8;
	[tilespmem:$0x1FC00] =	vst v63  }
0xb5: {  	_ =	swait.ge [sflag:s31], $0x2000  }
0xb6: {  	[sflag:s31] =	ssyncset.done $0x0  }
0xb7: {  	s24 =	simm.s32 $0x15D00;
	[sflag:s31] =	ssyncadd.s32 $0xFFFFE000  }
0xb8: {  	[spmem:s2] =	stream.indirect.scatter.add.f32 [tilespmem:s25], [sflag:$0x7], $0x80, s24, s19, $0xb8;
	[tilespmem:$0x1FC00] =	vst v63  }
0xb9: {  	_ =	swait.ge [sflag:s0], $0x2000  }
0xba: {  	[sflag:s0] =	ssyncset.done $0x0  }
0xbb: {  	s14 =	simm.s32 $0x15D80;
	[sflag:s0] =	ssyncadd.s32 $0xFFFFE000  }
0xbc: {  	[spmem:s2] =	stream.indirect.scatter.add.f32 [tilespmem:s28], [sflag:$0x8], $0x80, s14, s19, $0xb8;
	[tilespmem:$0x1FC00] =	vst v63  }
0xbd: {  	_ =	swait.ge [sflag:s1], $0x2000  }
0xbe: {  	[sflag:s1] =	ssyncset.done $0x0  }
0xbf: {  	s24 =	simm.s32 $0x13E00;
	[sflag:s1] =	ssyncadd.s32 $0xFFFFE000  }
0xc0: {  	[tilespmem:s20], [sflag:$0x1] =	stream.indirect.gather [hbm4b:s4+s19], $0x80, s24, s19, $0xb8;
	[tilespmem:$0x1FC00] =	vst v63  }
0xc1: {  	_ =	swait.ge [sflag:s3], $0x2000  }
0xc2: {  	[sflag:s3] =	ssyncset.done $0x0  }
0xc3: {  	s14 =	simm.s32 $0x13E80;
	[sflag:s3] =	ssyncadd.s32 $0xFFFFE000  }
0xc4: {  	[tilespmem:s22], [sflag:$0x2] =	stream.indirect.gather [hbm4b:s4+s19], $0x80, s14, s19, $0xb8;
	[tilespmem:$0x1FC00] =	vst v63  }
0xc5: {  	_ =	swait.ge [sflag:s5], $0x2000  }
0xc6: {  	[sflag:s5] =	ssyncset.done $0x0  }
0xc7: {  	s24 =	simm.s32 $0x13F00;
	[sflag:s5] =	ssyncadd.s32 $0xFFFFE000  }
0xc8: {  	[tilespmem:s25], [sflag:$0x3] =	stream.indirect.gather [hbm4b:s4+s19], $0x80, s24, s19, $0xb8;
	[tilespmem:$0x1FC00] =	vst v63  }
0xc9: {  	_ =	swait.ge [sflag:s7], $0x2000  }
0xca: {  	[sflag:s7] =	ssyncset.done $0x0  }
0xcb: {  	s14 =	simm.s32 $0x800;
	s24 =	simm.s32 $0x13F80;
	[sflag:s7] =	ssyncadd.s32 $0xFFFFE000  }
.LBB2_4:
0xcc: {  	[tilespmem:s28], [sflag:$0x4] =	stream.indirect.gather [hbm4b:s4+s19], $0x80, s24, s19, $0xb8;
	[tilespmem:$0x1FC00] =	vst v63  }
0xcd: {  	s8 =	smov.u32 s14  }
0xce: {  	p0 =	sne.s32 s14, $0x7000;
	s14 =	sadd.s32 $0x800, s14;
	_ =	swait.ge [sflag:s29], $0x2000  }
0xcf: {  	s24 =	sshra.s32 s8, $0x2;
	[sflag:s29] =	ssyncset.done $0x0  }
0xd0: {  	s8 =	sadd.s32 $0x15C00, s24;
	[sflag:s29] =	ssyncadd.s32 $0xFFFFE000  }
0xd1: {  	[spmem:s2] =	stream.indirect.scatter.add.f32 [tilespmem:s20], [sflag:$0x5], $0x80, s8, s19, $0xb8;
	[tilespmem:$0x1FC00] =	vst v63  }
0xd2: {  	_ =	swait.ge [sflag:s30], $0x2000  }
0xd3: {  	[sflag:s30] =	ssyncset.done $0x0  }
0xd4: {  	s8 =	sadd.s32 $0x15C80, s24;
	[sflag:s30] =	ssyncadd.s32 $0xFFFFE000  }
0xd5: {  	[spmem:s2] =	stream.indirect.scatter.add.f32 [tilespmem:s22], [sflag:$0x6], $0x80, s8, s19, $0xb8;
	[tilespmem:$0x1FC00] =	vst v63  }
0xd6: {  	_ =	swait.ge [sflag:s31], $0x2000  }
0xd7: {  	[sflag:s31] =	ssyncset.done $0x0  }
0xd8: {  	s8 =	sadd.s32 $0x15D00, s24;
	[sflag:s31] =	ssyncadd.s32 $0xFFFFE000  }
0xd9: {  	[spmem:s2] =	stream.indirect.scatter.add.f32 [tilespmem:s25], [sflag:$0x7], $0x80, s8, s19, $0xb8;
	[tilespmem:$0x1FC00] =	vst v63  }
0xda: {  	_ =	swait.ge [sflag:s0], $0x2000  }
0xdb: {  	[sflag:s0] =	ssyncset.done $0x0  }
0xdc: {  	s8 =	sadd.s32 $0x15D80, s24;
	[sflag:s0] =	ssyncadd.s32 $0xFFFFE000  }
0xdd: {  	[spmem:s2] =	stream.indirect.scatter.add.f32 [tilespmem:s28], [sflag:$0x8], $0x80, s8, s19, $0xb8;
	[tilespmem:$0x1FC00] =	vst v63  }
0xde: {  	_ =	swait.ge [sflag:s1], $0x2000  }
0xdf: {  	[sflag:s1] =	ssyncset.done $0x0  }
0xe0: {  	s8 =	sadd.s32 $0x13E00, s24;
	[sflag:s1] =	ssyncadd.s32 $0xFFFFE000  }
0xe1: {  	[tilespmem:s20], [sflag:$0x1] =	stream.indirect.gather [hbm4b:s4+s19], $0x80, s8, s19, $0xb8;
	[tilespmem:$0x1FC00] =	vst v63  }
0xe2: {  	_ =	swait.ge [sflag:s3], $0x2000  }
0xe3: {  	[sflag:s3] =	ssyncset.done $0x0  }
0xe4: {  	s8 =	sadd.s32 $0x13E80, s24;
	[sflag:s3] =	ssyncadd.s32 $0xFFFFE000  }
0xe5: {  	[tilespmem:s22], [sflag:$0x2] =	stream.indirect.gather [hbm4b:s4+s19], $0x80, s8, s19, $0xb8;
	[tilespmem:$0x1FC00] =	vst v63  }
0xe6: {  	_ =	swait.ge [sflag:s5], $0x2000  }
0xe7: {  	[sflag:s5] =	ssyncset.done $0x0  }
.Ltmp1:
0xe8: {  	s8 =	sadd.s32 $0x13F00, s24;
	[sflag:s5] =	ssyncadd.s32 $0xFFFFE000;
	(pc) =	sbr.rel @p0 .LBB2_4-.Ltmp1, $4  }
0xe9: {  	[tilespmem:s25], [sflag:$0x3] =	stream.indirect.gather [hbm4b:s4+s19], $0x80, s8, s19, $0xb8;
	[tilespmem:$0x1FC00] =	vst v63  }
0xea: {  	_ =	swait.ge [sflag:s7], $0x2000  }
0xeb: {  	[sflag:s7] =	ssyncset.done $0x0  }
0xec: {  	s24 =	sadd.s32 $0x13F80, s24;
	[sflag:s7] =	ssyncadd.s32 $0xFFFFE000  }
0xed: {  	[tilespmem:s28], [sflag:$0x4] =	stream.indirect.gather [hbm4b:s4+s19], $0x80, s24, s19, $0xb8;
	[tilespmem:$0x1FC00] =	vst v63  }
0xee: {  	_ =	swait.ge [sflag:s29], $0x2000  }
0xef: {  	[sflag:s29] =	ssyncset.done $0x0  }
0xf0: {  	s8 =	simm.s32 $0x17A00;
	[sflag:s29] =	ssyncadd.s32 $0xFFFFE000  }
0xf1: {  	[spmem:s2] =	stream.indirect.scatter.add.f32 [tilespmem:s20], [sflag:$0x5], $0x80, s8, s19, $0xb8;
	[tilespmem:$0x1FC00] =	vst v63  }
0xf2: {  	_ =	swait.ge [sflag:s30], $0x2000  }
0xf3: {  	[sflag:s30] =	ssyncset.done $0x0  }
0xf4: {  	[sflag:s30] =	ssyncadd.s32 $0xFFFFE000  }
0xf5: {  	[spmem:s2] =	stream.indirect.scatter.add.f32 [tilespmem:s22], [sflag:$0x6], $0x80, s9, s19, $0xb8;
	[tilespmem:$0x1FC00] =	vst v63  }
0xf6: {  	_ =	swait.ge [sflag:s31], $0x2000  }
0xf7: {  	[sflag:s31] =	ssyncset.done $0x0  }
0xf8: {  	[sflag:s31] =	ssyncadd.s32 $0xFFFFE000  }
0xf9: {  	[spmem:s2] =	stream.indirect.scatter.add.f32 [tilespmem:s25], [sflag:$0x7], $0x80, s10, s19, $0xb8;
	[tilespmem:$0x1FC00] =	vst v63  }
0xfa: {  	_ =	swait.ge [sflag:s0], $0x2000  }
0xfb: {  	[sflag:s0] =	ssyncset.done $0x0  }
0xfc: {  	[sflag:s0] =	ssyncadd.s32 $0xFFFFE000  }
0xfd: {  	[spmem:s2] =	stream.indirect.scatter.add.f32 [tilespmem:s28], [sflag:$0x8], $0x80, s11, s19, $0xb8;
	[tilespmem:$0x1FC00] =	vst v63  }
0xfe: {  	_ =	swait.ge [sflag:s1], $0x2000  }
0xff: {  	[sflag:s1] =	ssyncset.done $0x0  }
0x100: {  	[sflag:s1] =	ssyncadd.s32 $0xFFFFE000  }
0x101: {  	[tilespmem:s20], [sflag:$0x1] =	stream.indirect.gather [hbm4b:s4+s19], $0x80, s17, s19, $0xb8;
	[tilespmem:$0x1FC00] =	vst v63  }
0x102: {  	_ =	swait.ge [sflag:s3], $0x2000  }
0x103: {  	[sflag:s3] =	ssyncset.done $0x0  }
0x104: {  	[sflag:s3] =	ssyncadd.s32 $0xFFFFE000  }
0x105: {  	[tilespmem:s22], [sflag:$0x2] =	stream.indirect.gather [hbm4b:s4+s19], $0x80, s21, s19, $0xb8;
	[tilespmem:$0x1FC00] =	vst v63  }
0x106: {  	_ =	swait.ge [sflag:s5], $0x2000  }
0x107: {  	[sflag:s5] =	ssyncset.done $0x0  }
0x108: {  	[sflag:s5] =	ssyncadd.s32 $0xFFFFE000  }
0x109: {  	[tilespmem:s25], [sflag:$0x3] =	stream.indirect.gather [hbm4b:s4+s19], $0x80, s23, s19, $0xb8;
	[tilespmem:$0x1FC00] =	vst v63  }
0x10a: {  	_ =	swait.ge [sflag:s7], $0x2000  }
0x10b: {  	[sflag:s7] =	ssyncset.done $0x0  }
0x10c: {  	[sflag:s7] =	ssyncadd.s32 $0xFFFFE000  }
0x10d: {  	[tilespmem:s28], [sflag:$0x4] =	stream.indirect.gather [hbm4b:s4+s19], $0x80, s26, s19, $0xb8;
	[tilespmem:$0x1FC00] =	vst v63  }
0x10e: {  	_ =	swait.ge [sflag:s29], $0x2000  }
0x10f: {  	[sflag:s29] =	ssyncset.done $0x0  }
0x110: {  	[sflag:s29] =	ssyncadd.s32 $0xFFFFE000  }
0x111: {  	_ =	swait.ge [sflag:s30], $0x2000  }
0x112: {  	[sflag:s30] =	ssyncset.done $0x0  }
0x113: {  	[sflag:s30] =	ssyncadd.s32 $0xFFFFE000  }
0x114: {  	_ =	swait.ge [sflag:s31], $0x2000  }
0x115: {  	[sflag:s31] =	ssyncset.done $0x0  }
0x116: {  	[sflag:s31] =	ssyncadd.s32 $0xFFFFE000  }
0x117: {  	_ =	swait.ge [sflag:s0], $0x2000  }
0x118: {  	[sflag:s0] =	ssyncset.done $0x0  }
0x119: {  	s8 =	simm.s32 $0x0;
	s14 =	rddreg [dreg:$0x8];
	[sflag:s0] =	ssyncadd.s32 $0xFFFFE000  }
0x11a: {  	[tilespmem:s17], [sflag:$0x9] =	stream.linear.gather [hbm4b:s14+s8], $0x2000, $0x38;
	[tilespmem:$0x1FC00] =	vst v63  }
0x11b: {  	_ =	swait.ge [sflag:s16], $0x2000  }
0x11c: {  	[sflag:s16] =	ssyncset.done $0x0  }
0x11d: {  	s24 =	rddreg [dreg:$0x9];
	[sflag:s16] =	ssyncadd.s32 $0xFFFFE000  }
0x11e: {  	[tilespmem:s18], [sflag:$0x9] =	stream.linear.gather [hbm4b:s24+s8], $0x2000, $0x38;
	[tilespmem:$0x1FC00] =	vst v63  }
0x11f: {  	_ =	swait.ge [sflag:s16], $0x2000  }
0x120: {  	[sflag:s16] =	ssyncset.done $0x0  }
0x121: {  	[sflag:s16] =	ssyncadd.s32 $0xFFFFE000  }
0x122: {  	[tilespmem:s20], [sflag:$0x1] =	stream.indirect.gather [hbm4b:s4+s19], $0x80, s17, s19, $0xb8;
	[tilespmem:$0x1FC00] =	vst v63  }
0x123: {  	_ = 	snop  }
0x124: {  	[tilespmem:s22], [sflag:$0x2] =	stream.indirect.gather [hbm4b:s4+s19], $0x80, s21, s19, $0xb8;
	[tilespmem:$0x1FC00] =	vst v63  }
0x125: {  	_ = 	snop  }
0x126: {  	[tilespmem:s25], [sflag:$0x3] =	stream.indirect.gather [hbm4b:s4+s19], $0x80, s23, s19, $0xb8;
	[tilespmem:$0x1FC00] =	vst v63  }
0x127: {  	_ = 	snop  }
0x128: {  	[tilespmem:s28], [sflag:$0x4] =	stream.indirect.gather [hbm4b:s4+s19], $0x80, s26, s19, $0xb8;
	[tilespmem:$0x1FC00] =	vst v63  }
0x129: {  	_ =	swait.ge [sflag:s29], $0x2000  }
0x12a: {  	[sflag:s29] =	ssyncset.done $0x0  }
0x12b: {  	s24 =	simm.s32 $0x15C00;
	[sflag:s29] =	ssyncadd.s32 $0xFFFFE000  }
0x12c: {  	[spmem:s2] =	stream.indirect.scatter.add.f32 [tilespmem:s20], [sflag:$0x5], $0x80, s24, s19, $0xb8;
	[tilespmem:$0x1FC00] =	vst v63  }
0x12d: {  	_ =	swait.ge [sflag:s30], $0x2000  }
0x12e: {  	[sflag:s30] =	ssyncset.done $0x0  }
0x12f: {  	s14 =	simm.s32 $0x15C80;
	[sflag:s30] =	ssyncadd.s32 $0xFFFFE000  }
0x130: {  	[spmem:s2] =	stream.indirect.scatter.add.f32 [tilespmem:s22], [sflag:$0x6], $0x80, s14, s19, $0xb8;
	[tilespmem:$0x1FC00] =	vst v63  }
0x131: {  	_ =	swait.ge [sflag:s31], $0x2000  }
0x132: {  	[sflag:s31] =	ssyncset.done $0x0  }
0x133: {  	s24 =	simm.s32 $0x15D00;
	[sflag:s31] =	ssyncadd.s32 $0xFFFFE000  }
0x134: {  	[spmem:s2] =	stream.indirect.scatter.add.f32 [tilespmem:s25], [sflag:$0x7], $0x80, s24, s19, $0xb8;
	[tilespmem:$0x1FC00] =	vst v63  }
0x135: {  	_ =	swait.ge [sflag:s0], $0x2000  }
0x136: {  	[sflag:s0] =	ssyncset.done $0x0  }
0x137: {  	s14 =	simm.s32 $0x15D80;
	[sflag:s0] =	ssyncadd.s32 $0xFFFFE000  }
0x138: {  	[spmem:s2] =	stream.indirect.scatter.add.f32 [tilespmem:s28], [sflag:$0x8], $0x80, s14, s19, $0xb8;
	[tilespmem:$0x1FC00] =	vst v63  }
0x139: {  	_ =	swait.ge [sflag:s1], $0x2000  }
0x13a: {  	[sflag:s1] =	ssyncset.done $0x0  }
0x13b: {  	s24 =	simm.s32 $0x13E00;
	[sflag:s1] =	ssyncadd.s32 $0xFFFFE000  }
0x13c: {  	[tilespmem:s20], [sflag:$0x1] =	stream.indirect.gather [hbm4b:s4+s19], $0x80, s24, s19, $0xb8;
	[tilespmem:$0x1FC00] =	vst v63  }
0x13d: {  	_ =	swait.ge [sflag:s3], $0x2000  }
0x13e: {  	[sflag:s3] =	ssyncset.done $0x0  }
0x13f: {  	s14 =	simm.s32 $0x13E80;
	[sflag:s3] =	ssyncadd.s32 $0xFFFFE000  }
0x140: {  	[tilespmem:s22], [sflag:$0x2] =	stream.indirect.gather [hbm4b:s4+s19], $0x80, s14, s19, $0xb8;
	[tilespmem:$0x1FC00] =	vst v63  }
0x141: {  	_ =	swait.ge [sflag:s5], $0x2000  }
0x142: {  	p0 =	sne.s32 s12, $0x800;
	[sflag:s5] =	ssyncset.done $0x0  }
.Ltmp2:
0x143: {  	s24 =	simm.s32 $0x13F00;
	[sflag:s5] =	ssyncadd.s32 $0xFFFFE000;
	(pc) =	sbr.rel @!p0 .LBB2_7-.Ltmp2, $4  }
0x144: {  	[tilespmem:s25], [sflag:$0x3] =	stream.indirect.gather [hbm4b:s4+s19], $0x80, s24, s19, $0xb8;
	[tilespmem:$0x1FC00] =	vst v63  }
0x145: {  	_ =	swait.ge [sflag:s7], $0x2000  }
0x146: {  	[sflag:s7] =	ssyncset.done $0x0  }
0x147: {  	s14 =	simm.s32 $0x800;
	s24 =	simm.s32 $0x13F80;
	[sflag:s7] =	ssyncadd.s32 $0xFFFFE000  }
.LBB2_6:
0x148: {  	[tilespmem:s28], [sflag:$0x4] =	stream.indirect.gather [hbm4b:s4+s19], $0x80, s24, s19, $0xb8;
	[tilespmem:$0x1FC00] =	vst v63  }
0x149: {  	s8 =	smov.u32 s14;
	s14 =	sadd.s32 $0x800, s14;
	_ =	swait.ge [sflag:s29], $0x2000  }
0x14a: {  	s24 =	sshra.s32 s8, $0x2;
	p0 =	sne.s32 s12, s14;
	[sflag:s29] =	ssyncset.done $0x0  }
0x14b: {  	s8 =	sadd.s32 $0x15C00, s24;
	[sflag:s29] =	ssyncadd.s32 $0xFFFFE000  }
0x14c: {  	[spmem:s2] =	stream.indirect.scatter.add.f32 [tilespmem:s20], [sflag:$0x5], $0x80, s8, s19, $0xb8;
	[tilespmem:$0x1FC00] =	vst v63  }
0x14d: {  	_ =	swait.ge [sflag:s30], $0x2000  }
0x14e: {  	[sflag:s30] =	ssyncset.done $0x0  }
0x14f: {  	s8 =	sadd.s32 $0x15C80, s24;
	[sflag:s30] =	ssyncadd.s32 $0xFFFFE000  }
0x150: {  	[spmem:s2] =	stream.indirect.scatter.add.f32 [tilespmem:s22], [sflag:$0x6], $0x80, s8, s19, $0xb8;
	[tilespmem:$0x1FC00] =	vst v63  }
0x151: {  	_ =	swait.ge [sflag:s31], $0x2000  }
0x152: {  	[sflag:s31] =	ssyncset.done $0x0  }
0x153: {  	s8 =	sadd.s32 $0x15D00, s24;
	[sflag:s31] =	ssyncadd.s32 $0xFFFFE000  }
0x154: {  	[spmem:s2] =	stream.indirect.scatter.add.f32 [tilespmem:s25], [sflag:$0x7], $0x80, s8, s19, $0xb8;
	[tilespmem:$0x1FC00] =	vst v63  }
0x155: {  	_ =	swait.ge [sflag:s0], $0x2000  }
0x156: {  	[sflag:s0] =	ssyncset.done $0x0  }
0x157: {  	s8 =	sadd.s32 $0x15D80, s24;
	[sflag:s0] =	ssyncadd.s32 $0xFFFFE000  }
0x158: {  	[spmem:s2] =	stream.indirect.scatter.add.f32 [tilespmem:s28], [sflag:$0x8], $0x80, s8, s19, $0xb8;
	[tilespmem:$0x1FC00] =	vst v63  }
0x159: {  	_ =	swait.ge [sflag:s1], $0x2000  }
0x15a: {  	[sflag:s1] =	ssyncset.done $0x0  }
0x15b: {  	s8 =	sadd.s32 $0x13E00, s24;
	[sflag:s1] =	ssyncadd.s32 $0xFFFFE000  }
0x15c: {  	[tilespmem:s20], [sflag:$0x1] =	stream.indirect.gather [hbm4b:s4+s19], $0x80, s8, s19, $0xb8;
	[tilespmem:$0x1FC00] =	vst v63  }
0x15d: {  	_ =	swait.ge [sflag:s3], $0x2000  }
0x15e: {  	[sflag:s3] =	ssyncset.done $0x0  }
0x15f: {  	s8 =	sadd.s32 $0x13E80, s24;
	[sflag:s3] =	ssyncadd.s32 $0xFFFFE000  }
0x160: {  	[tilespmem:s22], [sflag:$0x2] =	stream.indirect.gather [hbm4b:s4+s19], $0x80, s8, s19, $0xb8;
	[tilespmem:$0x1FC00] =	vst v63  }
0x161: {  	_ =	swait.ge [sflag:s5], $0x2000  }
0x162: {  	[sflag:s5] =	ssyncset.done $0x0  }
.Ltmp3:
0x163: {  	s8 =	sadd.s32 $0x13F00, s24;
	[sflag:s5] =	ssyncadd.s32 $0xFFFFE000;
	(pc) =	sbr.rel @p0 .LBB2_6-.Ltmp3, $4  }
0x164: {  	[tilespmem:s25], [sflag:$0x3] =	stream.indirect.gather [hbm4b:s4+s19], $0x80, s8, s19, $0xb8;
	[tilespmem:$0x1FC00] =	vst v63  }
0x165: {  	_ =	swait.ge [sflag:s7], $0x2000  }
0x166: {  	[sflag:s7] =	ssyncset.done $0x0  }
0x167: {  	s24 =	sadd.s32 $0x13F80, s24;
	[sflag:s7] =	ssyncadd.s32 $0xFFFFE000  }
.LBB2_7:
0x168: {  	[tilespmem:s28], [sflag:$0x4] =	stream.indirect.gather [hbm4b:s4+s19], $0x80, s24, s19, $0xb8;
	[tilespmem:$0x1FC00] =	vst v63  }
0x169: {  	_ =	swait.ge [sflag:s29], $0x2000  }
0x16a: {  	[sflag:s29] =	ssyncset.done $0x0  }
0x16b: {  	[sflag:s29] =	ssyncadd.s32 $0xFFFFE000  }
0x16c: {  	_ =	swait.ge [sflag:s30], $0x2000  }
0x16d: {  	[sflag:s30] =	ssyncset.done $0x0  }
0x16e: {  	[sflag:s30] =	ssyncadd.s32 $0xFFFFE000  }
0x16f: {  	_ =	swait.ge [sflag:s31], $0x2000  }
0x170: {  	[sflag:s31] =	ssyncset.done $0x0  }
0x171: {  	[sflag:s31] =	ssyncadd.s32 $0xFFFFE000  }
0x172: {  	_ =	swait.ge [sflag:s0], $0x2000  }
0x173: {  	[sflag:s0] =	ssyncset.done $0x0  }
0x174: {  	[sflag:s0] =	ssyncadd.s32 $0xFFFFE000  }
0x175: {  	[bflag:$0x0] =	sbarrier.arrive $0xFFFF  }
0x176: {  	s8 =	rddreg [dreg:$0xb]  }
0x177: {  	[hbm:s8], [sflag:s6] =	dma.local [spmem:s15], $0x2780  }
0x178: {  	_ =	swait.ge [sflag:s16], $0x2780  }
0x179: {  	s13 =	sadd.s32 $0x1, s13;
	s24 =	rddreg [dreg:$0xa]  }
0x17a: {  	p0 =	sne.s32 s13, s24  }
.Ltmp4:
0x17b: {  	_ = 	snop;
	(pc) =	sbr.rel @p0 .LBB2_1-.Ltmp4, $3  }
0x17c: {  	_ =	sdelay $0x1  }
0x17d: {  	[sflag:s16] =	ssyncset.done $0x0  }
0x17e: {  	[sflag:s16] =	ssyncadd.s32 $0xFFFFD880  }
0x17f: {  	_ =	sfence.sel $0x180000  }
0x180: {  	[bflag:$0x0] =	sbarrier.arrive $0xFFFF  }
0x181: {  	_ =	strace $0x9000004A  }
0x182: {  	s0 =	stileid.u32;
	[bflag:$0x2] =	sbarrier.arrive $0xFFFF  }
0x183: {  	p0 =	sne.s32 s0, $0x0;
	s0 =	rddreg [dreg:$0x2]  }
0x184: {  	s0 =	sadd.s32 @!p0 $0x100000, s0  }
0x185: {  	[sflag:s0] =	ssyncadd.tile.s32 @!p0 $0x1;
	_ =	shalt  }
.Lfunc_end2:
_tile_overlayer_lowered:
.L_overlay_start_2:
0x186: {  	(tag) =	ssettag $0x2  }
0x187: {  	s0 =	rddreg [dreg:$0x0];
	s2 =	stileid.u32  }
0x188: {  	s1 =	rddreg [dreg:$0x1];
	p0 =	sne.s32 s2, $0x0  }
0x189: {  	s3 =	rddreg [dreg:$0x2];
	[bflag:$0x3] =	sbarrier.arrive $0xFFFF;
	s2 =	simm.s32 @!p0 $0x1C09  }
0x18a: {  	[timem:s3], [sflag:s2] =	dma.local @!p0 [hbm:s0], s1  }
0x18b: {  	s0 =	simm.s32 @!p0 $0x9  }
0x18c: {  	_ =	swait.ge @!p0 [sflag:s0], s1  }
0x18d: {  	s1 =	ssub.s32 @!p0 $0x0, s1;
	[sflag:s0] =	ssyncset.done @!p0 $0x0  }
0x18e: {  	[sflag:s0] =	ssyncadd.s32 @!p0 s1  }
0x18f: {  	[bflag:$0x3] =	sbarrier.arrive $0xFFFF  }
0x190: {  	_ =	shalt  }

// kernel: kernel.7.cloned.1.call-start
scs
__scs_entry_jumppad:
0x0: {  	(pc) =	sbr.rel $0x88, $3  }
0x1: {  	(tag) =	ssettag $0x0;
	lr =	simm.s32 $0x1  }
0x2: {  	[smem:$0x3F86] =	sst lr;
	_ =	strace $0xD0000000  }
0x3: {  	_ = 	snop  }
0x4: {  	_ = 	snop  }
0x5: {  	_ = 	snop  }
0x6: {  	_ = 	snop  }
0x7: {  	_ = 	snop  }
__scs_overlays_trampoline_lowered:
0x8: {  	[smem:$0x3F95] =	sst s0  }
0x9: {  	[smem:$0x3F96] =	sst s1  }
0xa: {  	[smem:$0x3F97] =	sst s2  }
0xb: {  	[smem:$0x3F98] =	sst s3  }
0xc: {  	[smem:$0x3F99] =	sst s4  }
0xd: {  	[smem:$0x3F9A] =	sst s5  }
0xe: {  	[smem:$0x3F9B] =	sst s6  }
0xf: {  	[smem:$0x3F9C] =	sst s7  }
0x10: {  	[smem:$0x3F9D] =	sst s8  }
0x11: {  	[smem:$0x3F9E] =	sst s9;
	s0 =	simm.s32 @!p0 $0x0  }
0x12: {  	s1 =	sld [smem:$0x3F84];
	s0 =	simm.s32 @p0 $0x1  }
0x13: {  	[smem:$0x3F9F] =	sst s0;
	s0 =	simm.s32 @!p1 $0x0  }
0x14: {  	s2 =	sld [smem:$0x3F83];
	s0 =	simm.s32 @p1 $0x1  }
0x15: {  	[smem:$0x3FA0] =	sst s0;
	s0 =	simm.s32 @!p2 $0x0  }
0x16: {  	s3 =	sld [smem:$0x3FDB];
	s0 =	simm.s32 @p2 $0x1  }
0x17: {  	s4 =	simm.s32 $0x1BF5;
	[smem:$0x3FA2] =	sst s0  }
0x18: {  	s0 =	sld [smem:$0x3F85];
	_ =	swait.ge [sflag:s4], $0x0  }
0x19: {  	s7 =	sld [smem:$0x3F86]  }
0x1a: {  	s8 =	sadd.s32 $0xFFFFE003, lr  }
0x1b: {  	s9 =	sadd.s32 $0xFFFFFEF7, lr;
	s5 =	simm.s32 $0xFFFFFFFF;
	p2 =	slt.u32 s8, $0xFFFFF086  }
0x1c: {  	p1 =	slt.u32 s9, $0xF7A;
	s5 =	simm.s32 @!p2 $0x0  }
0x1d: {  	s5 =	simm.s32 @p1 $0x1;
	p0 =	seq.s32 s7, s2  }
0x1e: {  	s7 =	smul.u32 @!p0 $0xF7A, s2;
	p2 =	seq.s32 @!p0 s5, $0x0  }
0x1f: {  	s9 =	smul.u32 $0xF7A, s1;
	s8 =	simm.s32 @!p0 $0x1BF5;
	p2 =	por !p2, p0  }
0x20: {  	[sflag:s8] =	ssyncset.s32 @!p0 $0xFFFFF086;
	s6 =	sadd.s32 @!p0 s3, s7;
	s7 =	simm.s32 @!p0 $0x108  }
0x21: {  	s3 =	sadd.s32 s3, s9;
	s6 =	sadd.s32 @!p0 $0x88, s6;
	s7 =	simm.s32 @p2 $0x1082  }
0x22: {  	[simem:s7], [sflag:s8] =	dma.local @!p0 [hbm:s6], $0xF7A  }
0x23: {  	s9 =	sor.u32 $0xD0000000, s2;
	s6 =	simm.s32 $0x108;
	_ =	swait.ge @!p0 [sflag:s8], $0x0  }
0x24: {  	s3 =	sadd.s32 $0x88, s3;
	s6 =	simm.s32 @!p1 $0x1082;
	[sflag:s4] =	ssyncset.s32 $0xFFFFF086  }
0x25: {  	[simem:s6], [sflag:s4] =	dma.local [hbm:s3], $0xF7A  }
0x26: {  	[smem:$0x3F86] =	sst s1;
	(tag) =	ssettag s2;
	_ =	strace s9  }
0x27: {  	s1 =	sld [smem:$0x3F96]  }
0x28: {  	s2 =	sld [smem:$0x3F97]  }
0x29: {  	s4 =	sld [smem:$0x3F99]  }
0x2a: {  	p0 =	seq.s32 s5, $0x0;
	s5 =	sld [smem:$0x3F9A]  }
0x2b: {  	s6 =	sld [smem:$0x3F9B]  }
0x2c: {  	s7 =	sld [smem:$0x3F9C]  }
0x2d: {  	s3 =	simm.s32 $0x108;
	s8 =	sld [smem:$0x3F9D]  }
0x2e: {  	s3 =	simm.s32 @!p0 $0x1082;
	s9 =	sld [smem:$0x3F9E]  }
0x2f: {  	lr =	sadd.s32 s0, s3;
	s0 =	sld [smem:$0x3F95]  }
0x30: {  	s3 =	sld [smem:$0x3F98]  }
0x31: {  	[smem:$0x3FA1] =	sst s10  }
0x32: {  	s10 =	sld [smem:$0x3F9F];
	_ =	sdelay $0x3  }
0x33: {  	p0 =	seq.s32 s10, $0x1;
	s10 =	sld [smem:$0x3FA1];
	_ =	sdelay $0x3  }
0x34: {  	[smem:$0x3FA1] =	sst s10  }
0x35: {  	s10 =	sld [smem:$0x3FA0];
	_ =	sdelay $0x3  }
0x36: {  	p1 =	seq.s32 s10, $0x1;
	s10 =	sld [smem:$0x3FA1];
	_ =	sdelay $0x3  }
0x37: {  	[smem:$0x3FA1] =	sst s10  }
0x38: {  	s10 =	sld [smem:$0x3FA2]  }
0x39: {  	_ = 	snop;
	(pc) =	sbr.ind lr, $3  }
0x3a: {  	_ = 	snop  }
0x3b: {  	_ = 	snop  }
0x3c: {  	p2 =	seq.s32 s10, $0x1;
	s10 =	sld [smem:$0x3FA1]  }
0x3d: {  	_ =	shalt  }
0x3e: {  	_ =	shalt  }
0x3f: {  	_ =	shalt  }
0x40: {  	_ =	shalt  }
0x41: {  	_ =	shalt  }
0x42: {  	_ =	shalt  }
0x43: {  	_ =	shalt  }
0x44: {  	_ =	shalt  }
0x45: {  	_ =	shalt  }
0x46: {  	_ =	shalt  }
0x47: {  	_ =	shalt  }
0x48: {  	_ =	shalt  }
0x49: {  	_ =	shalt  }
0x4a: {  	_ =	shalt  }
0x4b: {  	_ =	shalt  }
0x4c: {  	_ =	shalt  }
0x4d: {  	_ =	shalt  }
0x4e: {  	_ =	shalt  }
0x4f: {  	_ =	shalt  }
0x50: {  	_ =	shalt  }
0x51: {  	_ =	shalt  }
0x52: {  	_ =	shalt  }
0x53: {  	_ =	shalt  }
0x54: {  	_ =	shalt  }
0x55: {  	_ =	shalt  }
0x56: {  	_ =	shalt  }
0x57: {  	_ =	shalt  }
0x58: {  	_ =	shalt  }
0x59: {  	_ =	shalt  }
0x5a: {  	_ =	shalt  }
0x5b: {  	_ =	shalt  }
0x5c: {  	_ =	shalt  }
0x5d: {  	_ =	shalt  }
0x5e: {  	_ =	shalt  }
0x5f: {  	_ =	shalt  }
0x60: {  	_ =	shalt  }
0x61: {  	_ =	shalt  }
0x62: {  	_ =	shalt  }
0x63: {  	_ =	shalt  }
0x64: {  	_ =	shalt  }
0x65: {  	_ =	shalt  }
0x66: {  	_ =	shalt  }
0x67: {  	_ =	shalt  }
0x68: {  	_ =	shalt  }
0x69: {  	_ =	shalt  }
0x6a: {  	_ =	shalt  }
0x6b: {  	_ =	shalt  }
0x6c: {  	_ =	shalt  }
0x6d: {  	_ =	shalt  }
0x6e: {  	_ =	shalt  }
0x6f: {  	_ =	shalt  }
0x70: {  	_ =	shalt  }
0x71: {  	_ =	shalt  }
0x72: {  	_ =	shalt  }
0x73: {  	_ =	shalt  }
0x74: {  	_ =	shalt  }
0x75: {  	_ =	shalt  }
0x76: {  	_ =	shalt  }
0x77: {  	_ =	shalt  }
0x78: {  	_ =	shalt  }
0x79: {  	_ =	shalt  }
0x7a: {  	_ =	shalt  }
0x7b: {  	_ =	shalt  }
0x7c: {  	_ =	shalt  }
0x7d: {  	_ =	shalt  }
0x7e: {  	_ =	shalt  }
0x7f: {  	_ =	shalt  }
0x80: {  	_ =	shalt  }
0x81: {  	_ =	shalt  }
0x82: {  	_ =	shalt  }
0x83: {  	_ =	shalt  }
0x84: {  	_ =	shalt  }
0x85: {  	_ =	shalt  }
0x86: {  	_ =	shalt  }
0x87: {  	_ =	shalt  }
.Lfunc_end0:
.L_simem_size_0:
called_computation_lowered:
.L_overlay_start_0:
0x88: {  	s2 =	sld [smem:$0x3FD9]  }
0x89: {  	s3 =	sld [smem:$0x3FFE];
	_ =	sdelay $0x1  }
0x8a: {  	s1 =	srdreg.scid  }
0x8b: {  	s0 =	sand.u32 $0x1, s1  }
0x8c: {  	s17 =	sshll.u32 s0, $0xA;
	s2 =	sadd.s32 s3, s2  }
0x8d: {  	s2 =	sadd.s32 s2, s17  }
0x8e: {  	[smem:$0x3FAD] =	sst s2  }
0x8f: {  	_ = 	snop  }
0x90: {  	s2 =	sld [smem:$0x3FC9];
	(tm) =	ssettm $0x1  }
0x91: {  	s18 =	sld [smem:$0x3FFB];
	_ =	sdelay $0x3  }
0x92: {  	_ =	strace s18  }
0x93: {  	s3 =	sld [smem:$0x3FFC];
	_ =	sdelay $0x3  }
0x94: {  	_ =	strace s3  }
0x95: {  	s3 =	sld [smem:$0x3FFD];
	_ =	sdelay $0x3  }
0x96: {  	_ =	strace s3  }
0x97: {  	_ =	strace $0x8FFFFFFF  }
0x98: {  	s19 =	sld [smem:$0x3FDB];
	_ =	sdelay $0x1  }
0x99: {  	s4 =	simm.s32 $_scs_section_size  }
0x9a: {  	s5 =	simm.s32 $_size__tile_overlayer_lowered;
	s6 =	simm.s32 $_tile_overlayer_lowered  }
0x9b: {  	s22 =	simm.s32 $0x1BFF;
	s21 =	sshll.u32 s6, $0x1;
	s3 =	sadd.s32 s4, s19  }
0x9c: {  	s7 =	simm.s32 $0x0;
	s20 =	sshll.u32 s5, $0x1;
	s5 =	sadd.s32 s21, s3  }
0x9d: {  	[timem:s7], [sflag:s22] =	dma.local [hbm:s5], s20  }
0x9e: {  	_ =	swait.ge [sflag:s22], s20  }
0x9f: {  	s4 =	ssub.s32 $0x0, s20;
	[sflag:s22] =	ssyncset.done $0x0  }
0xa0: {  	[sflag:s22] =	ssyncadd.s32 s4;
	_ =	sdelay $0x1  }
0xa1: {  	s23 =	simm.s32 $0x1B8B  }
0xa2: {  	_ =	swait.ge [sflag:s23], $0x1  }
0xa3: {  	[sflag:s23] =	ssyncset.done $0x0  }
0xa4: {  	s25 =	simm.s32 $0x1B8E;
	s24 =	sld [smem:$0x3FFE];
	[sflag:s23] =	ssyncadd.s32 $0xFFFFFFFF  }
0xa5: {  	s26 =	simm.s32 $execute0_lowered;
	[smem:$0x3FD2] =	sst s25  }
0xa6: {  	s5 =	sshll.u32 s26, $0x1;
	_ =	strace $0x80000046;
	[dreg:$0x1] =	wrdreg $0xFFFFFFFF  }
0xa7: {  	s28 =	simm.s32 $_size_execute0_lowered;
	s3 =	sadd.s32 s3, s5;
	[dreg:$0x0] =	wrdreg $0x0  }
0xa8: {  	s5 =	sshll.u32 s28, $0x1;
	[dreg:$0x2] =	wrdreg s3  }
0xa9: {  	[dreg:$0x3] =	wrdreg s5  }
0xaa: {  	[dreg:$0x4] =	wrdreg $0xC0  }
0xab: {  	_ =	task [dreg:s7], $0x5FFFF  }
0xac: {  	[dreg:$0x1] =	wrdreg $0xFFFFFFFF  }
0xad: {  	[dreg:$0x0] =	wrdreg $0x60  }
0xae: {  	[dreg:$0x2] =	wrdreg s2  }
0xaf: {  	[dreg:$0x3] =	wrdreg s24  }
0xb0: {  	[dreg:$0x4] =	wrdreg $0x0  }
0xb1: {  	[dreg:$0x5] =	wrdreg $0x9  }
0xb2: {  	_ =	task.clear_ibuf [dreg:s7], $0x6FFFF;
	_ =	strace $0x90000046  }
0xb3: {  	s29 =	simm.s32 $0x9;
	_ =	strace $0x80000048  }
0xb4: {  	_ =	swait.ge [sflag:s29], $0x1  }
0xb5: {  	[sflag:s29] =	ssyncadd.s32 $0xFFFFFFFF  }
0xb6: {  	_ =	strace $0x90000048  }
0xb7: {  	_ =	sfence  }
0xb8: {  	s30 =	sld [smem:$0x0];
	_ =	sdelay $0x2  }
0xb9: {  	s31 =	sshll.u32 s1, $0xD;
	s1 =	sshrl.u32 s1, $0x2  }
0xba: {  	s3 =	sand.u32 $0x4000, s31;
	s1 =	sadd.s32 s1, s30  }
0xbb: {  	s0 =	sor.u32 s3, s0;
	s1 =	sshll.u32 s1, $0x11  }
0xbc: {  	s0 =	sor.u32 s1, s0  }
0xbd: {  	s0 =	sadd.s32 $0x8F2B, s0  }
0xbe: {  	[sflag:s0] =	ssyncadd.remote.s32 $0x1  }
0xbf: {  	_ =	sfence.sel $0xFFFF  }
0xc0: {  	[dreg:$0x0] =	wrdreg $0xFFFFFFFF;
	(pc) =	sbr.abs _section_cstart, $3  }
0xc1: {  	[dreg:$0x1] =	wrdreg $0xFFFFFFFF  }
0xc2: {  	_ =	task.clear_ibuf [dreg:s7], $0x2FFFF;
	_ =	strace $0x9FFFFFFF  }
0xc3: {  	(tm) =	ssettm $0x7FFFFFFF  }
tec
execute0_lowered:
.L_overlay_start_1:
0x0: {  	(tag) =	ssettag $0x1  }
0x1: {  	s2 =	rddreg [dreg:$0x0]  }
0x2: {  	s0 =	rddreg [dreg:$0x1]  }
0x3: {  	s3 =	rddreg [dreg:$0x2]  }
0x4: {  	s14 =	stileid.u32;
	s1 =	srdreg.scid;
	s5 =	simm.s32 $0x0  }
0x5: {  	s16 =	simm.s32 $0x9;
	s28 =	simm.s32 $0x1DC00;
	s29 =	simm.s32 $0x1  }
0x6: {  	s30 =	simm.s32 $0x2;
	s31 =	simm.s32 $0x3;
	s4 =	smul.u32 $0x2780, s14  }
0x7: {  	s1 =	sand.u32 $0x1, s1;
	[smem:$0x7FF] =	sst s5;
	s6 =	smul.u32 $0x4F000, s14  }
0x8: {  	s7 =	sadd.s32 $0x5000, s0;
	s8 =	sadd.s32 $0x19400, s0;
	s10 =	smul.u32 $0x140, s14  }
0x9: {  	s20 =	sshll.u32 s14, $0x6;
	s5 =	simm.s32 $0x7;
	s17 =	smul.u32 $0x27800, s1  }
0xa: {  	_ =	strace $0x80000047;
	s9 =	ssub.s32 $0x2, s1;
	s13 =	smul.u32 $0xA8, s1  }
0xb: {  	p0 =	seq.s32 s1, $0x0;
	s1 =	simm.s32 $0x5;
	s11 =	sadd.s32 s4, s0  }
0xc: {  	s12 =	sshrl.u32 s9, $0x1;
	s6 =	sshrl.u32 s6, $0x2;
	s0 =	sadd.s32 s17, s0  }
0xd: {  	s18 =	ssub.s32 s9, s12;
	s19 =	sadd.s32 s6, s3;
	s10 =	sadd.s32 s13, s10  }
0xe: {  	s11 =	sadd.s32 $0x2D800, s11;
	s6 =	sor.u32 $0x1C09, s20;
	s12 =	simm.s32 $0x5000  }
0xf: {  	s17 =	simm.s32 $0x13C00;
	s20 =	simm.s32 $0x17C00;
	s9 =	simm.s32 $0x17A80  }
0x10: {  	s13 =	simm.s32 $0x0;
	[dreg:$0x4] =	wrdreg s11;
	s10 =	sshll.u32 s10, $0x4  }
0x11: {  	s12 =	simm.s32 @!p0 $0x3000;
	s0 =	sadd.s32 $0x55000, s0;
	s26 =	smax.u32 s18, $0x1  }
0x12: {  	s15 =	sshrl.u32 s19, $0x3;
	s18 =	simm.s32 $0x15C00;
	s19 =	simm.s32 $0x40  }
0x13: {  	s21 =	sadd.s32 s7, s10;
	s22 =	sadd.s32 s8, s10;
	[dreg:$0xb] =	wrdreg s26  }
0x14: {  	s23 =	sadd.s32 $0x400, s10;
	s10 =	sadd.s32 $0x800, s10;
	[dreg:$0x5] =	wrdreg s21  }
0x15: {  	s0 =	sadd.s32 s4, s0;
	s26 =	simm.s32 $0x13D80;
	[dreg:$0x6] =	wrdreg s22  }
0x16: {  	s4 =	simm.s32 $0x6;
	s24 =	sadd.s32 s7, s23;
	[dreg:$0xc] =	wrdreg s0  }
0x17: {  	s11 =	sadd.s32 s8, s23;
	s7 =	sadd.s32 s7, s10;
	[dreg:$0x7] =	wrdreg s24  }
0x18: {  	s25 =	sadd.s32 s8, s10;
	s21 =	simm.s32 $0x13C80;
	[dreg:$0x8] =	wrdreg s11  }
0x19: {  	s22 =	simm.s32 $0x19C00;
	s23 =	simm.s32 $0x13D00;
	[dreg:$0x9] =	wrdreg s7  }
0x1a: {  	s0 =	simm.s32 $0x4;
	s10 =	simm.s32 $0x17B00;
	[dreg:$0xa] =	wrdreg s25  }
0x1b: {  	s25 =	simm.s32 $0x1BC00;
	s7 =	simm.s32 $0x8;
	s11 =	simm.s32 $0x17B80  }
.LBB2_1:
0x1c: {  	s8 =	rddreg [dreg:$0x4]  }
0x1d: {  	[spmem:s15], [sflag:s6] =	dma.local [hbm:s8], $0x2780  }
0x1e: {  	_ =	swait.ge [sflag:s16], $0x2780  }
0x1f: {  	[sflag:s16] =	ssyncset.done $0x0  }
0x20: {  	[sflag:s16] =	ssyncadd.s32 $0xFFFFD880  }
0x21: {  	[bflag:$0x0] =	sbarrier.arrive $0xFFFF  }
0x22: {  	s8 =	simm.s32 $0x0;
	s14 =	rddreg [dreg:$0x5]  }
0x23: {  	[tilespmem:s17], [sflag:$0x9] =	stream.linear.gather [hbm4b:s14+s8], $0x2000, $0x38;
	[tilespmem:$0x1FC00] =	vst v63  }
0x24: {  	_ =	swait.ge [sflag:s16], $0x2000  }
0x25: {  	[sflag:s16] =	ssyncset.done $0x0  }
0x26: {  	s24 =	rddreg [dreg:$0x6];
	[sflag:s16] =	ssyncadd.s32 $0xFFFFE000  }
0x27: {  	[tilespmem:s18], [sflag:$0x9] =	stream.linear.gather [hbm4b:s24+s8], $0x2000, $0x38;
	[tilespmem:$0x1FC00] =	vst v63  }
0x28: {  	_ =	swait.ge [sflag:s16], $0x2000  }
0x29: {  	[sflag:s16] =	ssyncset.done $0x0  }
0x2a: {  	[sflag:s16] =	ssyncadd.s32 $0xFFFFE000  }
0x2b: {  	[tilespmem:s20], [sflag:$0x1] =	stream.indirect.gather [hbm4b:s2+s19], $0x80, s17, s19, $0xb8;
	[tilespmem:$0x1FC00] =	vst v63  }
0x2c: {  	_ = 	snop  }
0x2d: {  	[tilespmem:s22], [sflag:$0x2] =	stream.indirect.gather [hbm4b:s2+s19], $0x80, s21, s19, $0xb8;
	[tilespmem:$0x1FC00] =	vst v63  }
0x2e: {  	_ = 	snop  }
0x2f: {  	[tilespmem:s25], [sflag:$0x3] =	stream.indirect.gather [hbm4b:s2+s19], $0x80, s23, s19, $0xb8;
	[tilespmem:$0x1FC00] =	vst v63  }
0x30: {  	_ = 	snop  }
0x31: {  	[tilespmem:s28], [sflag:$0x4] =	stream.indirect.gather [hbm4b:s2+s19], $0x80, s26, s19, $0xb8;
	[tilespmem:$0x1FC00] =	vst v63  }
0x32: {  	_ =	swait.ge [sflag:s29], $0x2000  }
0x33: {  	[sflag:s29] =	ssyncset.done $0x0  }
0x34: {  	s24 =	simm.s32 $0x15C00;
	[sflag:s29] =	ssyncadd.s32 $0xFFFFE000  }
0x35: {  	[spmem:s3] =	stream.indirect.scatter.add.f32 [tilespmem:s20], [sflag:$0x5], $0x80, s24, s19, $0xb8;
	[tilespmem:$0x1FC00] =	vst v63  }
0x36: {  	_ =	swait.ge [sflag:s30], $0x2000  }
0x37: {  	[sflag:s30] =	ssyncset.done $0x0  }
0x38: {  	s8 =	simm.s32 $0x15C80;
	[sflag:s30] =	ssyncadd.s32 $0xFFFFE000  }
0x39: {  	[spmem:s3] =	stream.indirect.scatter.add.f32 [tilespmem:s22], [sflag:$0x6], $0x80, s8, s19, $0xb8;
	[tilespmem:$0x1FC00] =	vst v63  }
0x3a: {  	_ =	swait.ge [sflag:s31], $0x2000  }
0x3b: {  	[sflag:s31] =	ssyncset.done $0x0  }
0x3c: {  	s24 =	simm.s32 $0x15D00;
	[sflag:s31] =	ssyncadd.s32 $0xFFFFE000  }
0x3d: {  	[spmem:s3] =	stream.indirect.scatter.add.f32 [tilespmem:s25], [sflag:$0x7], $0x80, s24, s19, $0xb8;
	[tilespmem:$0x1FC00] =	vst v63  }
0x3e: {  	_ =	swait.ge [sflag:s0], $0x2000  }
0x3f: {  	[sflag:s0] =	ssyncset.done $0x0  }
0x40: {  	s8 =	simm.s32 $0x15D80;
	[sflag:s0] =	ssyncadd.s32 $0xFFFFE000  }
0x41: {  	[spmem:s3] =	stream.indirect.scatter.add.f32 [tilespmem:s28], [sflag:$0x8], $0x80, s8, s19, $0xb8;
	[tilespmem:$0x1FC00] =	vst v63  }
0x42: {  	_ =	swait.ge [sflag:s1], $0x2000  }
0x43: {  	[sflag:s1] =	ssyncset.done $0x0  }
0x44: {  	s24 =	simm.s32 $0x13E00;
	[sflag:s1] =	ssyncadd.s32 $0xFFFFE000  }
0x45: {  	[tilespmem:s20], [sflag:$0x1] =	stream.indirect.gather [hbm4b:s2+s19], $0x80, s24, s19, $0xb8;
	[tilespmem:$0x1FC00] =	vst v63  }
0x46: {  	_ =	swait.ge [sflag:s4], $0x2000  }
0x47: {  	[sflag:s4] =	ssyncset.done $0x0  }
0x48: {  	s8 =	simm.s32 $0x13E80;
	[sflag:s4] =	ssyncadd.s32 $0xFFFFE000  }
0x49: {  	[tilespmem:s22], [sflag:$0x2] =	stream.indirect.gather [hbm4b:s2+s19], $0x80, s8, s19, $0xb8;
	[tilespmem:$0x1FC00] =	vst v63  }
0x4a: {  	_ =	swait.ge [sflag:s5], $0x2000  }
0x4b: {  	[sflag:s5] =	ssyncset.done $0x0  }
0x4c: {  	s24 =	simm.s32 $0x13F00;
	[sflag:s5] =	ssyncadd.s32 $0xFFFFE000  }
0x4d: {  	[tilespmem:s25], [sflag:$0x3] =	stream.indirect.gather [hbm4b:s2+s19], $0x80, s24, s19, $0xb8;
	[tilespmem:$0x1FC00] =	vst v63  }
0x4e: {  	_ =	swait.ge [sflag:s7], $0x2000  }
0x4f: {  	[sflag:s7] =	ssyncset.done $0x0  }
0x50: {  	s14 =	simm.s32 $0x800;
	s24 =	simm.s32 $0x13F80;
	[sflag:s7] =	ssyncadd.s32 $0xFFFFE000  }
.LBB2_2:
0x51: {  	[tilespmem:s28], [sflag:$0x4] =	stream.indirect.gather [hbm4b:s2+s19], $0x80, s24, s19, $0xb8;
	[tilespmem:$0x1FC00] =	vst v63  }
0x52: {  	s24 =	smov.u32 s14  }
0x53: {  	p0 =	sne.s32 s14, $0x7000;
	s14 =	sadd.s32 $0x800, s14;
	_ =	swait.ge [sflag:s29], $0x2000  }
0x54: {  	s24 =	sshra.s32 s24, $0x2;
	[sflag:s29] =	ssyncset.done $0x0  }
0x55: {  	s8 =	sadd.s32 $0x15C00, s24;
	[sflag:s29] =	ssyncadd.s32 $0xFFFFE000  }
0x56: {  	[spmem:s3] =	stream.indirect.scatter.add.f32 [tilespmem:s20], [sflag:$0x5], $0x80, s8, s19, $0xb8;
	[tilespmem:$0x1FC00] =	vst v63  }
0x57: {  	_ =	swait.ge [sflag:s30], $0x2000  }
0x58: {  	[sflag:s30] =	ssyncset.done $0x0  }
0x59: {  	s8 =	sadd.s32 $0x15C80, s24;
	[sflag:s30] =	ssyncadd.s32 $0xFFFFE000  }
0x5a: {  	[spmem:s3] =	stream.indirect.scatter.add.f32 [tilespmem:s22], [sflag:$0x6], $0x80, s8, s19, $0xb8;
	[tilespmem:$0x1FC00] =	vst v63  }
0x5b: {  	_ =	swait.ge [sflag:s31], $0x2000  }
0x5c: {  	[sflag:s31] =	ssyncset.done $0x0  }
0x5d: {  	s8 =	sadd.s32 $0x15D00, s24;
	[sflag:s31] =	ssyncadd.s32 $0xFFFFE000  }
0x5e: {  	[spmem:s3] =	stream.indirect.scatter.add.f32 [tilespmem:s25], [sflag:$0x7], $0x80, s8, s19, $0xb8;
	[tilespmem:$0x1FC00] =	vst v63  }
0x5f: {  	_ =	swait.ge [sflag:s0], $0x2000  }
0x60: {  	[sflag:s0] =	ssyncset.done $0x0  }
0x61: {  	s8 =	sadd.s32 $0x15D80, s24;
	[sflag:s0] =	ssyncadd.s32 $0xFFFFE000  }
0x62: {  	[spmem:s3] =	stream.indirect.scatter.add.f32 [tilespmem:s28], [sflag:$0x8], $0x80, s8, s19, $0xb8;
	[tilespmem:$0x1FC00] =	vst v63  }
0x63: {  	_ =	swait.ge [sflag:s1], $0x2000  }
0x64: {  	[sflag:s1] =	ssyncset.done $0x0  }
0x65: {  	s8 =	sadd.s32 $0x13E00, s24;
	[sflag:s1] =	ssyncadd.s32 $0xFFFFE000  }
0x66: {  	[tilespmem:s20], [sflag:$0x1] =	stream.indirect.gather [hbm4b:s2+s19], $0x80, s8, s19, $0xb8;
	[tilespmem:$0x1FC00] =	vst v63  }
0x67: {  	_ =	swait.ge [sflag:s4], $0x2000  }
0x68: {  	[sflag:s4] =	ssyncset.done $0x0  }
0x69: {  	s8 =	sadd.s32 $0x13E80, s24;
	[sflag:s4] =	ssyncadd.s32 $0xFFFFE000  }
0x6a: {  	[tilespmem:s22], [sflag:$0x2] =	stream.indirect.gather [hbm4b:s2+s19], $0x80, s8, s19, $0xb8;
	[tilespmem:$0x1FC00] =	vst v63  }
0x6b: {  	_ =	swait.ge [sflag:s5], $0x2000  }
0x6c: {  	[sflag:s5] =	ssyncset.done $0x0  }
.Ltmp0:
0x6d: {  	s8 =	sadd.s32 $0x13F00, s24;
	[sflag:s5] =	ssyncadd.s32 $0xFFFFE000;
	(pc) =	sbr.rel @p0 .LBB2_2-.Ltmp0, $4  }
0x6e: {  	[tilespmem:s25], [sflag:$0x3] =	stream.indirect.gather [hbm4b:s2+s19], $0x80, s8, s19, $0xb8;
	[tilespmem:$0x1FC00] =	vst v63  }
0x6f: {  	_ =	swait.ge [sflag:s7], $0x2000  }
0x70: {  	[sflag:s7] =	ssyncset.done $0x0  }
0x71: {  	s24 =	sadd.s32 $0x13F80, s24;
	[sflag:s7] =	ssyncadd.s32 $0xFFFFE000  }
0x72: {  	[tilespmem:s28], [sflag:$0x4] =	stream.indirect.gather [hbm4b:s2+s19], $0x80, s24, s19, $0xb8;
	[tilespmem:$0x1FC00] =	vst v63  }
0x73: {  	_ =	swait.ge [sflag:s29], $0x2000  }
0x74: {  	[sflag:s29] =	ssyncset.done $0x0  }
0x75: {  	s8 =	simm.s32 $0x17A00;
	[sflag:s29] =	ssyncadd.s32 $0xFFFFE000  }
0x76: {  	[spmem:s3] =	stream.indirect.scatter.add.f32 [tilespmem:s20], [sflag:$0x5], $0x80, s8, s19, $0xb8;
	[tilespmem:$0x1FC00] =	vst v63  }
0x77: {  	_ =	swait.ge [sflag:s30], $0x2000  }
0x78: {  	[sflag:s30] =	ssyncset.done $0x0  }
0x79: {  	[sflag:s30] =	ssyncadd.s32 $0xFFFFE000  }
0x7a: {  	[spmem:s3] =	stream.indirect.scatter.add.f32 [tilespmem:s22], [sflag:$0x6], $0x80, s9, s19, $0xb8;
	[tilespmem:$0x1FC00] =	vst v63  }
0x7b: {  	_ =	swait.ge [sflag:s31], $0x2000  }
0x7c: {  	[sflag:s31] =	ssyncset.done $0x0  }
0x7d: {  	[sflag:s31] =	ssyncadd.s32 $0xFFFFE000  }
0x7e: {  	[spmem:s3] =	stream.indirect.scatter.add.f32 [tilespmem:s25], [sflag:$0x7], $0x80, s10, s19, $0xb8;
	[tilespmem:$0x1FC00] =	vst v63  }
0x7f: {  	_ =	swait.ge [sflag:s0], $0x2000  }
0x80: {  	[sflag:s0] =	ssyncset.done $0x0  }
0x81: {  	[sflag:s0] =	ssyncadd.s32 $0xFFFFE000  }
0x82: {  	[spmem:s3] =	stream.indirect.scatter.add.f32 [tilespmem:s28], [sflag:$0x8], $0x80, s11, s19, $0xb8;
	[tilespmem:$0x1FC00] =	vst v63  }
0x83: {  	_ =	swait.ge [sflag:s1], $0x2000  }
0x84: {  	[sflag:s1] =	ssyncset.done $0x0  }
0x85: {  	[sflag:s1] =	ssyncadd.s32 $0xFFFFE000  }
0x86: {  	[tilespmem:s20], [sflag:$0x1] =	stream.indirect.gather [hbm4b:s2+s19], $0x80, s17, s19, $0xb8;
	[tilespmem:$0x1FC00] =	vst v63  }
0x87: {  	_ =	swait.ge [sflag:s4], $0x2000  }
0x88: {  	[sflag:s4] =	ssyncset.done $0x0  }
0x89: {  	[sflag:s4] =	ssyncadd.s32 $0xFFFFE000  }
0x8a: {  	[tilespmem:s22], [sflag:$0x2] =	stream.indirect.gather [hbm4b:s2+s19], $0x80, s21, s19, $0xb8;
	[tilespmem:$0x1FC00] =	vst v63  }
0x8b: {  	_ =	swait.ge [sflag:s5], $0x2000  }
0x8c: {  	[sflag:s5] =	ssyncset.done $0x0  }
0x8d: {  	[sflag:s5] =	ssyncadd.s32 $0xFFFFE000  }
0x8e: {  	[tilespmem:s25], [sflag:$0x3] =	stream.indirect.gather [hbm4b:s2+s19], $0x80, s23, s19, $0xb8;
	[tilespmem:$0x1FC00] =	vst v63  }
0x8f: {  	_ =	swait.ge [sflag:s7], $0x2000  }
0x90: {  	[sflag:s7] =	ssyncset.done $0x0  }
0x91: {  	[sflag:s7] =	ssyncadd.s32 $0xFFFFE000  }
0x92: {  	[tilespmem:s28], [sflag:$0x4] =	stream.indirect.gather [hbm4b:s2+s19], $0x80, s26, s19, $0xb8;
	[tilespmem:$0x1FC00] =	vst v63  }
0x93: {  	_ =	swait.ge [sflag:s29], $0x2000  }
0x94: {  	[sflag:s29] =	ssyncset.done $0x0  }
0x95: {  	[sflag:s29] =	ssyncadd.s32 $0xFFFFE000  }
0x96: {  	_ =	swait.ge [sflag:s30], $0x2000  }
0x97: {  	[sflag:s30] =	ssyncset.done $0x0  }
0x98: {  	[sflag:s30] =	ssyncadd.s32 $0xFFFFE000  }
0x99: {  	_ =	swait.ge [sflag:s31], $0x2000  }
0x9a: {  	[sflag:s31] =	ssyncset.done $0x0  }
0x9b: {  	[sflag:s31] =	ssyncadd.s32 $0xFFFFE000  }
0x9c: {  	_ =	swait.ge [sflag:s0], $0x2000  }
0x9d: {  	[sflag:s0] =	ssyncset.done $0x0  }
0x9e: {  	s8 =	simm.s32 $0x0;
	s14 =	rddreg [dreg:$0x7];
	[sflag:s0] =	ssyncadd.s32 $0xFFFFE000  }
0x9f: {  	[tilespmem:s17], [sflag:$0x9] =	stream.linear.gather [hbm4b:s14+s8], $0x2000, $0x38;
	[tilespmem:$0x1FC00] =	vst v63  }
0xa0: {  	_ =	swait.ge [sflag:s16], $0x2000  }
0xa1: {  	[sflag:s16] =	ssyncset.done $0x0  }
0xa2: {  	s24 =	rddreg [dreg:$0x8];
	[sflag:s16] =	ssyncadd.s32 $0xFFFFE000  }
0xa3: {  	[tilespmem:s18], [sflag:$0x9] =	stream.linear.gather [hbm4b:s24+s8], $0x2000, $0x38;
	[tilespmem:$0x1FC00] =	vst v63  }
0xa4: {  	_ =	swait.ge [sflag:s16], $0x2000  }
0xa5: {  	[sflag:s16] =	ssyncset.done $0x0  }
0xa6: {  	[sflag:s16] =	ssyncadd.s32 $0xFFFFE000  }
0xa7: {  	[tilespmem:s20], [sflag:$0x1] =	stream.indirect.gather [hbm4b:s2+s19], $0x80, s17, s19, $0xb8;
	[tilespmem:$0x1FC00] =	vst v63  }
0xa8: {  	_ = 	snop  }
0xa9: {  	[tilespmem:s22], [sflag:$0x2] =	stream.indirect.gather [hbm4b:s2+s19], $0x80, s21, s19, $0xb8;
	[tilespmem:$0x1FC00] =	vst v63  }
0xaa: {  	_ = 	snop  }
0xab: {  	[tilespmem:s25], [sflag:$0x3] =	stream.indirect.gather [hbm4b:s2+s19], $0x80, s23, s19, $0xb8;
	[tilespmem:$0x1FC00] =	vst v63  }
0xac: {  	_ = 	snop  }
0xad: {  	[tilespmem:s28], [sflag:$0x4] =	stream.indirect.gather [hbm4b:s2+s19], $0x80, s26, s19, $0xb8;
	[tilespmem:$0x1FC00] =	vst v63  }
0xae: {  	_ =	swait.ge [sflag:s29], $0x2000  }
0xaf: {  	[sflag:s29] =	ssyncset.done $0x0  }
0xb0: {  	s24 =	simm.s32 $0x15C00;
	[sflag:s29] =	ssyncadd.s32 $0xFFFFE000  }
0xb1: {  	[spmem:s3] =	stream.indirect.scatter.add.f32 [tilespmem:s20], [sflag:$0x5], $0x80, s24, s19, $0xb8;
	[tilespmem:$0x1FC00] =	vst v63  }
0xb2: {  	_ =	swait.ge [sflag:s30], $0x2000  }
0xb3: {  	[sflag:s30] =	ssyncset.done $0x0  }
0xb4: {  	s14 =	simm.s32 $0x15C80;
	[sflag:s30] =	ssyncadd.s32 $0xFFFFE000  }
0xb5: {  	[spmem:s3] =	stream.indirect.scatter.add.f32 [tilespmem:s22], [sflag:$0x6], $0x80, s14, s19, $0xb8;
	[tilespmem:$0x1FC00] =	vst v63  }
0xb6: {  	_ =	swait.ge [sflag:s31], $0x2000  }
0xb7: {  	[sflag:s31] =	ssyncset.done $0x0  }
0xb8: {  	s24 =	simm.s32 $0x15D00;
	[sflag:s31] =	ssyncadd.s32 $0xFFFFE000  }
0xb9: {  	[spmem:s3] =	stream.indirect.scatter.add.f32 [tilespmem:s25], [sflag:$0x7], $0x80, s24, s19, $0xb8;
	[tilespmem:$0x1FC00] =	vst v63  }
0xba: {  	_ =	swait.ge [sflag:s0], $0x2000  }
0xbb: {  	[sflag:s0] =	ssyncset.done $0x0  }
0xbc: {  	s14 =	simm.s32 $0x15D80;
	[sflag:s0] =	ssyncadd.s32 $0xFFFFE000  }
0xbd: {  	[spmem:s3] =	stream.indirect.scatter.add.f32 [tilespmem:s28], [sflag:$0x8], $0x80, s14, s19, $0xb8;
	[tilespmem:$0x1FC00] =	vst v63  }
0xbe: {  	_ =	swait.ge [sflag:s1], $0x2000  }
0xbf: {  	[sflag:s1] =	ssyncset.done $0x0  }
0xc0: {  	s24 =	simm.s32 $0x13E00;
	[sflag:s1] =	ssyncadd.s32 $0xFFFFE000  }
0xc1: {  	[tilespmem:s20], [sflag:$0x1] =	stream.indirect.gather [hbm4b:s2+s19], $0x80, s24, s19, $0xb8;
	[tilespmem:$0x1FC00] =	vst v63  }
0xc2: {  	_ =	swait.ge [sflag:s4], $0x2000  }
0xc3: {  	[sflag:s4] =	ssyncset.done $0x0  }
0xc4: {  	s14 =	simm.s32 $0x13E80;
	[sflag:s4] =	ssyncadd.s32 $0xFFFFE000  }
0xc5: {  	[tilespmem:s22], [sflag:$0x2] =	stream.indirect.gather [hbm4b:s2+s19], $0x80, s14, s19, $0xb8;
	[tilespmem:$0x1FC00] =	vst v63  }
0xc6: {  	_ =	swait.ge [sflag:s5], $0x2000  }
0xc7: {  	[sflag:s5] =	ssyncset.done $0x0  }
0xc8: {  	s24 =	simm.s32 $0x13F00;
	[sflag:s5] =	ssyncadd.s32 $0xFFFFE000  }
0xc9: {  	[tilespmem:s25], [sflag:$0x3] =	stream.indirect.gather [hbm4b:s2+s19], $0x80, s24, s19, $0xb8;
	[tilespmem:$0x1FC00] =	vst v63  }
0xca: {  	_ =	swait.ge [sflag:s7], $0x2000  }
0xcb: {  	[sflag:s7] =	ssyncset.done $0x0  }
0xcc: {  	s14 =	simm.s32 $0x800;
	s24 =	simm.s32 $0x13F80;
	[sflag:s7] =	ssyncadd.s32 $0xFFFFE000  }
.LBB2_4:
0xcd: {  	[tilespmem:s28], [sflag:$0x4] =	stream.indirect.gather [hbm4b:s2+s19], $0x80, s24, s19, $0xb8;
	[tilespmem:$0x1FC00] =	vst v63  }
0xce: {  	s8 =	smov.u32 s14  }
0xcf: {  	p0 =	sne.s32 s14, $0x7000;
	s14 =	sadd.s32 $0x800, s14;
	_ =	swait.ge [sflag:s29], $0x2000  }
0xd0: {  	s24 =	sshra.s32 s8, $0x2;
	[sflag:s29] =	ssyncset.done $0x0  }
0xd1: {  	s8 =	sadd.s32 $0x15C00, s24;
	[sflag:s29] =	ssyncadd.s32 $0xFFFFE000  }
0xd2: {  	[spmem:s3] =	stream.indirect.scatter.add.f32 [tilespmem:s20], [sflag:$0x5], $0x80, s8, s19, $0xb8;
	[tilespmem:$0x1FC00] =	vst v63  }
0xd3: {  	_ =	swait.ge [sflag:s30], $0x2000  }
0xd4: {  	[sflag:s30] =	ssyncset.done $0x0  }
0xd5: {  	s8 =	sadd.s32 $0x15C80, s24;
	[sflag:s30] =	ssyncadd.s32 $0xFFFFE000  }
0xd6: {  	[spmem:s3] =	stream.indirect.scatter.add.f32 [tilespmem:s22], [sflag:$0x6], $0x80, s8, s19, $0xb8;
	[tilespmem:$0x1FC00] =	vst v63  }
0xd7: {  	_ =	swait.ge [sflag:s31], $0x2000  }
0xd8: {  	[sflag:s31] =	ssyncset.done $0x0  }
0xd9: {  	s8 =	sadd.s32 $0x15D00, s24;
	[sflag:s31] =	ssyncadd.s32 $0xFFFFE000  }
0xda: {  	[spmem:s3] =	stream.indirect.scatter.add.f32 [tilespmem:s25], [sflag:$0x7], $0x80, s8, s19, $0xb8;
	[tilespmem:$0x1FC00] =	vst v63  }
0xdb: {  	_ =	swait.ge [sflag:s0], $0x2000  }
0xdc: {  	[sflag:s0] =	ssyncset.done $0x0  }
0xdd: {  	s8 =	sadd.s32 $0x15D80, s24;
	[sflag:s0] =	ssyncadd.s32 $0xFFFFE000  }
0xde: {  	[spmem:s3] =	stream.indirect.scatter.add.f32 [tilespmem:s28], [sflag:$0x8], $0x80, s8, s19, $0xb8;
	[tilespmem:$0x1FC00] =	vst v63  }
0xdf: {  	_ =	swait.ge [sflag:s1], $0x2000  }
0xe0: {  	[sflag:s1] =	ssyncset.done $0x0  }
0xe1: {  	s8 =	sadd.s32 $0x13E00, s24;
	[sflag:s1] =	ssyncadd.s32 $0xFFFFE000  }
0xe2: {  	[tilespmem:s20], [sflag:$0x1] =	stream.indirect.gather [hbm4b:s2+s19], $0x80, s8, s19, $0xb8;
	[tilespmem:$0x1FC00] =	vst v63  }
0xe3: {  	_ =	swait.ge [sflag:s4], $0x2000  }
0xe4: {  	[sflag:s4] =	ssyncset.done $0x0  }
0xe5: {  	s8 =	sadd.s32 $0x13E80, s24;
	[sflag:s4] =	ssyncadd.s32 $0xFFFFE000  }
0xe6: {  	[tilespmem:s22], [sflag:$0x2] =	stream.indirect.gather [hbm4b:s2+s19], $0x80, s8, s19, $0xb8;
	[tilespmem:$0x1FC00] =	vst v63  }
0xe7: {  	_ =	swait.ge [sflag:s5], $0x2000  }
0xe8: {  	[sflag:s5] =	ssyncset.done $0x0  }
.Ltmp1:
0xe9: {  	s8 =	sadd.s32 $0x13F00, s24;
	[sflag:s5] =	ssyncadd.s32 $0xFFFFE000;
	(pc) =	sbr.rel @p0 .LBB2_4-.Ltmp1, $4  }
0xea: {  	[tilespmem:s25], [sflag:$0x3] =	stream.indirect.gather [hbm4b:s2+s19], $0x80, s8, s19, $0xb8;
	[tilespmem:$0x1FC00] =	vst v63  }
0xeb: {  	_ =	swait.ge [sflag:s7], $0x2000  }
0xec: {  	[sflag:s7] =	ssyncset.done $0x0  }
0xed: {  	s24 =	sadd.s32 $0x13F80, s24;
	[sflag:s7] =	ssyncadd.s32 $0xFFFFE000  }
0xee: {  	[tilespmem:s28], [sflag:$0x4] =	stream.indirect.gather [hbm4b:s2+s19], $0x80, s24, s19, $0xb8;
	[tilespmem:$0x1FC00] =	vst v63  }
0xef: {  	_ =	swait.ge [sflag:s29], $0x2000  }
0xf0: {  	[sflag:s29] =	ssyncset.done $0x0  }
0xf1: {  	s8 =	simm.s32 $0x17A00;
	[sflag:s29] =	ssyncadd.s32 $0xFFFFE000  }
0xf2: {  	[spmem:s3] =	stream.indirect.scatter.add.f32 [tilespmem:s20], [sflag:$0x5], $0x80, s8, s19, $0xb8;
	[tilespmem:$0x1FC00] =	vst v63  }
0xf3: {  	_ =	swait.ge [sflag:s30], $0x2000  }
0xf4: {  	[sflag:s30] =	ssyncset.done $0x0  }
0xf5: {  	[sflag:s30] =	ssyncadd.s32 $0xFFFFE000  }
0xf6: {  	[spmem:s3] =	stream.indirect.scatter.add.f32 [tilespmem:s22], [sflag:$0x6], $0x80, s9, s19, $0xb8;
	[tilespmem:$0x1FC00] =	vst v63  }
0xf7: {  	_ =	swait.ge [sflag:s31], $0x2000  }
0xf8: {  	[sflag:s31] =	ssyncset.done $0x0  }
0xf9: {  	[sflag:s31] =	ssyncadd.s32 $0xFFFFE000  }
0xfa: {  	[spmem:s3] =	stream.indirect.scatter.add.f32 [tilespmem:s25], [sflag:$0x7], $0x80, s10, s19, $0xb8;
	[tilespmem:$0x1FC00] =	vst v63  }
0xfb: {  	_ =	swait.ge [sflag:s0], $0x2000  }
0xfc: {  	[sflag:s0] =	ssyncset.done $0x0  }
0xfd: {  	[sflag:s0] =	ssyncadd.s32 $0xFFFFE000  }
0xfe: {  	[spmem:s3] =	stream.indirect.scatter.add.f32 [tilespmem:s28], [sflag:$0x8], $0x80, s11, s19, $0xb8;
	[tilespmem:$0x1FC00] =	vst v63  }
0xff: {  	_ =	swait.ge [sflag:s1], $0x2000  }
0x100: {  	[sflag:s1] =	ssyncset.done $0x0  }
0x101: {  	[sflag:s1] =	ssyncadd.s32 $0xFFFFE000  }
0x102: {  	[tilespmem:s20], [sflag:$0x1] =	stream.indirect.gather [hbm4b:s2+s19], $0x80, s17, s19, $0xb8;
	[tilespmem:$0x1FC00] =	vst v63  }
0x103: {  	_ =	swait.ge [sflag:s4], $0x2000  }
0x104: {  	[sflag:s4] =	ssyncset.done $0x0  }
0x105: {  	[sflag:s4] =	ssyncadd.s32 $0xFFFFE000  }
0x106: {  	[tilespmem:s22], [sflag:$0x2] =	stream.indirect.gather [hbm4b:s2+s19], $0x80, s21, s19, $0xb8;
	[tilespmem:$0x1FC00] =	vst v63  }
0x107: {  	_ =	swait.ge [sflag:s5], $0x2000  }
0x108: {  	[sflag:s5] =	ssyncset.done $0x0  }
0x109: {  	[sflag:s5] =	ssyncadd.s32 $0xFFFFE000  }
0x10a: {  	[tilespmem:s25], [sflag:$0x3] =	stream.indirect.gather [hbm4b:s2+s19], $0x80, s23, s19, $0xb8;
	[tilespmem:$0x1FC00] =	vst v63  }
0x10b: {  	_ =	swait.ge [sflag:s7], $0x2000  }
0x10c: {  	[sflag:s7] =	ssyncset.done $0x0  }
0x10d: {  	[sflag:s7] =	ssyncadd.s32 $0xFFFFE000  }
0x10e: {  	[tilespmem:s28], [sflag:$0x4] =	stream.indirect.gather [hbm4b:s2+s19], $0x80, s26, s19, $0xb8;
	[tilespmem:$0x1FC00] =	vst v63  }
0x10f: {  	_ =	swait.ge [sflag:s29], $0x2000  }
0x110: {  	[sflag:s29] =	ssyncset.done $0x0  }
0x111: {  	[sflag:s29] =	ssyncadd.s32 $0xFFFFE000  }
0x112: {  	_ =	swait.ge [sflag:s30], $0x2000  }
0x113: {  	[sflag:s30] =	ssyncset.done $0x0  }
0x114: {  	[sflag:s30] =	ssyncadd.s32 $0xFFFFE000  }
0x115: {  	_ =	swait.ge [sflag:s31], $0x2000  }
0x116: {  	[sflag:s31] =	ssyncset.done $0x0  }
0x117: {  	[sflag:s31] =	ssyncadd.s32 $0xFFFFE000  }
0x118: {  	_ =	swait.ge [sflag:s0], $0x2000  }
0x119: {  	[sflag:s0] =	ssyncset.done $0x0  }
0x11a: {  	s8 =	simm.s32 $0x0;
	s14 =	rddreg [dreg:$0x9];
	[sflag:s0] =	ssyncadd.s32 $0xFFFFE000  }
0x11b: {  	[tilespmem:s17], [sflag:$0x9] =	stream.linear.gather [hbm4b:s14+s8], $0x2000, $0x38;
	[tilespmem:$0x1FC00] =	vst v63  }
0x11c: {  	_ =	swait.ge [sflag:s16], $0x2000  }
0x11d: {  	[sflag:s16] =	ssyncset.done $0x0  }
0x11e: {  	s24 =	rddreg [dreg:$0xa];
	[sflag:s16] =	ssyncadd.s32 $0xFFFFE000  }
0x11f: {  	[tilespmem:s18], [sflag:$0x9] =	stream.linear.gather [hbm4b:s24+s8], $0x2000, $0x38;
	[tilespmem:$0x1FC00] =	vst v63  }
0x120: {  	_ =	swait.ge [sflag:s16], $0x2000  }
0x121: {  	[sflag:s16] =	ssyncset.done $0x0  }
0x122: {  	[sflag:s16] =	ssyncadd.s32 $0xFFFFE000  }
0x123: {  	[tilespmem:s20], [sflag:$0x1] =	stream.indirect.gather [hbm4b:s2+s19], $0x80, s17, s19, $0xb8;
	[tilespmem:$0x1FC00] =	vst v63  }
0x124: {  	_ = 	snop  }
0x125: {  	[tilespmem:s22], [sflag:$0x2] =	stream.indirect.gather [hbm4b:s2+s19], $0x80, s21, s19, $0xb8;
	[tilespmem:$0x1FC00] =	vst v63  }
0x126: {  	_ = 	snop  }
0x127: {  	[tilespmem:s25], [sflag:$0x3] =	stream.indirect.gather [hbm4b:s2+s19], $0x80, s23, s19, $0xb8;
	[tilespmem:$0x1FC00] =	vst v63  }
0x128: {  	_ = 	snop  }
0x129: {  	[tilespmem:s28], [sflag:$0x4] =	stream.indirect.gather [hbm4b:s2+s19], $0x80, s26, s19, $0xb8;
	[tilespmem:$0x1FC00] =	vst v63  }
0x12a: {  	_ =	swait.ge [sflag:s29], $0x2000  }
0x12b: {  	[sflag:s29] =	ssyncset.done $0x0  }
0x12c: {  	s24 =	simm.s32 $0x15C00;
	[sflag:s29] =	ssyncadd.s32 $0xFFFFE000  }
0x12d: {  	[spmem:s3] =	stream.indirect.scatter.add.f32 [tilespmem:s20], [sflag:$0x5], $0x80, s24, s19, $0xb8;
	[tilespmem:$0x1FC00] =	vst v63  }
0x12e: {  	_ =	swait.ge [sflag:s30], $0x2000  }
0x12f: {  	[sflag:s30] =	ssyncset.done $0x0  }
0x130: {  	s14 =	simm.s32 $0x15C80;
	[sflag:s30] =	ssyncadd.s32 $0xFFFFE000  }
0x131: {  	[spmem:s3] =	stream.indirect.scatter.add.f32 [tilespmem:s22], [sflag:$0x6], $0x80, s14, s19, $0xb8;
	[tilespmem:$0x1FC00] =	vst v63  }
0x132: {  	_ =	swait.ge [sflag:s31], $0x2000  }
0x133: {  	[sflag:s31] =	ssyncset.done $0x0  }
0x134: {  	s24 =	simm.s32 $0x15D00;
	[sflag:s31] =	ssyncadd.s32 $0xFFFFE000  }
0x135: {  	[spmem:s3] =	stream.indirect.scatter.add.f32 [tilespmem:s25], [sflag:$0x7], $0x80, s24, s19, $0xb8;
	[tilespmem:$0x1FC00] =	vst v63  }
0x136: {  	_ =	swait.ge [sflag:s0], $0x2000  }
0x137: {  	[sflag:s0] =	ssyncset.done $0x0  }
0x138: {  	s14 =	simm.s32 $0x15D80;
	[sflag:s0] =	ssyncadd.s32 $0xFFFFE000  }
0x139: {  	[spmem:s3] =	stream.indirect.scatter.add.f32 [tilespmem:s28], [sflag:$0x8], $0x80, s14, s19, $0xb8;
	[tilespmem:$0x1FC00] =	vst v63  }
0x13a: {  	_ =	swait.ge [sflag:s1], $0x2000  }
0x13b: {  	[sflag:s1] =	ssyncset.done $0x0  }
0x13c: {  	s24 =	simm.s32 $0x13E00;
	[sflag:s1] =	ssyncadd.s32 $0xFFFFE000  }
0x13d: {  	[tilespmem:s20], [sflag:$0x1] =	stream.indirect.gather [hbm4b:s2+s19], $0x80, s24, s19, $0xb8;
	[tilespmem:$0x1FC00] =	vst v63  }
0x13e: {  	_ =	swait.ge [sflag:s4], $0x2000  }
0x13f: {  	[sflag:s4] =	ssyncset.done $0x0  }
0x140: {  	s14 =	simm.s32 $0x13E80;
	[sflag:s4] =	ssyncadd.s32 $0xFFFFE000  }
0x141: {  	[tilespmem:s22], [sflag:$0x2] =	stream.indirect.gather [hbm4b:s2+s19], $0x80, s14, s19, $0xb8;
	[tilespmem:$0x1FC00] =	vst v63  }
0x142: {  	_ =	swait.ge [sflag:s5], $0x2000  }
0x143: {  	p0 =	sne.s32 s12, $0x800;
	[sflag:s5] =	ssyncset.done $0x0  }
.Ltmp2:
0x144: {  	s24 =	simm.s32 $0x13F00;
	[sflag:s5] =	ssyncadd.s32 $0xFFFFE000;
	(pc) =	sbr.rel @!p0 .LBB2_7-.Ltmp2, $4  }
0x145: {  	[tilespmem:s25], [sflag:$0x3] =	stream.indirect.gather [hbm4b:s2+s19], $0x80, s24, s19, $0xb8;
	[tilespmem:$0x1FC00] =	vst v63  }
0x146: {  	_ =	swait.ge [sflag:s7], $0x2000  }
0x147: {  	[sflag:s7] =	ssyncset.done $0x0  }
0x148: {  	s14 =	simm.s32 $0x800;
	s24 =	simm.s32 $0x13F80;
	[sflag:s7] =	ssyncadd.s32 $0xFFFFE000  }
.LBB2_6:
0x149: {  	[tilespmem:s28], [sflag:$0x4] =	stream.indirect.gather [hbm4b:s2+s19], $0x80, s24, s19, $0xb8;
	[tilespmem:$0x1FC00] =	vst v63  }
0x14a: {  	s8 =	smov.u32 s14;
	s14 =	sadd.s32 $0x800, s14;
	_ =	swait.ge [sflag:s29], $0x2000  }
0x14b: {  	s24 =	sshra.s32 s8, $0x2;
	p0 =	sne.s32 s12, s14;
	[sflag:s29] =	ssyncset.done $0x0  }
0x14c: {  	s8 =	sadd.s32 $0x15C00, s24;
	[sflag:s29] =	ssyncadd.s32 $0xFFFFE000  }
0x14d: {  	[spmem:s3] =	stream.indirect.scatter.add.f32 [tilespmem:s20], [sflag:$0x5], $0x80, s8, s19, $0xb8;
	[tilespmem:$0x1FC00] =	vst v63  }
0x14e: {  	_ =	swait.ge [sflag:s30], $0x2000  }
0x14f: {  	[sflag:s30] =	ssyncset.done $0x0  }
0x150: {  	s8 =	sadd.s32 $0x15C80, s24;
	[sflag:s30] =	ssyncadd.s32 $0xFFFFE000  }
0x151: {  	[spmem:s3] =	stream.indirect.scatter.add.f32 [tilespmem:s22], [sflag:$0x6], $0x80, s8, s19, $0xb8;
	[tilespmem:$0x1FC00] =	vst v63  }
0x152: {  	_ =	swait.ge [sflag:s31], $0x2000  }
0x153: {  	[sflag:s31] =	ssyncset.done $0x0  }
0x154: {  	s8 =	sadd.s32 $0x15D00, s24;
	[sflag:s31] =	ssyncadd.s32 $0xFFFFE000  }
0x155: {  	[spmem:s3] =	stream.indirect.scatter.add.f32 [tilespmem:s25], [sflag:$0x7], $0x80, s8, s19, $0xb8;
	[tilespmem:$0x1FC00] =	vst v63  }
0x156: {  	_ =	swait.ge [sflag:s0], $0x2000  }
0x157: {  	[sflag:s0] =	ssyncset.done $0x0  }
0x158: {  	s8 =	sadd.s32 $0x15D80, s24;
	[sflag:s0] =	ssyncadd.s32 $0xFFFFE000  }
0x159: {  	[spmem:s3] =	stream.indirect.scatter.add.f32 [tilespmem:s28], [sflag:$0x8], $0x80, s8, s19, $0xb8;
	[tilespmem:$0x1FC00] =	vst v63  }
0x15a: {  	_ =	swait.ge [sflag:s1], $0x2000  }
0x15b: {  	[sflag:s1] =	ssyncset.done $0x0  }
0x15c: {  	s8 =	sadd.s32 $0x13E00, s24;
	[sflag:s1] =	ssyncadd.s32 $0xFFFFE000  }
0x15d: {  	[tilespmem:s20], [sflag:$0x1] =	stream.indirect.gather [hbm4b:s2+s19], $0x80, s8, s19, $0xb8;
	[tilespmem:$0x1FC00] =	vst v63  }
0x15e: {  	_ =	swait.ge [sflag:s4], $0x2000  }
0x15f: {  	[sflag:s4] =	ssyncset.done $0x0  }
0x160: {  	s8 =	sadd.s32 $0x13E80, s24;
	[sflag:s4] =	ssyncadd.s32 $0xFFFFE000  }
0x161: {  	[tilespmem:s22], [sflag:$0x2] =	stream.indirect.gather [hbm4b:s2+s19], $0x80, s8, s19, $0xb8;
	[tilespmem:$0x1FC00] =	vst v63  }
0x162: {  	_ =	swait.ge [sflag:s5], $0x2000  }
0x163: {  	[sflag:s5] =	ssyncset.done $0x0  }
.Ltmp3:
0x164: {  	s8 =	sadd.s32 $0x13F00, s24;
	[sflag:s5] =	ssyncadd.s32 $0xFFFFE000;
	(pc) =	sbr.rel @p0 .LBB2_6-.Ltmp3, $4  }
0x165: {  	[tilespmem:s25], [sflag:$0x3] =	stream.indirect.gather [hbm4b:s2+s19], $0x80, s8, s19, $0xb8;
	[tilespmem:$0x1FC00] =	vst v63  }
0x166: {  	_ =	swait.ge [sflag:s7], $0x2000  }
0x167: {  	[sflag:s7] =	ssyncset.done $0x0  }
0x168: {  	s24 =	sadd.s32 $0x13F80, s24;
	[sflag:s7] =	ssyncadd.s32 $0xFFFFE000  }
.LBB2_7:
0x169: {  	[tilespmem:s28], [sflag:$0x4] =	stream.indirect.gather [hbm4b:s2+s19], $0x80, s24, s19, $0xb8;
	[tilespmem:$0x1FC00] =	vst v63  }
0x16a: {  	_ =	swait.ge [sflag:s29], $0x2000  }
0x16b: {  	[sflag:s29] =	ssyncset.done $0x0  }
0x16c: {  	[sflag:s29] =	ssyncadd.s32 $0xFFFFE000  }
0x16d: {  	_ =	swait.ge [sflag:s30], $0x2000  }
0x16e: {  	[sflag:s30] =	ssyncset.done $0x0  }
0x16f: {  	[sflag:s30] =	ssyncadd.s32 $0xFFFFE000  }
0x170: {  	_ =	swait.ge [sflag:s31], $0x2000  }
0x171: {  	[sflag:s31] =	ssyncset.done $0x0  }
0x172: {  	[sflag:s31] =	ssyncadd.s32 $0xFFFFE000  }
0x173: {  	_ =	swait.ge [sflag:s0], $0x2000  }
0x174: {  	[sflag:s0] =	ssyncset.done $0x0  }
0x175: {  	[sflag:s0] =	ssyncadd.s32 $0xFFFFE000  }
0x176: {  	[bflag:$0x0] =	sbarrier.arrive $0xFFFF  }
0x177: {  	s8 =	rddreg [dreg:$0xc]  }
0x178: {  	[hbm:s8], [sflag:s6] =	dma.local [spmem:s15], $0x2780  }
0x179: {  	_ =	swait.ge [sflag:s16], $0x2780  }
0x17a: {  	s13 =	sadd.s32 $0x1, s13;
	s24 =	rddreg [dreg:$0xb]  }
0x17b: {  	p0 =	sne.s32 s13, s24  }
.Ltmp4:
0x17c: {  	_ = 	snop;
	(pc) =	sbr.rel @p0 .LBB2_1-.Ltmp4, $3  }
0x17d: {  	_ =	sdelay $0x1  }
0x17e: {  	[sflag:s16] =	ssyncset.done $0x0  }
0x17f: {  	[sflag:s16] =	ssyncadd.s32 $0xFFFFD880  }
0x180: {  	_ =	sfence.sel $0x180000  }
0x181: {  	[bflag:$0x0] =	sbarrier.arrive $0xFFFF  }
0x182: {  	_ =	strace $0x90000047  }
0x183: {  	s0 =	stileid.u32;
	[bflag:$0x2] =	sbarrier.arrive $0xFFFF  }
0x184: {  	p0 =	sne.s32 s0, $0x0;
	s0 =	rddreg [dreg:$0x3]  }
0x185: {  	s0 =	sadd.s32 @!p0 $0x100000, s0  }
0x186: {  	[sflag:s0] =	ssyncadd.tile.s32 @!p0 $0x1;
	_ =	shalt  }
.Lfunc_end2:
_tile_overlayer_lowered:
.L_overlay_start_2:
0x187: {  	(tag) =	ssettag $0x2  }
0x188: {  	s0 =	rddreg [dreg:$0x0];
	s2 =	stileid.u32  }
0x189: {  	s1 =	rddreg [dreg:$0x1];
	p0 =	sne.s32 s2, $0x0  }
0x18a: {  	s3 =	rddreg [dreg:$0x2];
	[bflag:$0x3] =	sbarrier.arrive $0xFFFF;
	s2 =	simm.s32 @!p0 $0x1C09  }
0x18b: {  	[timem:s3], [sflag:s2] =	dma.local @!p0 [hbm:s0], s1  }
0x18c: {  	s0 =	simm.s32 @!p0 $0x9  }
0x18d: {  	_ =	swait.ge @!p0 [sflag:s0], s1  }
0x18e: {  	s1 =	ssub.s32 @!p0 $0x0, s1;
	[sflag:s0] =	ssyncset.done @!p0 $0x0  }
0x18f: {  	[sflag:s0] =	ssyncadd.s32 @!p0 s1  }
0x190: {  	[bflag:$0x3] =	sbarrier.arrive $0xFFFF  }
0x191: {  	_ =	shalt  }

</sc_bundles>
